<compile_context>
chip_gen: v7x
topology: tpu7x:2x2x1
jax: 0.10.2.dev20260603
libtpu: 0.0.44.dev20260713+nightly
codegen_flags: <defaults>
</compile_context>

<pallas_src>
import functools

import jax
import jax.numpy as jnp
from jax import lax
from jax.experimental import pallas as pl
from jax.experimental.pallas import tpu as pltpu
from jax.experimental.pallas import tpu_sc as plsc

_INFO = plsc.get_sparse_core_info()
_NC = _INFO.num_cores
_NS = _INFO.num_subcores
_NW = _NC * _NS

_CH_S = 8
_NBUF = 4


def _make_gather(bsz: int, seq: int, d: int):
    assert bsz % _NW == 0
    sent_per_w = bsz // _NW
    assert _NBUF == 4
    assert sent_per_w % (_CH_S * _NBUF) == 0
    n_chunks = sent_per_w // _CH_S
    n_outer = n_chunks // _NBUF
    assert n_outer >= 3
    rows = _CH_S * seq

    mesh = plsc.VectorSubcoreMesh(core_axis_name="c", subcore_axis_name="s")

    @functools.partial(
        pl.kernel,
        mesh=mesh,
        out_type=jax.ShapeDtypeStruct((bsz, seq, d), jnp.float32),
        scratch_types=[
            pltpu.VMEM((sent_per_w * seq,), jnp.int32),
            [pltpu.VMEM((rows, d), jnp.float32) for _ in range(_NBUF)],
            [pltpu.SemaphoreType.DMA for _ in range(_NBUF)],
            [pltpu.SemaphoreType.DMA for _ in range(_NBUF)],
        ],
        compiler_params=pltpu.CompilerParams(use_tc_tiling_on_sc=False),
    )
    def gather_kernel(table_hbm, idx_hbm, out_hbm, idx_v, bufs, gsems, ssems):
        wid = lax.axis_index("s") * _NC + lax.axis_index("c")
        base = wid * sent_per_w
        pltpu.sync_copy(
            idx_hbm.at[pl.ds(base * seq, sent_per_w * seq)], idx_v
        )

        def start_gather(g, b):
            pltpu.async_copy(
                table_hbm.at[idx_v.at[pl.ds(g * rows, rows)]],
                bufs[b], gsems[b],
            )

        def start_stores(g, b):
            for i in range(_CH_S):
                pltpu.async_copy(
                    bufs[b].at[pl.ds(i * seq, seq)],
                    out_hbm.at[base + g * _CH_S + i],
                    ssems[b],
                )

        def wait_gather(b):
            pltpu.make_async_copy(
                table_hbm.at[pl.ds(0, rows)], bufs[b], gsems[b]
            ).wait()

        def wait_stores(b):
            for _ in range(_CH_S):
                pltpu.make_async_copy(
                    bufs[b].at[pl.ds(0, seq)], out_hbm.at[0], ssems[b]
                ).wait()

        n = n_chunks
        start_gather(0, 0)
        start_gather(1, 1)
        wait_gather(0); start_stores(0, 0); start_gather(2, 2)
        wait_gather(1); start_stores(1, 1); start_gather(3, 3)
        wait_gather(2); start_stores(2, 2); wait_stores(0); start_gather(4, 0)
        wait_gather(3); start_stores(3, 3); wait_stores(1); start_gather(5, 1)

        def body(go, carry):
            c0 = (go + 1) * _NBUF
            for j in range(_NBUF):
                b2 = (j + 2) % _NBUF
                wait_gather(j)
                start_stores(c0 + j, j)
                wait_stores(b2)
                start_gather(c0 + j + 2, b2)
            return carry

        lax.fori_loop(0, n_outer - 2, body, 0)

        wait_gather(0); start_stores(n - 4, 0); wait_stores(2); start_gather(n - 2, 2)
        wait_gather(1); start_stores(n - 3, 1); wait_stores(3); start_gather(n - 1, 3)
        wait_gather(2); start_stores(n - 2, 2); wait_stores(0)
        wait_gather(3); start_stores(n - 1, 3); wait_stores(1)
        wait_stores(2)
        wait_stores(3)

    return gather_kernel


def kernel(data, ivectors):
    b, s = data.shape
    v, d = ivectors.shape
    idx = data.reshape(-1).astype(jnp.int32)
    return _make_gather(b, s, d)(ivectors, idx)

# --- scband reference (transcript-rebuilt; emitter-appended) ---
"""Pipeline reference for scband-word2-vec-54022098649819 (READ-ONLY COPY).

The authoritative reference and input builder live on the scoring server;
editing this copy changes nothing except your own understanding.
"""

import jax, jax.numpy as jnp
import numpy as np

VOCAB = 1000000
EMBED = 64

def setup_inputs(seed: int = 0) -> dict:
    key = jax.random.key(seed)
    k1, k2 = jax.random.split(key)
    data = jax.random.randint(k1, (16384, 50), 0, VOCAB, dtype=jnp.int64 if jax.config.jax_enable_x64 else jnp.int32)
    bound = 0.5 / EMBED
    ivectors = jax.random.uniform(k2, (VOCAB, EMBED), dtype=jnp.float32, minval=-bound, maxval=bound)
    # padding_idx=0 row zeroed, matching nn.Embedding padding semantics after init override
    ivectors = ivectors.at[0].set(0.0)
    return {"data": data, "ivectors": ivectors}

def reference(data, ivectors):
    # Word2Vec.forward with is_input=True -> input_vectors -> ivectors embedding lookup
    vecs = jnp.take(ivectors, data, axis=0)
    return vecs

if __name__ == "__main__":
    import jax
    _d = setup_inputs()
    print(jax.jit(kernel)(*tuple(_d.values())))

</pallas_src>

<mosaic_0001>
#map = affine_map<(d0, d1) -> (0, 0)>
#map1 = affine_map<(d0, d1) -> (0)>
#map2 = affine_map<(d0, d1) -> (0, 0, 0)>
module attributes {stable_mosaic.version = 14 : i64} {
  func.func @gather_kernel(%arg0: i32, %arg1: i32, %arg2: memref<1000000x64xf32, #tpu.memory_space<hbm>>, %arg3: memref<819200xi32, #tpu.memory_space<hbm>>, %arg4: memref<16384x50x64xf32, #tpu.memory_space<hbm>>, %arg5: memref<25600xi32, #tpu.memory_space<vmem>>, %arg6: memref<400x64xf32, #tpu.memory_space<vmem>>, %arg7: memref<400x64xf32, #tpu.memory_space<vmem>>, %arg8: memref<400x64xf32, #tpu.memory_space<vmem>>, %arg9: memref<400x64xf32, #tpu.memory_space<vmem>>, %arg10: memref<!tpu.dma_semaphore, #tpu.memory_space<semaphore_mem>>, %arg11: memref<!tpu.dma_semaphore, #tpu.memory_space<semaphore_mem>>, %arg12: memref<!tpu.dma_semaphore, #tpu.memory_space<semaphore_mem>>, %arg13: memref<!tpu.dma_semaphore, #tpu.memory_space<semaphore_mem>>, %arg14: memref<!tpu.dma_semaphore, #tpu.memory_space<semaphore_mem>>, %arg15: memref<!tpu.dma_semaphore, #tpu.memory_space<semaphore_mem>>, %arg16: memref<!tpu.dma_semaphore, #tpu.memory_space<semaphore_mem>>, %arg17: memref<!tpu.dma_semaphore, #tpu.memory_space<semaphore_mem>>) attributes {dimension_semantics = [#tpu.dimension_semantics<core_parallel>, #tpu.dimension_semantics<subcore_parallel>], iteration_bounds = array<i64: 2, 16>, scalar_prefetch = 0 : i64, scratch_operands = 13 : i64, tpu.core_type = #tpu.core_type<sc_vector_subcore>, window_params = [{transform_indices = #map}, {transform_indices = #map1}, {transform_indices = #map2}]} {
    %mul3A = arith.constant 2 : i32
    %mul3A_0 = arith.muli %arg1, %mul3A : i32
    %add3A = arith.addi %mul3A_0, %arg0 : i32
    %mul3A_1 = arith.constant 512 : i32
    %mul3A_2 = arith.muli %add3A, %mul3A_1 : i32
    %mul3A_3 = arith.constant 50 : i32
    %mul3A_4 = arith.muli %mul3A_2, %mul3A_3 : i32
    "tpu.region"() ({
      %run_scoped3A = tpu.sem_alloc : memref<!tpu.dma_semaphore, #tpu.memory_space<semaphore_mem>>
      %dma_start3A_2208 = tpu.memref_slice %arg3[%mul3A_4] : memref<819200xi32, #tpu.memory_space<hbm>> -> memref<25600xi32, #tpu.memory_space<hbm>>
      %dma_start3A_2209 = tpu.memref_slice %arg3[%mul3A_4] : memref<819200xi32, #tpu.memory_space<hbm>> -> memref<25600xi32, #tpu.memory_space<hbm>>
      tpu.enqueue_dma source(%dma_start3A_2209 : memref<25600xi32, #tpu.memory_space<hbm>>) target(%arg5 : memref<25600xi32, #tpu.memory_space<vmem>>) target_semaphore(%run_scoped3A : memref<!tpu.dma_semaphore, #tpu.memory_space<semaphore_mem>>)
      %dma_wait3A_2210 = tpu.memref_slice %arg3[%mul3A_4] : memref<819200xi32, #tpu.memory_space<hbm>> -> memref<25600xi32, #tpu.memory_space<hbm>>
      %dma_wait3A_2211 = tpu.memref_slice %arg3[%mul3A_4] : memref<819200xi32, #tpu.memory_space<hbm>> -> memref<25600xi32, #tpu.memory_space<hbm>>
      tpu.wait_dma2 semaphore(%run_scoped3A : memref<!tpu.dma_semaphore, #tpu.memory_space<semaphore_mem>>) src(%dma_wait3A_2211 : memref<25600xi32, #tpu.memory_space<hbm>>) dst(%arg5 : memref<25600xi32, #tpu.memory_space<vmem>>)
      tpu.yield
    }) : () -> ()
    %dma_start3A = arith.constant 0 : i32
    %dma_start3A_5 = tpu.memref_slice %arg5[%dma_start3A] : memref<25600xi32, #tpu.memory_space<vmem>> -> memref<400xi32, #tpu.memory_space<vmem>>
    %dma_start3A_6 = arith.constant 0 : i32
    %dma_start3A_7 = arith.constant 0 : i32
    %dma_start3A_8 = tpu.memref_slice %arg2[%dma_start3A_6, %dma_start3A_7] : memref<1000000x64xf32, #tpu.memory_space<hbm>> -> memref<1000000x64xf32, #tpu.memory_space<hbm>>
    tpu.enqueue_indirect_dma source(%dma_start3A_8 : memref<1000000x64xf32, #tpu.memory_space<hbm>>) target(%arg6 : memref<400x64xf32, #tpu.memory_space<vmem>>) offsets(%dma_start3A_5 : memref<400xi32, #tpu.memory_space<vmem>>) semaphore(%arg10 : memref<!tpu.dma_semaphore, #tpu.memory_space<semaphore_mem>>)
    %dma_start3A_9 = arith.constant 400 : i32
    %dma_start3A_10 = tpu.memref_slice %arg5[%dma_start3A_9] : memref<25600xi32, #tpu.memory_space<vmem>> -> memref<400xi32, #tpu.memory_space<vmem>>
    %dma_start3A_11 = arith.constant 0 : i32
    %dma_start3A_12 = arith.constant 0 : i32
    %dma_start3A_13 = tpu.memref_slice %arg2[%dma_start3A_11, %dma_start3A_12] : memref<1000000x64xf32, #tpu.memory_space<hbm>> -> memref<1000000x64xf32, #tpu.memory_space<hbm>>
    tpu.enqueue_indirect_dma source(%dma_start3A_13 : memref<1000000x64xf32, #tpu.memory_space<hbm>>) target(%arg7 : memref<400x64xf32, #tpu.memory_space<vmem>>) offsets(%dma_start3A_10 : memref<400xi32, #tpu.memory_space<vmem>>) semaphore(%arg11 : memref<!tpu.dma_semaphore, #tpu.memory_space<semaphore_mem>>)
    %dma_wait3A = arith.constant 0 : i32
    %dma_wait3A_14 = arith.constant 0 : i32
    %dma_wait3A_15 = tpu.memref_slice %arg2[%dma_wait3A, %dma_wait3A_14] : memref<1000000x64xf32, #tpu.memory_space<hbm>> -> memref<400x64xf32, #tpu.memory_space<hbm>>
    %dma_wait3A_16 = arith.constant 0 : i32
    %dma_wait3A_17 = arith.constant 0 : i32
    %dma_wait3A_18 = tpu.memref_slice %arg2[%dma_wait3A_16, %dma_wait3A_17] : memref<1000000x64xf32, #tpu.memory_space<hbm>> -> memref<400x64xf32, #tpu.memory_space<hbm>>
    tpu.wait_dma2 semaphore(%arg10 : memref<!tpu.dma_semaphore, #tpu.memory_space<semaphore_mem>>) src(%dma_wait3A_18 : memref<400x64xf32, #tpu.memory_space<hbm>>) dst(%arg6 : memref<400x64xf32, #tpu.memory_space<vmem>>)
    %add3A_19 = arith.constant 0 : i32
    %add3A_20 = arith.addi %mul3A_2, %add3A_19 : i32
    %add3A_21 = arith.constant 0 : i32
    %add3A_22 = arith.addi %add3A_20, %add3A_21 : i32
    %dma_start3A_23 = arith.constant 0 : i32
    %dma_start3A_24 = arith.constant 0 : i32
    %dma_start3A_25 = tpu.memref_slice %arg6[%dma_start3A_23, %dma_start3A_24] : memref<400x64xf32, #tpu.memory_space<vmem>> -> memref<50x64xf32, #tpu.memory_space<vmem>>
    %dma_start3A_26 = arith.constant 0 : i32
    %dma_start3A_27 = arith.constant 0 : i32
    %dma_start3A_28 = tpu.memref_slice %arg4[%add3A_22, %dma_start3A_26, %dma_start3A_27] : memref<16384x50x64xf32, #tpu.memory_space<hbm>> -> memref<1x50x64xf32, #tpu.memory_space<hbm>>
    %dma_start3A_29 = tpu.memref_squeeze %dma_start3A_28 : memref<1x50x64xf32, #tpu.memory_space<hbm>> -> memref<50x64xf32, #tpu.memory_space<hbm>>
    %dma_start3A_30 = arith.constant 0 : i32
    %dma_start3A_31 = arith.constant 0 : i32
    %dma_start3A_32 = tpu.memref_slice %arg4[%add3A_22, %dma_start3A_30, %dma_start3A_31] : memref<16384x50x64xf32, #tpu.memory_space<hbm>> -> memref<1x50x64xf32, #tpu.memory_space<hbm>>
    %dma_start3A_33 = tpu.memref_squeeze %dma_start3A_32 : memref<1x50x64xf32, #tpu.memory_space<hbm>> -> memref<50x64xf32, #tpu.memory_space<hbm>>
    %dma_start3A_34 = arith.constant 0 : i32
    %dma_start3A_35 = arith.constant 0 : i32
    %dma_start3A_36 = tpu.memref_slice %arg6[%dma_start3A_34, %dma_start3A_35] : memref<400x64xf32, #tpu.memory_space<vmem>> -> memref<50x64xf32, #tpu.memory_space<vmem>>
    tpu.enqueue_dma source(%dma_start3A_36 : memref<50x64xf32, #tpu.memory_space<vmem>>) target(%dma_start3A_33 : memref<50x64xf32, #tpu.memory_space<hbm>>) target_semaphore(%arg14 : memref<!tpu.dma_semaphore, #tpu.memory_space<semaphore_mem>>)
    %add3A_37 = arith.constant 0 : i32
    %add3A_38 = arith.addi %mul3A_2, %add3A_37 : i32
    %add3A_39 = arith.constant 1 : i32
    %add3A_40 = arith.addi %add3A_38, %add3A_39 : i32
    %dma_start3A_41 = arith.constant 50 : i32
    %dma_start3A_42 = arith.constant 0 : i32
    %dma_start3A_43 = tpu.memref_slice %arg6[%dma_start3A_41, %dma_start3A_42] : memref<400x64xf32, #tpu.memory_space<vmem>> -> memref<50x64xf32, #tpu.memory_space<vmem>>
    %dma_start3A_44 = arith.constant 0 : i32
    %dma_start3A_45 = arith.constant 0 : i32
    %dma_start3A_46 = tpu.memref_slice %arg4[%add3A_40, %dma_start3A_44, %dma_start3A_45] : memref<16384x50x64xf32, #tpu.memory_space<hbm>> -> memref<1x50x64xf32, #tpu.memory_space<hbm>>
    %dma_start3A_47 = tpu.memref_squeeze %dma_start3A_46 : memref<1x50x64xf32, #tpu.memory_space<hbm>> -> memref<50x64xf32, #tpu.memory_space<hbm>>
    %dma_start3A_48 = arith.constant 0 : i32
    %dma_start3A_49 = arith.constant 0 : i32
    %dma_start3A_50 = tpu.memref_slice %arg4[%add3A_40, %dma_start3A_48, %dma_start3A_49] : memref<16384x50x64xf32, #tpu.memory_space<hbm>> -> memref<1x50x64xf32, #tpu.memory_space<hbm>>
    %dma_start3A_51 = tpu.memref_squeeze %dma_start3A_50 : memref<1x50x64xf32, #tpu.memory_space<hbm>> -> memref<50x64xf32, #tpu.memory_space<hbm>>
    %dma_start3A_52 = arith.constant 50 : i32
    %dma_start3A_53 = arith.constant 0 : i32
    %dma_start3A_54 = tpu.memref_slice %arg6[%dma_start3A_52, %dma_start3A_53] : memref<400x64xf32, #tpu.memory_space<vmem>> -> memref<50x64xf32, #tpu.memory_space<vmem>>
    tpu.enqueue_dma source(%dma_start3A_54 : memref<50x64xf32, #tpu.memory_space<vmem>>) target(%dma_start3A_51 : memref<50x64xf32, #tpu.memory_space<hbm>>) target_semaphore(%arg14 : memref<!tpu.dma_semaphore, #tpu.memory_space<semaphore_mem>>)
    %add3A_55 = arith.constant 0 : i32
    %add3A_56 = arith.addi %mul3A_2, %add3A_55 : i32
    %add3A_57 = arith.constant 2 : i32
    %add3A_58 = arith.addi %add3A_56, %add3A_57 : i32
    %dma_start3A_59 = arith.constant 100 : i32
    %dma_start3A_60 = arith.constant 0 : i32
    %dma_start3A_61 = tpu.memref_slice %arg6[%dma_start3A_59, %dma_start3A_60] : memref<400x64xf32, #tpu.memory_space<vmem>> -> memref<50x64xf32, #tpu.memory_space<vmem>>
    %dma_start3A_62 = arith.constant 0 : i32
    %dma_start3A_63 = arith.constant 0 : i32
    %dma_start3A_64 = tpu.memref_slice %arg4[%add3A_58, %dma_start3A_62, %dma_start3A_63] : memref<16384x50x64xf32, #tpu.memory_space<hbm>> -> memref<1x50x64xf32, #tpu.memory_space<hbm>>
    %dma_start3A_65 = tpu.memref_squeeze %dma_start3A_64 : memref<1x50x64xf32, #tpu.memory_space<hbm>> -> memref<50x64xf32, #tpu.memory_space<hbm>>
    %dma_start3A_66 = arith.constant 0 : i32
    %dma_start3A_67 = arith.constant 0 : i32
    %dma_start3A_68 = tpu.memref_slice %arg4[%add3A_58, %dma_start3A_66, %dma_start3A_67] : memref<16384x50x64xf32, #tpu.memory_space<hbm>> -> memref<1x50x64xf32, #tpu.memory_space<hbm>>
    %dma_start3A_69 = tpu.memref_squeeze %dma_start3A_68 : memref<1x50x64xf32, #tpu.memory_space<hbm>> -> memref<50x64xf32, #tpu.memory_space<hbm>>
    %dma_start3A_70 = arith.constant 100 : i32
    %dma_start3A_71 = arith.constant 0 : i32
    %dma_start3A_72 = tpu.memref_slice %arg6[%dma_start3A_70, %dma_start3A_71] : memref<400x64xf32, #tpu.memory_space<vmem>> -> memref<50x64xf32, #tpu.memory_space<vmem>>
    tpu.enqueue_dma source(%dma_start3A_72 : memref<50x64xf32, #tpu.memory_space<vmem>>) target(%dma_start3A_69 : memref<50x64xf32, #tpu.memory_space<hbm>>) target_semaphore(%arg14 : memref<!tpu.dma_semaphore, #tpu.memory_space<semaphore_mem>>)
    %add3A_73 = arith.constant 0 : i32
    %add3A_74 = arith.addi %mul3A_2, %add3A_73 : i32
    %add3A_75 = arith.constant 3 : i32
    %add3A_76 = arith.addi %add3A_74, %add3A_75 : i32
    %dma_start3A_77 = arith.constant 150 : i32
    %dma_start3A_78 = arith.constant 0 : i32
    %dma_start3A_79 = tpu.memref_slice %arg6[%dma_start3A_77, %dma_start3A_78] : memref<400x64xf32, #tpu.memory_space<vmem>> -> memref<50x64xf32, #tpu.memory_space<vmem>>
    %dma_start3A_80 = arith.constant 0 : i32
    %dma_start3A_81 = arith.constant 0 : i32
    %dma_start3A_82 = tpu.memref_slice %arg4[%add3A_76, %dma_start3A_80, %dma_start3A_81] : memref<16384x50x64xf32, #tpu.memory_space<hbm>> -> memref<1x50x64xf32, #tpu.memory_space<hbm>>
    %dma_start3A_83 = tpu.memref_squeeze %dma_start3A_82 : memref<1x50x64xf32, #tpu.memory_space<hbm>> -> memref<50x64xf32, #tpu.memory_space<hbm>>
    %dma_start3A_84 = arith.constant 0 : i32
    %dma_start3A_85 = arith.constant 0 : i32
    %dma_start3A_86 = tpu.memref_slice %arg4[%add3A_76, %dma_start3A_84, %dma_start3A_85] : memref<16384x50x64xf32, #tpu.memory_space<hbm>> -> memref<1x50x64xf32, #tpu.memory_space<hbm>>
    %dma_start3A_87 = tpu.memref_squeeze %dma_start3A_86 : memref<1x50x64xf32, #tpu.memory_space<hbm>> -> memref<50x64xf32, #tpu.memory_space<hbm>>
    %dma_start3A_88 = arith.constant 150 : i32
    %dma_start3A_89 = arith.constant 0 : i32
    %dma_start3A_90 = tpu.memref_slice %arg6[%dma_start3A_88, %dma_start3A_89] : memref<400x64xf32, #tpu.memory_space<vmem>> -> memref<50x64xf32, #tpu.memory_space<vmem>>
    tpu.enqueue_dma source(%dma_start3A_90 : memref<50x64xf32, #tpu.memory_space<vmem>>) target(%dma_start3A_87 : memref<50x64xf32, #tpu.memory_space<hbm>>) target_semaphore(%arg14 : memref<!tpu.dma_semaphore, #tpu.memory_space<semaphore_mem>>)
    %add3A_91 = arith.constant 0 : i32
    %add3A_92 = arith.addi %mul3A_2, %add3A_91 : i32
    %add3A_93 = arith.constant 4 : i32
    %add3A_94 = arith.addi %add3A_92, %add3A_93 : i32
    %dma_start3A_95 = arith.constant 200 : i32
    %dma_start3A_96 = arith.constant 0 : i32
    %dma_start3A_97 = tpu.memref_slice %arg6[%dma_start3A_95, %dma_start3A_96] : memref<400x64xf32, #tpu.memory_space<vmem>> -> memref<50x64xf32, #tpu.memory_space<vmem>>
    %dma_start3A_98 = arith.constant 0 : i32
    %dma_start3A_99 = arith.constant 0 : i32
    %dma_start3A_100 = tpu.memref_slice %arg4[%add3A_94, %dma_start3A_98, %dma_start3A_99] : memref<16384x50x64xf32, #tpu.memory_space<hbm>> -> memref<1x50x64xf32, #tpu.memory_space<hbm>>
    %dma_start3A_101 = tpu.memref_squeeze %dma_start3A_100 : memref<1x50x64xf32, #tpu.memory_space<hbm>> -> memref<50x64xf32, #tpu.memory_space<hbm>>
    %dma_start3A_102 = arith.constant 0 : i32
    %dma_start3A_103 = arith.constant 0 : i32
    %dma_start3A_104 = tpu.memref_slice %arg4[%add3A_94, %dma_start3A_102, %dma_start3A_103] : memref<16384x50x64xf32, #tpu.memory_space<hbm>> -> memref<1x50x64xf32, #tpu.memory_space<hbm>>
    %dma_start3A_105 = tpu.memref_squeeze %dma_start3A_104 : memref<1x50x64xf32, #tpu.memory_space<hbm>> -> memref<50x64xf32, #tpu.memory_space<hbm>>
    %dma_start3A_106 = arith.constant 200 : i32
    %dma_start3A_107 = arith.constant 0 : i32
    %dma_start3A_108 = tpu.memref_slice %arg6[%dma_start3A_106, %dma_start3A_107] : memref<400x64xf32, #tpu.memory_space<vmem>> -> memref<50x64xf32, #tpu.memory_space<vmem>>
    tpu.enqueue_dma source(%dma_start3A_108 : memref<50x64xf32, #tpu.memory_space<vmem>>) target(%dma_start3A_105 : memref<50x64xf32, #tpu.memory_space<hbm>>) target_semaphore(%arg14 : memref<!tpu.dma_semaphore, #tpu.memory_space<semaphore_mem>>)
    %add3A_109 = arith.constant 0 : i32
    %add3A_110 = arith.addi %mul3A_2, %add3A_109 : i32
    %add3A_111 = arith.constant 5 : i32
    %add3A_112 = arith.addi %add3A_110, %add3A_111 : i32
    %dma_start3A_113 = arith.constant 250 : i32
    %dma_start3A_114 = arith.constant 0 : i32
    %dma_start3A_115 = tpu.memref_slice %arg6[%dma_start3A_113, %dma_start3A_114] : memref<400x64xf32, #tpu.memory_space<vmem>> -> memref<50x64xf32, #tpu.memory_space<vmem>>
    %dma_start3A_116 = arith.constant 0 : i32
    %dma_start3A_117 = arith.constant 0 : i32
    %dma_start3A_118 = tpu.memref_slice %arg4[%add3A_112, %dma_start3A_116, %dma_start3A_117] : memref<16384x50x64xf32, #tpu.memory_space<hbm>> -> memref<1x50x64xf32, #tpu.memory_space<hbm>>
    %dma_start3A_119 = tpu.memref_squeeze %dma_start3A_118 : memref<1x50x64xf32, #tpu.memory_space<hbm>> -> memref<50x64xf32, #tpu.memory_space<hbm>>
    %dma_start3A_120 = arith.constant 0 : i32
    %dma_start3A_121 = arith.constant 0 : i32
    %dma_start3A_122 = tpu.memref_slice %arg4[%add3A_112, %dma_start3A_120, %dma_start3A_121] : memref<16384x50x64xf32, #tpu.memory_space<hbm>> -> memref<1x50x64xf32, #tpu.memory_space<hbm>>
    %dma_start3A_123 = tpu.memref_squeeze %dma_start3A_122 : memref<1x50x64xf32, #tpu.memory_space<hbm>> -> memref<50x64xf32, #tpu.memory_space<hbm>>
    %dma_start3A_124 = arith.constant 250 : i32
    %dma_start3A_125 = arith.constant 0 : i32
    %dma_start3A_126 = tpu.memref_slice %arg6[%dma_start3A_124, %dma_start3A_125] : memref<400x64xf32, #tpu.memory_space<vmem>> -> memref<50x64xf32, #tpu.memory_space<vmem>>
    tpu.enqueue_dma source(%dma_start3A_126 : memref<50x64xf32, #tpu.memory_space<vmem>>) target(%dma_start3A_123 : memref<50x64xf32, #tpu.memory_space<hbm>>) target_semaphore(%arg14 : memref<!tpu.dma_semaphore, #tpu.memory_space<semaphore_mem>>)
    %add3A_127 = arith.constant 0 : i32
    %add3A_128 = arith.addi %mul3A_2, %add3A_127 : i32
    %add3A_129 = arith.constant 6 : i32
    %add3A_130 = arith.addi %add3A_128, %add3A_129 : i32
    %dma_start3A_131 = arith.constant 300 : i32
    %dma_start3A_132 = arith.constant 0 : i32
    %dma_start3A_133 = tpu.memref_slice %arg6[%dma_start3A_131, %dma_start3A_132] : memref<400x64xf32, #tpu.memory_space<vmem>> -> memref<50x64xf32, #tpu.memory_space<vmem>>
    %dma_start3A_134 = arith.constant 0 : i32
    %dma_start3A_135 = arith.constant 0 : i32
    %dma_start3A_136 = tpu.memref_slice %arg4[%add3A_130, %dma_start3A_134, %dma_start3A_135] : memref<16384x50x64xf32, #tpu.memory_space<hbm>> -> memref<1x50x64xf32, #tpu.memory_space<hbm>>
    %dma_start3A_137 = tpu.memref_squeeze %dma_start3A_136 : memref<1x50x64xf32, #tpu.memory_space<hbm>> -> memref<50x64xf32, #tpu.memory_space<hbm>>
    %dma_start3A_138 = arith.constant 0 : i32
    %dma_start3A_139 = arith.constant 0 : i32
    %dma_start3A_140 = tpu.memref_slice %arg4[%add3A_130, %dma_start3A_138, %dma_start3A_139] : memref<16384x50x64xf32, #tpu.memory_space<hbm>> -> memref<1x50x64xf32, #tpu.memory_space<hbm>>
    %dma_start3A_141 = tpu.memref_squeeze %dma_start3A_140 : memref<1x50x64xf32, #tpu.memory_space<hbm>> -> memref<50x64xf32, #tpu.memory_space<hbm>>
    %dma_start3A_142 = arith.constant 300 : i32
    %dma_start3A_143 = arith.constant 0 : i32
    %dma_start3A_144 = tpu.memref_slice %arg6[%dma_start3A_142, %dma_start3A_143] : memref<400x64xf32, #tpu.memory_space<vmem>> -> memref<50x64xf32, #tpu.memory_space<vmem>>
    tpu.enqueue_dma source(%dma_start3A_144 : memref<50x64xf32, #tpu.memory_space<vmem>>) target(%dma_start3A_141 : memref<50x64xf32, #tpu.memory_space<hbm>>) target_semaphore(%arg14 : memref<!tpu.dma_semaphore, #tpu.memory_space<semaphore_mem>>)
    %add3A_145 = arith.constant 0 : i32
    %add3A_146 = arith.addi %mul3A_2, %add3A_145 : i32
    %add3A_147 = arith.constant 7 : i32
    %add3A_148 = arith.addi %add3A_146, %add3A_147 : i32
    %dma_start3A_149 = arith.constant 350 : i32
    %dma_start3A_150 = arith.constant 0 : i32
    %dma_start3A_151 = tpu.memref_slice %arg6[%dma_start3A_149, %dma_start3A_150] : memref<400x64xf32, #tpu.memory_space<vmem>> -> memref<50x64xf32, #tpu.memory_space<vmem>>
    %dma_start3A_152 = arith.constant 0 : i32
    %dma_start3A_153 = arith.constant 0 : i32
    %dma_start3A_154 = tpu.memref_slice %arg4[%add3A_148, %dma_start3A_152, %dma_start3A_153] : memref<16384x50x64xf32, #tpu.memory_space<hbm>> -> memref<1x50x64xf32, #tpu.memory_space<hbm>>
    %dma_start3A_155 = tpu.memref_squeeze %dma_start3A_154 : memref<1x50x64xf32, #tpu.memory_space<hbm>> -> memref<50x64xf32, #tpu.memory_space<hbm>>
    %dma_start3A_156 = arith.constant 0 : i32
    %dma_start3A_157 = arith.constant 0 : i32
    %dma_start3A_158 = tpu.memref_slice %arg4[%add3A_148, %dma_start3A_156, %dma_start3A_157] : memref<16384x50x64xf32, #tpu.memory_space<hbm>> -> memref<1x50x64xf32, #tpu.memory_space<hbm>>
    %dma_start3A_159 = tpu.memref_squeeze %dma_start3A_158 : memref<1x50x64xf32, #tpu.memory_space<hbm>> -> memref<50x64xf32, #tpu.memory_space<hbm>>
    %dma_start3A_160 = arith.constant 350 : i32
    %dma_start3A_161 = arith.constant 0 : i32
    %dma_start3A_162 = tpu.memref_slice %arg6[%dma_start3A_160, %dma_start3A_161] : memref<400x64xf32, #tpu.memory_space<vmem>> -> memref<50x64xf32, #tpu.memory_space<vmem>>
    tpu.enqueue_dma source(%dma_start3A_162 : memref<50x64xf32, #tpu.memory_space<vmem>>) target(%dma_start3A_159 : memref<50x64xf32, #tpu.memory_space<hbm>>) target_semaphore(%arg14 : memref<!tpu.dma_semaphore, #tpu.memory_space<semaphore_mem>>)
    %dma_start3A_163 = arith.constant 800 : i32
    %dma_start3A_164 = tpu.memref_slice %arg5[%dma_start3A_163] : memref<25600xi32, #tpu.memory_space<vmem>> -> memref<400xi32, #tpu.memory_space<vmem>>
    %dma_start3A_165 = arith.constant 0 : i32
    %dma_start3A_166 = arith.constant 0 : i32
    %dma_start3A_167 = tpu.memref_slice %arg2[%dma_start3A_165, %dma_start3A_166] : memref<1000000x64xf32, #tpu.memory_space<hbm>> -> memref<1000000x64xf32, #tpu.memory_space<hbm>>
    tpu.enqueue_indirect_dma source(%dma_start3A_167 : memref<1000000x64xf32, #tpu.memory_space<hbm>>) target(%arg8 : memref<400x64xf32, #tpu.memory_space<vmem>>) offsets(%dma_start3A_164 : memref<400xi32, #tpu.memory_space<vmem>>) semaphore(%arg12 : memref<!tpu.dma_semaphore, #tpu.memory_space<semaphore_mem>>)
    %dma_wait3A_168 = arith.constant 0 : i32
    %dma_wait3A_169 = arith.constant 0 : i32
    %dma_wait3A_170 = tpu.memref_slice %arg2[%dma_wait3A_168, %dma_wait3A_169] : memref<1000000x64xf32, #tpu.memory_space<hbm>> -> memref<400x64xf32, #tpu.memory_space<hbm>>
    %dma_wait3A_171 = arith.constant 0 : i32
    %dma_wait3A_172 = arith.constant 0 : i32
    %dma_wait3A_173 = tpu.memref_slice %arg2[%dma_wait3A_171, %dma_wait3A_172] : memref<1000000x64xf32, #tpu.memory_space<hbm>> -> memref<400x64xf32, #tpu.memory_space<hbm>>
    tpu.wait_dma2 semaphore(%arg11 : memref<!tpu.dma_semaphore, #tpu.memory_space<semaphore_mem>>) src(%dma_wait3A_173 : memref<400x64xf32, #tpu.memory_space<hbm>>) dst(%arg7 : memref<400x64xf32, #tpu.memory_space<vmem>>)
    %add3A_174 = arith.constant 8 : i32
    %add3A_175 = arith.addi %mul3A_2, %add3A_174 : i32
    %add3A_176 = arith.constant 0 : i32
    %add3A_177 = arith.addi %add3A_175, %add3A_176 : i32
    %dma_start3A_178 = arith.constant 0 : i32
    %dma_start3A_179 = arith.constant 0 : i32
    %dma_start3A_180 = tpu.memref_slice %arg7[%dma_start3A_178, %dma_start3A_179] : memref<400x64xf32, #tpu.memory_space<vmem>> -> memref<50x64xf32, #tpu.memory_space<vmem>>
    %dma_start3A_181 = arith.constant 0 : i32
    %dma_start3A_182 = arith.constant 0 : i32
    %dma_start3A_183 = tpu.memref_slice %arg4[%add3A_177, %dma_start3A_181, %dma_start3A_182] : memref<16384x50x64xf32, #tpu.memory_space<hbm>> -> memref<1x50x64xf32, #tpu.memory_space<hbm>>
    %dma_start3A_184 = tpu.memref_squeeze %dma_start3A_183 : memref<1x50x64xf32, #tpu.memory_space<hbm>> -> memref<50x64xf32, #tpu.memory_space<hbm>>
    %dma_start3A_185 = arith.constant 0 : i32
    %dma_start3A_186 = arith.constant 0 : i32
    %dma_start3A_187 = tpu.memref_slice %arg4[%add3A_177, %dma_start3A_185, %dma_start3A_186] : memref<16384x50x64xf32, #tpu.memory_space<hbm>> -> memref<1x50x64xf32, #tpu.memory_space<hbm>>
    %dma_start3A_188 = tpu.memref_squeeze %dma_start3A_187 : memref<1x50x64xf32, #tpu.memory_space<hbm>> -> memref<50x64xf32, #tpu.memory_space<hbm>>
    %dma_start3A_189 = arith.constant 0 : i32
    %dma_start3A_190 = arith.constant 0 : i32
    %dma_start3A_191 = tpu.memref_slice %arg7[%dma_start3A_189, %dma_start3A_190] : memref<400x64xf32, #tpu.memory_space<vmem>> -> memref<50x64xf32, #tpu.memory_space<vmem>>
    tpu.enqueue_dma source(%dma_start3A_191 : memref<50x64xf32, #tpu.memory_space<vmem>>) target(%dma_start3A_188 : memref<50x64xf32, #tpu.memory_space<hbm>>) target_semaphore(%arg15 : memref<!tpu.dma_semaphore, #tpu.memory_space<semaphore_mem>>)
    %add3A_192 = arith.constant 8 : i32
    %add3A_193 = arith.addi %mul3A_2, %add3A_192 : i32
    %add3A_194 = arith.constant 1 : i32
    %add3A_195 = arith.addi %add3A_193, %add3A_194 : i32
    %dma_start3A_196 = arith.constant 50 : i32
    %dma_start3A_197 = arith.constant 0 : i32
    %dma_start3A_198 = tpu.memref_slice %arg7[%dma_start3A_196, %dma_start3A_197] : memref<400x64xf32, #tpu.memory_space<vmem>> -> memref<50x64xf32, #tpu.memory_space<vmem>>
    %dma_start3A_199 = arith.constant 0 : i32
    %dma_start3A_200 = arith.constant 0 : i32
    %dma_start3A_201 = tpu.memref_slice %arg4[%add3A_195, %dma_start3A_199, %dma_start3A_200] : memref<16384x50x64xf32, #tpu.memory_space<hbm>> -> memref<1x50x64xf32, #tpu.memory_space<hbm>>
    %dma_start3A_202 = tpu.memref_squeeze %dma_start3A_201 : memref<1x50x64xf32, #tpu.memory_space<hbm>> -> memref<50x64xf32, #tpu.memory_space<hbm>>
    %dma_start3A_203 = arith.constant 0 : i32
    %dma_start3A_204 = arith.constant 0 : i32
    %dma_start3A_205 = tpu.memref_slice %arg4[%add3A_195, %dma_start3A_203, %dma_start3A_204] : memref<16384x50x64xf32, #tpu.memory_space<hbm>> -> memref<1x50x64xf32, #tpu.memory_space<hbm>>
    %dma_start3A_206 = tpu.memref_squeeze %dma_start3A_205 : memref<1x50x64xf32, #tpu.memory_space<hbm>> -> memref<50x64xf32, #tpu.memory_space<hbm>>
    %dma_start3A_207 = arith.constant 50 : i32
    %dma_start3A_208 = arith.constant 0 : i32
    %dma_start3A_209 = tpu.memref_slice %arg7[%dma_start3A_207, %dma_start3A_208] : memref<400x64xf32, #tpu.memory_space<vmem>> -> memref<50x64xf32, #tpu.memory_space<vmem>>
    tpu.enqueue_dma source(%dma_start3A_209 : memref<50x64xf32, #tpu.memory_space<vmem>>) target(%dma_start3A_206 : memref<50x64xf32, #tpu.memory_space<hbm>>) target_semaphore(%arg15 : memref<!tpu.dma_semaphore, #tpu.memory_space<semaphore_mem>>)
    %add3A_210 = arith.constant 8 : i32
    %add3A_211 = arith.addi %mul3A_2, %add3A_210 : i32
    %add3A_212 = arith.constant 2 : i32
    %add3A_213 = arith.addi %add3A_211, %add3A_212 : i32
    %dma_start3A_214 = arith.constant 100 : i32
    %dma_start3A_215 = arith.constant 0 : i32
    %dma_start3A_216 = tpu.memref_slice %arg7[%dma_start3A_214, %dma_start3A_215] : memref<400x64xf32, #tpu.memory_space<vmem>> -> memref<50x64xf32, #tpu.memory_space<vmem>>
    %dma_start3A_217 = arith.constant 0 : i32
    %dma_start3A_218 = arith.constant 0 : i32
    %dma_start3A_219 = tpu.memref_slice %arg4[%add3A_213, %dma_start3A_217, %dma_start3A_218] : memref<16384x50x64xf32, #tpu.memory_space<hbm>> -> memref<1x50x64xf32, #tpu.memory_space<hbm>>
    %dma_start3A_220 = tpu.memref_squeeze %dma_start3A_219 : memref<1x50x64xf32, #tpu.memory_space<hbm>> -> memref<50x64xf32, #tpu.memory_space<hbm>>
    %dma_start3A_221 = arith.constant 0 : i32
    %dma_start3A_222 = arith.constant 0 : i32
    %dma_start3A_223 = tpu.memref_slice %arg4[%add3A_213, %dma_start3A_221, %dma_start3A_222] : memref<16384x50x64xf32, #tpu.memory_space<hbm>> -> memref<1x50x64xf32, #tpu.memory_space<hbm>>
    %dma_start3A_224 = tpu.memref_squeeze %dma_start3A_223 : memref<1x50x64xf32, #tpu.memory_space<hbm>> -> memref<50x64xf32, #tpu.memory_space<hbm>>
    %dma_start3A_225 = arith.constant 100 : i32
    %dma_start3A_226 = arith.constant 0 : i32
    %dma_start3A_227 = tpu.memref_slice %arg7[%dma_start3A_225, %dma_start3A_226] : memref<400x64xf32, #tpu.memory_space<vmem>> -> memref<50x64xf32, #tpu.memory_space<vmem>>
    tpu.enqueue_dma source(%dma_start3A_227 : memref<50x64xf32, #tpu.memory_space<vmem>>) target(%dma_start3A_224 : memref<50x64xf32, #tpu.memory_space<hbm>>) target_semaphore(%arg15 : memref<!tpu.dma_semaphore, #tpu.memory_space<semaphore_mem>>)
    %add3A_228 = arith.constant 8 : i32
    %add3A_229 = arith.addi %mul3A_2, %add3A_228 : i32
    %add3A_230 = arith.constant 3 : i32
    %add3A_231 = arith.addi %add3A_229, %add3A_230 : i32
    %dma_start3A_232 = arith.constant 150 : i32
    %dma_start3A_233 = arith.constant 0 : i32
    %dma_start3A_234 = tpu.memref_slice %arg7[%dma_start3A_232, %dma_start3A_233] : memref<400x64xf32, #tpu.memory_space<vmem>> -> memref<50x64xf32, #tpu.memory_space<vmem>>
    %dma_start3A_235 = arith.constant 0 : i32
    %dma_start3A_236 = arith.constant 0 : i32
    %dma_start3A_237 = tpu.memref_slice %arg4[%add3A_231, %dma_start3A_235, %dma_start3A_236] : memref<16384x50x64xf32, #tpu.memory_space<hbm>> -> memref<1x50x64xf32, #tpu.memory_space<hbm>>
    %dma_start3A_238 = tpu.memref_squeeze %dma_start3A_237 : memref<1x50x64xf32, #tpu.memory_space<hbm>> -> memref<50x64xf32, #tpu.memory_space<hbm>>
    %dma_start3A_239 = arith.constant 0 : i32
    %dma_start3A_240 = arith.constant 0 : i32
    %dma_start3A_241 = tpu.memref_slice %arg4[%add3A_231, %dma_start3A_239, %dma_start3A_240] : memref<16384x50x64xf32, #tpu.memory_space<hbm>> -> memref<1x50x64xf32, #tpu.memory_space<hbm>>
    %dma_start3A_242 = tpu.memref_squeeze %dma_start3A_241 : memref<1x50x64xf32, #tpu.memory_space<hbm>> -> memref<50x64xf32, #tpu.memory_space<hbm>>
    %dma_start3A_243 = arith.constant 150 : i32
    %dma_start3A_244 = arith.constant 0 : i32
    %dma_start3A_245 = tpu.memref_slice %arg7[%dma_start3A_243, %dma_start3A_244] : memref<400x64xf32, #tpu.memory_space<vmem>> -> memref<50x64xf32, #tpu.memory_space<vmem>>
    tpu.enqueue_dma source(%dma_start3A_245 : memref<50x64xf32, #tpu.memory_space<vmem>>) target(%dma_start3A_242 : memref<50x64xf32, #tpu.memory_space<hbm>>) target_semaphore(%arg15 : memref<!tpu.dma_semaphore, #tpu.memory_space<semaphore_mem>>)
    %add3A_246 = arith.constant 8 : i32
    %add3A_247 = arith.addi %mul3A_2, %add3A_246 : i32
    %add3A_248 = arith.constant 4 : i32
    %add3A_249 = arith.addi %add3A_247, %add3A_248 : i32
    %dma_start3A_250 = arith.constant 200 : i32
    %dma_start3A_251 = arith.constant 0 : i32
    %dma_start3A_252 = tpu.memref_slice %arg7[%dma_start3A_250, %dma_start3A_251] : memref<400x64xf32, #tpu.memory_space<vmem>> -> memref<50x64xf32, #tpu.memory_space<vmem>>
    %dma_start3A_253 = arith.constant 0 : i32
    %dma_start3A_254 = arith.constant 0 : i32
    %dma_start3A_255 = tpu.memref_slice %arg4[%add3A_249, %dma_start3A_253, %dma_start3A_254] : memref<16384x50x64xf32, #tpu.memory_space<hbm>> -> memref<1x50x64xf32, #tpu.memory_space<hbm>>
    %dma_start3A_256 = tpu.memref_squeeze %dma_start3A_255 : memref<1x50x64xf32, #tpu.memory_space<hbm>> -> memref<50x64xf32, #tpu.memory_space<hbm>>
    %dma_start3A_257 = arith.constant 0 : i32
    %dma_start3A_258 = arith.constant 0 : i32
    %dma_start3A_259 = tpu.memref_slice %arg4[%add3A_249, %dma_start3A_257, %dma_start3A_258] : memref<16384x50x64xf32, #tpu.memory_space<hbm>> -> memref<1x50x64xf32, #tpu.memory_space<hbm>>
    %dma_start3A_260 = tpu.memref_squeeze %dma_start3A_259 : memref<1x50x64xf32, #tpu.memory_space<hbm>> -> memref<50x64xf32, #tpu.memory_space<hbm>>
    %dma_start3A_261 = arith.constant 200 : i32
    %dma_start3A_262 = arith.constant 0 : i32
    %dma_start3A_263 = tpu.memref_slice %arg7[%dma_start3A_261, %dma_start3A_262] : memref<400x64xf32, #tpu.memory_space<vmem>> -> memref<50x64xf32, #tpu.memory_space<vmem>>
    tpu.enqueue_dma source(%dma_start3A_263 : memref<50x64xf32, #tpu.memory_space<vmem>>) target(%dma_start3A_260 : memref<50x64xf32, #tpu.memory_space<hbm>>) target_semaphore(%arg15 : memref<!tpu.dma_semaphore, #tpu.memory_space<semaphore_mem>>)
    %add3A_264 = arith.constant 8 : i32
    %add3A_265 = arith.addi %mul3A_2, %add3A_264 : i32
    %add3A_266 = arith.constant 5 : i32
    %add3A_267 = arith.addi %add3A_265, %add3A_266 : i32
    %dma_start3A_268 = arith.constant 250 : i32
    %dma_start3A_269 = arith.constant 0 : i32
    %dma_start3A_270 = tpu.memref_slice %arg7[%dma_start3A_268, %dma_start3A_269] : memref<400x64xf32, #tpu.memory_space<vmem>> -> memref<50x64xf32, #tpu.memory_space<vmem>>
    %dma_start3A_271 = arith.constant 0 : i32
    %dma_start3A_272 = arith.constant 0 : i32
    %dma_start3A_273 = tpu.memref_slice %arg4[%add3A_267, %dma_start3A_271, %dma_start3A_272] : memref<16384x50x64xf32, #tpu.memory_space<hbm>> -> memref<1x50x64xf32, #tpu.memory_space<hbm>>
    %dma_start3A_274 = tpu.memref_squeeze %dma_start3A_273 : memref<1x50x64xf32, #tpu.memory_space<hbm>> -> memref<50x64xf32, #tpu.memory_space<hbm>>
    %dma_start3A_275 = arith.constant 0 : i32
    %dma_start3A_276 = arith.constant 0 : i32
    %dma_start3A_277 = tpu.memref_slice %arg4[%add3A_267, %dma_start3A_275, %dma_start3A_276] : memref<16384x50x64xf32, #tpu.memory_space<hbm>> -> memref<1x50x64xf32, #tpu.memory_space<hbm>>
    %dma_start3A_278 = tpu.memref_squeeze %dma_start3A_277 : memref<1x50x64xf32, #tpu.memory_space<hbm>> -> memref<50x64xf32, #tpu.memory_space<hbm>>
    %dma_start3A_279 = arith.constant 250 : i32
    %dma_start3A_280 = arith.constant 0 : i32
    %dma_start3A_281 = tpu.memref_slice %arg7[%dma_start3A_279, %dma_start3A_280] : memref<400x64xf32, #tpu.memory_space<vmem>> -> memref<50x64xf32, #tpu.memory_space<vmem>>
    tpu.enqueue_dma source(%dma_start3A_281 : memref<50x64xf32, #tpu.memory_space<vmem>>) target(%dma_start3A_278 : memref<50x64xf32, #tpu.memory_space<hbm>>) target_semaphore(%arg15 : memref<!tpu.dma_semaphore, #tpu.memory_space<semaphore_mem>>)
    %add3A_282 = arith.constant 8 : i32
    %add3A_283 = arith.addi %mul3A_2, %add3A_282 : i32
    %add3A_284 = arith.constant 6 : i32
    %add3A_285 = arith.addi %add3A_283, %add3A_284 : i32
    %dma_start3A_286 = arith.constant 300 : i32
    %dma_start3A_287 = arith.constant 0 : i32
    %dma_start3A_288 = tpu.memref_slice %arg7[%dma_start3A_286, %dma_start3A_287] : memref<400x64xf32, #tpu.memory_space<vmem>> -> memref<50x64xf32, #tpu.memory_space<vmem>>
    %dma_start3A_289 = arith.constant 0 : i32
    %dma_start3A_290 = arith.constant 0 : i32
    %dma_start3A_291 = tpu.memref_slice %arg4[%add3A_285, %dma_start3A_289, %dma_start3A_290] : memref<16384x50x64xf32, #tpu.memory_space<hbm>> -> memref<1x50x64xf32, #tpu.memory_space<hbm>>
    %dma_start3A_292 = tpu.memref_squeeze %dma_start3A_291 : memref<1x50x64xf32, #tpu.memory_space<hbm>> -> memref<50x64xf32, #tpu.memory_space<hbm>>
    %dma_start3A_293 = arith.constant 0 : i32
    %dma_start3A_294 = arith.constant 0 : i32
    %dma_start3A_295 = tpu.memref_slice %arg4[%add3A_285, %dma_start3A_293, %dma_start3A_294] : memref<16384x50x64xf32, #tpu.memory_space<hbm>> -> memref<1x50x64xf32, #tpu.memory_space<hbm>>
    %dma_start3A_296 = tpu.memref_squeeze %dma_start3A_295 : memref<1x50x64xf32, #tpu.memory_space<hbm>> -> memref<50x64xf32, #tpu.memory_space<hbm>>
    %dma_start3A_297 = arith.constant 300 : i32
    %dma_start3A_298 = arith.constant 0 : i32
    %dma_start3A_299 = tpu.memref_slice %arg7[%dma_start3A_297, %dma_start3A_298] : memref<400x64xf32, #tpu.memory_space<vmem>> -> memref<50x64xf32, #tpu.memory_space<vmem>>
    tpu.enqueue_dma source(%dma_start3A_299 : memref<50x64xf32, #tpu.memory_space<vmem>>) target(%dma_start3A_296 : memref<50x64xf32, #tpu.memory_space<hbm>>) target_semaphore(%arg15 : memref<!tpu.dma_semaphore, #tpu.memory_space<semaphore_mem>>)
    %add3A_300 = arith.constant 8 : i32
    %add3A_301 = arith.addi %mul3A_2, %add3A_300 : i32
    %add3A_302 = arith.constant 7 : i32
    %add3A_303 = arith.addi %add3A_301, %add3A_302 : i32
    %dma_start3A_304 = arith.constant 350 : i32
    %dma_start3A_305 = arith.constant 0 : i32
    %dma_start3A_306 = tpu.memref_slice %arg7[%dma_start3A_304, %dma_start3A_305] : memref<400x64xf32, #tpu.memory_space<vmem>> -> memref<50x64xf32, #tpu.memory_space<vmem>>
    %dma_start3A_307 = arith.constant 0 : i32
    %dma_start3A_308 = arith.constant 0 : i32
    %dma_start3A_309 = tpu.memref_slice %arg4[%add3A_303, %dma_start3A_307, %dma_start3A_308] : memref<16384x50x64xf32, #tpu.memory_space<hbm>> -> memref<1x50x64xf32, #tpu.memory_space<hbm>>
    %dma_start3A_310 = tpu.memref_squeeze %dma_start3A_309 : memref<1x50x64xf32, #tpu.memory_space<hbm>> -> memref<50x64xf32, #tpu.memory_space<hbm>>
    %dma_start3A_311 = arith.constant 0 : i32
    %dma_start3A_312 = arith.constant 0 : i32
    %dma_start3A_313 = tpu.memref_slice %arg4[%add3A_303, %dma_start3A_311, %dma_start3A_312] : memref<16384x50x64xf32, #tpu.memory_space<hbm>> -> memref<1x50x64xf32, #tpu.memory_space<hbm>>
    %dma_start3A_314 = tpu.memref_squeeze %dma_start3A_313 : memref<1x50x64xf32, #tpu.memory_space<hbm>> -> memref<50x64xf32, #tpu.memory_space<hbm>>
    %dma_start3A_315 = arith.constant 350 : i32
    %dma_start3A_316 = arith.constant 0 : i32
    %dma_start3A_317 = tpu.memref_slice %arg7[%dma_start3A_315, %dma_start3A_316] : memref<400x64xf32, #tpu.memory_space<vmem>> -> memref<50x64xf32, #tpu.memory_space<vmem>>
    tpu.enqueue_dma source(%dma_start3A_317 : memref<50x64xf32, #tpu.memory_space<vmem>>) target(%dma_start3A_314 : memref<50x64xf32, #tpu.memory_space<hbm>>) target_semaphore(%arg15 : memref<!tpu.dma_semaphore, #tpu.memory_space<semaphore_mem>>)
    %dma_start3A_318 = arith.constant 1200 : i32
    %dma_start3A_319 = tpu.memref_slice %arg5[%dma_start3A_318] : memref<25600xi32, #tpu.memory_space<vmem>> -> memref<400xi32, #tpu.memory_space<vmem>>
    %dma_start3A_320 = arith.constant 0 : i32
    %dma_start3A_321 = arith.constant 0 : i32
    %dma_start3A_322 = tpu.memref_slice %arg2[%dma_start3A_320, %dma_start3A_321] : memref<1000000x64xf32, #tpu.memory_space<hbm>> -> memref<1000000x64xf32, #tpu.memory_space<hbm>>
    tpu.enqueue_indirect_dma source(%dma_start3A_322 : memref<1000000x64xf32, #tpu.memory_space<hbm>>) target(%arg9 : memref<400x64xf32, #tpu.memory_space<vmem>>) offsets(%dma_start3A_319 : memref<400xi32, #tpu.memory_space<vmem>>) semaphore(%arg13 : memref<!tpu.dma_semaphore, #tpu.memory_space<semaphore_mem>>)
    %dma_wait3A_323 = arith.constant 0 : i32
    %dma_wait3A_324 = arith.constant 0 : i32
    %dma_wait3A_325 = tpu.memref_slice %arg2[%dma_wait3A_323, %dma_wait3A_324] : memref<1000000x64xf32, #tpu.memory_space<hbm>> -> memref<400x64xf32, #tpu.memory_space<hbm>>
    %dma_wait3A_326 = arith.constant 0 : i32
    %dma_wait3A_327 = arith.constant 0 : i32
    %dma_wait3A_328 = tpu.memref_slice %arg2[%dma_wait3A_326, %dma_wait3A_327] : memref<1000000x64xf32, #tpu.memory_space<hbm>> -> memref<400x64xf32, #tpu.memory_space<hbm>>
    tpu.wait_dma2 semaphore(%arg12 : memref<!tpu.dma_semaphore, #tpu.memory_space<semaphore_mem>>) src(%dma_wait3A_328 : memref<400x64xf32, #tpu.memory_space<hbm>>) dst(%arg8 : memref<400x64xf32, #tpu.memory_space<vmem>>)
    %add3A_329 = arith.constant 16 : i32
    %add3A_330 = arith.addi %mul3A_2, %add3A_329 : i32
    %add3A_331 = arith.constant 0 : i32
    %add3A_332 = arith.addi %add3A_330, %add3A_331 : i32
    %dma_start3A_333 = arith.constant 0 : i32
    %dma_start3A_334 = arith.constant 0 : i32
    %dma_start3A_335 = tpu.memref_slice %arg8[%dma_start3A_333, %dma_start3A_334] : memref<400x64xf32, #tpu.memory_space<vmem>> -> memref<50x64xf32, #tpu.memory_space<vmem>>
    %dma_start3A_336 = arith.constant 0 : i32
    %dma_start3A_337 = arith.constant 0 : i32
    %dma_start3A_338 = tpu.memref_slice %arg4[%add3A_332, %dma_start3A_336, %dma_start3A_337] : memref<16384x50x64xf32, #tpu.memory_space<hbm>> -> memref<1x50x64xf32, #tpu.memory_space<hbm>>
    %dma_start3A_339 = tpu.memref_squeeze %dma_start3A_338 : memref<1x50x64xf32, #tpu.memory_space<hbm>> -> memref<50x64xf32, #tpu.memory_space<hbm>>
    %dma_start3A_340 = arith.constant 0 : i32
    %dma_start3A_341 = arith.constant 0 : i32
    %dma_start3A_342 = tpu.memref_slice %arg4[%add3A_332, %dma_start3A_340, %dma_start3A_341] : memref<16384x50x64xf32, #tpu.memory_space<hbm>> -> memref<1x50x64xf32, #tpu.memory_space<hbm>>
    %dma_start3A_343 = tpu.memref_squeeze %dma_start3A_342 : memref<1x50x64xf32, #tpu.memory_space<hbm>> -> memref<50x64xf32, #tpu.memory_space<hbm>>
    %dma_start3A_344 = arith.constant 0 : i32
    %dma_start3A_345 = arith.constant 0 : i32
    %dma_start3A_346 = tpu.memref_slice %arg8[%dma_start3A_344, %dma_start3A_345] : memref<400x64xf32, #tpu.memory_space<vmem>> -> memref<50x64xf32, #tpu.memory_space<vmem>>
    tpu.enqueue_dma source(%dma_start3A_346 : memref<50x64xf32, #tpu.memory_space<vmem>>) target(%dma_start3A_343 : memref<50x64xf32, #tpu.memory_space<hbm>>) target_semaphore(%arg16 : memref<!tpu.dma_semaphore, #tpu.memory_space<semaphore_mem>>)
    %add3A_347 = arith.constant 16 : i32
    %add3A_348 = arith.addi %mul3A_2, %add3A_347 : i32
    %add3A_349 = arith.constant 1 : i32
    %add3A_350 = arith.addi %add3A_348, %add3A_349 : i32
    %dma_start3A_351 = arith.constant 50 : i32
    %dma_start3A_352 = arith.constant 0 : i32
    %dma_start3A_353 = tpu.memref_slice %arg8[%dma_start3A_351, %dma_start3A_352] : memref<400x64xf32, #tpu.memory_space<vmem>> -> memref<50x64xf32, #tpu.memory_space<vmem>>
    %dma_start3A_354 = arith.constant 0 : i32
    %dma_start3A_355 = arith.constant 0 : i32
    %dma_start3A_356 = tpu.memref_slice %arg4[%add3A_350, %dma_start3A_354, %dma_start3A_355] : memref<16384x50x64xf32, #tpu.memory_space<hbm>> -> memref<1x50x64xf32, #tpu.memory_space<hbm>>
    %dma_start3A_357 = tpu.memref_squeeze %dma_start3A_356 : memref<1x50x64xf32, #tpu.memory_space<hbm>> -> memref<50x64xf32, #tpu.memory_space<hbm>>
    %dma_start3A_358 = arith.constant 0 : i32
    %dma_start3A_359 = arith.constant 0 : i32
    %dma_start3A_360 = tpu.memref_slice %arg4[%add3A_350, %dma_start3A_358, %dma_start3A_359] : memref<16384x50x64xf32, #tpu.memory_space<hbm>> -> memref<1x50x64xf32, #tpu.memory_space<hbm>>
    %dma_start3A_361 = tpu.memref_squeeze %dma_start3A_360 : memref<1x50x64xf32, #tpu.memory_space<hbm>> -> memref<50x64xf32, #tpu.memory_space<hbm>>
    %dma_start3A_362 = arith.constant 50 : i32
    %dma_start3A_363 = arith.constant 0 : i32
    %dma_start3A_364 = tpu.memref_slice %arg8[%dma_start3A_362, %dma_start3A_363] : memref<400x64xf32, #tpu.memory_space<vmem>> -> memref<50x64xf32, #tpu.memory_space<vmem>>
    tpu.enqueue_dma source(%dma_start3A_364 : memref<50x64xf32, #tpu.memory_space<vmem>>) target(%dma_start3A_361 : memref<50x64xf32, #tpu.memory_space<hbm>>) target_semaphore(%arg16 : memref<!tpu.dma_semaphore, #tpu.memory_space<semaphore_mem>>)
    %add3A_365 = arith.constant 16 : i32
    %add3A_366 = arith.addi %mul3A_2, %add3A_365 : i32
    %add3A_367 = arith.constant 2 : i32
    %add3A_368 = arith.addi %add3A_366, %add3A_367 : i32
    %dma_start3A_369 = arith.constant 100 : i32
    %dma_start3A_370 = arith.constant 0 : i32
    %dma_start3A_371 = tpu.memref_slice %arg8[%dma_start3A_369, %dma_start3A_370] : memref<400x64xf32, #tpu.memory_space<vmem>> -> memref<50x64xf32, #tpu.memory_space<vmem>>
    %dma_start3A_372 = arith.constant 0 : i32
    %dma_start3A_373 = arith.constant 0 : i32
    %dma_start3A_374 = tpu.memref_slice %arg4[%add3A_368, %dma_start3A_372, %dma_start3A_373] : memref<16384x50x64xf32, #tpu.memory_space<hbm>> -> memref<1x50x64xf32, #tpu.memory_space<hbm>>
    %dma_start3A_375 = tpu.memref_squeeze %dma_start3A_374 : memref<1x50x64xf32, #tpu.memory_space<hbm>> -> memref<50x64xf32, #tpu.memory_space<hbm>>
    %dma_start3A_376 = arith.constant 0 : i32
    %dma_start3A_377 = arith.constant 0 : i32
    %dma_start3A_378 = tpu.memref_slice %arg4[%add3A_368, %dma_start3A_376, %dma_start3A_377] : memref<16384x50x64xf32, #tpu.memory_space<hbm>> -> memref<1x50x64xf32, #tpu.memory_space<hbm>>
    %dma_start3A_379 = tpu.memref_squeeze %dma_start3A_378 : memref<1x50x64xf32, #tpu.memory_space<hbm>> -> memref<50x64xf32, #tpu.memory_space<hbm>>
    %dma_start3A_380 = arith.constant 100 : i32
    %dma_start3A_381 = arith.constant 0 : i32
    %dma_start3A_382 = tpu.memref_slice %arg8[%dma_start3A_380, %dma_start3A_381] : memref<400x64xf32, #tpu.memory_space<vmem>> -> memref<50x64xf32, #tpu.memory_space<vmem>>
    tpu.enqueue_dma source(%dma_start3A_382 : memref<50x64xf32, #tpu.memory_space<vmem>>) target(%dma_start3A_379 : memref<50x64xf32, #tpu.memory_space<hbm>>) target_semaphore(%arg16 : memref<!tpu.dma_semaphore, #tpu.memory_space<semaphore_mem>>)
    %add3A_383 = arith.constant 16 : i32
    %add3A_384 = arith.addi %mul3A_2, %add3A_383 : i32
    %add3A_385 = arith.constant 3 : i32
    %add3A_386 = arith.addi %add3A_384, %add3A_385 : i32
    %dma_start3A_387 = arith.constant 150 : i32
    %dma_start3A_388 = arith.constant 0 : i32
    %dma_start3A_389 = tpu.memref_slice %arg8[%dma_start3A_387, %dma_start3A_388] : memref<400x64xf32, #tpu.memory_space<vmem>> -> memref<50x64xf32, #tpu.memory_space<vmem>>
    %dma_start3A_390 = arith.constant 0 : i32
    %dma_start3A_391 = arith.constant 0 : i32
    %dma_start3A_392 = tpu.memref_slice %arg4[%add3A_386, %dma_start3A_390, %dma_start3A_391] : memref<16384x50x64xf32, #tpu.memory_space<hbm>> -> memref<1x50x64xf32, #tpu.memory_space<hbm>>
    %dma_start3A_393 = tpu.memref_squeeze %dma_start3A_392 : memref<1x50x64xf32, #tpu.memory_space<hbm>> -> memref<50x64xf32, #tpu.memory_space<hbm>>
    %dma_start3A_394 = arith.constant 0 : i32
    %dma_start3A_395 = arith.constant 0 : i32
    %dma_start3A_396 = tpu.memref_slice %arg4[%add3A_386, %dma_start3A_394, %dma_start3A_395] : memref<16384x50x64xf32, #tpu.memory_space<hbm>> -> memref<1x50x64xf32, #tpu.memory_space<hbm>>
    %dma_start3A_397 = tpu.memref_squeeze %dma_start3A_396 : memref<1x50x64xf32, #tpu.memory_space<hbm>> -> memref<50x64xf32, #tpu.memory_space<hbm>>
    %dma_start3A_398 = arith.constant 150 : i32
    %dma_start3A_399 = arith.constant 0 : i32
    %dma_start3A_400 = tpu.memref_slice %arg8[%dma_start3A_398, %dma_start3A_399] : memref<400x64xf32, #tpu.memory_space<vmem>> -> memref<50x64xf32, #tpu.memory_space<vmem>>
    tpu.enqueue_dma source(%dma_start3A_400 : memref<50x64xf32, #tpu.memory_space<vmem>>) target(%dma_start3A_397 : memref<50x64xf32, #tpu.memory_space<hbm>>) target_semaphore(%arg16 : memref<!tpu.dma_semaphore, #tpu.memory_space<semaphore_mem>>)
    %add3A_401 = arith.constant 16 : i32
    %add3A_402 = arith.addi %mul3A_2, %add3A_401 : i32
    %add3A_403 = arith.constant 4 : i32
    %add3A_404 = arith.addi %add3A_402, %add3A_403 : i32
    %dma_start3A_405 = arith.constant 200 : i32
    %dma_start3A_406 = arith.constant 0 : i32
    %dma_start3A_407 = tpu.memref_slice %arg8[%dma_start3A_405, %dma_start3A_406] : memref<400x64xf32, #tpu.memory_space<vmem>> -> memref<50x64xf32, #tpu.memory_space<vmem>>
    %dma_start3A_408 = arith.constant 0 : i32
    %dma_start3A_409 = arith.constant 0 : i32
    %dma_start3A_410 = tpu.memref_slice %arg4[%add3A_404, %dma_start3A_408, %dma_start3A_409] : memref<16384x50x64xf32, #tpu.memory_space<hbm>> -> memref<1x50x64xf32, #tpu.memory_space<hbm>>
    %dma_start3A_411 = tpu.memref_squeeze %dma_start3A_410 : memref<1x50x64xf32, #tpu.memory_space<hbm>> -> memref<50x64xf32, #tpu.memory_space<hbm>>
    %dma_start3A_412 = arith.constant 0 : i32
    %dma_start3A_413 = arith.constant 0 : i32
    %dma_start3A_414 = tpu.memref_slice %arg4[%add3A_404, %dma_start3A_412, %dma_start3A_413] : memref<16384x50x64xf32, #tpu.memory_space<hbm>> -> memref<1x50x64xf32, #tpu.memory_space<hbm>>
    %dma_start3A_415 = tpu.memref_squeeze %dma_start3A_414 : memref<1x50x64xf32, #tpu.memory_space<hbm>> -> memref<50x64xf32, #tpu.memory_space<hbm>>
    %dma_start3A_416 = arith.constant 200 : i32
    %dma_start3A_417 = arith.constant 0 : i32
    %dma_start3A_418 = tpu.memref_slice %arg8[%dma_start3A_416, %dma_start3A_417] : memref<400x64xf32, #tpu.memory_space<vmem>> -> memref<50x64xf32, #tpu.memory_space<vmem>>
    tpu.enqueue_dma source(%dma_start3A_418 : memref<50x64xf32, #tpu.memory_space<vmem>>) target(%dma_start3A_415 : memref<50x64xf32, #tpu.memory_space<hbm>>) target_semaphore(%arg16 : memref<!tpu.dma_semaphore, #tpu.memory_space<semaphore_mem>>)
    %add3A_419 = arith.constant 16 : i32
    %add3A_420 = arith.addi %mul3A_2, %add3A_419 : i32
    %add3A_421 = arith.constant 5 : i32
    %add3A_422 = arith.addi %add3A_420, %add3A_421 : i32
    %dma_start3A_423 = arith.constant 250 : i32
    %dma_start3A_424 = arith.constant 0 : i32
    %dma_start3A_425 = tpu.memref_slice %arg8[%dma_start3A_423, %dma_start3A_424] : memref<400x64xf32, #tpu.memory_space<vmem>> -> memref<50x64xf32, #tpu.memory_space<vmem>>
    %dma_start3A_426 = arith.constant 0 : i32
    %dma_start3A_427 = arith.constant 0 : i32
    %dma_start3A_428 = tpu.memref_slice %arg4[%add3A_422, %dma_start3A_426, %dma_start3A_427] : memref<16384x50x64xf32, #tpu.memory_space<hbm>> -> memref<1x50x64xf32, #tpu.memory_space<hbm>>
    %dma_start3A_429 = tpu.memref_squeeze %dma_start3A_428 : memref<1x50x64xf32, #tpu.memory_space<hbm>> -> memref<50x64xf32, #tpu.memory_space<hbm>>
    %dma_start3A_430 = arith.constant 0 : i32
    %dma_start3A_431 = arith.constant 0 : i32
    %dma_start3A_432 = tpu.memref_slice %arg4[%add3A_422, %dma_start3A_430, %dma_start3A_431] : memref<16384x50x64xf32, #tpu.memory_space<hbm>> -> memref<1x50x64xf32, #tpu.memory_space<hbm>>
    %dma_start3A_433 = tpu.memref_squeeze %dma_start3A_432 : memref<1x50x64xf32, #tpu.memory_space<hbm>> -> memref<50x64xf32, #tpu.memory_space<hbm>>
    %dma_start3A_434 = arith.constant 250 : i32
    %dma_start3A_435 = arith.constant 0 : i32
    %dma_start3A_436 = tpu.memref_slice %arg8[%dma_start3A_434, %dma_start3A_435] : memref<400x64xf32, #tpu.memory_space<vmem>> -> memref<50x64xf32, #tpu.memory_space<vmem>>
    tpu.enqueue_dma source(%dma_start3A_436 : memref<50x64xf32, #tpu.memory_space<vmem>>) target(%dma_start3A_433 : memref<50x64xf32, #tpu.memory_space<hbm>>) target_semaphore(%arg16 : memref<!tpu.dma_semaphore, #tpu.memory_space<semaphore_mem>>)
    %add3A_437 = arith.constant 16 : i32
    %add3A_438 = arith.addi %mul3A_2, %add3A_437 : i32
    %add3A_439 = arith.constant 6 : i32
    %add3A_440 = arith.addi %add3A_438, %add3A_439 : i32
    %dma_start3A_441 = arith.constant 300 : i32
    %dma_start3A_442 = arith.constant 0 : i32
    %dma_start3A_443 = tpu.memref_slice %arg8[%dma_start3A_441, %dma_start3A_442] : memref<400x64xf32, #tpu.memory_space<vmem>> -> memref<50x64xf32, #tpu.memory_space<vmem>>
    %dma_start3A_444 = arith.constant 0 : i32
    %dma_start3A_445 = arith.constant 0 : i32
    %dma_start3A_446 = tpu.memref_slice %arg4[%add3A_440, %dma_start3A_444, %dma_start3A_445] : memref<16384x50x64xf32, #tpu.memory_space<hbm>> -> memref<1x50x64xf32, #tpu.memory_space<hbm>>
    %dma_start3A_447 = tpu.memref_squeeze %dma_start3A_446 : memref<1x50x64xf32, #tpu.memory_space<hbm>> -> memref<50x64xf32, #tpu.memory_space<hbm>>
    %dma_start3A_448 = arith.constant 0 : i32
    %dma_start3A_449 = arith.constant 0 : i32
    %dma_start3A_450 = tpu.memref_slice %arg4[%add3A_440, %dma_start3A_448, %dma_start3A_449] : memref<16384x50x64xf32, #tpu.memory_space<hbm>> -> memref<1x50x64xf32, #tpu.memory_space<hbm>>
    %dma_start3A_451 = tpu.memref_squeeze %dma_start3A_450 : memref<1x50x64xf32, #tpu.memory_space<hbm>> -> memref<50x64xf32, #tpu.memory_space<hbm>>
    %dma_start3A_452 = arith.constant 300 : i32
    %dma_start3A_453 = arith.constant 0 : i32
    %dma_start3A_454 = tpu.memref_slice %arg8[%dma_start3A_452, %dma_start3A_453] : memref<400x64xf32, #tpu.memory_space<vmem>> -> memref<50x64xf32, #tpu.memory_space<vmem>>
    tpu.enqueue_dma source(%dma_start3A_454 : memref<50x64xf32, #tpu.memory_space<vmem>>) target(%dma_start3A_451 : memref<50x64xf32, #tpu.memory_space<hbm>>) target_semaphore(%arg16 : memref<!tpu.dma_semaphore, #tpu.memory_space<semaphore_mem>>)
    %add3A_455 = arith.constant 16 : i32
    %add3A_456 = arith.addi %mul3A_2, %add3A_455 : i32
    %add3A_457 = arith.constant 7 : i32
    %add3A_458 = arith.addi %add3A_456, %add3A_457 : i32
    %dma_start3A_459 = arith.constant 350 : i32
    %dma_start3A_460 = arith.constant 0 : i32
    %dma_start3A_461 = tpu.memref_slice %arg8[%dma_start3A_459, %dma_start3A_460] : memref<400x64xf32, #tpu.memory_space<vmem>> -> memref<50x64xf32, #tpu.memory_space<vmem>>
    %dma_start3A_462 = arith.constant 0 : i32
    %dma_start3A_463 = arith.constant 0 : i32
    %dma_start3A_464 = tpu.memref_slice %arg4[%add3A_458, %dma_start3A_462, %dma_start3A_463] : memref<16384x50x64xf32, #tpu.memory_space<hbm>> -> memref<1x50x64xf32, #tpu.memory_space<hbm>>
    %dma_start3A_465 = tpu.memref_squeeze %dma_start3A_464 : memref<1x50x64xf32, #tpu.memory_space<hbm>> -> memref<50x64xf32, #tpu.memory_space<hbm>>
    %dma_start3A_466 = arith.constant 0 : i32
    %dma_start3A_467 = arith.constant 0 : i32
    %dma_start3A_468 = tpu.memref_slice %arg4[%add3A_458, %dma_start3A_466, %dma_start3A_467] : memref<16384x50x64xf32, #tpu.memory_space<hbm>> -> memref<1x50x64xf32, #tpu.memory_space<hbm>>
    %dma_start3A_469 = tpu.memref_squeeze %dma_start3A_468 : memref<1x50x64xf32, #tpu.memory_space<hbm>> -> memref<50x64xf32, #tpu.memory_space<hbm>>
    %dma_start3A_470 = arith.constant 350 : i32
    %dma_start3A_471 = arith.constant 0 : i32
    %dma_start3A_472 = tpu.memref_slice %arg8[%dma_start3A_470, %dma_start3A_471] : memref<400x64xf32, #tpu.memory_space<vmem>> -> memref<50x64xf32, #tpu.memory_space<vmem>>
    tpu.enqueue_dma source(%dma_start3A_472 : memref<50x64xf32, #tpu.memory_space<vmem>>) target(%dma_start3A_469 : memref<50x64xf32, #tpu.memory_space<hbm>>) target_semaphore(%arg16 : memref<!tpu.dma_semaphore, #tpu.memory_space<semaphore_mem>>)
    %dma_wait3A_473 = arith.constant 0 : i32
    %dma_wait3A_474 = arith.constant 0 : i32
    %dma_wait3A_475 = arith.constant 0 : i32
    %dma_wait3A_476 = tpu.memref_slice %arg6[%dma_wait3A_474, %dma_wait3A_475] : memref<400x64xf32, #tpu.memory_space<vmem>> -> memref<50x64xf32, #tpu.memory_space<vmem>>
    %dma_wait3A_477 = arith.constant 0 : i32
    %dma_wait3A_478 = arith.constant 0 : i32
    %dma_wait3A_479 = tpu.memref_slice %arg4[%dma_wait3A_473, %dma_wait3A_477, %dma_wait3A_478] : memref<16384x50x64xf32, #tpu.memory_space<hbm>> -> memref<1x50x64xf32, #tpu.memory_space<hbm>>
    %dma_wait3A_480 = tpu.memref_squeeze %dma_wait3A_479 : memref<1x50x64xf32, #tpu.memory_space<hbm>> -> memref<50x64xf32, #tpu.memory_space<hbm>>
    %dma_wait3A_481 = arith.constant 0 : i32
    %dma_wait3A_482 = arith.constant 0 : i32
    %dma_wait3A_483 = tpu.memref_slice %arg4[%dma_wait3A_473, %dma_wait3A_481, %dma_wait3A_482] : memref<16384x50x64xf32, #tpu.memory_space<hbm>> -> memref<1x50x64xf32, #tpu.memory_space<hbm>>
    %dma_wait3A_484 = tpu.memref_squeeze %dma_wait3A_483 : memref<1x50x64xf32, #tpu.memory_space<hbm>> -> memref<50x64xf32, #tpu.memory_space<hbm>>
    %dma_wait3A_485 = arith.constant 0 : i32
    %dma_wait3A_486 = arith.constant 0 : i32
    %dma_wait3A_487 = tpu.memref_slice %arg6[%dma_wait3A_485, %dma_wait3A_486] : memref<400x64xf32, #tpu.memory_space<vmem>> -> memref<50x64xf32, #tpu.memory_space<vmem>>
    tpu.wait_dma2 semaphore(%arg14 : memref<!tpu.dma_semaphore, #tpu.memory_space<semaphore_mem>>) src(%dma_wait3A_487 : memref<50x64xf32, #tpu.memory_space<vmem>>) dst(%dma_wait3A_484 : memref<50x64xf32, #tpu.memory_space<hbm>>)
    %dma_wait3A_488 = arith.constant 0 : i32
    %dma_wait3A_489 = arith.constant 0 : i32
    %dma_wait3A_490 = arith.constant 0 : i32
    %dma_wait3A_491 = tpu.memref_slice %arg6[%dma_wait3A_489, %dma_wait3A_490] : memref<400x64xf32, #tpu.memory_space<vmem>> -> memref<50x64xf32, #tpu.memory_space<vmem>>
    %dma_wait3A_492 = arith.constant 0 : i32
    %dma_wait3A_493 = arith.constant 0 : i32
    %dma_wait3A_494 = tpu.memref_slice %arg4[%dma_wait3A_488, %dma_wait3A_492, %dma_wait3A_493] : memref<16384x50x64xf32, #tpu.memory_space<hbm>> -> memref<1x50x64xf32, #tpu.memory_space<hbm>>
    %dma_wait3A_495 = tpu.memref_squeeze %dma_wait3A_494 : memref<1x50x64xf32, #tpu.memory_space<hbm>> -> memref<50x64xf32, #tpu.memory_space<hbm>>
    %dma_wait3A_496 = arith.constant 0 : i32
    %dma_wait3A_497 = arith.constant 0 : i32
    %dma_wait3A_498 = tpu.memref_slice %arg4[%dma_wait3A_488, %dma_wait3A_496, %dma_wait3A_497] : memref<16384x50x64xf32, #tpu.memory_space<hbm>> -> memref<1x50x64xf32, #tpu.memory_space<hbm>>
    %dma_wait3A_499 = tpu.memref_squeeze %dma_wait3A_498 : memref<1x50x64xf32, #tpu.memory_space<hbm>> -> memref<50x64xf32, #tpu.memory_space<hbm>>
    %dma_wait3A_500 = arith.constant 0 : i32
    %dma_wait3A_501 = arith.constant 0 : i32
    %dma_wait3A_502 = tpu.memref_slice %arg6[%dma_wait3A_500, %dma_wait3A_501] : memref<400x64xf32, #tpu.memory_space<vmem>> -> memref<50x64xf32, #tpu.memory_space<vmem>>
    tpu.wait_dma2 semaphore(%arg14 : memref<!tpu.dma_semaphore, #tpu.memory_space<semaphore_mem>>) src(%dma_wait3A_502 : memref<50x64xf32, #tpu.memory_space<vmem>>) dst(%dma_wait3A_499 : memref<50x64xf32, #tpu.memory_space<hbm>>)
    %dma_wait3A_503 = arith.constant 0 : i32
    %dma_wait3A_504 = arith.constant 0 : i32
    %dma_wait3A_505 = arith.constant 0 : i32
    %dma_wait3A_506 = tpu.memref_slice %arg6[%dma_wait3A_504, %dma_wait3A_505] : memref<400x64xf32, #tpu.memory_space<vmem>> -> memref<50x64xf32, #tpu.memory_space<vmem>>
    %dma_wait3A_507 = arith.constant 0 : i32
    %dma_wait3A_508 = arith.constant 0 : i32
    %dma_wait3A_509 = tpu.memref_slice %arg4[%dma_wait3A_503, %dma_wait3A_507, %dma_wait3A_508] : memref<16384x50x64xf32, #tpu.memory_space<hbm>> -> memref<1x50x64xf32, #tpu.memory_space<hbm>>
    %dma_wait3A_510 = tpu.memref_squeeze %dma_wait3A_509 : memref<1x50x64xf32, #tpu.memory_space<hbm>> -> memref<50x64xf32, #tpu.memory_space<hbm>>
    %dma_wait3A_511 = arith.constant 0 : i32
    %dma_wait3A_512 = arith.constant 0 : i32
    %dma_wait3A_513 = tpu.memref_slice %arg4[%dma_wait3A_503, %dma_wait3A_511, %dma_wait3A_512] : memref<16384x50x64xf32, #tpu.memory_space<hbm>> -> memref<1x50x64xf32, #tpu.memory_space<hbm>>
    %dma_wait3A_514 = tpu.memref_squeeze %dma_wait3A_513 : memref<1x50x64xf32, #tpu.memory_space<hbm>> -> memref<50x64xf32, #tpu.memory_space<hbm>>
    %dma_wait3A_515 = arith.constant 0 : i32
    %dma_wait3A_516 = arith.constant 0 : i32
    %dma_wait3A_517 = tpu.memref_slice %arg6[%dma_wait3A_515, %dma_wait3A_516] : memref<400x64xf32, #tpu.memory_space<vmem>> -> memref<50x64xf32, #tpu.memory_space<vmem>>
    tpu.wait_dma2 semaphore(%arg14 : memref<!tpu.dma_semaphore, #tpu.memory_space<semaphore_mem>>) src(%dma_wait3A_517 : memref<50x64xf32, #tpu.memory_space<vmem>>) dst(%dma_wait3A_514 : memref<50x64xf32, #tpu.memory_space<hbm>>)
    %dma_wait3A_518 = arith.constant 0 : i32
    %dma_wait3A_519 = arith.constant 0 : i32
    %dma_wait3A_520 = arith.constant 0 : i32
    %dma_wait3A_521 = tpu.memref_slice %arg6[%dma_wait3A_519, %dma_wait3A_520] : memref<400x64xf32, #tpu.memory_space<vmem>> -> memref<50x64xf32, #tpu.memory_space<vmem>>
    %dma_wait3A_522 = arith.constant 0 : i32
    %dma_wait3A_523 = arith.constant 0 : i32
    %dma_wait3A_524 = tpu.memref_slice %arg4[%dma_wait3A_518, %dma_wait3A_522, %dma_wait3A_523] : memref<16384x50x64xf32, #tpu.memory_space<hbm>> -> memref<1x50x64xf32, #tpu.memory_space<hbm>>
    %dma_wait3A_525 = tpu.memref_squeeze %dma_wait3A_524 : memref<1x50x64xf32, #tpu.memory_space<hbm>> -> memref<50x64xf32, #tpu.memory_space<hbm>>
    %dma_wait3A_526 = arith.constant 0 : i32
    %dma_wait3A_527 = arith.constant 0 : i32
    %dma_wait3A_528 = tpu.memref_slice %arg4[%dma_wait3A_518, %dma_wait3A_526, %dma_wait3A_527] : memref<16384x50x64xf32, #tpu.memory_space<hbm>> -> memref<1x50x64xf32, #tpu.memory_space<hbm>>
    %dma_wait3A_529 = tpu.memref_squeeze %dma_wait3A_528 : memref<1x50x64xf32, #tpu.memory_space<hbm>> -> memref<50x64xf32, #tpu.memory_space<hbm>>
    %dma_wait3A_530 = arith.constant 0 : i32
    %dma_wait3A_531 = arith.constant 0 : i32
    %dma_wait3A_532 = tpu.memref_slice %arg6[%dma_wait3A_530, %dma_wait3A_531] : memref<400x64xf32, #tpu.memory_space<vmem>> -> memref<50x64xf32, #tpu.memory_space<vmem>>
    tpu.wait_dma2 semaphore(%arg14 : memref<!tpu.dma_semaphore, #tpu.memory_space<semaphore_mem>>) src(%dma_wait3A_532 : memref<50x64xf32, #tpu.memory_space<vmem>>) dst(%dma_wait3A_529 : memref<50x64xf32, #tpu.memory_space<hbm>>)
    %dma_wait3A_533 = arith.constant 0 : i32
    %dma_wait3A_534 = arith.constant 0 : i32
    %dma_wait3A_535 = arith.constant 0 : i32
    %dma_wait3A_536 = tpu.memref_slice %arg6[%dma_wait3A_534, %dma_wait3A_535] : memref<400x64xf32, #tpu.memory_space<vmem>> -> memref<50x64xf32, #tpu.memory_space<vmem>>
    %dma_wait3A_537 = arith.constant 0 : i32
    %dma_wait3A_538 = arith.constant 0 : i32
    %dma_wait3A_539 = tpu.memref_slice %arg4[%dma_wait3A_533, %dma_wait3A_537, %dma_wait3A_538] : memref<16384x50x64xf32, #tpu.memory_space<hbm>> -> memref<1x50x64xf32, #tpu.memory_space<hbm>>
    %dma_wait3A_540 = tpu.memref_squeeze %dma_wait3A_539 : memref<1x50x64xf32, #tpu.memory_space<hbm>> -> memref<50x64xf32, #tpu.memory_space<hbm>>
    %dma_wait3A_541 = arith.constant 0 : i32
    %dma_wait3A_542 = arith.constant 0 : i32
    %dma_wait3A_543 = tpu.memref_slice %arg4[%dma_wait3A_533, %dma_wait3A_541, %dma_wait3A_542] : memref<16384x50x64xf32, #tpu.memory_space<hbm>> -> memref<1x50x64xf32, #tpu.memory_space<hbm>>
    %dma_wait3A_544 = tpu.memref_squeeze %dma_wait3A_543 : memref<1x50x64xf32, #tpu.memory_space<hbm>> -> memref<50x64xf32, #tpu.memory_space<hbm>>
    %dma_wait3A_545 = arith.constant 0 : i32
    %dma_wait3A_546 = arith.constant 0 : i32
    %dma_wait3A_547 = tpu.memref_slice %arg6[%dma_wait3A_545, %dma_wait3A_546] : memref<400x64xf32, #tpu.memory_space<vmem>> -> memref<50x64xf32, #tpu.memory_space<vmem>>
    tpu.wait_dma2 semaphore(%arg14 : memref<!tpu.dma_semaphore, #tpu.memory_space<semaphore_mem>>) src(%dma_wait3A_547 : memref<50x64xf32, #tpu.memory_space<vmem>>) dst(%dma_wait3A_544 : memref<50x64xf32, #tpu.memory_space<hbm>>)
    %dma_wait3A_548 = arith.constant 0 : i32
    %dma_wait3A_549 = arith.constant 0 : i32
    %dma_wait3A_550 = arith.constant 0 : i32
    %dma_wait3A_551 = tpu.memref_slice %arg6[%dma_wait3A_549, %dma_wait3A_550] : memref<400x64xf32, #tpu.memory_space<vmem>> -> memref<50x64xf32, #tpu.memory_space<vmem>>
    %dma_wait3A_552 = arith.constant 0 : i32
    %dma_wait3A_553 = arith.constant 0 : i32
    %dma_wait3A_554 = tpu.memref_slice %arg4[%dma_wait3A_548, %dma_wait3A_552, %dma_wait3A_553] : memref<16384x50x64xf32, #tpu.memory_space<hbm>> -> memref<1x50x64xf32, #tpu.memory_space<hbm>>
    %dma_wait3A_555 = tpu.memref_squeeze %dma_wait3A_554 : memref<1x50x64xf32, #tpu.memory_space<hbm>> -> memref<50x64xf32, #tpu.memory_space<hbm>>
    %dma_wait3A_556 = arith.constant 0 : i32
    %dma_wait3A_557 = arith.constant 0 : i32
    %dma_wait3A_558 = tpu.memref_slice %arg4[%dma_wait3A_548, %dma_wait3A_556, %dma_wait3A_557] : memref<16384x50x64xf32, #tpu.memory_space<hbm>> -> memref<1x50x64xf32, #tpu.memory_space<hbm>>
    %dma_wait3A_559 = tpu.memref_squeeze %dma_wait3A_558 : memref<1x50x64xf32, #tpu.memory_space<hbm>> -> memref<50x64xf32, #tpu.memory_space<hbm>>
    %dma_wait3A_560 = arith.constant 0 : i32
    %dma_wait3A_561 = arith.constant 0 : i32
    %dma_wait3A_562 = tpu.memref_slice %arg6[%dma_wait3A_560, %dma_wait3A_561] : memref<400x64xf32, #tpu.memory_space<vmem>> -> memref<50x64xf32, #tpu.memory_space<vmem>>
    tpu.wait_dma2 semaphore(%arg14 : memref<!tpu.dma_semaphore, #tpu.memory_space<semaphore_mem>>) src(%dma_wait3A_562 : memref<50x64xf32, #tpu.memory_space<vmem>>) dst(%dma_wait3A_559 : memref<50x64xf32, #tpu.memory_space<hbm>>)
    %dma_wait3A_563 = arith.constant 0 : i32
    %dma_wait3A_564 = arith.constant 0 : i32
    %dma_wait3A_565 = arith.constant 0 : i32
    %dma_wait3A_566 = tpu.memref_slice %arg6[%dma_wait3A_564, %dma_wait3A_565] : memref<400x64xf32, #tpu.memory_space<vmem>> -> memref<50x64xf32, #tpu.memory_space<vmem>>
    %dma_wait3A_567 = arith.constant 0 : i32
    %dma_wait3A_568 = arith.constant 0 : i32
    %dma_wait3A_569 = tpu.memref_slice %arg4[%dma_wait3A_563, %dma_wait3A_567, %dma_wait3A_568] : memref<16384x50x64xf32, #tpu.memory_space<hbm>> -> memref<1x50x64xf32, #tpu.memory_space<hbm>>
    %dma_wait3A_570 = tpu.memref_squeeze %dma_wait3A_569 : memref<1x50x64xf32, #tpu.memory_space<hbm>> -> memref<50x64xf32, #tpu.memory_space<hbm>>
    %dma_wait3A_571 = arith.constant 0 : i32
    %dma_wait3A_572 = arith.constant 0 : i32
    %dma_wait3A_573 = tpu.memref_slice %arg4[%dma_wait3A_563, %dma_wait3A_571, %dma_wait3A_572] : memref<16384x50x64xf32, #tpu.memory_space<hbm>> -> memref<1x50x64xf32, #tpu.memory_space<hbm>>
    %dma_wait3A_574 = tpu.memref_squeeze %dma_wait3A_573 : memref<1x50x64xf32, #tpu.memory_space<hbm>> -> memref<50x64xf32, #tpu.memory_space<hbm>>
    %dma_wait3A_575 = arith.constant 0 : i32
    %dma_wait3A_576 = arith.constant 0 : i32
    %dma_wait3A_577 = tpu.memref_slice %arg6[%dma_wait3A_575, %dma_wait3A_576] : memref<400x64xf32, #tpu.memory_space<vmem>> -> memref<50x64xf32, #tpu.memory_space<vmem>>
    tpu.wait_dma2 semaphore(%arg14 : memref<!tpu.dma_semaphore, #tpu.memory_space<semaphore_mem>>) src(%dma_wait3A_577 : memref<50x64xf32, #tpu.memory_space<vmem>>) dst(%dma_wait3A_574 : memref<50x64xf32, #tpu.memory_space<hbm>>)
    %dma_wait3A_578 = arith.constant 0 : i32
    %dma_wait3A_579 = arith.constant 0 : i32
    %dma_wait3A_580 = arith.constant 0 : i32
    %dma_wait3A_581 = tpu.memref_slice %arg6[%dma_wait3A_579, %dma_wait3A_580] : memref<400x64xf32, #tpu.memory_space<vmem>> -> memref<50x64xf32, #tpu.memory_space<vmem>>
    %dma_wait3A_582 = arith.constant 0 : i32
    %dma_wait3A_583 = arith.constant 0 : i32
    %dma_wait3A_584 = tpu.memref_slice %arg4[%dma_wait3A_578, %dma_wait3A_582, %dma_wait3A_583] : memref<16384x50x64xf32, #tpu.memory_space<hbm>> -> memref<1x50x64xf32, #tpu.memory_space<hbm>>
    %dma_wait3A_585 = tpu.memref_squeeze %dma_wait3A_584 : memref<1x50x64xf32, #tpu.memory_space<hbm>> -> memref<50x64xf32, #tpu.memory_space<hbm>>
    %dma_wait3A_586 = arith.constant 0 : i32
    %dma_wait3A_587 = arith.constant 0 : i32
    %dma_wait3A_588 = tpu.memref_slice %arg4[%dma_wait3A_578, %dma_wait3A_586, %dma_wait3A_587] : memref<16384x50x64xf32, #tpu.memory_space<hbm>> -> memref<1x50x64xf32, #tpu.memory_space<hbm>>
    %dma_wait3A_589 = tpu.memref_squeeze %dma_wait3A_588 : memref<1x50x64xf32, #tpu.memory_space<hbm>> -> memref<50x64xf32, #tpu.memory_space<hbm>>
    %dma_wait3A_590 = arith.constant 0 : i32
    %dma_wait3A_591 = arith.constant 0 : i32
    %dma_wait3A_592 = tpu.memref_slice %arg6[%dma_wait3A_590, %dma_wait3A_591] : memref<400x64xf32, #tpu.memory_space<vmem>> -> memref<50x64xf32, #tpu.memory_space<vmem>>
    tpu.wait_dma2 semaphore(%arg14 : memref<!tpu.dma_semaphore, #tpu.memory_space<semaphore_mem>>) src(%dma_wait3A_592 : memref<50x64xf32, #tpu.memory_space<vmem>>) dst(%dma_wait3A_589 : memref<50x64xf32, #tpu.memory_space<hbm>>)
    %dma_start3A_593 = arith.constant 1600 : i32
    %dma_start3A_594 = tpu.memref_slice %arg5[%dma_start3A_593] : memref<25600xi32, #tpu.memory_space<vmem>> -> memref<400xi32, #tpu.memory_space<vmem>>
    %dma_start3A_595 = arith.constant 0 : i32
    %dma_start3A_596 = arith.constant 0 : i32
    %dma_start3A_597 = tpu.memref_slice %arg2[%dma_start3A_595, %dma_start3A_596] : memref<1000000x64xf32, #tpu.memory_space<hbm>> -> memref<1000000x64xf32, #tpu.memory_space<hbm>>
    tpu.enqueue_indirect_dma source(%dma_start3A_597 : memref<1000000x64xf32, #tpu.memory_space<hbm>>) target(%arg6 : memref<400x64xf32, #tpu.memory_space<vmem>>) offsets(%dma_start3A_594 : memref<400xi32, #tpu.memory_space<vmem>>) semaphore(%arg10 : memref<!tpu.dma_semaphore, #tpu.memory_space<semaphore_mem>>)
    %dma_wait3A_598 = arith.constant 0 : i32
    %dma_wait3A_599 = arith.constant 0 : i32
    %dma_wait3A_600 = tpu.memref_slice %arg2[%dma_wait3A_598, %dma_wait3A_599] : memref<1000000x64xf32, #tpu.memory_space<hbm>> -> memref<400x64xf32, #tpu.memory_space<hbm>>
    %dma_wait3A_601 = arith.constant 0 : i32
    %dma_wait3A_602 = arith.constant 0 : i32
    %dma_wait3A_603 = tpu.memref_slice %arg2[%dma_wait3A_601, %dma_wait3A_602] : memref<1000000x64xf32, #tpu.memory_space<hbm>> -> memref<400x64xf32, #tpu.memory_space<hbm>>
    tpu.wait_dma2 semaphore(%arg13 : memref<!tpu.dma_semaphore, #tpu.memory_space<semaphore_mem>>) src(%dma_wait3A_603 : memref<400x64xf32, #tpu.memory_space<hbm>>) dst(%arg9 : memref<400x64xf32, #tpu.memory_space<vmem>>)
    %add3A_604 = arith.constant 24 : i32
    %add3A_605 = arith.addi %mul3A_2, %add3A_604 : i32
    %add3A_606 = arith.constant 0 : i32
    %add3A_607 = arith.addi %add3A_605, %add3A_606 : i32
    %dma_start3A_608 = arith.constant 0 : i32
    %dma_start3A_609 = arith.constant 0 : i32
    %dma_start3A_610 = tpu.memref_slice %arg9[%dma_start3A_608, %dma_start3A_609] : memref<400x64xf32, #tpu.memory_space<vmem>> -> memref<50x64xf32, #tpu.memory_space<vmem>>
    %dma_start3A_611 = arith.constant 0 : i32
    %dma_start3A_612 = arith.constant 0 : i32
    %dma_start3A_613 = tpu.memref_slice %arg4[%add3A_607, %dma_start3A_611, %dma_start3A_612] : memref<16384x50x64xf32, #tpu.memory_space<hbm>> -> memref<1x50x64xf32, #tpu.memory_space<hbm>>
    %dma_start3A_614 = tpu.memref_squeeze %dma_start3A_613 : memref<1x50x64xf32, #tpu.memory_space<hbm>> -> memref<50x64xf32, #tpu.memory_space<hbm>>
    %dma_start3A_615 = arith.constant 0 : i32
    %dma_start3A_616 = arith.constant 0 : i32
    %dma_start3A_617 = tpu.memref_slice %arg4[%add3A_607, %dma_start3A_615, %dma_start3A_616] : memref<16384x50x64xf32, #tpu.memory_space<hbm>> -> memref<1x50x64xf32, #tpu.memory_space<hbm>>
    %dma_start3A_618 = tpu.memref_squeeze %dma_start3A_617 : memref<1x50x64xf32, #tpu.memory_space<hbm>> -> memref<50x64xf32, #tpu.memory_space<hbm>>
    %dma_start3A_619 = arith.constant 0 : i32
    %dma_start3A_620 = arith.constant 0 : i32
    %dma_start3A_621 = tpu.memref_slice %arg9[%dma_start3A_619, %dma_start3A_620] : memref<400x64xf32, #tpu.memory_space<vmem>> -> memref<50x64xf32, #tpu.memory_space<vmem>>
    tpu.enqueue_dma source(%dma_start3A_621 : memref<50x64xf32, #tpu.memory_space<vmem>>) target(%dma_start3A_618 : memref<50x64xf32, #tpu.memory_space<hbm>>) target_semaphore(%arg17 : memref<!tpu.dma_semaphore, #tpu.memory_space<semaphore_mem>>)
    %add3A_622 = arith.constant 24 : i32
    %add3A_623 = arith.addi %mul3A_2, %add3A_622 : i32
    %add3A_624 = arith.constant 1 : i32
    %add3A_625 = arith.addi %add3A_623, %add3A_624 : i32
    %dma_start3A_626 = arith.constant 50 : i32
    %dma_start3A_627 = arith.constant 0 : i32
    %dma_start3A_628 = tpu.memref_slice %arg9[%dma_start3A_626, %dma_start3A_627] : memref<400x64xf32, #tpu.memory_space<vmem>> -> memref<50x64xf32, #tpu.memory_space<vmem>>
    %dma_start3A_629 = arith.constant 0 : i32
    %dma_start3A_630 = arith.constant 0 : i32
    %dma_start3A_631 = tpu.memref_slice %arg4[%add3A_625, %dma_start3A_629, %dma_start3A_630] : memref<16384x50x64xf32, #tpu.memory_space<hbm>> -> memref<1x50x64xf32, #tpu.memory_space<hbm>>
    %dma_start3A_632 = tpu.memref_squeeze %dma_start3A_631 : memref<1x50x64xf32, #tpu.memory_space<hbm>> -> memref<50x64xf32, #tpu.memory_space<hbm>>
    %dma_start3A_633 = arith.constant 0 : i32
    %dma_start3A_634 = arith.constant 0 : i32
    %dma_start3A_635 = tpu.memref_slice %arg4[%add3A_625, %dma_start3A_633, %dma_start3A_634] : memref<16384x50x64xf32, #tpu.memory_space<hbm>> -> memref<1x50x64xf32, #tpu.memory_space<hbm>>
    %dma_start3A_636 = tpu.memref_squeeze %dma_start3A_635 : memref<1x50x64xf32, #tpu.memory_space<hbm>> -> memref<50x64xf32, #tpu.memory_space<hbm>>
    %dma_start3A_637 = arith.constant 50 : i32
    %dma_start3A_638 = arith.constant 0 : i32
    %dma_start3A_639 = tpu.memref_slice %arg9[%dma_start3A_637, %dma_start3A_638] : memref<400x64xf32, #tpu.memory_space<vmem>> -> memref<50x64xf32, #tpu.memory_space<vmem>>
    tpu.enqueue_dma source(%dma_start3A_639 : memref<50x64xf32, #tpu.memory_space<vmem>>) target(%dma_start3A_636 : memref<50x64xf32, #tpu.memory_space<hbm>>) target_semaphore(%arg17 : memref<!tpu.dma_semaphore, #tpu.memory_space<semaphore_mem>>)
    %add3A_640 = arith.constant 24 : i32
    %add3A_641 = arith.addi %mul3A_2, %add3A_640 : i32
    %add3A_642 = arith.constant 2 : i32
    %add3A_643 = arith.addi %add3A_641, %add3A_642 : i32
    %dma_start3A_644 = arith.constant 100 : i32
    %dma_start3A_645 = arith.constant 0 : i32
    %dma_start3A_646 = tpu.memref_slice %arg9[%dma_start3A_644, %dma_start3A_645] : memref<400x64xf32, #tpu.memory_space<vmem>> -> memref<50x64xf32, #tpu.memory_space<vmem>>
    %dma_start3A_647 = arith.constant 0 : i32
    %dma_start3A_648 = arith.constant 0 : i32
    %dma_start3A_649 = tpu.memref_slice %arg4[%add3A_643, %dma_start3A_647, %dma_start3A_648] : memref<16384x50x64xf32, #tpu.memory_space<hbm>> -> memref<1x50x64xf32, #tpu.memory_space<hbm>>
    %dma_start3A_650 = tpu.memref_squeeze %dma_start3A_649 : memref<1x50x64xf32, #tpu.memory_space<hbm>> -> memref<50x64xf32, #tpu.memory_space<hbm>>
    %dma_start3A_651 = arith.constant 0 : i32
    %dma_start3A_652 = arith.constant 0 : i32
    %dma_start3A_653 = tpu.memref_slice %arg4[%add3A_643, %dma_start3A_651, %dma_start3A_652] : memref<16384x50x64xf32, #tpu.memory_space<hbm>> -> memref<1x50x64xf32, #tpu.memory_space<hbm>>
    %dma_start3A_654 = tpu.memref_squeeze %dma_start3A_653 : memref<1x50x64xf32, #tpu.memory_space<hbm>> -> memref<50x64xf32, #tpu.memory_space<hbm>>
    %dma_start3A_655 = arith.constant 100 : i32
    %dma_start3A_656 = arith.constant 0 : i32
    %dma_start3A_657 = tpu.memref_slice %arg9[%dma_start3A_655, %dma_start3A_656] : memref<400x64xf32, #tpu.memory_space<vmem>> -> memref<50x64xf32, #tpu.memory_space<vmem>>
    tpu.enqueue_dma source(%dma_start3A_657 : memref<50x64xf32, #tpu.memory_space<vmem>>) target(%dma_start3A_654 : memref<50x64xf32, #tpu.memory_space<hbm>>) target_semaphore(%arg17 : memref<!tpu.dma_semaphore, #tpu.memory_space<semaphore_mem>>)
    %add3A_658 = arith.constant 24 : i32
    %add3A_659 = arith.addi %mul3A_2, %add3A_658 : i32
    %add3A_660 = arith.constant 3 : i32
    %add3A_661 = arith.addi %add3A_659, %add3A_660 : i32
    %dma_start3A_662 = arith.constant 150 : i32
    %dma_start3A_663 = arith.constant 0 : i32
    %dma_start3A_664 = tpu.memref_slice %arg9[%dma_start3A_662, %dma_start3A_663] : memref<400x64xf32, #tpu.memory_space<vmem>> -> memref<50x64xf32, #tpu.memory_space<vmem>>
    %dma_start3A_665 = arith.constant 0 : i32
    %dma_start3A_666 = arith.constant 0 : i32
    %dma_start3A_667 = tpu.memref_slice %arg4[%add3A_661, %dma_start3A_665, %dma_start3A_666] : memref<16384x50x64xf32, #tpu.memory_space<hbm>> -> memref<1x50x64xf32, #tpu.memory_space<hbm>>
    %dma_start3A_668 = tpu.memref_squeeze %dma_start3A_667 : memref<1x50x64xf32, #tpu.memory_space<hbm>> -> memref<50x64xf32, #tpu.memory_space<hbm>>
    %dma_start3A_669 = arith.constant 0 : i32
    %dma_start3A_670 = arith.constant 0 : i32
    %dma_start3A_671 = tpu.memref_slice %arg4[%add3A_661, %dma_start3A_669, %dma_start3A_670] : memref<16384x50x64xf32, #tpu.memory_space<hbm>> -> memref<1x50x64xf32, #tpu.memory_space<hbm>>
    %dma_start3A_672 = tpu.memref_squeeze %dma_start3A_671 : memref<1x50x64xf32, #tpu.memory_space<hbm>> -> memref<50x64xf32, #tpu.memory_space<hbm>>
    %dma_start3A_673 = arith.constant 150 : i32
    %dma_start3A_674 = arith.constant 0 : i32
    %dma_start3A_675 = tpu.memref_slice %arg9[%dma_start3A_673, %dma_start3A_674] : memref<400x64xf32, #tpu.memory_space<vmem>> -> memref<50x64xf32, #tpu.memory_space<vmem>>
    tpu.enqueue_dma source(%dma_start3A_675 : memref<50x64xf32, #tpu.memory_space<vmem>>) target(%dma_start3A_672 : memref<50x64xf32, #tpu.memory_space<hbm>>) target_semaphore(%arg17 : memref<!tpu.dma_semaphore, #tpu.memory_space<semaphore_mem>>)
    %add3A_676 = arith.constant 24 : i32
    %add3A_677 = arith.addi %mul3A_2, %add3A_676 : i32
    %add3A_678 = arith.constant 4 : i32
    %add3A_679 = arith.addi %add3A_677, %add3A_678 : i32
    %dma_start3A_680 = arith.constant 200 : i32
    %dma_start3A_681 = arith.constant 0 : i32
    %dma_start3A_682 = tpu.memref_slice %arg9[%dma_start3A_680, %dma_start3A_681] : memref<400x64xf32, #tpu.memory_space<vmem>> -> memref<50x64xf32, #tpu.memory_space<vmem>>
    %dma_start3A_683 = arith.constant 0 : i32
    %dma_start3A_684 = arith.constant 0 : i32
    %dma_start3A_685 = tpu.memref_slice %arg4[%add3A_679, %dma_start3A_683, %dma_start3A_684] : memref<16384x50x64xf32, #tpu.memory_space<hbm>> -> memref<1x50x64xf32, #tpu.memory_space<hbm>>
    %dma_start3A_686 = tpu.memref_squeeze %dma_start3A_685 : memref<1x50x64xf32, #tpu.memory_space<hbm>> -> memref<50x64xf32, #tpu.memory_space<hbm>>
    %dma_start3A_687 = arith.constant 0 : i32
    %dma_start3A_688 = arith.constant 0 : i32
    %dma_start3A_689 = tpu.memref_slice %arg4[%add3A_679, %dma_start3A_687, %dma_start3A_688] : memref<16384x50x64xf32, #tpu.memory_space<hbm>> -> memref<1x50x64xf32, #tpu.memory_space<hbm>>
    %dma_start3A_690 = tpu.memref_squeeze %dma_start3A_689 : memref<1x50x64xf32, #tpu.memory_space<hbm>> -> memref<50x64xf32, #tpu.memory_space<hbm>>
    %dma_start3A_691 = arith.constant 200 : i32
    %dma_start3A_692 = arith.constant 0 : i32
    %dma_start3A_693 = tpu.memref_slice %arg9[%dma_start3A_691, %dma_start3A_692] : memref<400x64xf32, #tpu.memory_space<vmem>> -> memref<50x64xf32, #tpu.memory_space<vmem>>
    tpu.enqueue_dma source(%dma_start3A_693 : memref<50x64xf32, #tpu.memory_space<vmem>>) target(%dma_start3A_690 : memref<50x64xf32, #tpu.memory_space<hbm>>) target_semaphore(%arg17 : memref<!tpu.dma_semaphore, #tpu.memory_space<semaphore_mem>>)
    %add3A_694 = arith.constant 24 : i32
    %add3A_695 = arith.addi %mul3A_2, %add3A_694 : i32
    %add3A_696 = arith.constant 5 : i32
    %add3A_697 = arith.addi %add3A_695, %add3A_696 : i32
    %dma_start3A_698 = arith.constant 250 : i32
    %dma_start3A_699 = arith.constant 0 : i32
    %dma_start3A_700 = tpu.memref_slice %arg9[%dma_start3A_698, %dma_start3A_699] : memref<400x64xf32, #tpu.memory_space<vmem>> -> memref<50x64xf32, #tpu.memory_space<vmem>>
    %dma_start3A_701 = arith.constant 0 : i32
    %dma_start3A_702 = arith.constant 0 : i32
    %dma_start3A_703 = tpu.memref_slice %arg4[%add3A_697, %dma_start3A_701, %dma_start3A_702] : memref<16384x50x64xf32, #tpu.memory_space<hbm>> -> memref<1x50x64xf32, #tpu.memory_space<hbm>>
    %dma_start3A_704 = tpu.memref_squeeze %dma_start3A_703 : memref<1x50x64xf32, #tpu.memory_space<hbm>> -> memref<50x64xf32, #tpu.memory_space<hbm>>
    %dma_start3A_705 = arith.constant 0 : i32
    %dma_start3A_706 = arith.constant 0 : i32
    %dma_start3A_707 = tpu.memref_slice %arg4[%add3A_697, %dma_start3A_705, %dma_start3A_706] : memref<16384x50x64xf32, #tpu.memory_space<hbm>> -> memref<1x50x64xf32, #tpu.memory_space<hbm>>
    %dma_start3A_708 = tpu.memref_squeeze %dma_start3A_707 : memref<1x50x64xf32, #tpu.memory_space<hbm>> -> memref<50x64xf32, #tpu.memory_space<hbm>>
    %dma_start3A_709 = arith.constant 250 : i32
    %dma_start3A_710 = arith.constant 0 : i32
    %dma_start3A_711 = tpu.memref_slice %arg9[%dma_start3A_709, %dma_start3A_710] : memref<400x64xf32, #tpu.memory_space<vmem>> -> memref<50x64xf32, #tpu.memory_space<vmem>>
    tpu.enqueue_dma source(%dma_start3A_711 : memref<50x64xf32, #tpu.memory_space<vmem>>) target(%dma_start3A_708 : memref<50x64xf32, #tpu.memory_space<hbm>>) target_semaphore(%arg17 : memref<!tpu.dma_semaphore, #tpu.memory_space<semaphore_mem>>)
    %add3A_712 = arith.constant 24 : i32
    %add3A_713 = arith.addi %mul3A_2, %add3A_712 : i32
    %add3A_714 = arith.constant 6 : i32
    %add3A_715 = arith.addi %add3A_713, %add3A_714 : i32
    %dma_start3A_716 = arith.constant 300 : i32
    %dma_start3A_717 = arith.constant 0 : i32
    %dma_start3A_718 = tpu.memref_slice %arg9[%dma_start3A_716, %dma_start3A_717] : memref<400x64xf32, #tpu.memory_space<vmem>> -> memref<50x64xf32, #tpu.memory_space<vmem>>
    %dma_start3A_719 = arith.constant 0 : i32
    %dma_start3A_720 = arith.constant 0 : i32
    %dma_start3A_721 = tpu.memref_slice %arg4[%add3A_715, %dma_start3A_719, %dma_start3A_720] : memref<16384x50x64xf32, #tpu.memory_space<hbm>> -> memref<1x50x64xf32, #tpu.memory_space<hbm>>
    %dma_start3A_722 = tpu.memref_squeeze %dma_start3A_721 : memref<1x50x64xf32, #tpu.memory_space<hbm>> -> memref<50x64xf32, #tpu.memory_space<hbm>>
    %dma_start3A_723 = arith.constant 0 : i32
    %dma_start3A_724 = arith.constant 0 : i32
    %dma_start3A_725 = tpu.memref_slice %arg4[%add3A_715, %dma_start3A_723, %dma_start3A_724] : memref<16384x50x64xf32, #tpu.memory_space<hbm>> -> memref<1x50x64xf32, #tpu.memory_space<hbm>>
    %dma_start3A_726 = tpu.memref_squeeze %dma_start3A_725 : memref<1x50x64xf32, #tpu.memory_space<hbm>> -> memref<50x64xf32, #tpu.memory_space<hbm>>
    %dma_start3A_727 = arith.constant 300 : i32
    %dma_start3A_728 = arith.constant 0 : i32
    %dma_start3A_729 = tpu.memref_slice %arg9[%dma_start3A_727, %dma_start3A_728] : memref<400x64xf32, #tpu.memory_space<vmem>> -> memref<50x64xf32, #tpu.memory_space<vmem>>
    tpu.enqueue_dma source(%dma_start3A_729 : memref<50x64xf32, #tpu.memory_space<vmem>>) target(%dma_start3A_726 : memref<50x64xf32, #tpu.memory_space<hbm>>) target_semaphore(%arg17 : memref<!tpu.dma_semaphore, #tpu.memory_space<semaphore_mem>>)
    %add3A_730 = arith.constant 24 : i32
    %add3A_731 = arith.addi %mul3A_2, %add3A_730 : i32
    %add3A_732 = arith.constant 7 : i32
    %add3A_733 = arith.addi %add3A_731, %add3A_732 : i32
    %dma_start3A_734 = arith.constant 350 : i32
    %dma_start3A_735 = arith.constant 0 : i32
    %dma_start3A_736 = tpu.memref_slice %arg9[%dma_start3A_734, %dma_start3A_735] : memref<400x64xf32, #tpu.memory_space<vmem>> -> memref<50x64xf32, #tpu.memory_space<vmem>>
    %dma_start3A_737 = arith.constant 0 : i32
    %dma_start3A_738 = arith.constant 0 : i32
    %dma_start3A_739 = tpu.memref_slice %arg4[%add3A_733, %dma_start3A_737, %dma_start3A_738] : memref<16384x50x64xf32, #tpu.memory_space<hbm>> -> memref<1x50x64xf32, #tpu.memory_space<hbm>>
    %dma_start3A_740 = tpu.memref_squeeze %dma_start3A_739 : memref<1x50x64xf32, #tpu.memory_space<hbm>> -> memref<50x64xf32, #tpu.memory_space<hbm>>
    %dma_start3A_741 = arith.constant 0 : i32
    %dma_start3A_742 = arith.constant 0 : i32
    %dma_start3A_743 = tpu.memref_slice %arg4[%add3A_733, %dma_start3A_741, %dma_start3A_742] : memref<16384x50x64xf32, #tpu.memory_space<hbm>> -> memref<1x50x64xf32, #tpu.memory_space<hbm>>
    %dma_start3A_744 = tpu.memref_squeeze %dma_start3A_743 : memref<1x50x64xf32, #tpu.memory_space<hbm>> -> memref<50x64xf32, #tpu.memory_space<hbm>>
    %dma_start3A_745 = arith.constant 350 : i32
    %dma_start3A_746 = arith.constant 0 : i32
    %dma_start3A_747 = tpu.memref_slice %arg9[%dma_start3A_745, %dma_start3A_746] : memref<400x64xf32, #tpu.memory_space<vmem>> -> memref<50x64xf32, #tpu.memory_space<vmem>>
    tpu.enqueue_dma source(%dma_start3A_747 : memref<50x64xf32, #tpu.memory_space<vmem>>) target(%dma_start3A_744 : memref<50x64xf32, #tpu.memory_space<hbm>>) target_semaphore(%arg17 : memref<!tpu.dma_semaphore, #tpu.memory_space<semaphore_mem>>)
    %dma_wait3A_748 = arith.constant 0 : i32
    %dma_wait3A_749 = arith.constant 0 : i32
    %dma_wait3A_750 = arith.constant 0 : i32
    %dma_wait3A_751 = tpu.memref_slice %arg7[%dma_wait3A_749, %dma_wait3A_750] : memref<400x64xf32, #tpu.memory_space<vmem>> -> memref<50x64xf32, #tpu.memory_space<vmem>>
    %dma_wait3A_752 = arith.constant 0 : i32
    %dma_wait3A_753 = arith.constant 0 : i32
    %dma_wait3A_754 = tpu.memref_slice %arg4[%dma_wait3A_748, %dma_wait3A_752, %dma_wait3A_753] : memref<16384x50x64xf32, #tpu.memory_space<hbm>> -> memref<1x50x64xf32, #tpu.memory_space<hbm>>
    %dma_wait3A_755 = tpu.memref_squeeze %dma_wait3A_754 : memref<1x50x64xf32, #tpu.memory_space<hbm>> -> memref<50x64xf32, #tpu.memory_space<hbm>>
    %dma_wait3A_756 = arith.constant 0 : i32
    %dma_wait3A_757 = arith.constant 0 : i32
    %dma_wait3A_758 = tpu.memref_slice %arg4[%dma_wait3A_748, %dma_wait3A_756, %dma_wait3A_757] : memref<16384x50x64xf32, #tpu.memory_space<hbm>> -> memref<1x50x64xf32, #tpu.memory_space<hbm>>
    %dma_wait3A_759 = tpu.memref_squeeze %dma_wait3A_758 : memref<1x50x64xf32, #tpu.memory_space<hbm>> -> memref<50x64xf32, #tpu.memory_space<hbm>>
    %dma_wait3A_760 = arith.constant 0 : i32
    %dma_wait3A_761 = arith.constant 0 : i32
    %dma_wait3A_762 = tpu.memref_slice %arg7[%dma_wait3A_760, %dma_wait3A_761] : memref<400x64xf32, #tpu.memory_space<vmem>> -> memref<50x64xf32, #tpu.memory_space<vmem>>
    tpu.wait_dma2 semaphore(%arg15 : memref<!tpu.dma_semaphore, #tpu.memory_space<semaphore_mem>>) src(%dma_wait3A_762 : memref<50x64xf32, #tpu.memory_space<vmem>>) dst(%dma_wait3A_759 : memref<50x64xf32, #tpu.memory_space<hbm>>)
    %dma_wait3A_763 = arith.constant 0 : i32
    %dma_wait3A_764 = arith.constant 0 : i32
    %dma_wait3A_765 = arith.constant 0 : i32
    %dma_wait3A_766 = tpu.memref_slice %arg7[%dma_wait3A_764, %dma_wait3A_765] : memref<400x64xf32, #tpu.memory_space<vmem>> -> memref<50x64xf32, #tpu.memory_space<vmem>>
    %dma_wait3A_767 = arith.constant 0 : i32
    %dma_wait3A_768 = arith.constant 0 : i32
    %dma_wait3A_769 = tpu.memref_slice %arg4[%dma_wait3A_763, %dma_wait3A_767, %dma_wait3A_768] : memref<16384x50x64xf32, #tpu.memory_space<hbm>> -> memref<1x50x64xf32, #tpu.memory_space<hbm>>
    %dma_wait3A_770 = tpu.memref_squeeze %dma_wait3A_769 : memref<1x50x64xf32, #tpu.memory_space<hbm>> -> memref<50x64xf32, #tpu.memory_space<hbm>>
    %dma_wait3A_771 = arith.constant 0 : i32
    %dma_wait3A_772 = arith.constant 0 : i32
    %dma_wait3A_773 = tpu.memref_slice %arg4[%dma_wait3A_763, %dma_wait3A_771, %dma_wait3A_772] : memref<16384x50x64xf32, #tpu.memory_space<hbm>> -> memref<1x50x64xf32, #tpu.memory_space<hbm>>
    %dma_wait3A_774 = tpu.memref_squeeze %dma_wait3A_773 : memref<1x50x64xf32, #tpu.memory_space<hbm>> -> memref<50x64xf32, #tpu.memory_space<hbm>>
    %dma_wait3A_775 = arith.constant 0 : i32
    %dma_wait3A_776 = arith.constant 0 : i32
    %dma_wait3A_777 = tpu.memref_slice %arg7[%dma_wait3A_775, %dma_wait3A_776] : memref<400x64xf32, #tpu.memory_space<vmem>> -> memref<50x64xf32, #tpu.memory_space<vmem>>
    tpu.wait_dma2 semaphore(%arg15 : memref<!tpu.dma_semaphore, #tpu.memory_space<semaphore_mem>>) src(%dma_wait3A_777 : memref<50x64xf32, #tpu.memory_space<vmem>>) dst(%dma_wait3A_774 : memref<50x64xf32, #tpu.memory_space<hbm>>)
    %dma_wait3A_778 = arith.constant 0 : i32
    %dma_wait3A_779 = arith.constant 0 : i32
    %dma_wait3A_780 = arith.constant 0 : i32
    %dma_wait3A_781 = tpu.memref_slice %arg7[%dma_wait3A_779, %dma_wait3A_780] : memref<400x64xf32, #tpu.memory_space<vmem>> -> memref<50x64xf32, #tpu.memory_space<vmem>>
    %dma_wait3A_782 = arith.constant 0 : i32
    %dma_wait3A_783 = arith.constant 0 : i32
    %dma_wait3A_784 = tpu.memref_slice %arg4[%dma_wait3A_778, %dma_wait3A_782, %dma_wait3A_783] : memref<16384x50x64xf32, #tpu.memory_space<hbm>> -> memref<1x50x64xf32, #tpu.memory_space<hbm>>
    %dma_wait3A_785 = tpu.memref_squeeze %dma_wait3A_784 : memref<1x50x64xf32, #tpu.memory_space<hbm>> -> memref<50x64xf32, #tpu.memory_space<hbm>>
    %dma_wait3A_786 = arith.constant 0 : i32
    %dma_wait3A_787 = arith.constant 0 : i32
    %dma_wait3A_788 = tpu.memref_slice %arg4[%dma_wait3A_778, %dma_wait3A_786, %dma_wait3A_787] : memref<16384x50x64xf32, #tpu.memory_space<hbm>> -> memref<1x50x64xf32, #tpu.memory_space<hbm>>
    %dma_wait3A_789 = tpu.memref_squeeze %dma_wait3A_788 : memref<1x50x64xf32, #tpu.memory_space<hbm>> -> memref<50x64xf32, #tpu.memory_space<hbm>>
    %dma_wait3A_790 = arith.constant 0 : i32
    %dma_wait3A_791 = arith.constant 0 : i32
    %dma_wait3A_792 = tpu.memref_slice %arg7[%dma_wait3A_790, %dma_wait3A_791] : memref<400x64xf32, #tpu.memory_space<vmem>> -> memref<50x64xf32, #tpu.memory_space<vmem>>
    tpu.wait_dma2 semaphore(%arg15 : memref<!tpu.dma_semaphore, #tpu.memory_space<semaphore_mem>>) src(%dma_wait3A_792 : memref<50x64xf32, #tpu.memory_space<vmem>>) dst(%dma_wait3A_789 : memref<50x64xf32, #tpu.memory_space<hbm>>)
    %dma_wait3A_793 = arith.constant 0 : i32
    %dma_wait3A_794 = arith.constant 0 : i32
    %dma_wait3A_795 = arith.constant 0 : i32
    %dma_wait3A_796 = tpu.memref_slice %arg7[%dma_wait3A_794, %dma_wait3A_795] : memref<400x64xf32, #tpu.memory_space<vmem>> -> memref<50x64xf32, #tpu.memory_space<vmem>>
    %dma_wait3A_797 = arith.constant 0 : i32
    %dma_wait3A_798 = arith.constant 0 : i32
    %dma_wait3A_799 = tpu.memref_slice %arg4[%dma_wait3A_793, %dma_wait3A_797, %dma_wait3A_798] : memref<16384x50x64xf32, #tpu.memory_space<hbm>> -> memref<1x50x64xf32, #tpu.memory_space<hbm>>
    %dma_wait3A_800 = tpu.memref_squeeze %dma_wait3A_799 : memref<1x50x64xf32, #tpu.memory_space<hbm>> -> memref<50x64xf32, #tpu.memory_space<hbm>>
    %dma_wait3A_801 = arith.constant 0 : i32
    %dma_wait3A_802 = arith.constant 0 : i32
    %dma_wait3A_803 = tpu.memref_slice %arg4[%dma_wait3A_793, %dma_wait3A_801, %dma_wait3A_802] : memref<16384x50x64xf32, #tpu.memory_space<hbm>> -> memref<1x50x64xf32, #tpu.memory_space<hbm>>
    %dma_wait3A_804 = tpu.memref_squeeze %dma_wait3A_803 : memref<1x50x64xf32, #tpu.memory_space<hbm>> -> memref<50x64xf32, #tpu.memory_space<hbm>>
    %dma_wait3A_805 = arith.constant 0 : i32
    %dma_wait3A_806 = arith.constant 0 : i32
    %dma_wait3A_807 = tpu.memref_slice %arg7[%dma_wait3A_805, %dma_wait3A_806] : memref<400x64xf32, #tpu.memory_space<vmem>> -> memref<50x64xf32, #tpu.memory_space<vmem>>
    tpu.wait_dma2 semaphore(%arg15 : memref<!tpu.dma_semaphore, #tpu.memory_space<semaphore_mem>>) src(%dma_wait3A_807 : memref<50x64xf32, #tpu.memory_space<vmem>>) dst(%dma_wait3A_804 : memref<50x64xf32, #tpu.memory_space<hbm>>)
    %dma_wait3A_808 = arith.constant 0 : i32
    %dma_wait3A_809 = arith.constant 0 : i32
    %dma_wait3A_810 = arith.constant 0 : i32
    %dma_wait3A_811 = tpu.memref_slice %arg7[%dma_wait3A_809, %dma_wait3A_810] : memref<400x64xf32, #tpu.memory_space<vmem>> -> memref<50x64xf32, #tpu.memory_space<vmem>>
    %dma_wait3A_812 = arith.constant 0 : i32
    %dma_wait3A_813 = arith.constant 0 : i32
    %dma_wait3A_814 = tpu.memref_slice %arg4[%dma_wait3A_808, %dma_wait3A_812, %dma_wait3A_813] : memref<16384x50x64xf32, #tpu.memory_space<hbm>> -> memref<1x50x64xf32, #tpu.memory_space<hbm>>
    %dma_wait3A_815 = tpu.memref_squeeze %dma_wait3A_814 : memref<1x50x64xf32, #tpu.memory_space<hbm>> -> memref<50x64xf32, #tpu.memory_space<hbm>>
    %dma_wait3A_816 = arith.constant 0 : i32
    %dma_wait3A_817 = arith.constant 0 : i32
    %dma_wait3A_818 = tpu.memref_slice %arg4[%dma_wait3A_808, %dma_wait3A_816, %dma_wait3A_817] : memref<16384x50x64xf32, #tpu.memory_space<hbm>> -> memref<1x50x64xf32, #tpu.memory_space<hbm>>
    %dma_wait3A_819 = tpu.memref_squeeze %dma_wait3A_818 : memref<1x50x64xf32, #tpu.memory_space<hbm>> -> memref<50x64xf32, #tpu.memory_space<hbm>>
    %dma_wait3A_820 = arith.constant 0 : i32
    %dma_wait3A_821 = arith.constant 0 : i32
    %dma_wait3A_822 = tpu.memref_slice %arg7[%dma_wait3A_820, %dma_wait3A_821] : memref<400x64xf32, #tpu.memory_space<vmem>> -> memref<50x64xf32, #tpu.memory_space<vmem>>
    tpu.wait_dma2 semaphore(%arg15 : memref<!tpu.dma_semaphore, #tpu.memory_space<semaphore_mem>>) src(%dma_wait3A_822 : memref<50x64xf32, #tpu.memory_space<vmem>>) dst(%dma_wait3A_819 : memref<50x64xf32, #tpu.memory_space<hbm>>)
    %dma_wait3A_823 = arith.constant 0 : i32
    %dma_wait3A_824 = arith.constant 0 : i32
    %dma_wait3A_825 = arith.constant 0 : i32
    %dma_wait3A_826 = tpu.memref_slice %arg7[%dma_wait3A_824, %dma_wait3A_825] : memref<400x64xf32, #tpu.memory_space<vmem>> -> memref<50x64xf32, #tpu.memory_space<vmem>>
    %dma_wait3A_827 = arith.constant 0 : i32
    %dma_wait3A_828 = arith.constant 0 : i32
    %dma_wait3A_829 = tpu.memref_slice %arg4[%dma_wait3A_823, %dma_wait3A_827, %dma_wait3A_828] : memref<16384x50x64xf32, #tpu.memory_space<hbm>> -> memref<1x50x64xf32, #tpu.memory_space<hbm>>
    %dma_wait3A_830 = tpu.memref_squeeze %dma_wait3A_829 : memref<1x50x64xf32, #tpu.memory_space<hbm>> -> memref<50x64xf32, #tpu.memory_space<hbm>>
    %dma_wait3A_831 = arith.constant 0 : i32
    %dma_wait3A_832 = arith.constant 0 : i32
    %dma_wait3A_833 = tpu.memref_slice %arg4[%dma_wait3A_823, %dma_wait3A_831, %dma_wait3A_832] : memref<16384x50x64xf32, #tpu.memory_space<hbm>> -> memref<1x50x64xf32, #tpu.memory_space<hbm>>
    %dma_wait3A_834 = tpu.memref_squeeze %dma_wait3A_833 : memref<1x50x64xf32, #tpu.memory_space<hbm>> -> memref<50x64xf32, #tpu.memory_space<hbm>>
    %dma_wait3A_835 = arith.constant 0 : i32
    %dma_wait3A_836 = arith.constant 0 : i32
    %dma_wait3A_837 = tpu.memref_slice %arg7[%dma_wait3A_835, %dma_wait3A_836] : memref<400x64xf32, #tpu.memory_space<vmem>> -> memref<50x64xf32, #tpu.memory_space<vmem>>
    tpu.wait_dma2 semaphore(%arg15 : memref<!tpu.dma_semaphore, #tpu.memory_space<semaphore_mem>>) src(%dma_wait3A_837 : memref<50x64xf32, #tpu.memory_space<vmem>>) dst(%dma_wait3A_834 : memref<50x64xf32, #tpu.memory_space<hbm>>)
    %dma_wait3A_838 = arith.constant 0 : i32
    %dma_wait3A_839 = arith.constant 0 : i32
    %dma_wait3A_840 = arith.constant 0 : i32
    %dma_wait3A_841 = tpu.memref_slice %arg7[%dma_wait3A_839, %dma_wait3A_840] : memref<400x64xf32, #tpu.memory_space<vmem>> -> memref<50x64xf32, #tpu.memory_space<vmem>>
    %dma_wait3A_842 = arith.constant 0 : i32
    %dma_wait3A_843 = arith.constant 0 : i32
    %dma_wait3A_844 = tpu.memref_slice %arg4[%dma_wait3A_838, %dma_wait3A_842, %dma_wait3A_843] : memref<16384x50x64xf32, #tpu.memory_space<hbm>> -> memref<1x50x64xf32, #tpu.memory_space<hbm>>
    %dma_wait3A_845 = tpu.memref_squeeze %dma_wait3A_844 : memref<1x50x64xf32, #tpu.memory_space<hbm>> -> memref<50x64xf32, #tpu.memory_space<hbm>>
    %dma_wait3A_846 = arith.constant 0 : i32
    %dma_wait3A_847 = arith.constant 0 : i32
    %dma_wait3A_848 = tpu.memref_slice %arg4[%dma_wait3A_838, %dma_wait3A_846, %dma_wait3A_847] : memref<16384x50x64xf32, #tpu.memory_space<hbm>> -> memref<1x50x64xf32, #tpu.memory_space<hbm>>
    %dma_wait3A_849 = tpu.memref_squeeze %dma_wait3A_848 : memref<1x50x64xf32, #tpu.memory_space<hbm>> -> memref<50x64xf32, #tpu.memory_space<hbm>>
    %dma_wait3A_850 = arith.constant 0 : i32
    %dma_wait3A_851 = arith.constant 0 : i32
    %dma_wait3A_852 = tpu.memref_slice %arg7[%dma_wait3A_850, %dma_wait3A_851] : memref<400x64xf32, #tpu.memory_space<vmem>> -> memref<50x64xf32, #tpu.memory_space<vmem>>
    tpu.wait_dma2 semaphore(%arg15 : memref<!tpu.dma_semaphore, #tpu.memory_space<semaphore_mem>>) src(%dma_wait3A_852 : memref<50x64xf32, #tpu.memory_space<vmem>>) dst(%dma_wait3A_849 : memref<50x64xf32, #tpu.memory_space<hbm>>)
    %dma_wait3A_853 = arith.constant 0 : i32
    %dma_wait3A_854 = arith.constant 0 : i32
    %dma_wait3A_855 = arith.constant 0 : i32
    %dma_wait3A_856 = tpu.memref_slice %arg7[%dma_wait3A_854, %dma_wait3A_855] : memref<400x64xf32, #tpu.memory_space<vmem>> -> memref<50x64xf32, #tpu.memory_space<vmem>>
    %dma_wait3A_857 = arith.constant 0 : i32
    %dma_wait3A_858 = arith.constant 0 : i32
    %dma_wait3A_859 = tpu.memref_slice %arg4[%dma_wait3A_853, %dma_wait3A_857, %dma_wait3A_858] : memref<16384x50x64xf32, #tpu.memory_space<hbm>> -> memref<1x50x64xf32, #tpu.memory_space<hbm>>
    %dma_wait3A_860 = tpu.memref_squeeze %dma_wait3A_859 : memref<1x50x64xf32, #tpu.memory_space<hbm>> -> memref<50x64xf32, #tpu.memory_space<hbm>>
    %dma_wait3A_861 = arith.constant 0 : i32
    %dma_wait3A_862 = arith.constant 0 : i32
    %dma_wait3A_863 = tpu.memref_slice %arg4[%dma_wait3A_853, %dma_wait3A_861, %dma_wait3A_862] : memref<16384x50x64xf32, #tpu.memory_space<hbm>> -> memref<1x50x64xf32, #tpu.memory_space<hbm>>
    %dma_wait3A_864 = tpu.memref_squeeze %dma_wait3A_863 : memref<1x50x64xf32, #tpu.memory_space<hbm>> -> memref<50x64xf32, #tpu.memory_space<hbm>>
    %dma_wait3A_865 = arith.constant 0 : i32
    %dma_wait3A_866 = arith.constant 0 : i32
    %dma_wait3A_867 = tpu.memref_slice %arg7[%dma_wait3A_865, %dma_wait3A_866] : memref<400x64xf32, #tpu.memory_space<vmem>> -> memref<50x64xf32, #tpu.memory_space<vmem>>
    tpu.wait_dma2 semaphore(%arg15 : memref<!tpu.dma_semaphore, #tpu.memory_space<semaphore_mem>>) src(%dma_wait3A_867 : memref<50x64xf32, #tpu.memory_space<vmem>>) dst(%dma_wait3A_864 : memref<50x64xf32, #tpu.memory_space<hbm>>)
    %dma_start3A_868 = arith.constant 2000 : i32
    %dma_start3A_869 = tpu.memref_slice %arg5[%dma_start3A_868] : memref<25600xi32, #tpu.memory_space<vmem>> -> memref<400xi32, #tpu.memory_space<vmem>>
    %dma_start3A_870 = arith.constant 0 : i32
    %dma_start3A_871 = arith.constant 0 : i32
    %dma_start3A_872 = tpu.memref_slice %arg2[%dma_start3A_870, %dma_start3A_871] : memref<1000000x64xf32, #tpu.memory_space<hbm>> -> memref<1000000x64xf32, #tpu.memory_space<hbm>>
    tpu.enqueue_indirect_dma source(%dma_start3A_872 : memref<1000000x64xf32, #tpu.memory_space<hbm>>) target(%arg7 : memref<400x64xf32, #tpu.memory_space<vmem>>) offsets(%dma_start3A_869 : memref<400xi32, #tpu.memory_space<vmem>>) semaphore(%arg11 : memref<!tpu.dma_semaphore, #tpu.memory_space<semaphore_mem>>)
    %scan3A = arith.constant 0 : i32
    %scan3A_873 = arith.constant 0 : i32
    %scan3A_874 = arith.constant 14 : i32
    %scan3A_875 = arith.addi %scan3A_873, %scan3A_874 : i32
    %scan3A_876 = arith.constant 1 : i32
    scf.for %scan3A_2208 = %scan3A_873 to %scan3A_875 step %scan3A_876  : i32 {
      %add3A_2209 = arith.constant 1 : i32
      %add3A_2210 = arith.addi %scan3A_2208, %add3A_2209 : i32
      %mul3A_2211 = arith.constant 4 : i32
      %mul3A_2212 = arith.muli %add3A_2210, %mul3A_2211 : i32
      %dma_wait3A_2213 = arith.constant 0 : i32
      %dma_wait3A_2214 = arith.constant 0 : i32
      %dma_wait3A_2215 = tpu.memref_slice %arg2[%dma_wait3A_2213, %dma_wait3A_2214] : memref<1000000x64xf32, #tpu.memory_space<hbm>> -> memref<400x64xf32, #tpu.memory_space<hbm>>
      %dma_wait3A_2216 = arith.constant 0 : i32
      %dma_wait3A_2217 = arith.constant 0 : i32
      %dma_wait3A_2218 = tpu.memref_slice %arg2[%dma_wait3A_2216, %dma_wait3A_2217] : memref<1000000x64xf32, #tpu.memory_space<hbm>> -> memref<400x64xf32, #tpu.memory_space<hbm>>
      tpu.wait_dma2 semaphore(%arg10 : memref<!tpu.dma_semaphore, #tpu.memory_space<semaphore_mem>>) src(%dma_wait3A_2218 : memref<400x64xf32, #tpu.memory_space<hbm>>) dst(%arg6 : memref<400x64xf32, #tpu.memory_space<vmem>>)
      %add3A_2219 = arith.constant 0 : i32
      %add3A_2220 = arith.addi %mul3A_2212, %add3A_2219 : i32
      %mul3A_2221 = arith.constant 8 : i32
      %mul3A_2222 = arith.muli %add3A_2220, %mul3A_2221 : i32
      %add3A_2223 = arith.addi %mul3A_2, %mul3A_2222 : i32
      %add3A_2224 = arith.constant 0 : i32
      %add3A_2225 = arith.addi %add3A_2223, %add3A_2224 : i32
      %dma_start3A_2226 = arith.constant 0 : i32
      %dma_start3A_2227 = arith.constant 0 : i32
      %dma_start3A_2228 = tpu.memref_slice %arg6[%dma_start3A_2226, %dma_start3A_2227] : memref<400x64xf32, #tpu.memory_space<vmem>> -> memref<50x64xf32, #tpu.memory_space<vmem>>
      %dma_start3A_2229 = arith.constant 0 : i32
      %dma_start3A_2230 = arith.constant 0 : i32
      %dma_start3A_2231 = tpu.memref_slice %arg4[%add3A_2225, %dma_start3A_2229, %dma_start3A_2230] : memref<16384x50x64xf32, #tpu.memory_space<hbm>> -> memref<1x50x64xf32, #tpu.memory_space<hbm>>
      %dma_start3A_2232 = tpu.memref_squeeze %dma_start3A_2231 : memref<1x50x64xf32, #tpu.memory_space<hbm>> -> memref<50x64xf32, #tpu.memory_space<hbm>>
      %dma_start3A_2233 = arith.constant 0 : i32
      %dma_start3A_2234 = arith.constant 0 : i32
      %dma_start3A_2235 = tpu.memref_slice %arg4[%add3A_2225, %dma_start3A_2233, %dma_start3A_2234] : memref<16384x50x64xf32, #tpu.memory_space<hbm>> -> memref<1x50x64xf32, #tpu.memory_space<hbm>>
      %dma_start3A_2236 = tpu.memref_squeeze %dma_start3A_2235 : memref<1x50x64xf32, #tpu.memory_space<hbm>> -> memref<50x64xf32, #tpu.memory_space<hbm>>
      %dma_start3A_2237 = arith.constant 0 : i32
      %dma_start3A_2238 = arith.constant 0 : i32
      %dma_start3A_2239 = tpu.memref_slice %arg6[%dma_start3A_2237, %dma_start3A_2238] : memref<400x64xf32, #tpu.memory_space<vmem>> -> memref<50x64xf32, #tpu.memory_space<vmem>>
      tpu.enqueue_dma source(%dma_start3A_2239 : memref<50x64xf32, #tpu.memory_space<vmem>>) target(%dma_start3A_2236 : memref<50x64xf32, #tpu.memory_space<hbm>>) target_semaphore(%arg14 : memref<!tpu.dma_semaphore, #tpu.memory_space<semaphore_mem>>)
      %mul3A_2240 = arith.constant 8 : i32
      %mul3A_2241 = arith.muli %add3A_2220, %mul3A_2240 : i32
      %add3A_2242 = arith.addi %mul3A_2, %mul3A_2241 : i32
      %add3A_2243 = arith.constant 1 : i32
      %add3A_2244 = arith.addi %add3A_2242, %add3A_2243 : i32
      %dma_start3A_2245 = arith.constant 50 : i32
      %dma_start3A_2246 = arith.constant 0 : i32
      %dma_start3A_2247 = tpu.memref_slice %arg6[%dma_start3A_2245, %dma_start3A_2246] : memref<400x64xf32, #tpu.memory_space<vmem>> -> memref<50x64xf32, #tpu.memory_space<vmem>>
      %dma_start3A_2248 = arith.constant 0 : i32
      %dma_start3A_2249 = arith.constant 0 : i32
      %dma_start3A_2250 = tpu.memref_slice %arg4[%add3A_2244, %dma_start3A_2248, %dma_start3A_2249] : memref<16384x50x64xf32, #tpu.memory_space<hbm>> -> memref<1x50x64xf32, #tpu.memory_space<hbm>>
      %dma_start3A_2251 = tpu.memref_squeeze %dma_start3A_2250 : memref<1x50x64xf32, #tpu.memory_space<hbm>> -> memref<50x64xf32, #tpu.memory_space<hbm>>
      %dma_start3A_2252 = arith.constant 0 : i32
      %dma_start3A_2253 = arith.constant 0 : i32
      %dma_start3A_2254 = tpu.memref_slice %arg4[%add3A_2244, %dma_start3A_2252, %dma_start3A_2253] : memref<16384x50x64xf32, #tpu.memory_space<hbm>> -> memref<1x50x64xf32, #tpu.memory_space<hbm>>
      %dma_start3A_2255 = tpu.memref_squeeze %dma_start3A_2254 : memref<1x50x64xf32, #tpu.memory_space<hbm>> -> memref<50x64xf32, #tpu.memory_space<hbm>>
      %dma_start3A_2256 = arith.constant 50 : i32
      %dma_start3A_2257 = arith.constant 0 : i32
      %dma_start3A_2258 = tpu.memref_slice %arg6[%dma_start3A_2256, %dma_start3A_2257] : memref<400x64xf32, #tpu.memory_space<vmem>> -> memref<50x64xf32, #tpu.memory_space<vmem>>
      tpu.enqueue_dma source(%dma_start3A_2258 : memref<50x64xf32, #tpu.memory_space<vmem>>) target(%dma_start3A_2255 : memref<50x64xf32, #tpu.memory_space<hbm>>) target_semaphore(%arg14 : memref<!tpu.dma_semaphore, #tpu.memory_space<semaphore_mem>>)
      %mul3A_2259 = arith.constant 8 : i32
      %mul3A_2260 = arith.muli %add3A_2220, %mul3A_2259 : i32
      %add3A_2261 = arith.addi %mul3A_2, %mul3A_2260 : i32
      %add3A_2262 = arith.constant 2 : i32
      %add3A_2263 = arith.addi %add3A_2261, %add3A_2262 : i32
      %dma_start3A_2264 = arith.constant 100 : i32
      %dma_start3A_2265 = arith.constant 0 : i32
      %dma_start3A_2266 = tpu.memref_slice %arg6[%dma_start3A_2264, %dma_start3A_2265] : memref<400x64xf32, #tpu.memory_space<vmem>> -> memref<50x64xf32, #tpu.memory_space<vmem>>
      %dma_start3A_2267 = arith.constant 0 : i32
      %dma_start3A_2268 = arith.constant 0 : i32
      %dma_start3A_2269 = tpu.memref_slice %arg4[%add3A_2263, %dma_start3A_2267, %dma_start3A_2268] : memref<16384x50x64xf32, #tpu.memory_space<hbm>> -> memref<1x50x64xf32, #tpu.memory_space<hbm>>
      %dma_start3A_2270 = tpu.memref_squeeze %dma_start3A_2269 : memref<1x50x64xf32, #tpu.memory_space<hbm>> -> memref<50x64xf32, #tpu.memory_space<hbm>>
      %dma_start3A_2271 = arith.constant 0 : i32
      %dma_start3A_2272 = arith.constant 0 : i32
      %dma_start3A_2273 = tpu.memref_slice %arg4[%add3A_2263, %dma_start3A_2271, %dma_start3A_2272] : memref<16384x50x64xf32, #tpu.memory_space<hbm>> -> memref<1x50x64xf32, #tpu.memory_space<hbm>>
      %dma_start3A_2274 = tpu.memref_squeeze %dma_start3A_2273 : memref<1x50x64xf32, #tpu.memory_space<hbm>> -> memref<50x64xf32, #tpu.memory_space<hbm>>
      %dma_start3A_2275 = arith.constant 100 : i32
      %dma_start3A_2276 = arith.constant 0 : i32
      %dma_start3A_2277 = tpu.memref_slice %arg6[%dma_start3A_2275, %dma_start3A_2276] : memref<400x64xf32, #tpu.memory_space<vmem>> -> memref<50x64xf32, #tpu.memory_space<vmem>>
      tpu.enqueue_dma source(%dma_start3A_2277 : memref<50x64xf32, #tpu.memory_space<vmem>>) target(%dma_start3A_2274 : memref<50x64xf32, #tpu.memory_space<hbm>>) target_semaphore(%arg14 : memref<!tpu.dma_semaphore, #tpu.memory_space<semaphore_mem>>)
      %mul3A_2278 = arith.constant 8 : i32
      %mul3A_2279 = arith.muli %add3A_2220, %mul3A_2278 : i32
      %add3A_2280 = arith.addi %mul3A_2, %mul3A_2279 : i32
      %add3A_2281 = arith.constant 3 : i32
      %add3A_2282 = arith.addi %add3A_2280, %add3A_2281 : i32
      %dma_start3A_2283 = arith.constant 150 : i32
      %dma_start3A_2284 = arith.constant 0 : i32
      %dma_start3A_2285 = tpu.memref_slice %arg6[%dma_start3A_2283, %dma_start3A_2284] : memref<400x64xf32, #tpu.memory_space<vmem>> -> memref<50x64xf32, #tpu.memory_space<vmem>>
      %dma_start3A_2286 = arith.constant 0 : i32
      %dma_start3A_2287 = arith.constant 0 : i32
      %dma_start3A_2288 = tpu.memref_slice %arg4[%add3A_2282, %dma_start3A_2286, %dma_start3A_2287] : memref<16384x50x64xf32, #tpu.memory_space<hbm>> -> memref<1x50x64xf32, #tpu.memory_space<hbm>>
      %dma_start3A_2289 = tpu.memref_squeeze %dma_start3A_2288 : memref<1x50x64xf32, #tpu.memory_space<hbm>> -> memref<50x64xf32, #tpu.memory_space<hbm>>
      %dma_start3A_2290 = arith.constant 0 : i32
      %dma_start3A_2291 = arith.constant 0 : i32
      %dma_start3A_2292 = tpu.memref_slice %arg4[%add3A_2282, %dma_start3A_2290, %dma_start3A_2291] : memref<16384x50x64xf32, #tpu.memory_space<hbm>> -> memref<1x50x64xf32, #tpu.memory_space<hbm>>
      %dma_start3A_2293 = tpu.memref_squeeze %dma_start3A_2292 : memref<1x50x64xf32, #tpu.memory_space<hbm>> -> memref<50x64xf32, #tpu.memory_space<hbm>>
      %dma_start3A_2294 = arith.constant 150 : i32
      %dma_start3A_2295 = arith.constant 0 : i32
      %dma_start3A_2296 = tpu.memref_slice %arg6[%dma_start3A_2294, %dma_start3A_2295] : memref<400x64xf32, #tpu.memory_space<vmem>> -> memref<50x64xf32, #tpu.memory_space<vmem>>
      tpu.enqueue_dma source(%dma_start3A_2296 : memref<50x64xf32, #tpu.memory_space<vmem>>) target(%dma_start3A_2293 : memref<50x64xf32, #tpu.memory_space<hbm>>) target_semaphore(%arg14 : memref<!tpu.dma_semaphore, #tpu.memory_space<semaphore_mem>>)
      %mul3A_2297 = arith.constant 8 : i32
      %mul3A_2298 = arith.muli %add3A_2220, %mul3A_2297 : i32
      %add3A_2299 = arith.addi %mul3A_2, %mul3A_2298 : i32
      %add3A_2300 = arith.constant 4 : i32
      %add3A_2301 = arith.addi %add3A_2299, %add3A_2300 : i32
      %dma_start3A_2302 = arith.constant 200 : i32
      %dma_start3A_2303 = arith.constant 0 : i32
      %dma_start3A_2304 = tpu.memref_slice %arg6[%dma_start3A_2302, %dma_start3A_2303] : memref<400x64xf32, #tpu.memory_space<vmem>> -> memref<50x64xf32, #tpu.memory_space<vmem>>
      %dma_start3A_2305 = arith.constant 0 : i32
      %dma_start3A_2306 = arith.constant 0 : i32
      %dma_start3A_2307 = tpu.memref_slice %arg4[%add3A_2301, %dma_start3A_2305, %dma_start3A_2306] : memref<16384x50x64xf32, #tpu.memory_space<hbm>> -> memref<1x50x64xf32, #tpu.memory_space<hbm>>
      %dma_start3A_2308 = tpu.memref_squeeze %dma_start3A_2307 : memref<1x50x64xf32, #tpu.memory_space<hbm>> -> memref<50x64xf32, #tpu.memory_space<hbm>>
      %dma_start3A_2309 = arith.constant 0 : i32
      %dma_start3A_2310 = arith.constant 0 : i32
      %dma_start3A_2311 = tpu.memref_slice %arg4[%add3A_2301, %dma_start3A_2309, %dma_start3A_2310] : memref<16384x50x64xf32, #tpu.memory_space<hbm>> -> memref<1x50x64xf32, #tpu.memory_space<hbm>>
      %dma_start3A_2312 = tpu.memref_squeeze %dma_start3A_2311 : memref<1x50x64xf32, #tpu.memory_space<hbm>> -> memref<50x64xf32, #tpu.memory_space<hbm>>
      %dma_start3A_2313 = arith.constant 200 : i32
      %dma_start3A_2314 = arith.constant 0 : i32
      %dma_start3A_2315 = tpu.memref_slice %arg6[%dma_start3A_2313, %dma_start3A_2314] : memref<400x64xf32, #tpu.memory_space<vmem>> -> memref<50x64xf32, #tpu.memory_space<vmem>>
      tpu.enqueue_dma source(%dma_start3A_2315 : memref<50x64xf32, #tpu.memory_space<vmem>>) target(%dma_start3A_2312 : memref<50x64xf32, #tpu.memory_space<hbm>>) target_semaphore(%arg14 : memref<!tpu.dma_semaphore, #tpu.memory_space<semaphore_mem>>)
      %mul3A_2316 = arith.constant 8 : i32
      %mul3A_2317 = arith.muli %add3A_2220, %mul3A_2316 : i32
      %add3A_2318 = arith.addi %mul3A_2, %mul3A_2317 : i32
      %add3A_2319 = arith.constant 5 : i32
      %add3A_2320 = arith.addi %add3A_2318, %add3A_2319 : i32
      %dma_start3A_2321 = arith.constant 250 : i32
      %dma_start3A_2322 = arith.constant 0 : i32
      %dma_start3A_2323 = tpu.memref_slice %arg6[%dma_start3A_2321, %dma_start3A_2322] : memref<400x64xf32, #tpu.memory_space<vmem>> -> memref<50x64xf32, #tpu.memory_space<vmem>>
      %dma_start3A_2324 = arith.constant 0 : i32
      %dma_start3A_2325 = arith.constant 0 : i32
      %dma_start3A_2326 = tpu.memref_slice %arg4[%add3A_2320, %dma_start3A_2324, %dma_start3A_2325] : memref<16384x50x64xf32, #tpu.memory_space<hbm>> -> memref<1x50x64xf32, #tpu.memory_space<hbm>>
      %dma_start3A_2327 = tpu.memref_squeeze %dma_start3A_2326 : memref<1x50x64xf32, #tpu.memory_space<hbm>> -> memref<50x64xf32, #tpu.memory_space<hbm>>
      %dma_start3A_2328 = arith.constant 0 : i32
      %dma_start3A_2329 = arith.constant 0 : i32
      %dma_start3A_2330 = tpu.memref_slice %arg4[%add3A_2320, %dma_start3A_2328, %dma_start3A_2329] : memref<16384x50x64xf32, #tpu.memory_space<hbm>> -> memref<1x50x64xf32, #tpu.memory_space<hbm>>
      %dma_start3A_2331 = tpu.memref_squeeze %dma_start3A_2330 : memref<1x50x64xf32, #tpu.memory_space<hbm>> -> memref<50x64xf32, #tpu.memory_space<hbm>>
      %dma_start3A_2332 = arith.constant 250 : i32
      %dma_start3A_2333 = arith.constant 0 : i32
      %dma_start3A_2334 = tpu.memref_slice %arg6[%dma_start3A_2332, %dma_start3A_2333] : memref<400x64xf32, #tpu.memory_space<vmem>> -> memref<50x64xf32, #tpu.memory_space<vmem>>
      tpu.enqueue_dma source(%dma_start3A_2334 : memref<50x64xf32, #tpu.memory_space<vmem>>) target(%dma_start3A_2331 : memref<50x64xf32, #tpu.memory_space<hbm>>) target_semaphore(%arg14 : memref<!tpu.dma_semaphore, #tpu.memory_space<semaphore_mem>>)
      %mul3A_2335 = arith.constant 8 : i32
      %mul3A_2336 = arith.muli %add3A_2220, %mul3A_2335 : i32
      %add3A_2337 = arith.addi %mul3A_2, %mul3A_2336 : i32
      %add3A_2338 = arith.constant 6 : i32
      %add3A_2339 = arith.addi %add3A_2337, %add3A_2338 : i32
      %dma_start3A_2340 = arith.constant 300 : i32
      %dma_start3A_2341 = arith.constant 0 : i32
      %dma_start3A_2342 = tpu.memref_slice %arg6[%dma_start3A_2340, %dma_start3A_2341] : memref<400x64xf32, #tpu.memory_space<vmem>> -> memref<50x64xf32, #tpu.memory_space<vmem>>
      %dma_start3A_2343 = arith.constant 0 : i32
      %dma_start3A_2344 = arith.constant 0 : i32
      %dma_start3A_2345 = tpu.memref_slice %arg4[%add3A_2339, %dma_start3A_2343, %dma_start3A_2344] : memref<16384x50x64xf32, #tpu.memory_space<hbm>> -> memref<1x50x64xf32, #tpu.memory_space<hbm>>
      %dma_start3A_2346 = tpu.memref_squeeze %dma_start3A_2345 : memref<1x50x64xf32, #tpu.memory_space<hbm>> -> memref<50x64xf32, #tpu.memory_space<hbm>>
      %dma_start3A_2347 = arith.constant 0 : i32
      %dma_start3A_2348 = arith.constant 0 : i32
      %dma_start3A_2349 = tpu.memref_slice %arg4[%add3A_2339, %dma_start3A_2347, %dma_start3A_2348] : memref<16384x50x64xf32, #tpu.memory_space<hbm>> -> memref<1x50x64xf32, #tpu.memory_space<hbm>>
      %dma_start3A_2350 = tpu.memref_squeeze %dma_start3A_2349 : memref<1x50x64xf32, #tpu.memory_space<hbm>> -> memref<50x64xf32, #tpu.memory_space<hbm>>
      %dma_start3A_2351 = arith.constant 300 : i32
      %dma_start3A_2352 = arith.constant 0 : i32
      %dma_start3A_2353 = tpu.memref_slice %arg6[%dma_start3A_2351, %dma_start3A_2352] : memref<400x64xf32, #tpu.memory_space<vmem>> -> memref<50x64xf32, #tpu.memory_space<vmem>>
      tpu.enqueue_dma source(%dma_start3A_2353 : memref<50x64xf32, #tpu.memory_space<vmem>>) target(%dma_start3A_2350 : memref<50x64xf32, #tpu.memory_space<hbm>>) target_semaphore(%arg14 : memref<!tpu.dma_semaphore, #tpu.memory_space<semaphore_mem>>)
      %mul3A_2354 = arith.constant 8 : i32
      %mul3A_2355 = arith.muli %add3A_2220, %mul3A_2354 : i32
      %add3A_2356 = arith.addi %mul3A_2, %mul3A_2355 : i32
      %add3A_2357 = arith.constant 7 : i32
      %add3A_2358 = arith.addi %add3A_2356, %add3A_2357 : i32
      %dma_start3A_2359 = arith.constant 350 : i32
      %dma_start3A_2360 = arith.constant 0 : i32
      %dma_start3A_2361 = tpu.memref_slice %arg6[%dma_start3A_2359, %dma_start3A_2360] : memref<400x64xf32, #tpu.memory_space<vmem>> -> memref<50x64xf32, #tpu.memory_space<vmem>>
      %dma_start3A_2362 = arith.constant 0 : i32
      %dma_start3A_2363 = arith.constant 0 : i32
      %dma_start3A_2364 = tpu.memref_slice %arg4[%add3A_2358, %dma_start3A_2362, %dma_start3A_2363] : memref<16384x50x64xf32, #tpu.memory_space<hbm>> -> memref<1x50x64xf32, #tpu.memory_space<hbm>>
      %dma_start3A_2365 = tpu.memref_squeeze %dma_start3A_2364 : memref<1x50x64xf32, #tpu.memory_space<hbm>> -> memref<50x64xf32, #tpu.memory_space<hbm>>
      %dma_start3A_2366 = arith.constant 0 : i32
      %dma_start3A_2367 = arith.constant 0 : i32
      %dma_start3A_2368 = tpu.memref_slice %arg4[%add3A_2358, %dma_start3A_2366, %dma_start3A_2367] : memref<16384x50x64xf32, #tpu.memory_space<hbm>> -> memref<1x50x64xf32, #tpu.memory_space<hbm>>
      %dma_start3A_2369 = tpu.memref_squeeze %dma_start3A_2368 : memref<1x50x64xf32, #tpu.memory_space<hbm>> -> memref<50x64xf32, #tpu.memory_space<hbm>>
      %dma_start3A_2370 = arith.constant 350 : i32
      %dma_start3A_2371 = arith.constant 0 : i32
      %dma_start3A_2372 = tpu.memref_slice %arg6[%dma_start3A_2370, %dma_start3A_2371] : memref<400x64xf32, #tpu.memory_space<vmem>> -> memref<50x64xf32, #tpu.memory_space<vmem>>
      tpu.enqueue_dma source(%dma_start3A_2372 : memref<50x64xf32, #tpu.memory_space<vmem>>) target(%dma_start3A_2369 : memref<50x64xf32, #tpu.memory_space<hbm>>) target_semaphore(%arg14 : memref<!tpu.dma_semaphore, #tpu.memory_space<semaphore_mem>>)
      %dma_wait3A_2373 = arith.constant 0 : i32
      %dma_wait3A_2374 = arith.constant 0 : i32
      %dma_wait3A_2375 = arith.constant 0 : i32
      %dma_wait3A_2376 = tpu.memref_slice %arg8[%dma_wait3A_2374, %dma_wait3A_2375] : memref<400x64xf32, #tpu.memory_space<vmem>> -> memref<50x64xf32, #tpu.memory_space<vmem>>
      %dma_wait3A_2377 = arith.constant 0 : i32
      %dma_wait3A_2378 = arith.constant 0 : i32
      %dma_wait3A_2379 = tpu.memref_slice %arg4[%dma_wait3A_2373, %dma_wait3A_2377, %dma_wait3A_2378] : memref<16384x50x64xf32, #tpu.memory_space<hbm>> -> memref<1x50x64xf32, #tpu.memory_space<hbm>>
      %dma_wait3A_2380 = tpu.memref_squeeze %dma_wait3A_2379 : memref<1x50x64xf32, #tpu.memory_space<hbm>> -> memref<50x64xf32, #tpu.memory_space<hbm>>
      %dma_wait3A_2381 = arith.constant 0 : i32
      %dma_wait3A_2382 = arith.constant 0 : i32
      %dma_wait3A_2383 = tpu.memref_slice %arg4[%dma_wait3A_2373, %dma_wait3A_2381, %dma_wait3A_2382] : memref<16384x50x64xf32, #tpu.memory_space<hbm>> -> memref<1x50x64xf32, #tpu.memory_space<hbm>>
      %dma_wait3A_2384 = tpu.memref_squeeze %dma_wait3A_2383 : memref<1x50x64xf32, #tpu.memory_space<hbm>> -> memref<50x64xf32, #tpu.memory_space<hbm>>
      %dma_wait3A_2385 = arith.constant 0 : i32
      %dma_wait3A_2386 = arith.constant 0 : i32
      %dma_wait3A_2387 = tpu.memref_slice %arg8[%dma_wait3A_2385, %dma_wait3A_2386] : memref<400x64xf32, #tpu.memory_space<vmem>> -> memref<50x64xf32, #tpu.memory_space<vmem>>
      tpu.wait_dma2 semaphore(%arg16 : memref<!tpu.dma_semaphore, #tpu.memory_space<semaphore_mem>>) src(%dma_wait3A_2387 : memref<50x64xf32, #tpu.memory_space<vmem>>) dst(%dma_wait3A_2384 : memref<50x64xf32, #tpu.memory_space<hbm>>)
      %dma_wait3A_2388 = arith.constant 0 : i32
      %dma_wait3A_2389 = arith.constant 0 : i32
      %dma_wait3A_2390 = arith.constant 0 : i32
      %dma_wait3A_2391 = tpu.memref_slice %arg8[%dma_wait3A_2389, %dma_wait3A_2390] : memref<400x64xf32, #tpu.memory_space<vmem>> -> memref<50x64xf32, #tpu.memory_space<vmem>>
      %dma_wait3A_2392 = arith.constant 0 : i32
      %dma_wait3A_2393 = arith.constant 0 : i32
      %dma_wait3A_2394 = tpu.memref_slice %arg4[%dma_wait3A_2388, %dma_wait3A_2392, %dma_wait3A_2393] : memref<16384x50x64xf32, #tpu.memory_space<hbm>> -> memref<1x50x64xf32, #tpu.memory_space<hbm>>
      %dma_wait3A_2395 = tpu.memref_squeeze %dma_wait3A_2394 : memref<1x50x64xf32, #tpu.memory_space<hbm>> -> memref<50x64xf32, #tpu.memory_space<hbm>>
      %dma_wait3A_2396 = arith.constant 0 : i32
      %dma_wait3A_2397 = arith.constant 0 : i32
      %dma_wait3A_2398 = tpu.memref_slice %arg4[%dma_wait3A_2388, %dma_wait3A_2396, %dma_wait3A_2397] : memref<16384x50x64xf32, #tpu.memory_space<hbm>> -> memref<1x50x64xf32, #tpu.memory_space<hbm>>
      %dma_wait3A_2399 = tpu.memref_squeeze %dma_wait3A_2398 : memref<1x50x64xf32, #tpu.memory_space<hbm>> -> memref<50x64xf32, #tpu.memory_space<hbm>>
      %dma_wait3A_2400 = arith.constant 0 : i32
      %dma_wait3A_2401 = arith.constant 0 : i32
      %dma_wait3A_2402 = tpu.memref_slice %arg8[%dma_wait3A_2400, %dma_wait3A_2401] : memref<400x64xf32, #tpu.memory_space<vmem>> -> memref<50x64xf32, #tpu.memory_space<vmem>>
      tpu.wait_dma2 semaphore(%arg16 : memref<!tpu.dma_semaphore, #tpu.memory_space<semaphore_mem>>) src(%dma_wait3A_2402 : memref<50x64xf32, #tpu.memory_space<vmem>>) dst(%dma_wait3A_2399 : memref<50x64xf32, #tpu.memory_space<hbm>>)
      %dma_wait3A_2403 = arith.constant 0 : i32
      %dma_wait3A_2404 = arith.constant 0 : i32
      %dma_wait3A_2405 = arith.constant 0 : i32
      %dma_wait3A_2406 = tpu.memref_slice %arg8[%dma_wait3A_2404, %dma_wait3A_2405] : memref<400x64xf32, #tpu.memory_space<vmem>> -> memref<50x64xf32, #tpu.memory_space<vmem>>
      %dma_wait3A_2407 = arith.constant 0 : i32
      %dma_wait3A_2408 = arith.constant 0 : i32
      %dma_wait3A_2409 = tpu.memref_slice %arg4[%dma_wait3A_2403, %dma_wait3A_2407, %dma_wait3A_2408] : memref<16384x50x64xf32, #tpu.memory_space<hbm>> -> memref<1x50x64xf32, #tpu.memory_space<hbm>>
      %dma_wait3A_2410 = tpu.memref_squeeze %dma_wait3A_2409 : memref<1x50x64xf32, #tpu.memory_space<hbm>> -> memref<50x64xf32, #tpu.memory_space<hbm>>
      %dma_wait3A_2411 = arith.constant 0 : i32
      %dma_wait3A_2412 = arith.constant 0 : i32
      %dma_wait3A_2413 = tpu.memref_slice %arg4[%dma_wait3A_2403, %dma_wait3A_2411, %dma_wait3A_2412] : memref<16384x50x64xf32, #tpu.memory_space<hbm>> -> memref<1x50x64xf32, #tpu.memory_space<hbm>>
      %dma_wait3A_2414 = tpu.memref_squeeze %dma_wait3A_2413 : memref<1x50x64xf32, #tpu.memory_space<hbm>> -> memref<50x64xf32, #tpu.memory_space<hbm>>
      %dma_wait3A_2415 = arith.constant 0 : i32
      %dma_wait3A_2416 = arith.constant 0 : i32
      %dma_wait3A_2417 = tpu.memref_slice %arg8[%dma_wait3A_2415, %dma_wait3A_2416] : memref<400x64xf32, #tpu.memory_space<vmem>> -> memref<50x64xf32, #tpu.memory_space<vmem>>
      tpu.wait_dma2 semaphore(%arg16 : memref<!tpu.dma_semaphore, #tpu.memory_space<semaphore_mem>>) src(%dma_wait3A_2417 : memref<50x64xf32, #tpu.memory_space<vmem>>) dst(%dma_wait3A_2414 : memref<50x64xf32, #tpu.memory_space<hbm>>)
      %dma_wait3A_2418 = arith.constant 0 : i32
      %dma_wait3A_2419 = arith.constant 0 : i32
      %dma_wait3A_2420 = arith.constant 0 : i32
      %dma_wait3A_2421 = tpu.memref_slice %arg8[%dma_wait3A_2419, %dma_wait3A_2420] : memref<400x64xf32, #tpu.memory_space<vmem>> -> memref<50x64xf32, #tpu.memory_space<vmem>>
      %dma_wait3A_2422 = arith.constant 0 : i32
      %dma_wait3A_2423 = arith.constant 0 : i32
      %dma_wait3A_2424 = tpu.memref_slice %arg4[%dma_wait3A_2418, %dma_wait3A_2422, %dma_wait3A_2423] : memref<16384x50x64xf32, #tpu.memory_space<hbm>> -> memref<1x50x64xf32, #tpu.memory_space<hbm>>
      %dma_wait3A_2425 = tpu.memref_squeeze %dma_wait3A_2424 : memref<1x50x64xf32, #tpu.memory_space<hbm>> -> memref<50x64xf32, #tpu.memory_space<hbm>>
      %dma_wait3A_2426 = arith.constant 0 : i32
      %dma_wait3A_2427 = arith.constant 0 : i32
      %dma_wait3A_2428 = tpu.memref_slice %arg4[%dma_wait3A_2418, %dma_wait3A_2426, %dma_wait3A_2427] : memref<16384x50x64xf32, #tpu.memory_space<hbm>> -> memref<1x50x64xf32, #tpu.memory_space<hbm>>
      %dma_wait3A_2429 = tpu.memref_squeeze %dma_wait3A_2428 : memref<1x50x64xf32, #tpu.memory_space<hbm>> -> memref<50x64xf32, #tpu.memory_space<hbm>>
      %dma_wait3A_2430 = arith.constant 0 : i32
      %dma_wait3A_2431 = arith.constant 0 : i32
      %dma_wait3A_2432 = tpu.memref_slice %arg8[%dma_wait3A_2430, %dma_wait3A_2431] : memref<400x64xf32, #tpu.memory_space<vmem>> -> memref<50x64xf32, #tpu.memory_space<vmem>>
      tpu.wait_dma2 semaphore(%arg16 : memref<!tpu.dma_semaphore, #tpu.memory_space<semaphore_mem>>) src(%dma_wait3A_2432 : memref<50x64xf32, #tpu.memory_space<vmem>>) dst(%dma_wait3A_2429 : memref<50x64xf32, #tpu.memory_space<hbm>>)
      %dma_wait3A_2433 = arith.constant 0 : i32
      %dma_wait3A_2434 = arith.constant 0 : i32
      %dma_wait3A_2435 = arith.constant 0 : i32
      %dma_wait3A_2436 = tpu.memref_slice %arg8[%dma_wait3A_2434, %dma_wait3A_2435] : memref<400x64xf32, #tpu.memory_space<vmem>> -> memref<50x64xf32, #tpu.memory_space<vmem>>
      %dma_wait3A_2437 = arith.constant 0 : i32
      %dma_wait3A_2438 = arith.constant 0 : i32
      %dma_wait3A_2439 = tpu.memref_slice %arg4[%dma_wait3A_2433, %dma_wait3A_2437, %dma_wait3A_2438] : memref<16384x50x64xf32, #tpu.memory_space<hbm>> -> memref<1x50x64xf32, #tpu.memory_space<hbm>>
      %dma_wait3A_2440 = tpu.memref_squeeze %dma_wait3A_2439 : memref<1x50x64xf32, #tpu.memory_space<hbm>> -> memref<50x64xf32, #tpu.memory_space<hbm>>
      %dma_wait3A_2441 = arith.constant 0 : i32
      %dma_wait3A_2442 = arith.constant 0 : i32
      %dma_wait3A_2443 = tpu.memref_slice %arg4[%dma_wait3A_2433, %dma_wait3A_2441, %dma_wait3A_2442] : memref<16384x50x64xf32, #tpu.memory_space<hbm>> -> memref<1x50x64xf32, #tpu.memory_space<hbm>>
      %dma_wait3A_2444 = tpu.memref_squeeze %dma_wait3A_2443 : memref<1x50x64xf32, #tpu.memory_space<hbm>> -> memref<50x64xf32, #tpu.memory_space<hbm>>
      %dma_wait3A_2445 = arith.constant 0 : i32
      %dma_wait3A_2446 = arith.constant 0 : i32
      %dma_wait3A_2447 = tpu.memref_slice %arg8[%dma_wait3A_2445, %dma_wait3A_2446] : memref<400x64xf32, #tpu.memory_space<vmem>> -> memref<50x64xf32, #tpu.memory_space<vmem>>
      tpu.wait_dma2 semaphore(%arg16 : memref<!tpu.dma_semaphore, #tpu.memory_space<semaphore_mem>>) src(%dma_wait3A_2447 : memref<50x64xf32, #tpu.memory_space<vmem>>) dst(%dma_wait3A_2444 : memref<50x64xf32, #tpu.memory_space<hbm>>)
      %dma_wait3A_2448 = arith.constant 0 : i32
      %dma_wait3A_2449 = arith.constant 0 : i32
      %dma_wait3A_2450 = arith.constant 0 : i32
      %dma_wait3A_2451 = tpu.memref_slice %arg8[%dma_wait3A_2449, %dma_wait3A_2450] : memref<400x64xf32, #tpu.memory_space<vmem>> -> memref<50x64xf32, #tpu.memory_space<vmem>>
      %dma_wait3A_2452 = arith.constant 0 : i32
      %dma_wait3A_2453 = arith.constant 0 : i32
      %dma_wait3A_2454 = tpu.memref_slice %arg4[%dma_wait3A_2448, %dma_wait3A_2452, %dma_wait3A_2453] : memref<16384x50x64xf32, #tpu.memory_space<hbm>> -> memref<1x50x64xf32, #tpu.memory_space<hbm>>
      %dma_wait3A_2455 = tpu.memref_squeeze %dma_wait3A_2454 : memref<1x50x64xf32, #tpu.memory_space<hbm>> -> memref<50x64xf32, #tpu.memory_space<hbm>>
      %dma_wait3A_2456 = arith.constant 0 : i32
      %dma_wait3A_2457 = arith.constant 0 : i32
      %dma_wait3A_2458 = tpu.memref_slice %arg4[%dma_wait3A_2448, %dma_wait3A_2456, %dma_wait3A_2457] : memref<16384x50x64xf32, #tpu.memory_space<hbm>> -> memref<1x50x64xf32, #tpu.memory_space<hbm>>
      %dma_wait3A_2459 = tpu.memref_squeeze %dma_wait3A_2458 : memref<1x50x64xf32, #tpu.memory_space<hbm>> -> memref<50x64xf32, #tpu.memory_space<hbm>>
      %dma_wait3A_2460 = arith.constant 0 : i32
      %dma_wait3A_2461 = arith.constant 0 : i32
      %dma_wait3A_2462 = tpu.memref_slice %arg8[%dma_wait3A_2460, %dma_wait3A_2461] : memref<400x64xf32, #tpu.memory_space<vmem>> -> memref<50x64xf32, #tpu.memory_space<vmem>>
      tpu.wait_dma2 semaphore(%arg16 : memref<!tpu.dma_semaphore, #tpu.memory_space<semaphore_mem>>) src(%dma_wait3A_2462 : memref<50x64xf32, #tpu.memory_space<vmem>>) dst(%dma_wait3A_2459 : memref<50x64xf32, #tpu.memory_space<hbm>>)
      %dma_wait3A_2463 = arith.constant 0 : i32
      %dma_wait3A_2464 = arith.constant 0 : i32
      %dma_wait3A_2465 = arith.constant 0 : i32
      %dma_wait3A_2466 = tpu.memref_slice %arg8[%dma_wait3A_2464, %dma_wait3A_2465] : memref<400x64xf32, #tpu.memory_space<vmem>> -> memref<50x64xf32, #tpu.memory_space<vmem>>
      %dma_wait3A_2467 = arith.constant 0 : i32
      %dma_wait3A_2468 = arith.constant 0 : i32
      %dma_wait3A_2469 = tpu.memref_slice %arg4[%dma_wait3A_2463, %dma_wait3A_2467, %dma_wait3A_2468] : memref<16384x50x64xf32, #tpu.memory_space<hbm>> -> memref<1x50x64xf32, #tpu.memory_space<hbm>>
      %dma_wait3A_2470 = tpu.memref_squeeze %dma_wait3A_2469 : memref<1x50x64xf32, #tpu.memory_space<hbm>> -> memref<50x64xf32, #tpu.memory_space<hbm>>
      %dma_wait3A_2471 = arith.constant 0 : i32
      %dma_wait3A_2472 = arith.constant 0 : i32
      %dma_wait3A_2473 = tpu.memref_slice %arg4[%dma_wait3A_2463, %dma_wait3A_2471, %dma_wait3A_2472] : memref<16384x50x64xf32, #tpu.memory_space<hbm>> -> memref<1x50x64xf32, #tpu.memory_space<hbm>>
      %dma_wait3A_2474 = tpu.memref_squeeze %dma_wait3A_2473 : memref<1x50x64xf32, #tpu.memory_space<hbm>> -> memref<50x64xf32, #tpu.memory_space<hbm>>
      %dma_wait3A_2475 = arith.constant 0 : i32
      %dma_wait3A_2476 = arith.constant 0 : i32
      %dma_wait3A_2477 = tpu.memref_slice %arg8[%dma_wait3A_2475, %dma_wait3A_2476] : memref<400x64xf32, #tpu.memory_space<vmem>> -> memref<50x64xf32, #tpu.memory_space<vmem>>
      tpu.wait_dma2 semaphore(%arg16 : memref<!tpu.dma_semaphore, #tpu.memory_space<semaphore_mem>>) src(%dma_wait3A_2477 : memref<50x64xf32, #tpu.memory_space<vmem>>) dst(%dma_wait3A_2474 : memref<50x64xf32, #tpu.memory_space<hbm>>)
      %dma_wait3A_2478 = arith.constant 0 : i32
      %dma_wait3A_2479 = arith.constant 0 : i32
      %dma_wait3A_2480 = arith.constant 0 : i32
      %dma_wait3A_2481 = tpu.memref_slice %arg8[%dma_wait3A_2479, %dma_wait3A_2480] : memref<400x64xf32, #tpu.memory_space<vmem>> -> memref<50x64xf32, #tpu.memory_space<vmem>>
      %dma_wait3A_2482 = arith.constant 0 : i32
      %dma_wait3A_2483 = arith.constant 0 : i32
      %dma_wait3A_2484 = tpu.memref_slice %arg4[%dma_wait3A_2478, %dma_wait3A_2482, %dma_wait3A_2483] : memref<16384x50x64xf32, #tpu.memory_space<hbm>> -> memref<1x50x64xf32, #tpu.memory_space<hbm>>
      %dma_wait3A_2485 = tpu.memref_squeeze %dma_wait3A_2484 : memref<1x50x64xf32, #tpu.memory_space<hbm>> -> memref<50x64xf32, #tpu.memory_space<hbm>>
      %dma_wait3A_2486 = arith.constant 0 : i32
      %dma_wait3A_2487 = arith.constant 0 : i32
      %dma_wait3A_2488 = tpu.memref_slice %arg4[%dma_wait3A_2478, %dma_wait3A_2486, %dma_wait3A_2487] : memref<16384x50x64xf32, #tpu.memory_space<hbm>> -> memref<1x50x64xf32, #tpu.memory_space<hbm>>
      %dma_wait3A_2489 = tpu.memref_squeeze %dma_wait3A_2488 : memref<1x50x64xf32, #tpu.memory_space<hbm>> -> memref<50x64xf32, #tpu.memory_space<hbm>>
      %dma_wait3A_2490 = arith.constant 0 : i32
      %dma_wait3A_2491 = arith.constant 0 : i32
      %dma_wait3A_2492 = tpu.memref_slice %arg8[%dma_wait3A_2490, %dma_wait3A_2491] : memref<400x64xf32, #tpu.memory_space<vmem>> -> memref<50x64xf32, #tpu.memory_space<vmem>>
      tpu.wait_dma2 semaphore(%arg16 : memref<!tpu.dma_semaphore, #tpu.memory_space<semaphore_mem>>) src(%dma_wait3A_2492 : memref<50x64xf32, #tpu.memory_space<vmem>>) dst(%dma_wait3A_2489 : memref<50x64xf32, #tpu.memory_space<hbm>>)
      %add3A_2493 = arith.constant 0 : i32
      %add3A_2494 = arith.addi %mul3A_2212, %add3A_2493 : i32
      %add3A_2495 = arith.constant 2 : i32
      %add3A_2496 = arith.addi %add3A_2494, %add3A_2495 : i32
      %mul3A_2497 = arith.constant 400 : i32
      %mul3A_2498 = arith.muli %add3A_2496, %mul3A_2497 : i32
      %dma_start3A_2499 = tpu.memref_slice %arg5[%mul3A_2498] : memref<25600xi32, #tpu.memory_space<vmem>> -> memref<400xi32, #tpu.memory_space<vmem>>
      %dma_start3A_2500 = arith.constant 0 : i32
      %dma_start3A_2501 = arith.constant 0 : i32
      %dma_start3A_2502 = tpu.memref_slice %arg2[%dma_start3A_2500, %dma_start3A_2501] : memref<1000000x64xf32, #tpu.memory_space<hbm>> -> memref<1000000x64xf32, #tpu.memory_space<hbm>>
      tpu.enqueue_indirect_dma source(%dma_start3A_2502 : memref<1000000x64xf32, #tpu.memory_space<hbm>>) target(%arg8 : memref<400x64xf32, #tpu.memory_space<vmem>>) offsets(%dma_start3A_2499 : memref<400xi32, #tpu.memory_space<vmem>>) semaphore(%arg12 : memref<!tpu.dma_semaphore, #tpu.memory_space<semaphore_mem>>)
      %dma_wait3A_2503 = arith.constant 0 : i32
      %dma_wait3A_2504 = arith.constant 0 : i32
      %dma_wait3A_2505 = tpu.memref_slice %arg2[%dma_wait3A_2503, %dma_wait3A_2504] : memref<1000000x64xf32, #tpu.memory_space<hbm>> -> memref<400x64xf32, #tpu.memory_space<hbm>>
      %dma_wait3A_2506 = arith.constant 0 : i32
      %dma_wait3A_2507 = arith.constant 0 : i32
      %dma_wait3A_2508 = tpu.memref_slice %arg2[%dma_wait3A_2506, %dma_wait3A_2507] : memref<1000000x64xf32, #tpu.memory_space<hbm>> -> memref<400x64xf32, #tpu.memory_space<hbm>>
      tpu.wait_dma2 semaphore(%arg11 : memref<!tpu.dma_semaphore, #tpu.memory_space<semaphore_mem>>) src(%dma_wait3A_2508 : memref<400x64xf32, #tpu.memory_space<hbm>>) dst(%arg7 : memref<400x64xf32, #tpu.memory_space<vmem>>)
      %add3A_2509 = arith.constant 1 : i32
      %add3A_2510 = arith.addi %mul3A_2212, %add3A_2509 : i32
      %mul3A_2511 = arith.constant 8 : i32
      %mul3A_2512 = arith.muli %add3A_2510, %mul3A_2511 : i32
      %add3A_2513 = arith.addi %mul3A_2, %mul3A_2512 : i32
      %add3A_2514 = arith.constant 0 : i32
      %add3A_2515 = arith.addi %add3A_2513, %add3A_2514 : i32
      %dma_start3A_2516 = arith.constant 0 : i32
      %dma_start3A_2517 = arith.constant 0 : i32
      %dma_start3A_2518 = tpu.memref_slice %arg7[%dma_start3A_2516, %dma_start3A_2517] : memref<400x64xf32, #tpu.memory_space<vmem>> -> memref<50x64xf32, #tpu.memory_space<vmem>>
      %dma_start3A_2519 = arith.constant 0 : i32
      %dma_start3A_2520 = arith.constant 0 : i32
      %dma_start3A_2521 = tpu.memref_slice %arg4[%add3A_2515, %dma_start3A_2519, %dma_start3A_2520] : memref<16384x50x64xf32, #tpu.memory_space<hbm>> -> memref<1x50x64xf32, #tpu.memory_space<hbm>>
      %dma_start3A_2522 = tpu.memref_squeeze %dma_start3A_2521 : memref<1x50x64xf32, #tpu.memory_space<hbm>> -> memref<50x64xf32, #tpu.memory_space<hbm>>
      %dma_start3A_2523 = arith.constant 0 : i32
      %dma_start3A_2524 = arith.constant 0 : i32
      %dma_start3A_2525 = tpu.memref_slice %arg4[%add3A_2515, %dma_start3A_2523, %dma_start3A_2524] : memref<16384x50x64xf32, #tpu.memory_space<hbm>> -> memref<1x50x64xf32, #tpu.memory_space<hbm>>
      %dma_start3A_2526 = tpu.memref_squeeze %dma_start3A_2525 : memref<1x50x64xf32, #tpu.memory_space<hbm>> -> memref<50x64xf32, #tpu.memory_space<hbm>>
      %dma_start3A_2527 = arith.constant 0 : i32
      %dma_start3A_2528 = arith.constant 0 : i32
      %dma_start3A_2529 = tpu.memref_slice %arg7[%dma_start3A_2527, %dma_start3A_2528] : memref<400x64xf32, #tpu.memory_space<vmem>> -> memref<50x64xf32, #tpu.memory_space<vmem>>
      tpu.enqueue_dma source(%dma_start3A_2529 : memref<50x64xf32, #tpu.memory_space<vmem>>) target(%dma_start3A_2526 : memref<50x64xf32, #tpu.memory_space<hbm>>) target_semaphore(%arg15 : memref<!tpu.dma_semaphore, #tpu.memory_space<semaphore_mem>>)
      %mul3A_2530 = arith.constant 8 : i32
      %mul3A_2531 = arith.muli %add3A_2510, %mul3A_2530 : i32
      %add3A_2532 = arith.addi %mul3A_2, %mul3A_2531 : i32
      %add3A_2533 = arith.constant 1 : i32
      %add3A_2534 = arith.addi %add3A_2532, %add3A_2533 : i32
      %dma_start3A_2535 = arith.constant 50 : i32
      %dma_start3A_2536 = arith.constant 0 : i32
      %dma_start3A_2537 = tpu.memref_slice %arg7[%dma_start3A_2535, %dma_start3A_2536] : memref<400x64xf32, #tpu.memory_space<vmem>> -> memref<50x64xf32, #tpu.memory_space<vmem>>
      %dma_start3A_2538 = arith.constant 0 : i32
      %dma_start3A_2539 = arith.constant 0 : i32
      %dma_start3A_2540 = tpu.memref_slice %arg4[%add3A_2534, %dma_start3A_2538, %dma_start3A_2539] : memref<16384x50x64xf32, #tpu.memory_space<hbm>> -> memref<1x50x64xf32, #tpu.memory_space<hbm>>
      %dma_start3A_2541 = tpu.memref_squeeze %dma_start3A_2540 : memref<1x50x64xf32, #tpu.memory_space<hbm>> -> memref<50x64xf32, #tpu.memory_space<hbm>>
      %dma_start3A_2542 = arith.constant 0 : i32
      %dma_start3A_2543 = arith.constant 0 : i32
      %dma_start3A_2544 = tpu.memref_slice %arg4[%add3A_2534, %dma_start3A_2542, %dma_start3A_2543] : memref<16384x50x64xf32, #tpu.memory_space<hbm>> -> memref<1x50x64xf32, #tpu.memory_space<hbm>>
      %dma_start3A_2545 = tpu.memref_squeeze %dma_start3A_2544 : memref<1x50x64xf32, #tpu.memory_space<hbm>> -> memref<50x64xf32, #tpu.memory_space<hbm>>
      %dma_start3A_2546 = arith.constant 50 : i32
      %dma_start3A_2547 = arith.constant 0 : i32
      %dma_start3A_2548 = tpu.memref_slice %arg7[%dma_start3A_2546, %dma_start3A_2547] : memref<400x64xf32, #tpu.memory_space<vmem>> -> memref<50x64xf32, #tpu.memory_space<vmem>>
      tpu.enqueue_dma source(%dma_start3A_2548 : memref<50x64xf32, #tpu.memory_space<vmem>>) target(%dma_start3A_2545 : memref<50x64xf32, #tpu.memory_space<hbm>>) target_semaphore(%arg15 : memref<!tpu.dma_semaphore, #tpu.memory_space<semaphore_mem>>)
      %mul3A_2549 = arith.constant 8 : i32
      %mul3A_2550 = arith.muli %add3A_2510, %mul3A_2549 : i32
      %add3A_2551 = arith.addi %mul3A_2, %mul3A_2550 : i32
      %add3A_2552 = arith.constant 2 : i32
      %add3A_2553 = arith.addi %add3A_2551, %add3A_2552 : i32
      %dma_start3A_2554 = arith.constant 100 : i32
      %dma_start3A_2555 = arith.constant 0 : i32
      %dma_start3A_2556 = tpu.memref_slice %arg7[%dma_start3A_2554, %dma_start3A_2555] : memref<400x64xf32, #tpu.memory_space<vmem>> -> memref<50x64xf32, #tpu.memory_space<vmem>>
      %dma_start3A_2557 = arith.constant 0 : i32
      %dma_start3A_2558 = arith.constant 0 : i32
      %dma_start3A_2559 = tpu.memref_slice %arg4[%add3A_2553, %dma_start3A_2557, %dma_start3A_2558] : memref<16384x50x64xf32, #tpu.memory_space<hbm>> -> memref<1x50x64xf32, #tpu.memory_space<hbm>>
      %dma_start3A_2560 = tpu.memref_squeeze %dma_start3A_2559 : memref<1x50x64xf32, #tpu.memory_space<hbm>> -> memref<50x64xf32, #tpu.memory_space<hbm>>
      %dma_start3A_2561 = arith.constant 0 : i32
      %dma_start3A_2562 = arith.constant 0 : i32
      %dma_start3A_2563 = tpu.memref_slice %arg4[%add3A_2553, %dma_start3A_2561, %dma_start3A_2562] : memref<16384x50x64xf32, #tpu.memory_space<hbm>> -> memref<1x50x64xf32, #tpu.memory_space<hbm>>
      %dma_start3A_2564 = tpu.memref_squeeze %dma_start3A_2563 : memref<1x50x64xf32, #tpu.memory_space<hbm>> -> memref<50x64xf32, #tpu.memory_space<hbm>>
      %dma_start3A_2565 = arith.constant 100 : i32
      %dma_start3A_2566 = arith.constant 0 : i32
      %dma_start3A_2567 = tpu.memref_slice %arg7[%dma_start3A_2565, %dma_start3A_2566] : memref<400x64xf32, #tpu.memory_space<vmem>> -> memref<50x64xf32, #tpu.memory_space<vmem>>
      tpu.enqueue_dma source(%dma_start3A_2567 : memref<50x64xf32, #tpu.memory_space<vmem>>) target(%dma_start3A_2564 : memref<50x64xf32, #tpu.memory_space<hbm>>) target_semaphore(%arg15 : memref<!tpu.dma_semaphore, #tpu.memory_space<semaphore_mem>>)
      %mul3A_2568 = arith.constant 8 : i32
      %mul3A_2569 = arith.muli %add3A_2510, %mul3A_2568 : i32
      %add3A_2570 = arith.addi %mul3A_2, %mul3A_2569 : i32
      %add3A_2571 = arith.constant 3 : i32
      %add3A_2572 = arith.addi %add3A_2570, %add3A_2571 : i32
      %dma_start3A_2573 = arith.constant 150 : i32
      %dma_start3A_2574 = arith.constant 0 : i32
      %dma_start3A_2575 = tpu.memref_slice %arg7[%dma_start3A_2573, %dma_start3A_2574] : memref<400x64xf32, #tpu.memory_space<vmem>> -> memref<50x64xf32, #tpu.memory_space<vmem>>
      %dma_start3A_2576 = arith.constant 0 : i32
      %dma_start3A_2577 = arith.constant 0 : i32
      %dma_start3A_2578 = tpu.memref_slice %arg4[%add3A_2572, %dma_start3A_2576, %dma_start3A_2577] : memref<16384x50x64xf32, #tpu.memory_space<hbm>> -> memref<1x50x64xf32, #tpu.memory_space<hbm>>
      %dma_start3A_2579 = tpu.memref_squeeze %dma_start3A_2578 : memref<1x50x64xf32, #tpu.memory_space<hbm>> -> memref<50x64xf32, #tpu.memory_space<hbm>>
      %dma_start3A_2580 = arith.constant 0 : i32
      %dma_start3A_2581 = arith.constant 0 : i32
      %dma_start3A_2582 = tpu.memref_slice %arg4[%add3A_2572, %dma_start3A_2580, %dma_start3A_2581] : memref<16384x50x64xf32, #tpu.memory_space<hbm>> -> memref<1x50x64xf32, #tpu.memory_space<hbm>>
      %dma_start3A_2583 = tpu.memref_squeeze %dma_start3A_2582 : memref<1x50x64xf32, #tpu.memory_space<hbm>> -> memref<50x64xf32, #tpu.memory_space<hbm>>
      %dma_start3A_2584 = arith.constant 150 : i32
      %dma_start3A_2585 = arith.constant 0 : i32
      %dma_start3A_2586 = tpu.memref_slice %arg7[%dma_start3A_2584, %dma_start3A_2585] : memref<400x64xf32, #tpu.memory_space<vmem>> -> memref<50x64xf32, #tpu.memory_space<vmem>>
      tpu.enqueue_dma source(%dma_start3A_2586 : memref<50x64xf32, #tpu.memory_space<vmem>>) target(%dma_start3A_2583 : memref<50x64xf32, #tpu.memory_space<hbm>>) target_semaphore(%arg15 : memref<!tpu.dma_semaphore, #tpu.memory_space<semaphore_mem>>)
      %mul3A_2587 = arith.constant 8 : i32
      %mul3A_2588 = arith.muli %add3A_2510, %mul3A_2587 : i32
      %add3A_2589 = arith.addi %mul3A_2, %mul3A_2588 : i32
      %add3A_2590 = arith.constant 4 : i32
      %add3A_2591 = arith.addi %add3A_2589, %add3A_2590 : i32
      %dma_start3A_2592 = arith.constant 200 : i32
      %dma_start3A_2593 = arith.constant 0 : i32
      %dma_start3A_2594 = tpu.memref_slice %arg7[%dma_start3A_2592, %dma_start3A_2593] : memref<400x64xf32, #tpu.memory_space<vmem>> -> memref<50x64xf32, #tpu.memory_space<vmem>>
      %dma_start3A_2595 = arith.constant 0 : i32
      %dma_start3A_2596 = arith.constant 0 : i32
      %dma_start3A_2597 = tpu.memref_slice %arg4[%add3A_2591, %dma_start3A_2595, %dma_start3A_2596] : memref<16384x50x64xf32, #tpu.memory_space<hbm>> -> memref<1x50x64xf32, #tpu.memory_space<hbm>>
      %dma_start3A_2598 = tpu.memref_squeeze %dma_start3A_2597 : memref<1x50x64xf32, #tpu.memory_space<hbm>> -> memref<50x64xf32, #tpu.memory_space<hbm>>
      %dma_start3A_2599 = arith.constant 0 : i32
      %dma_start3A_2600 = arith.constant 0 : i32
      %dma_start3A_2601 = tpu.memref_slice %arg4[%add3A_2591, %dma_start3A_2599, %dma_start3A_2600] : memref<16384x50x64xf32, #tpu.memory_space<hbm>> -> memref<1x50x64xf32, #tpu.memory_space<hbm>>
      %dma_start3A_2602 = tpu.memref_squeeze %dma_start3A_2601 : memref<1x50x64xf32, #tpu.memory_space<hbm>> -> memref<50x64xf32, #tpu.memory_space<hbm>>
      %dma_start3A_2603 = arith.constant 200 : i32
      %dma_start3A_2604 = arith.constant 0 : i32
      %dma_start3A_2605 = tpu.memref_slice %arg7[%dma_start3A_2603, %dma_start3A_2604] : memref<400x64xf32, #tpu.memory_space<vmem>> -> memref<50x64xf32, #tpu.memory_space<vmem>>
      tpu.enqueue_dma source(%dma_start3A_2605 : memref<50x64xf32, #tpu.memory_space<vmem>>) target(%dma_start3A_2602 : memref<50x64xf32, #tpu.memory_space<hbm>>) target_semaphore(%arg15 : memref<!tpu.dma_semaphore, #tpu.memory_space<semaphore_mem>>)
      %mul3A_2606 = arith.constant 8 : i32
      %mul3A_2607 = arith.muli %add3A_2510, %mul3A_2606 : i32
      %add3A_2608 = arith.addi %mul3A_2, %mul3A_2607 : i32
      %add3A_2609 = arith.constant 5 : i32
      %add3A_2610 = arith.addi %add3A_2608, %add3A_2609 : i32
      %dma_start3A_2611 = arith.constant 250 : i32
      %dma_start3A_2612 = arith.constant 0 : i32
      %dma_start3A_2613 = tpu.memref_slice %arg7[%dma_start3A_2611, %dma_start3A_2612] : memref<400x64xf32, #tpu.memory_space<vmem>> -> memref<50x64xf32, #tpu.memory_space<vmem>>
      %dma_start3A_2614 = arith.constant 0 : i32
      %dma_start3A_2615 = arith.constant 0 : i32
      %dma_start3A_2616 = tpu.memref_slice %arg4[%add3A_2610, %dma_start3A_2614, %dma_start3A_2615] : memref<16384x50x64xf32, #tpu.memory_space<hbm>> -> memref<1x50x64xf32, #tpu.memory_space<hbm>>
      %dma_start3A_2617 = tpu.memref_squeeze %dma_start3A_2616 : memref<1x50x64xf32, #tpu.memory_space<hbm>> -> memref<50x64xf32, #tpu.memory_space<hbm>>
      %dma_start3A_2618 = arith.constant 0 : i32
      %dma_start3A_2619 = arith.constant 0 : i32
      %dma_start3A_2620 = tpu.memref_slice %arg4[%add3A_2610, %dma_start3A_2618, %dma_start3A_2619] : memref<16384x50x64xf32, #tpu.memory_space<hbm>> -> memref<1x50x64xf32, #tpu.memory_space<hbm>>
      %dma_start3A_2621 = tpu.memref_squeeze %dma_start3A_2620 : memref<1x50x64xf32, #tpu.memory_space<hbm>> -> memref<50x64xf32, #tpu.memory_space<hbm>>
      %dma_start3A_2622 = arith.constant 250 : i32
      %dma_start3A_2623 = arith.constant 0 : i32
      %dma_start3A_2624 = tpu.memref_slice %arg7[%dma_start3A_2622, %dma_start3A_2623] : memref<400x64xf32, #tpu.memory_space<vmem>> -> memref<50x64xf32, #tpu.memory_space<vmem>>
      tpu.enqueue_dma source(%dma_start3A_2624 : memref<50x64xf32, #tpu.memory_space<vmem>>) target(%dma_start3A_2621 : memref<50x64xf32, #tpu.memory_space<hbm>>) target_semaphore(%arg15 : memref<!tpu.dma_semaphore, #tpu.memory_space<semaphore_mem>>)
      %mul3A_2625 = arith.constant 8 : i32
      %mul3A_2626 = arith.muli %add3A_2510, %mul3A_2625 : i32
      %add3A_2627 = arith.addi %mul3A_2, %mul3A_2626 : i32
      %add3A_2628 = arith.constant 6 : i32
      %add3A_2629 = arith.addi %add3A_2627, %add3A_2628 : i32
      %dma_start3A_2630 = arith.constant 300 : i32
      %dma_start3A_2631 = arith.constant 0 : i32
      %dma_start3A_2632 = tpu.memref_slice %arg7[%dma_start3A_2630, %dma_start3A_2631] : memref<400x64xf32, #tpu.memory_space<vmem>> -> memref<50x64xf32, #tpu.memory_space<vmem>>
      %dma_start3A_2633 = arith.constant 0 : i32
      %dma_start3A_2634 = arith.constant 0 : i32
      %dma_start3A_2635 = tpu.memref_slice %arg4[%add3A_2629, %dma_start3A_2633, %dma_start3A_2634] : memref<16384x50x64xf32, #tpu.memory_space<hbm>> -> memref<1x50x64xf32, #tpu.memory_space<hbm>>
      %dma_start3A_2636 = tpu.memref_squeeze %dma_start3A_2635 : memref<1x50x64xf32, #tpu.memory_space<hbm>> -> memref<50x64xf32, #tpu.memory_space<hbm>>
      %dma_start3A_2637 = arith.constant 0 : i32
      %dma_start3A_2638 = arith.constant 0 : i32
      %dma_start3A_2639 = tpu.memref_slice %arg4[%add3A_2629, %dma_start3A_2637, %dma_start3A_2638] : memref<16384x50x64xf32, #tpu.memory_space<hbm>> -> memref<1x50x64xf32, #tpu.memory_space<hbm>>
      %dma_start3A_2640 = tpu.memref_squeeze %dma_start3A_2639 : memref<1x50x64xf32, #tpu.memory_space<hbm>> -> memref<50x64xf32, #tpu.memory_space<hbm>>
      %dma_start3A_2641 = arith.constant 300 : i32
      %dma_start3A_2642 = arith.constant 0 : i32
      %dma_start3A_2643 = tpu.memref_slice %arg7[%dma_start3A_2641, %dma_start3A_2642] : memref<400x64xf32, #tpu.memory_space<vmem>> -> memref<50x64xf32, #tpu.memory_space<vmem>>
      tpu.enqueue_dma source(%dma_start3A_2643 : memref<50x64xf32, #tpu.memory_space<vmem>>) target(%dma_start3A_2640 : memref<50x64xf32, #tpu.memory_space<hbm>>) target_semaphore(%arg15 : memref<!tpu.dma_semaphore, #tpu.memory_space<semaphore_mem>>)
      %mul3A_2644 = arith.constant 8 : i32
      %mul3A_2645 = arith.muli %add3A_2510, %mul3A_2644 : i32
      %add3A_2646 = arith.addi %mul3A_2, %mul3A_2645 : i32
      %add3A_2647 = arith.constant 7 : i32
      %add3A_2648 = arith.addi %add3A_2646, %add3A_2647 : i32
      %dma_start3A_2649 = arith.constant 350 : i32
      %dma_start3A_2650 = arith.constant 0 : i32
      %dma_start3A_2651 = tpu.memref_slice %arg7[%dma_start3A_2649, %dma_start3A_2650] : memref<400x64xf32, #tpu.memory_space<vmem>> -> memref<50x64xf32, #tpu.memory_space<vmem>>
      %dma_start3A_2652 = arith.constant 0 : i32
      %dma_start3A_2653 = arith.constant 0 : i32
      %dma_start3A_2654 = tpu.memref_slice %arg4[%add3A_2648, %dma_start3A_2652, %dma_start3A_2653] : memref<16384x50x64xf32, #tpu.memory_space<hbm>> -> memref<1x50x64xf32, #tpu.memory_space<hbm>>
      %dma_start3A_2655 = tpu.memref_squeeze %dma_start3A_2654 : memref<1x50x64xf32, #tpu.memory_space<hbm>> -> memref<50x64xf32, #tpu.memory_space<hbm>>
      %dma_start3A_2656 = arith.constant 0 : i32
      %dma_start3A_2657 = arith.constant 0 : i32
      %dma_start3A_2658 = tpu.memref_slice %arg4[%add3A_2648, %dma_start3A_2656, %dma_start3A_2657] : memref<16384x50x64xf32, #tpu.memory_space<hbm>> -> memref<1x50x64xf32, #tpu.memory_space<hbm>>
      %dma_start3A_2659 = tpu.memref_squeeze %dma_start3A_2658 : memref<1x50x64xf32, #tpu.memory_space<hbm>> -> memref<50x64xf32, #tpu.memory_space<hbm>>
      %dma_start3A_2660 = arith.constant 350 : i32
      %dma_start3A_2661 = arith.constant 0 : i32
      %dma_start3A_2662 = tpu.memref_slice %arg7[%dma_start3A_2660, %dma_start3A_2661] : memref<400x64xf32, #tpu.memory_space<vmem>> -> memref<50x64xf32, #tpu.memory_space<vmem>>
      tpu.enqueue_dma source(%dma_start3A_2662 : memref<50x64xf32, #tpu.memory_space<vmem>>) target(%dma_start3A_2659 : memref<50x64xf32, #tpu.memory_space<hbm>>) target_semaphore(%arg15 : memref<!tpu.dma_semaphore, #tpu.memory_space<semaphore_mem>>)
      %dma_wait3A_2663 = arith.constant 0 : i32
      %dma_wait3A_2664 = arith.constant 0 : i32
      %dma_wait3A_2665 = arith.constant 0 : i32
      %dma_wait3A_2666 = tpu.memref_slice %arg9[%dma_wait3A_2664, %dma_wait3A_2665] : memref<400x64xf32, #tpu.memory_space<vmem>> -> memref<50x64xf32, #tpu.memory_space<vmem>>
      %dma_wait3A_2667 = arith.constant 0 : i32
      %dma_wait3A_2668 = arith.constant 0 : i32
      %dma_wait3A_2669 = tpu.memref_slice %arg4[%dma_wait3A_2663, %dma_wait3A_2667, %dma_wait3A_2668] : memref<16384x50x64xf32, #tpu.memory_space<hbm>> -> memref<1x50x64xf32, #tpu.memory_space<hbm>>
      %dma_wait3A_2670 = tpu.memref_squeeze %dma_wait3A_2669 : memref<1x50x64xf32, #tpu.memory_space<hbm>> -> memref<50x64xf32, #tpu.memory_space<hbm>>
      %dma_wait3A_2671 = arith.constant 0 : i32
      %dma_wait3A_2672 = arith.constant 0 : i32
      %dma_wait3A_2673 = tpu.memref_slice %arg4[%dma_wait3A_2663, %dma_wait3A_2671, %dma_wait3A_2672] : memref<16384x50x64xf32, #tpu.memory_space<hbm>> -> memref<1x50x64xf32, #tpu.memory_space<hbm>>
      %dma_wait3A_2674 = tpu.memref_squeeze %dma_wait3A_2673 : memref<1x50x64xf32, #tpu.memory_space<hbm>> -> memref<50x64xf32, #tpu.memory_space<hbm>>
      %dma_wait3A_2675 = arith.constant 0 : i32
      %dma_wait3A_2676 = arith.constant 0 : i32
      %dma_wait3A_2677 = tpu.memref_slice %arg9[%dma_wait3A_2675, %dma_wait3A_2676] : memref<400x64xf32, #tpu.memory_space<vmem>> -> memref<50x64xf32, #tpu.memory_space<vmem>>
      tpu.wait_dma2 semaphore(%arg17 : memref<!tpu.dma_semaphore, #tpu.memory_space<semaphore_mem>>) src(%dma_wait3A_2677 : memref<50x64xf32, #tpu.memory_space<vmem>>) dst(%dma_wait3A_2674 : memref<50x64xf32, #tpu.memory_space<hbm>>)
      %dma_wait3A_2678 = arith.constant 0 : i32
      %dma_wait3A_2679 = arith.constant 0 : i32
      %dma_wait3A_2680 = arith.constant 0 : i32
      %dma_wait3A_2681 = tpu.memref_slice %arg9[%dma_wait3A_2679, %dma_wait3A_2680] : memref<400x64xf32, #tpu.memory_space<vmem>> -> memref<50x64xf32, #tpu.memory_space<vmem>>
      %dma_wait3A_2682 = arith.constant 0 : i32
      %dma_wait3A_2683 = arith.constant 0 : i32
      %dma_wait3A_2684 = tpu.memref_slice %arg4[%dma_wait3A_2678, %dma_wait3A_2682, %dma_wait3A_2683] : memref<16384x50x64xf32, #tpu.memory_space<hbm>> -> memref<1x50x64xf32, #tpu.memory_space<hbm>>
      %dma_wait3A_2685 = tpu.memref_squeeze %dma_wait3A_2684 : memref<1x50x64xf32, #tpu.memory_space<hbm>> -> memref<50x64xf32, #tpu.memory_space<hbm>>
      %dma_wait3A_2686 = arith.constant 0 : i32
      %dma_wait3A_2687 = arith.constant 0 : i32
      %dma_wait3A_2688 = tpu.memref_slice %arg4[%dma_wait3A_2678, %dma_wait3A_2686, %dma_wait3A_2687] : memref<16384x50x64xf32, #tpu.memory_space<hbm>> -> memref<1x50x64xf32, #tpu.memory_space<hbm>>
      %dma_wait3A_2689 = tpu.memref_squeeze %dma_wait3A_2688 : memref<1x50x64xf32, #tpu.memory_space<hbm>> -> memref<50x64xf32, #tpu.memory_space<hbm>>
      %dma_wait3A_2690 = arith.constant 0 : i32
      %dma_wait3A_2691 = arith.constant 0 : i32
      %dma_wait3A_2692 = tpu.memref_slice %arg9[%dma_wait3A_2690, %dma_wait3A_2691] : memref<400x64xf32, #tpu.memory_space<vmem>> -> memref<50x64xf32, #tpu.memory_space<vmem>>
      tpu.wait_dma2 semaphore(%arg17 : memref<!tpu.dma_semaphore, #tpu.memory_space<semaphore_mem>>) src(%dma_wait3A_2692 : memref<50x64xf32, #tpu.memory_space<vmem>>) dst(%dma_wait3A_2689 : memref<50x64xf32, #tpu.memory_space<hbm>>)
      %dma_wait3A_2693 = arith.constant 0 : i32
      %dma_wait3A_2694 = arith.constant 0 : i32
      %dma_wait3A_2695 = arith.constant 0 : i32
      %dma_wait3A_2696 = tpu.memref_slice %arg9[%dma_wait3A_2694, %dma_wait3A_2695] : memref<400x64xf32, #tpu.memory_space<vmem>> -> memref<50x64xf32, #tpu.memory_space<vmem>>
      %dma_wait3A_2697 = arith.constant 0 : i32
      %dma_wait3A_2698 = arith.constant 0 : i32
      %dma_wait3A_2699 = tpu.memref_slice %arg4[%dma_wait3A_2693, %dma_wait3A_2697, %dma_wait3A_2698] : memref<16384x50x64xf32, #tpu.memory_space<hbm>> -> memref<1x50x64xf32, #tpu.memory_space<hbm>>
      %dma_wait3A_2700 = tpu.memref_squeeze %dma_wait3A_2699 : memref<1x50x64xf32, #tpu.memory_space<hbm>> -> memref<50x64xf32, #tpu.memory_space<hbm>>
      %dma_wait3A_2701 = arith.constant 0 : i32
      %dma_wait3A_2702 = arith.constant 0 : i32
      %dma_wait3A_2703 = tpu.memref_slice %arg4[%dma_wait3A_2693, %dma_wait3A_2701, %dma_wait3A_2702] : memref<16384x50x64xf32, #tpu.memory_space<hbm>> -> memref<1x50x64xf32, #tpu.memory_space<hbm>>
      %dma_wait3A_2704 = tpu.memref_squeeze %dma_wait3A_2703 : memref<1x50x64xf32, #tpu.memory_space<hbm>> -> memref<50x64xf32, #tpu.memory_space<hbm>>
      %dma_wait3A_2705 = arith.constant 0 : i32
      %dma_wait3A_2706 = arith.constant 0 : i32
      %dma_wait3A_2707 = tpu.memref_slice %arg9[%dma_wait3A_2705, %dma_wait3A_2706] : memref<400x64xf32, #tpu.memory_space<vmem>> -> memref<50x64xf32, #tpu.memory_space<vmem>>
      tpu.wait_dma2 semaphore(%arg17 : memref<!tpu.dma_semaphore, #tpu.memory_space<semaphore_mem>>) src(%dma_wait3A_2707 : memref<50x64xf32, #tpu.memory_space<vmem>>) dst(%dma_wait3A_2704 : memref<50x64xf32, #tpu.memory_space<hbm>>)
      %dma_wait3A_2708 = arith.constant 0 : i32
      %dma_wait3A_2709 = arith.constant 0 : i32
      %dma_wait3A_2710 = arith.constant 0 : i32
      %dma_wait3A_2711 = tpu.memref_slice %arg9[%dma_wait3A_2709, %dma_wait3A_2710] : memref<400x64xf32, #tpu.memory_space<vmem>> -> memref<50x64xf32, #tpu.memory_space<vmem>>
      %dma_wait3A_2712 = arith.constant 0 : i32
      %dma_wait3A_2713 = arith.constant 0 : i32
      %dma_wait3A_2714 = tpu.memref_slice %arg4[%dma_wait3A_2708, %dma_wait3A_2712, %dma_wait3A_2713] : memref<16384x50x64xf32, #tpu.memory_space<hbm>> -> memref<1x50x64xf32, #tpu.memory_space<hbm>>
      %dma_wait3A_2715 = tpu.memref_squeeze %dma_wait3A_2714 : memref<1x50x64xf32, #tpu.memory_space<hbm>> -> memref<50x64xf32, #tpu.memory_space<hbm>>
      %dma_wait3A_2716 = arith.constant 0 : i32
      %dma_wait3A_2717 = arith.constant 0 : i32
      %dma_wait3A_2718 = tpu.memref_slice %arg4[%dma_wait3A_2708, %dma_wait3A_2716, %dma_wait3A_2717] : memref<16384x50x64xf32, #tpu.memory_space<hbm>> -> memref<1x50x64xf32, #tpu.memory_space<hbm>>
      %dma_wait3A_2719 = tpu.memref_squeeze %dma_wait3A_2718 : memref<1x50x64xf32, #tpu.memory_space<hbm>> -> memref<50x64xf32, #tpu.memory_space<hbm>>
      %dma_wait3A_2720 = arith.constant 0 : i32
      %dma_wait3A_2721 = arith.constant 0 : i32
      %dma_wait3A_2722 = tpu.memref_slice %arg9[%dma_wait3A_2720, %dma_wait3A_2721] : memref<400x64xf32, #tpu.memory_space<vmem>> -> memref<50x64xf32, #tpu.memory_space<vmem>>
      tpu.wait_dma2 semaphore(%arg17 : memref<!tpu.dma_semaphore, #tpu.memory_space<semaphore_mem>>) src(%dma_wait3A_2722 : memref<50x64xf32, #tpu.memory_space<vmem>>) dst(%dma_wait3A_2719 : memref<50x64xf32, #tpu.memory_space<hbm>>)
      %dma_wait3A_2723 = arith.constant 0 : i32
      %dma_wait3A_2724 = arith.constant 0 : i32
      %dma_wait3A_2725 = arith.constant 0 : i32
      %dma_wait3A_2726 = tpu.memref_slice %arg9[%dma_wait3A_2724, %dma_wait3A_2725] : memref<400x64xf32, #tpu.memory_space<vmem>> -> memref<50x64xf32, #tpu.memory_space<vmem>>
      %dma_wait3A_2727 = arith.constant 0 : i32
      %dma_wait3A_2728 = arith.constant 0 : i32
      %dma_wait3A_2729 = tpu.memref_slice %arg4[%dma_wait3A_2723, %dma_wait3A_2727, %dma_wait3A_2728] : memref<16384x50x64xf32, #tpu.memory_space<hbm>> -> memref<1x50x64xf32, #tpu.memory_space<hbm>>
      %dma_wait3A_2730 = tpu.memref_squeeze %dma_wait3A_2729 : memref<1x50x64xf32, #tpu.memory_space<hbm>> -> memref<50x64xf32, #tpu.memory_space<hbm>>
      %dma_wait3A_2731 = arith.constant 0 : i32
      %dma_wait3A_2732 = arith.constant 0 : i32
      %dma_wait3A_2733 = tpu.memref_slice %arg4[%dma_wait3A_2723, %dma_wait3A_2731, %dma_wait3A_2732] : memref<16384x50x64xf32, #tpu.memory_space<hbm>> -> memref<1x50x64xf32, #tpu.memory_space<hbm>>
      %dma_wait3A_2734 = tpu.memref_squeeze %dma_wait3A_2733 : memref<1x50x64xf32, #tpu.memory_space<hbm>> -> memref<50x64xf32, #tpu.memory_space<hbm>>
      %dma_wait3A_2735 = arith.constant 0 : i32
      %dma_wait3A_2736 = arith.constant 0 : i32
      %dma_wait3A_2737 = tpu.memref_slice %arg9[%dma_wait3A_2735, %dma_wait3A_2736] : memref<400x64xf32, #tpu.memory_space<vmem>> -> memref<50x64xf32, #tpu.memory_space<vmem>>
      tpu.wait_dma2 semaphore(%arg17 : memref<!tpu.dma_semaphore, #tpu.memory_space<semaphore_mem>>) src(%dma_wait3A_2737 : memref<50x64xf32, #tpu.memory_space<vmem>>) dst(%dma_wait3A_2734 : memref<50x64xf32, #tpu.memory_space<hbm>>)
      %dma_wait3A_2738 = arith.constant 0 : i32
      %dma_wait3A_2739 = arith.constant 0 : i32
      %dma_wait3A_2740 = arith.constant 0 : i32
      %dma_wait3A_2741 = tpu.memref_slice %arg9[%dma_wait3A_2739, %dma_wait3A_2740] : memref<400x64xf32, #tpu.memory_space<vmem>> -> memref<50x64xf32, #tpu.memory_space<vmem>>
      %dma_wait3A_2742 = arith.constant 0 : i32
      %dma_wait3A_2743 = arith.constant 0 : i32
      %dma_wait3A_2744 = tpu.memref_slice %arg4[%dma_wait3A_2738, %dma_wait3A_2742, %dma_wait3A_2743] : memref<16384x50x64xf32, #tpu.memory_space<hbm>> -> memref<1x50x64xf32, #tpu.memory_space<hbm>>
      %dma_wait3A_2745 = tpu.memref_squeeze %dma_wait3A_2744 : memref<1x50x64xf32, #tpu.memory_space<hbm>> -> memref<50x64xf32, #tpu.memory_space<hbm>>
      %dma_wait3A_2746 = arith.constant 0 : i32
      %dma_wait3A_2747 = arith.constant 0 : i32
      %dma_wait3A_2748 = tpu.memref_slice %arg4[%dma_wait3A_2738, %dma_wait3A_2746, %dma_wait3A_2747] : memref<16384x50x64xf32, #tpu.memory_space<hbm>> -> memref<1x50x64xf32, #tpu.memory_space<hbm>>
      %dma_wait3A_2749 = tpu.memref_squeeze %dma_wait3A_2748 : memref<1x50x64xf32, #tpu.memory_space<hbm>> -> memref<50x64xf32, #tpu.memory_space<hbm>>
      %dma_wait3A_2750 = arith.constant 0 : i32
      %dma_wait3A_2751 = arith.constant 0 : i32
      %dma_wait3A_2752 = tpu.memref_slice %arg9[%dma_wait3A_2750, %dma_wait3A_2751] : memref<400x64xf32, #tpu.memory_space<vmem>> -> memref<50x64xf32, #tpu.memory_space<vmem>>
      tpu.wait_dma2 semaphore(%arg17 : memref<!tpu.dma_semaphore, #tpu.memory_space<semaphore_mem>>) src(%dma_wait3A_2752 : memref<50x64xf32, #tpu.memory_space<vmem>>) dst(%dma_wait3A_2749 : memref<50x64xf32, #tpu.memory_space<hbm>>)
      %dma_wait3A_2753 = arith.constant 0 : i32
      %dma_wait3A_2754 = arith.constant 0 : i32
      %dma_wait3A_2755 = arith.constant 0 : i32
      %dma_wait3A_2756 = tpu.memref_slice %arg9[%dma_wait3A_2754, %dma_wait3A_2755] : memref<400x64xf32, #tpu.memory_space<vmem>> -> memref<50x64xf32, #tpu.memory_space<vmem>>
      %dma_wait3A_2757 = arith.constant 0 : i32
      %dma_wait3A_2758 = arith.constant 0 : i32
      %dma_wait3A_2759 = tpu.memref_slice %arg4[%dma_wait3A_2753, %dma_wait3A_2757, %dma_wait3A_2758] : memref<16384x50x64xf32, #tpu.memory_space<hbm>> -> memref<1x50x64xf32, #tpu.memory_space<hbm>>
      %dma_wait3A_2760 = tpu.memref_squeeze %dma_wait3A_2759 : memref<1x50x64xf32, #tpu.memory_space<hbm>> -> memref<50x64xf32, #tpu.memory_space<hbm>>
      %dma_wait3A_2761 = arith.constant 0 : i32
      %dma_wait3A_2762 = arith.constant 0 : i32
      %dma_wait3A_2763 = tpu.memref_slice %arg4[%dma_wait3A_2753, %dma_wait3A_2761, %dma_wait3A_2762] : memref<16384x50x64xf32, #tpu.memory_space<hbm>> -> memref<1x50x64xf32, #tpu.memory_space<hbm>>
      %dma_wait3A_2764 = tpu.memref_squeeze %dma_wait3A_2763 : memref<1x50x64xf32, #tpu.memory_space<hbm>> -> memref<50x64xf32, #tpu.memory_space<hbm>>
      %dma_wait3A_2765 = arith.constant 0 : i32
      %dma_wait3A_2766 = arith.constant 0 : i32
      %dma_wait3A_2767 = tpu.memref_slice %arg9[%dma_wait3A_2765, %dma_wait3A_2766] : memref<400x64xf32, #tpu.memory_space<vmem>> -> memref<50x64xf32, #tpu.memory_space<vmem>>
      tpu.wait_dma2 semaphore(%arg17 : memref<!tpu.dma_semaphore, #tpu.memory_space<semaphore_mem>>) src(%dma_wait3A_2767 : memref<50x64xf32, #tpu.memory_space<vmem>>) dst(%dma_wait3A_2764 : memref<50x64xf32, #tpu.memory_space<hbm>>)
      %dma_wait3A_2768 = arith.constant 0 : i32
      %dma_wait3A_2769 = arith.constant 0 : i32
      %dma_wait3A_2770 = arith.constant 0 : i32
      %dma_wait3A_2771 = tpu.memref_slice %arg9[%dma_wait3A_2769, %dma_wait3A_2770] : memref<400x64xf32, #tpu.memory_space<vmem>> -> memref<50x64xf32, #tpu.memory_space<vmem>>
      %dma_wait3A_2772 = arith.constant 0 : i32
      %dma_wait3A_2773 = arith.constant 0 : i32
      %dma_wait3A_2774 = tpu.memref_slice %arg4[%dma_wait3A_2768, %dma_wait3A_2772, %dma_wait3A_2773] : memref<16384x50x64xf32, #tpu.memory_space<hbm>> -> memref<1x50x64xf32, #tpu.memory_space<hbm>>
      %dma_wait3A_2775 = tpu.memref_squeeze %dma_wait3A_2774 : memref<1x50x64xf32, #tpu.memory_space<hbm>> -> memref<50x64xf32, #tpu.memory_space<hbm>>
      %dma_wait3A_2776 = arith.constant 0 : i32
      %dma_wait3A_2777 = arith.constant 0 : i32
      %dma_wait3A_2778 = tpu.memref_slice %arg4[%dma_wait3A_2768, %dma_wait3A_2776, %dma_wait3A_2777] : memref<16384x50x64xf32, #tpu.memory_space<hbm>> -> memref<1x50x64xf32, #tpu.memory_space<hbm>>
      %dma_wait3A_2779 = tpu.memref_squeeze %dma_wait3A_2778 : memref<1x50x64xf32, #tpu.memory_space<hbm>> -> memref<50x64xf32, #tpu.memory_space<hbm>>
      %dma_wait3A_2780 = arith.constant 0 : i32
      %dma_wait3A_2781 = arith.constant 0 : i32
      %dma_wait3A_2782 = tpu.memref_slice %arg9[%dma_wait3A_2780, %dma_wait3A_2781] : memref<400x64xf32, #tpu.memory_space<vmem>> -> memref<50x64xf32, #tpu.memory_space<vmem>>
      tpu.wait_dma2 semaphore(%arg17 : memref<!tpu.dma_semaphore, #tpu.memory_space<semaphore_mem>>) src(%dma_wait3A_2782 : memref<50x64xf32, #tpu.memory_space<vmem>>) dst(%dma_wait3A_2779 : memref<50x64xf32, #tpu.memory_space<hbm>>)
      %add3A_2783 = arith.constant 1 : i32
      %add3A_2784 = arith.addi %mul3A_2212, %add3A_2783 : i32
      %add3A_2785 = arith.constant 2 : i32
      %add3A_2786 = arith.addi %add3A_2784, %add3A_2785 : i32
      %mul3A_2787 = arith.constant 400 : i32
      %mul3A_2788 = arith.muli %add3A_2786, %mul3A_2787 : i32
      %dma_start3A_2789 = tpu.memref_slice %arg5[%mul3A_2788] : memref<25600xi32, #tpu.memory_space<vmem>> -> memref<400xi32, #tpu.memory_space<vmem>>
      %dma_start3A_2790 = arith.constant 0 : i32
      %dma_start3A_2791 = arith.constant 0 : i32
      %dma_start3A_2792 = tpu.memref_slice %arg2[%dma_start3A_2790, %dma_start3A_2791] : memref<1000000x64xf32, #tpu.memory_space<hbm>> -> memref<1000000x64xf32, #tpu.memory_space<hbm>>
      tpu.enqueue_indirect_dma source(%dma_start3A_2792 : memref<1000000x64xf32, #tpu.memory_space<hbm>>) target(%arg9 : memref<400x64xf32, #tpu.memory_space<vmem>>) offsets(%dma_start3A_2789 : memref<400xi32, #tpu.memory_space<vmem>>) semaphore(%arg13 : memref<!tpu.dma_semaphore, #tpu.memory_space<semaphore_mem>>)
      %dma_wait3A_2793 = arith.constant 0 : i32
      %dma_wait3A_2794 = arith.constant 0 : i32
      %dma_wait3A_2795 = tpu.memref_slice %arg2[%dma_wait3A_2793, %dma_wait3A_2794] : memref<1000000x64xf32, #tpu.memory_space<hbm>> -> memref<400x64xf32, #tpu.memory_space<hbm>>
      %dma_wait3A_2796 = arith.constant 0 : i32
      %dma_wait3A_2797 = arith.constant 0 : i32
      %dma_wait3A_2798 = tpu.memref_slice %arg2[%dma_wait3A_2796, %dma_wait3A_2797] : memref<1000000x64xf32, #tpu.memory_space<hbm>> -> memref<400x64xf32, #tpu.memory_space<hbm>>
      tpu.wait_dma2 semaphore(%arg12 : memref<!tpu.dma_semaphore, #tpu.memory_space<semaphore_mem>>) src(%dma_wait3A_2798 : memref<400x64xf32, #tpu.memory_space<hbm>>) dst(%arg8 : memref<400x64xf32, #tpu.memory_space<vmem>>)
      %add3A_2799 = arith.constant 2 : i32
      %add3A_2800 = arith.addi %mul3A_2212, %add3A_2799 : i32
      %mul3A_2801 = arith.constant 8 : i32
      %mul3A_2802 = arith.muli %add3A_2800, %mul3A_2801 : i32
      %add3A_2803 = arith.addi %mul3A_2, %mul3A_2802 : i32
      %add3A_2804 = arith.constant 0 : i32
      %add3A_2805 = arith.addi %add3A_2803, %add3A_2804 : i32
      %dma_start3A_2806 = arith.constant 0 : i32
      %dma_start3A_2807 = arith.constant 0 : i32
      %dma_start3A_2808 = tpu.memref_slice %arg8[%dma_start3A_2806, %dma_start3A_2807] : memref<400x64xf32, #tpu.memory_space<vmem>> -> memref<50x64xf32, #tpu.memory_space<vmem>>
      %dma_start3A_2809 = arith.constant 0 : i32
      %dma_start3A_2810 = arith.constant 0 : i32
      %dma_start3A_2811 = tpu.memref_slice %arg4[%add3A_2805, %dma_start3A_2809, %dma_start3A_2810] : memref<16384x50x64xf32, #tpu.memory_space<hbm>> -> memref<1x50x64xf32, #tpu.memory_space<hbm>>
      %dma_start3A_2812 = tpu.memref_squeeze %dma_start3A_2811 : memref<1x50x64xf32, #tpu.memory_space<hbm>> -> memref<50x64xf32, #tpu.memory_space<hbm>>
      %dma_start3A_2813 = arith.constant 0 : i32
      %dma_start3A_2814 = arith.constant 0 : i32
      %dma_start3A_2815 = tpu.memref_slice %arg4[%add3A_2805, %dma_start3A_2813, %dma_start3A_2814] : memref<16384x50x64xf32, #tpu.memory_space<hbm>> -> memref<1x50x64xf32, #tpu.memory_space<hbm>>
      %dma_start3A_2816 = tpu.memref_squeeze %dma_start3A_2815 : memref<1x50x64xf32, #tpu.memory_space<hbm>> -> memref<50x64xf32, #tpu.memory_space<hbm>>
      %dma_start3A_2817 = arith.constant 0 : i32
      %dma_start3A_2818 = arith.constant 0 : i32
      %dma_start3A_2819 = tpu.memref_slice %arg8[%dma_start3A_2817, %dma_start3A_2818] : memref<400x64xf32, #tpu.memory_space<vmem>> -> memref<50x64xf32, #tpu.memory_space<vmem>>
      tpu.enqueue_dma source(%dma_start3A_2819 : memref<50x64xf32, #tpu.memory_space<vmem>>) target(%dma_start3A_2816 : memref<50x64xf32, #tpu.memory_space<hbm>>) target_semaphore(%arg16 : memref<!tpu.dma_semaphore, #tpu.memory_space<semaphore_mem>>)
      %mul3A_2820 = arith.constant 8 : i32
      %mul3A_2821 = arith.muli %add3A_2800, %mul3A_2820 : i32
      %add3A_2822 = arith.addi %mul3A_2, %mul3A_2821 : i32
      %add3A_2823 = arith.constant 1 : i32
      %add3A_2824 = arith.addi %add3A_2822, %add3A_2823 : i32
      %dma_start3A_2825 = arith.constant 50 : i32
      %dma_start3A_2826 = arith.constant 0 : i32
      %dma_start3A_2827 = tpu.memref_slice %arg8[%dma_start3A_2825, %dma_start3A_2826] : memref<400x64xf32, #tpu.memory_space<vmem>> -> memref<50x64xf32, #tpu.memory_space<vmem>>
      %dma_start3A_2828 = arith.constant 0 : i32
      %dma_start3A_2829 = arith.constant 0 : i32
      %dma_start3A_2830 = tpu.memref_slice %arg4[%add3A_2824, %dma_start3A_2828, %dma_start3A_2829] : memref<16384x50x64xf32, #tpu.memory_space<hbm>> -> memref<1x50x64xf32, #tpu.memory_space<hbm>>
      %dma_start3A_2831 = tpu.memref_squeeze %dma_start3A_2830 : memref<1x50x64xf32, #tpu.memory_space<hbm>> -> memref<50x64xf32, #tpu.memory_space<hbm>>
      %dma_start3A_2832 = arith.constant 0 : i32
      %dma_start3A_2833 = arith.constant 0 : i32
      %dma_start3A_2834 = tpu.memref_slice %arg4[%add3A_2824, %dma_start3A_2832, %dma_start3A_2833] : memref<16384x50x64xf32, #tpu.memory_space<hbm>> -> memref<1x50x64xf32, #tpu.memory_space<hbm>>
      %dma_start3A_2835 = tpu.memref_squeeze %dma_start3A_2834 : memref<1x50x64xf32, #tpu.memory_space<hbm>> -> memref<50x64xf32, #tpu.memory_space<hbm>>
      %dma_start3A_2836 = arith.constant 50 : i32
      %dma_start3A_2837 = arith.constant 0 : i32
      %dma_start3A_2838 = tpu.memref_slice %arg8[%dma_start3A_2836, %dma_start3A_2837] : memref<400x64xf32, #tpu.memory_space<vmem>> -> memref<50x64xf32, #tpu.memory_space<vmem>>
      tpu.enqueue_dma source(%dma_start3A_2838 : memref<50x64xf32, #tpu.memory_space<vmem>>) target(%dma_start3A_2835 : memref<50x64xf32, #tpu.memory_space<hbm>>) target_semaphore(%arg16 : memref<!tpu.dma_semaphore, #tpu.memory_space<semaphore_mem>>)
      %mul3A_2839 = arith.constant 8 : i32
      %mul3A_2840 = arith.muli %add3A_2800, %mul3A_2839 : i32
      %add3A_2841 = arith.addi %mul3A_2, %mul3A_2840 : i32
      %add3A_2842 = arith.constant 2 : i32
      %add3A_2843 = arith.addi %add3A_2841, %add3A_2842 : i32
      %dma_start3A_2844 = arith.constant 100 : i32
      %dma_start3A_2845 = arith.constant 0 : i32
      %dma_start3A_2846 = tpu.memref_slice %arg8[%dma_start3A_2844, %dma_start3A_2845] : memref<400x64xf32, #tpu.memory_space<vmem>> -> memref<50x64xf32, #tpu.memory_space<vmem>>
      %dma_start3A_2847 = arith.constant 0 : i32
      %dma_start3A_2848 = arith.constant 0 : i32
      %dma_start3A_2849 = tpu.memref_slice %arg4[%add3A_2843, %dma_start3A_2847, %dma_start3A_2848] : memref<16384x50x64xf32, #tpu.memory_space<hbm>> -> memref<1x50x64xf32, #tpu.memory_space<hbm>>
      %dma_start3A_2850 = tpu.memref_squeeze %dma_start3A_2849 : memref<1x50x64xf32, #tpu.memory_space<hbm>> -> memref<50x64xf32, #tpu.memory_space<hbm>>
      %dma_start3A_2851 = arith.constant 0 : i32
      %dma_start3A_2852 = arith.constant 0 : i32
      %dma_start3A_2853 = tpu.memref_slice %arg4[%add3A_2843, %dma_start3A_2851, %dma_start3A_2852] : memref<16384x50x64xf32, #tpu.memory_space<hbm>> -> memref<1x50x64xf32, #tpu.memory_space<hbm>>
      %dma_start3A_2854 = tpu.memref_squeeze %dma_start3A_2853 : memref<1x50x64xf32, #tpu.memory_space<hbm>> -> memref<50x64xf32, #tpu.memory_space<hbm>>
      %dma_start3A_2855 = arith.constant 100 : i32
      %dma_start3A_2856 = arith.constant 0 : i32
      %dma_start3A_2857 = tpu.memref_slice %arg8[%dma_start3A_2855, %dma_start3A_2856] : memref<400x64xf32, #tpu.memory_space<vmem>> -> memref<50x64xf32, #tpu.memory_space<vmem>>
      tpu.enqueue_dma source(%dma_start3A_2857 : memref<50x64xf32, #tpu.memory_space<vmem>>) target(%dma_start3A_2854 : memref<50x64xf32, #tpu.memory_space<hbm>>) target_semaphore(%arg16 : memref<!tpu.dma_semaphore, #tpu.memory_space<semaphore_mem>>)
      %mul3A_2858 = arith.constant 8 : i32
      %mul3A_2859 = arith.muli %add3A_2800, %mul3A_2858 : i32
      %add3A_2860 = arith.addi %mul3A_2, %mul3A_2859 : i32
      %add3A_2861 = arith.constant 3 : i32
      %add3A_2862 = arith.addi %add3A_2860, %add3A_2861 : i32
      %dma_start3A_2863 = arith.constant 150 : i32
      %dma_start3A_2864 = arith.constant 0 : i32
      %dma_start3A_2865 = tpu.memref_slice %arg8[%dma_start3A_2863, %dma_start3A_2864] : memref<400x64xf32, #tpu.memory_space<vmem>> -> memref<50x64xf32, #tpu.memory_space<vmem>>
      %dma_start3A_2866 = arith.constant 0 : i32
      %dma_start3A_2867 = arith.constant 0 : i32
      %dma_start3A_2868 = tpu.memref_slice %arg4[%add3A_2862, %dma_start3A_2866, %dma_start3A_2867] : memref<16384x50x64xf32, #tpu.memory_space<hbm>> -> memref<1x50x64xf32, #tpu.memory_space<hbm>>
      %dma_start3A_2869 = tpu.memref_squeeze %dma_start3A_2868 : memref<1x50x64xf32, #tpu.memory_space<hbm>> -> memref<50x64xf32, #tpu.memory_space<hbm>>
      %dma_start3A_2870 = arith.constant 0 : i32
      %dma_start3A_2871 = arith.constant 0 : i32
      %dma_start3A_2872 = tpu.memref_slice %arg4[%add3A_2862, %dma_start3A_2870, %dma_start3A_2871] : memref<16384x50x64xf32, #tpu.memory_space<hbm>> -> memref<1x50x64xf32, #tpu.memory_space<hbm>>
      %dma_start3A_2873 = tpu.memref_squeeze %dma_start3A_2872 : memref<1x50x64xf32, #tpu.memory_space<hbm>> -> memref<50x64xf32, #tpu.memory_space<hbm>>
      %dma_start3A_2874 = arith.constant 150 : i32
      %dma_start3A_2875 = arith.constant 0 : i32
      %dma_start3A_2876 = tpu.memref_slice %arg8[%dma_start3A_2874, %dma_start3A_2875] : memref<400x64xf32, #tpu.memory_space<vmem>> -> memref<50x64xf32, #tpu.memory_space<vmem>>
      tpu.enqueue_dma source(%dma_start3A_2876 : memref<50x64xf32, #tpu.memory_space<vmem>>) target(%dma_start3A_2873 : memref<50x64xf32, #tpu.memory_space<hbm>>) target_semaphore(%arg16 : memref<!tpu.dma_semaphore, #tpu.memory_space<semaphore_mem>>)
      %mul3A_2877 = arith.constant 8 : i32
      %mul3A_2878 = arith.muli %add3A_2800, %mul3A_2877 : i32
      %add3A_2879 = arith.addi %mul3A_2, %mul3A_2878 : i32
      %add3A_2880 = arith.constant 4 : i32
      %add3A_2881 = arith.addi %add3A_2879, %add3A_2880 : i32
      %dma_start3A_2882 = arith.constant 200 : i32
      %dma_start3A_2883 = arith.constant 0 : i32
      %dma_start3A_2884 = tpu.memref_slice %arg8[%dma_start3A_2882, %dma_start3A_2883] : memref<400x64xf32, #tpu.memory_space<vmem>> -> memref<50x64xf32, #tpu.memory_space<vmem>>
      %dma_start3A_2885 = arith.constant 0 : i32
      %dma_start3A_2886 = arith.constant 0 : i32
      %dma_start3A_2887 = tpu.memref_slice %arg4[%add3A_2881, %dma_start3A_2885, %dma_start3A_2886] : memref<16384x50x64xf32, #tpu.memory_space<hbm>> -> memref<1x50x64xf32, #tpu.memory_space<hbm>>
      %dma_start3A_2888 = tpu.memref_squeeze %dma_start3A_2887 : memref<1x50x64xf32, #tpu.memory_space<hbm>> -> memref<50x64xf32, #tpu.memory_space<hbm>>
      %dma_start3A_2889 = arith.constant 0 : i32
      %dma_start3A_2890 = arith.constant 0 : i32
      %dma_start3A_2891 = tpu.memref_slice %arg4[%add3A_2881, %dma_start3A_2889, %dma_start3A_2890] : memref<16384x50x64xf32, #tpu.memory_space<hbm>> -> memref<1x50x64xf32, #tpu.memory_space<hbm>>
      %dma_start3A_2892 = tpu.memref_squeeze %dma_start3A_2891 : memref<1x50x64xf32, #tpu.memory_space<hbm>> -> memref<50x64xf32, #tpu.memory_space<hbm>>
      %dma_start3A_2893 = arith.constant 200 : i32
      %dma_start3A_2894 = arith.constant 0 : i32
      %dma_start3A_2895 = tpu.memref_slice %arg8[%dma_start3A_2893, %dma_start3A_2894] : memref<400x64xf32, #tpu.memory_space<vmem>> -> memref<50x64xf32, #tpu.memory_space<vmem>>
      tpu.enqueue_dma source(%dma_start3A_2895 : memref<50x64xf32, #tpu.memory_space<vmem>>) target(%dma_start3A_2892 : memref<50x64xf32, #tpu.memory_space<hbm>>) target_semaphore(%arg16 : memref<!tpu.dma_semaphore, #tpu.memory_space<semaphore_mem>>)
      %mul3A_2896 = arith.constant 8 : i32
      %mul3A_2897 = arith.muli %add3A_2800, %mul3A_2896 : i32
      %add3A_2898 = arith.addi %mul3A_2, %mul3A_2897 : i32
      %add3A_2899 = arith.constant 5 : i32
      %add3A_2900 = arith.addi %add3A_2898, %add3A_2899 : i32
      %dma_start3A_2901 = arith.constant 250 : i32
      %dma_start3A_2902 = arith.constant 0 : i32
      %dma_start3A_2903 = tpu.memref_slice %arg8[%dma_start3A_2901, %dma_start3A_2902] : memref<400x64xf32, #tpu.memory_space<vmem>> -> memref<50x64xf32, #tpu.memory_space<vmem>>
      %dma_start3A_2904 = arith.constant 0 : i32
      %dma_start3A_2905 = arith.constant 0 : i32
      %dma_start3A_2906 = tpu.memref_slice %arg4[%add3A_2900, %dma_start3A_2904, %dma_start3A_2905] : memref<16384x50x64xf32, #tpu.memory_space<hbm>> -> memref<1x50x64xf32, #tpu.memory_space<hbm>>
      %dma_start3A_2907 = tpu.memref_squeeze %dma_start3A_2906 : memref<1x50x64xf32, #tpu.memory_space<hbm>> -> memref<50x64xf32, #tpu.memory_space<hbm>>
      %dma_start3A_2908 = arith.constant 0 : i32
      %dma_start3A_2909 = arith.constant 0 : i32
      %dma_start3A_2910 = tpu.memref_slice %arg4[%add3A_2900, %dma_start3A_2908, %dma_start3A_2909] : memref<16384x50x64xf32, #tpu.memory_space<hbm>> -> memref<1x50x64xf32, #tpu.memory_space<hbm>>
      %dma_start3A_2911 = tpu.memref_squeeze %dma_start3A_2910 : memref<1x50x64xf32, #tpu.memory_space<hbm>> -> memref<50x64xf32, #tpu.memory_space<hbm>>
      %dma_start3A_2912 = arith.constant 250 : i32
      %dma_start3A_2913 = arith.constant 0 : i32
      %dma_start3A_2914 = tpu.memref_slice %arg8[%dma_start3A_2912, %dma_start3A_2913] : memref<400x64xf32, #tpu.memory_space<vmem>> -> memref<50x64xf32, #tpu.memory_space<vmem>>
      tpu.enqueue_dma source(%dma_start3A_2914 : memref<50x64xf32, #tpu.memory_space<vmem>>) target(%dma_start3A_2911 : memref<50x64xf32, #tpu.memory_space<hbm>>) target_semaphore(%arg16 : memref<!tpu.dma_semaphore, #tpu.memory_space<semaphore_mem>>)
      %mul3A_2915 = arith.constant 8 : i32
      %mul3A_2916 = arith.muli %add3A_2800, %mul3A_2915 : i32
      %add3A_2917 = arith.addi %mul3A_2, %mul3A_2916 : i32
      %add3A_2918 = arith.constant 6 : i32
      %add3A_2919 = arith.addi %add3A_2917, %add3A_2918 : i32
      %dma_start3A_2920 = arith.constant 300 : i32
      %dma_start3A_2921 = arith.constant 0 : i32
      %dma_start3A_2922 = tpu.memref_slice %arg8[%dma_start3A_2920, %dma_start3A_2921] : memref<400x64xf32, #tpu.memory_space<vmem>> -> memref<50x64xf32, #tpu.memory_space<vmem>>
      %dma_start3A_2923 = arith.constant 0 : i32
      %dma_start3A_2924 = arith.constant 0 : i32
      %dma_start3A_2925 = tpu.memref_slice %arg4[%add3A_2919, %dma_start3A_2923, %dma_start3A_2924] : memref<16384x50x64xf32, #tpu.memory_space<hbm>> -> memref<1x50x64xf32, #tpu.memory_space<hbm>>
      %dma_start3A_2926 = tpu.memref_squeeze %dma_start3A_2925 : memref<1x50x64xf32, #tpu.memory_space<hbm>> -> memref<50x64xf32, #tpu.memory_space<hbm>>
      %dma_start3A_2927 = arith.constant 0 : i32
      %dma_start3A_2928 = arith.constant 0 : i32
      %dma_start3A_2929 = tpu.memref_slice %arg4[%add3A_2919, %dma_start3A_2927, %dma_start3A_2928] : memref<16384x50x64xf32, #tpu.memory_space<hbm>> -> memref<1x50x64xf32, #tpu.memory_space<hbm>>
      %dma_start3A_2930 = tpu.memref_squeeze %dma_start3A_2929 : memref<1x50x64xf32, #tpu.memory_space<hbm>> -> memref<50x64xf32, #tpu.memory_space<hbm>>
      %dma_start3A_2931 = arith.constant 300 : i32
      %dma_start3A_2932 = arith.constant 0 : i32
      %dma_start3A_2933 = tpu.memref_slice %arg8[%dma_start3A_2931, %dma_start3A_2932] : memref<400x64xf32, #tpu.memory_space<vmem>> -> memref<50x64xf32, #tpu.memory_space<vmem>>
      tpu.enqueue_dma source(%dma_start3A_2933 : memref<50x64xf32, #tpu.memory_space<vmem>>) target(%dma_start3A_2930 : memref<50x64xf32, #tpu.memory_space<hbm>>) target_semaphore(%arg16 : memref<!tpu.dma_semaphore, #tpu.memory_space<semaphore_mem>>)
      %mul3A_2934 = arith.constant 8 : i32
      %mul3A_2935 = arith.muli %add3A_2800, %mul3A_2934 : i32
      %add3A_2936 = arith.addi %mul3A_2, %mul3A_2935 : i32
      %add3A_2937 = arith.constant 7 : i32
      %add3A_2938 = arith.addi %add3A_2936, %add3A_2937 : i32
      %dma_start3A_2939 = arith.constant 350 : i32
      %dma_start3A_2940 = arith.constant 0 : i32
      %dma_start3A_2941 = tpu.memref_slice %arg8[%dma_start3A_2939, %dma_start3A_2940] : memref<400x64xf32, #tpu.memory_space<vmem>> -> memref<50x64xf32, #tpu.memory_space<vmem>>
      %dma_start3A_2942 = arith.constant 0 : i32
      %dma_start3A_2943 = arith.constant 0 : i32
      %dma_start3A_2944 = tpu.memref_slice %arg4[%add3A_2938, %dma_start3A_2942, %dma_start3A_2943] : memref<16384x50x64xf32, #tpu.memory_space<hbm>> -> memref<1x50x64xf32, #tpu.memory_space<hbm>>
      %dma_start3A_2945 = tpu.memref_squeeze %dma_start3A_2944 : memref<1x50x64xf32, #tpu.memory_space<hbm>> -> memref<50x64xf32, #tpu.memory_space<hbm>>
      %dma_start3A_2946 = arith.constant 0 : i32
      %dma_start3A_2947 = arith.constant 0 : i32
      %dma_start3A_2948 = tpu.memref_slice %arg4[%add3A_2938, %dma_start3A_2946, %dma_start3A_2947] : memref<16384x50x64xf32, #tpu.memory_space<hbm>> -> memref<1x50x64xf32, #tpu.memory_space<hbm>>
      %dma_start3A_2949 = tpu.memref_squeeze %dma_start3A_2948 : memref<1x50x64xf32, #tpu.memory_space<hbm>> -> memref<50x64xf32, #tpu.memory_space<hbm>>
      %dma_start3A_2950 = arith.constant 350 : i32
      %dma_start3A_2951 = arith.constant 0 : i32
      %dma_start3A_2952 = tpu.memref_slice %arg8[%dma_start3A_2950, %dma_start3A_2951] : memref<400x64xf32, #tpu.memory_space<vmem>> -> memref<50x64xf32, #tpu.memory_space<vmem>>
      tpu.enqueue_dma source(%dma_start3A_2952 : memref<50x64xf32, #tpu.memory_space<vmem>>) target(%dma_start3A_2949 : memref<50x64xf32, #tpu.memory_space<hbm>>) target_semaphore(%arg16 : memref<!tpu.dma_semaphore, #tpu.memory_space<semaphore_mem>>)
      %dma_wait3A_2953 = arith.constant 0 : i32
      %dma_wait3A_2954 = arith.constant 0 : i32
      %dma_wait3A_2955 = arith.constant 0 : i32
      %dma_wait3A_2956 = tpu.memref_slice %arg6[%dma_wait3A_2954, %dma_wait3A_2955] : memref<400x64xf32, #tpu.memory_space<vmem>> -> memref<50x64xf32, #tpu.memory_space<vmem>>
      %dma_wait3A_2957 = arith.constant 0 : i32
      %dma_wait3A_2958 = arith.constant 0 : i32
      %dma_wait3A_2959 = tpu.memref_slice %arg4[%dma_wait3A_2953, %dma_wait3A_2957, %dma_wait3A_2958] : memref<16384x50x64xf32, #tpu.memory_space<hbm>> -> memref<1x50x64xf32, #tpu.memory_space<hbm>>
      %dma_wait3A_2960 = tpu.memref_squeeze %dma_wait3A_2959 : memref<1x50x64xf32, #tpu.memory_space<hbm>> -> memref<50x64xf32, #tpu.memory_space<hbm>>
      %dma_wait3A_2961 = arith.constant 0 : i32
      %dma_wait3A_2962 = arith.constant 0 : i32
      %dma_wait3A_2963 = tpu.memref_slice %arg4[%dma_wait3A_2953, %dma_wait3A_2961, %dma_wait3A_2962] : memref<16384x50x64xf32, #tpu.memory_space<hbm>> -> memref<1x50x64xf32, #tpu.memory_space<hbm>>
      %dma_wait3A_2964 = tpu.memref_squeeze %dma_wait3A_2963 : memref<1x50x64xf32, #tpu.memory_space<hbm>> -> memref<50x64xf32, #tpu.memory_space<hbm>>
      %dma_wait3A_2965 = arith.constant 0 : i32
      %dma_wait3A_2966 = arith.constant 0 : i32
      %dma_wait3A_2967 = tpu.memref_slice %arg6[%dma_wait3A_2965, %dma_wait3A_2966] : memref<400x64xf32, #tpu.memory_space<vmem>> -> memref<50x64xf32, #tpu.memory_space<vmem>>
      tpu.wait_dma2 semaphore(%arg14 : memref<!tpu.dma_semaphore, #tpu.memory_space<semaphore_mem>>) src(%dma_wait3A_2967 : memref<50x64xf32, #tpu.memory_space<vmem>>) dst(%dma_wait3A_2964 : memref<50x64xf32, #tpu.memory_space<hbm>>)
      %dma_wait3A_2968 = arith.constant 0 : i32
      %dma_wait3A_2969 = arith.constant 0 : i32
      %dma_wait3A_2970 = arith.constant 0 : i32
      %dma_wait3A_2971 = tpu.memref_slice %arg6[%dma_wait3A_2969, %dma_wait3A_2970] : memref<400x64xf32, #tpu.memory_space<vmem>> -> memref<50x64xf32, #tpu.memory_space<vmem>>
      %dma_wait3A_2972 = arith.constant 0 : i32
      %dma_wait3A_2973 = arith.constant 0 : i32
      %dma_wait3A_2974 = tpu.memref_slice %arg4[%dma_wait3A_2968, %dma_wait3A_2972, %dma_wait3A_2973] : memref<16384x50x64xf32, #tpu.memory_space<hbm>> -> memref<1x50x64xf32, #tpu.memory_space<hbm>>
      %dma_wait3A_2975 = tpu.memref_squeeze %dma_wait3A_2974 : memref<1x50x64xf32, #tpu.memory_space<hbm>> -> memref<50x64xf32, #tpu.memory_space<hbm>>
      %dma_wait3A_2976 = arith.constant 0 : i32
      %dma_wait3A_2977 = arith.constant 0 : i32
      %dma_wait3A_2978 = tpu.memref_slice %arg4[%dma_wait3A_2968, %dma_wait3A_2976, %dma_wait3A_2977] : memref<16384x50x64xf32, #tpu.memory_space<hbm>> -> memref<1x50x64xf32, #tpu.memory_space<hbm>>
      %dma_wait3A_2979 = tpu.memref_squeeze %dma_wait3A_2978 : memref<1x50x64xf32, #tpu.memory_space<hbm>> -> memref<50x64xf32, #tpu.memory_space<hbm>>
      %dma_wait3A_2980 = arith.constant 0 : i32
      %dma_wait3A_2981 = arith.constant 0 : i32
      %dma_wait3A_2982 = tpu.memref_slice %arg6[%dma_wait3A_2980, %dma_wait3A_2981] : memref<400x64xf32, #tpu.memory_space<vmem>> -> memref<50x64xf32, #tpu.memory_space<vmem>>
      tpu.wait_dma2 semaphore(%arg14 : memref<!tpu.dma_semaphore, #tpu.memory_space<semaphore_mem>>) src(%dma_wait3A_2982 : memref<50x64xf32, #tpu.memory_space<vmem>>) dst(%dma_wait3A_2979 : memref<50x64xf32, #tpu.memory_space<hbm>>)
      %dma_wait3A_2983 = arith.constant 0 : i32
      %dma_wait3A_2984 = arith.constant 0 : i32
      %dma_wait3A_2985 = arith.constant 0 : i32
      %dma_wait3A_2986 = tpu.memref_slice %arg6[%dma_wait3A_2984, %dma_wait3A_2985] : memref<400x64xf32, #tpu.memory_space<vmem>> -> memref<50x64xf32, #tpu.memory_space<vmem>>
      %dma_wait3A_2987 = arith.constant 0 : i32
      %dma_wait3A_2988 = arith.constant 0 : i32
      %dma_wait3A_2989 = tpu.memref_slice %arg4[%dma_wait3A_2983, %dma_wait3A_2987, %dma_wait3A_2988] : memref<16384x50x64xf32, #tpu.memory_space<hbm>> -> memref<1x50x64xf32, #tpu.memory_space<hbm>>
      %dma_wait3A_2990 = tpu.memref_squeeze %dma_wait3A_2989 : memref<1x50x64xf32, #tpu.memory_space<hbm>> -> memref<50x64xf32, #tpu.memory_space<hbm>>
      %dma_wait3A_2991 = arith.constant 0 : i32
      %dma_wait3A_2992 = arith.constant 0 : i32
      %dma_wait3A_2993 = tpu.memref_slice %arg4[%dma_wait3A_2983, %dma_wait3A_2991, %dma_wait3A_2992] : memref<16384x50x64xf32, #tpu.memory_space<hbm>> -> memref<1x50x64xf32, #tpu.memory_space<hbm>>
      %dma_wait3A_2994 = tpu.memref_squeeze %dma_wait3A_2993 : memref<1x50x64xf32, #tpu.memory_space<hbm>> -> memref<50x64xf32, #tpu.memory_space<hbm>>
      %dma_wait3A_2995 = arith.constant 0 : i32
      %dma_wait3A_2996 = arith.constant 0 : i32
      %dma_wait3A_2997 = tpu.memref_slice %arg6[%dma_wait3A_2995, %dma_wait3A_2996] : memref<400x64xf32, #tpu.memory_space<vmem>> -> memref<50x64xf32, #tpu.memory_space<vmem>>
      tpu.wait_dma2 semaphore(%arg14 : memref<!tpu.dma_semaphore, #tpu.memory_space<semaphore_mem>>) src(%dma_wait3A_2997 : memref<50x64xf32, #tpu.memory_space<vmem>>) dst(%dma_wait3A_2994 : memref<50x64xf32, #tpu.memory_space<hbm>>)
      %dma_wait3A_2998 = arith.constant 0 : i32
      %dma_wait3A_2999 = arith.constant 0 : i32
      %dma_wait3A_3000 = arith.constant 0 : i32
      %dma_wait3A_3001 = tpu.memref_slice %arg6[%dma_wait3A_2999, %dma_wait3A_3000] : memref<400x64xf32, #tpu.memory_space<vmem>> -> memref<50x64xf32, #tpu.memory_space<vmem>>
      %dma_wait3A_3002 = arith.constant 0 : i32
      %dma_wait3A_3003 = arith.constant 0 : i32
      %dma_wait3A_3004 = tpu.memref_slice %arg4[%dma_wait3A_2998, %dma_wait3A_3002, %dma_wait3A_3003] : memref<16384x50x64xf32, #tpu.memory_space<hbm>> -> memref<1x50x64xf32, #tpu.memory_space<hbm>>
      %dma_wait3A_3005 = tpu.memref_squeeze %dma_wait3A_3004 : memref<1x50x64xf32, #tpu.memory_space<hbm>> -> memref<50x64xf32, #tpu.memory_space<hbm>>
      %dma_wait3A_3006 = arith.constant 0 : i32
      %dma_wait3A_3007 = arith.constant 0 : i32
      %dma_wait3A_3008 = tpu.memref_slice %arg4[%dma_wait3A_2998, %dma_wait3A_3006, %dma_wait3A_3007] : memref<16384x50x64xf32, #tpu.memory_space<hbm>> -> memref<1x50x64xf32, #tpu.memory_space<hbm>>
      %dma_wait3A_3009 = tpu.memref_squeeze %dma_wait3A_3008 : memref<1x50x64xf32, #tpu.memory_space<hbm>> -> memref<50x64xf32, #tpu.memory_space<hbm>>
      %dma_wait3A_3010 = arith.constant 0 : i32
      %dma_wait3A_3011 = arith.constant 0 : i32
      %dma_wait3A_3012 = tpu.memref_slice %arg6[%dma_wait3A_3010, %dma_wait3A_3011] : memref<400x64xf32, #tpu.memory_space<vmem>> -> memref<50x64xf32, #tpu.memory_space<vmem>>
      tpu.wait_dma2 semaphore(%arg14 : memref<!tpu.dma_semaphore, #tpu.memory_space<semaphore_mem>>) src(%dma_wait3A_3012 : memref<50x64xf32, #tpu.memory_space<vmem>>) dst(%dma_wait3A_3009 : memref<50x64xf32, #tpu.memory_space<hbm>>)
      %dma_wait3A_3013 = arith.constant 0 : i32
      %dma_wait3A_3014 = arith.constant 0 : i32
      %dma_wait3A_3015 = arith.constant 0 : i32
      %dma_wait3A_3016 = tpu.memref_slice %arg6[%dma_wait3A_3014, %dma_wait3A_3015] : memref<400x64xf32, #tpu.memory_space<vmem>> -> memref<50x64xf32, #tpu.memory_space<vmem>>
      %dma_wait3A_3017 = arith.constant 0 : i32
      %dma_wait3A_3018 = arith.constant 0 : i32
      %dma_wait3A_3019 = tpu.memref_slice %arg4[%dma_wait3A_3013, %dma_wait3A_3017, %dma_wait3A_3018] : memref<16384x50x64xf32, #tpu.memory_space<hbm>> -> memref<1x50x64xf32, #tpu.memory_space<hbm>>
      %dma_wait3A_3020 = tpu.memref_squeeze %dma_wait3A_3019 : memref<1x50x64xf32, #tpu.memory_space<hbm>> -> memref<50x64xf32, #tpu.memory_space<hbm>>
      %dma_wait3A_3021 = arith.constant 0 : i32
      %dma_wait3A_3022 = arith.constant 0 : i32
      %dma_wait3A_3023 = tpu.memref_slice %arg4[%dma_wait3A_3013, %dma_wait3A_3021, %dma_wait3A_3022] : memref<16384x50x64xf32, #tpu.memory_space<hbm>> -> memref<1x50x64xf32, #tpu.memory_space<hbm>>
      %dma_wait3A_3024 = tpu.memref_squeeze %dma_wait3A_3023 : memref<1x50x64xf32, #tpu.memory_space<hbm>> -> memref<50x64xf32, #tpu.memory_space<hbm>>
      %dma_wait3A_3025 = arith.constant 0 : i32
      %dma_wait3A_3026 = arith.constant 0 : i32
      %dma_wait3A_3027 = tpu.memref_slice %arg6[%dma_wait3A_3025, %dma_wait3A_3026] : memref<400x64xf32, #tpu.memory_space<vmem>> -> memref<50x64xf32, #tpu.memory_space<vmem>>
      tpu.wait_dma2 semaphore(%arg14 : memref<!tpu.dma_semaphore, #tpu.memory_space<semaphore_mem>>) src(%dma_wait3A_3027 : memref<50x64xf32, #tpu.memory_space<vmem>>) dst(%dma_wait3A_3024 : memref<50x64xf32, #tpu.memory_space<hbm>>)
      %dma_wait3A_3028 = arith.constant 0 : i32
      %dma_wait3A_3029 = arith.constant 0 : i32
      %dma_wait3A_3030 = arith.constant 0 : i32
      %dma_wait3A_3031 = tpu.memref_slice %arg6[%dma_wait3A_3029, %dma_wait3A_3030] : memref<400x64xf32, #tpu.memory_space<vmem>> -> memref<50x64xf32, #tpu.memory_space<vmem>>
      %dma_wait3A_3032 = arith.constant 0 : i32
      %dma_wait3A_3033 = arith.constant 0 : i32
      %dma_wait3A_3034 = tpu.memref_slice %arg4[%dma_wait3A_3028, %dma_wait3A_3032, %dma_wait3A_3033] : memref<16384x50x64xf32, #tpu.memory_space<hbm>> -> memref<1x50x64xf32, #tpu.memory_space<hbm>>
      %dma_wait3A_3035 = tpu.memref_squeeze %dma_wait3A_3034 : memref<1x50x64xf32, #tpu.memory_space<hbm>> -> memref<50x64xf32, #tpu.memory_space<hbm>>
      %dma_wait3A_3036 = arith.constant 0 : i32
      %dma_wait3A_3037 = arith.constant 0 : i32
      %dma_wait3A_3038 = tpu.memref_slice %arg4[%dma_wait3A_3028, %dma_wait3A_3036, %dma_wait3A_3037] : memref<16384x50x64xf32, #tpu.memory_space<hbm>> -> memref<1x50x64xf32, #tpu.memory_space<hbm>>
      %dma_wait3A_3039 = tpu.memref_squeeze %dma_wait3A_3038 : memref<1x50x64xf32, #tpu.memory_space<hbm>> -> memref<50x64xf32, #tpu.memory_space<hbm>>
      %dma_wait3A_3040 = arith.constant 0 : i32
      %dma_wait3A_3041 = arith.constant 0 : i32
      %dma_wait3A_3042 = tpu.memref_slice %arg6[%dma_wait3A_3040, %dma_wait3A_3041] : memref<400x64xf32, #tpu.memory_space<vmem>> -> memref<50x64xf32, #tpu.memory_space<vmem>>
      tpu.wait_dma2 semaphore(%arg14 : memref<!tpu.dma_semaphore, #tpu.memory_space<semaphore_mem>>) src(%dma_wait3A_3042 : memref<50x64xf32, #tpu.memory_space<vmem>>) dst(%dma_wait3A_3039 : memref<50x64xf32, #tpu.memory_space<hbm>>)
      %dma_wait3A_3043 = arith.constant 0 : i32
      %dma_wait3A_3044 = arith.constant 0 : i32
      %dma_wait3A_3045 = arith.constant 0 : i32
      %dma_wait3A_3046 = tpu.memref_slice %arg6[%dma_wait3A_3044, %dma_wait3A_3045] : memref<400x64xf32, #tpu.memory_space<vmem>> -> memref<50x64xf32, #tpu.memory_space<vmem>>
      %dma_wait3A_3047 = arith.constant 0 : i32
      %dma_wait3A_3048 = arith.constant 0 : i32
      %dma_wait3A_3049 = tpu.memref_slice %arg4[%dma_wait3A_3043, %dma_wait3A_3047, %dma_wait3A_3048] : memref<16384x50x64xf32, #tpu.memory_space<hbm>> -> memref<1x50x64xf32, #tpu.memory_space<hbm>>
      %dma_wait3A_3050 = tpu.memref_squeeze %dma_wait3A_3049 : memref<1x50x64xf32, #tpu.memory_space<hbm>> -> memref<50x64xf32, #tpu.memory_space<hbm>>
      %dma_wait3A_3051 = arith.constant 0 : i32
      %dma_wait3A_3052 = arith.constant 0 : i32
      %dma_wait3A_3053 = tpu.memref_slice %arg4[%dma_wait3A_3043, %dma_wait3A_3051, %dma_wait3A_3052] : memref<16384x50x64xf32, #tpu.memory_space<hbm>> -> memref<1x50x64xf32, #tpu.memory_space<hbm>>
      %dma_wait3A_3054 = tpu.memref_squeeze %dma_wait3A_3053 : memref<1x50x64xf32, #tpu.memory_space<hbm>> -> memref<50x64xf32, #tpu.memory_space<hbm>>
      %dma_wait3A_3055 = arith.constant 0 : i32
      %dma_wait3A_3056 = arith.constant 0 : i32
      %dma_wait3A_3057 = tpu.memref_slice %arg6[%dma_wait3A_3055, %dma_wait3A_3056] : memref<400x64xf32, #tpu.memory_space<vmem>> -> memref<50x64xf32, #tpu.memory_space<vmem>>
      tpu.wait_dma2 semaphore(%arg14 : memref<!tpu.dma_semaphore, #tpu.memory_space<semaphore_mem>>) src(%dma_wait3A_3057 : memref<50x64xf32, #tpu.memory_space<vmem>>) dst(%dma_wait3A_3054 : memref<50x64xf32, #tpu.memory_space<hbm>>)
      %dma_wait3A_3058 = arith.constant 0 : i32
      %dma_wait3A_3059 = arith.constant 0 : i32
      %dma_wait3A_3060 = arith.constant 0 : i32
      %dma_wait3A_3061 = tpu.memref_slice %arg6[%dma_wait3A_3059, %dma_wait3A_3060] : memref<400x64xf32, #tpu.memory_space<vmem>> -> memref<50x64xf32, #tpu.memory_space<vmem>>
      %dma_wait3A_3062 = arith.constant 0 : i32
      %dma_wait3A_3063 = arith.constant 0 : i32
      %dma_wait3A_3064 = tpu.memref_slice %arg4[%dma_wait3A_3058, %dma_wait3A_3062, %dma_wait3A_3063] : memref<16384x50x64xf32, #tpu.memory_space<hbm>> -> memref<1x50x64xf32, #tpu.memory_space<hbm>>
      %dma_wait3A_3065 = tpu.memref_squeeze %dma_wait3A_3064 : memref<1x50x64xf32, #tpu.memory_space<hbm>> -> memref<50x64xf32, #tpu.memory_space<hbm>>
      %dma_wait3A_3066 = arith.constant 0 : i32
      %dma_wait3A_3067 = arith.constant 0 : i32
      %dma_wait3A_3068 = tpu.memref_slice %arg4[%dma_wait3A_3058, %dma_wait3A_3066, %dma_wait3A_3067] : memref<16384x50x64xf32, #tpu.memory_space<hbm>> -> memref<1x50x64xf32, #tpu.memory_space<hbm>>
      %dma_wait3A_3069 = tpu.memref_squeeze %dma_wait3A_3068 : memref<1x50x64xf32, #tpu.memory_space<hbm>> -> memref<50x64xf32, #tpu.memory_space<hbm>>
      %dma_wait3A_3070 = arith.constant 0 : i32
      %dma_wait3A_3071 = arith.constant 0 : i32
      %dma_wait3A_3072 = tpu.memref_slice %arg6[%dma_wait3A_3070, %dma_wait3A_3071] : memref<400x64xf32, #tpu.memory_space<vmem>> -> memref<50x64xf32, #tpu.memory_space<vmem>>
      tpu.wait_dma2 semaphore(%arg14 : memref<!tpu.dma_semaphore, #tpu.memory_space<semaphore_mem>>) src(%dma_wait3A_3072 : memref<50x64xf32, #tpu.memory_space<vmem>>) dst(%dma_wait3A_3069 : memref<50x64xf32, #tpu.memory_space<hbm>>)
      %add3A_3073 = arith.constant 2 : i32
      %add3A_3074 = arith.addi %mul3A_2212, %add3A_3073 : i32
      %add3A_3075 = arith.constant 2 : i32
      %add3A_3076 = arith.addi %add3A_3074, %add3A_3075 : i32
      %mul3A_3077 = arith.constant 400 : i32
      %mul3A_3078 = arith.muli %add3A_3076, %mul3A_3077 : i32
      %dma_start3A_3079 = tpu.memref_slice %arg5[%mul3A_3078] : memref<25600xi32, #tpu.memory_space<vmem>> -> memref<400xi32, #tpu.memory_space<vmem>>
      %dma_start3A_3080 = arith.constant 0 : i32
      %dma_start3A_3081 = arith.constant 0 : i32
      %dma_start3A_3082 = tpu.memref_slice %arg2[%dma_start3A_3080, %dma_start3A_3081] : memref<1000000x64xf32, #tpu.memory_space<hbm>> -> memref<1000000x64xf32, #tpu.memory_space<hbm>>
      tpu.enqueue_indirect_dma source(%dma_start3A_3082 : memref<1000000x64xf32, #tpu.memory_space<hbm>>) target(%arg6 : memref<400x64xf32, #tpu.memory_space<vmem>>) offsets(%dma_start3A_3079 : memref<400xi32, #tpu.memory_space<vmem>>) semaphore(%arg10 : memref<!tpu.dma_semaphore, #tpu.memory_space<semaphore_mem>>)
      %dma_wait3A_3083 = arith.constant 0 : i32
      %dma_wait3A_3084 = arith.constant 0 : i32
      %dma_wait3A_3085 = tpu.memref_slice %arg2[%dma_wait3A_3083, %dma_wait3A_3084] : memref<1000000x64xf32, #tpu.memory_space<hbm>> -> memref<400x64xf32, #tpu.memory_space<hbm>>
      %dma_wait3A_3086 = arith.constant 0 : i32
      %dma_wait3A_3087 = arith.constant 0 : i32
      %dma_wait3A_3088 = tpu.memref_slice %arg2[%dma_wait3A_3086, %dma_wait3A_3087] : memref<1000000x64xf32, #tpu.memory_space<hbm>> -> memref<400x64xf32, #tpu.memory_space<hbm>>
      tpu.wait_dma2 semaphore(%arg13 : memref<!tpu.dma_semaphore, #tpu.memory_space<semaphore_mem>>) src(%dma_wait3A_3088 : memref<400x64xf32, #tpu.memory_space<hbm>>) dst(%arg9 : memref<400x64xf32, #tpu.memory_space<vmem>>)
      %add3A_3089 = arith.constant 3 : i32
      %add3A_3090 = arith.addi %mul3A_2212, %add3A_3089 : i32
      %mul3A_3091 = arith.constant 8 : i32
      %mul3A_3092 = arith.muli %add3A_3090, %mul3A_3091 : i32
      %add3A_3093 = arith.addi %mul3A_2, %mul3A_3092 : i32
      %add3A_3094 = arith.constant 0 : i32
      %add3A_3095 = arith.addi %add3A_3093, %add3A_3094 : i32
      %dma_start3A_3096 = arith.constant 0 : i32
      %dma_start3A_3097 = arith.constant 0 : i32
      %dma_start3A_3098 = tpu.memref_slice %arg9[%dma_start3A_3096, %dma_start3A_3097] : memref<400x64xf32, #tpu.memory_space<vmem>> -> memref<50x64xf32, #tpu.memory_space<vmem>>
      %dma_start3A_3099 = arith.constant 0 : i32
      %dma_start3A_3100 = arith.constant 0 : i32
      %dma_start3A_3101 = tpu.memref_slice %arg4[%add3A_3095, %dma_start3A_3099, %dma_start3A_3100] : memref<16384x50x64xf32, #tpu.memory_space<hbm>> -> memref<1x50x64xf32, #tpu.memory_space<hbm>>
      %dma_start3A_3102 = tpu.memref_squeeze %dma_start3A_3101 : memref<1x50x64xf32, #tpu.memory_space<hbm>> -> memref<50x64xf32, #tpu.memory_space<hbm>>
      %dma_start3A_3103 = arith.constant 0 : i32
      %dma_start3A_3104 = arith.constant 0 : i32
      %dma_start3A_3105 = tpu.memref_slice %arg4[%add3A_3095, %dma_start3A_3103, %dma_start3A_3104] : memref<16384x50x64xf32, #tpu.memory_space<hbm>> -> memref<1x50x64xf32, #tpu.memory_space<hbm>>
      %dma_start3A_3106 = tpu.memref_squeeze %dma_start3A_3105 : memref<1x50x64xf32, #tpu.memory_space<hbm>> -> memref<50x64xf32, #tpu.memory_space<hbm>>
      %dma_start3A_3107 = arith.constant 0 : i32
      %dma_start3A_3108 = arith.constant 0 : i32
      %dma_start3A_3109 = tpu.memref_slice %arg9[%dma_start3A_3107, %dma_start3A_3108] : memref<400x64xf32, #tpu.memory_space<vmem>> -> memref<50x64xf32, #tpu.memory_space<vmem>>
      tpu.enqueue_dma source(%dma_start3A_3109 : memref<50x64xf32, #tpu.memory_space<vmem>>) target(%dma_start3A_3106 : memref<50x64xf32, #tpu.memory_space<hbm>>) target_semaphore(%arg17 : memref<!tpu.dma_semaphore, #tpu.memory_space<semaphore_mem>>)
      %mul3A_3110 = arith.constant 8 : i32
      %mul3A_3111 = arith.muli %add3A_3090, %mul3A_3110 : i32
      %add3A_3112 = arith.addi %mul3A_2, %mul3A_3111 : i32
      %add3A_3113 = arith.constant 1 : i32
      %add3A_3114 = arith.addi %add3A_3112, %add3A_3113 : i32
      %dma_start3A_3115 = arith.constant 50 : i32
      %dma_start3A_3116 = arith.constant 0 : i32
      %dma_start3A_3117 = tpu.memref_slice %arg9[%dma_start3A_3115, %dma_start3A_3116] : memref<400x64xf32, #tpu.memory_space<vmem>> -> memref<50x64xf32, #tpu.memory_space<vmem>>
      %dma_start3A_3118 = arith.constant 0 : i32
      %dma_start3A_3119 = arith.constant 0 : i32
      %dma_start3A_3120 = tpu.memref_slice %arg4[%add3A_3114, %dma_start3A_3118, %dma_start3A_3119] : memref<16384x50x64xf32, #tpu.memory_space<hbm>> -> memref<1x50x64xf32, #tpu.memory_space<hbm>>
      %dma_start3A_3121 = tpu.memref_squeeze %dma_start3A_3120 : memref<1x50x64xf32, #tpu.memory_space<hbm>> -> memref<50x64xf32, #tpu.memory_space<hbm>>
      %dma_start3A_3122 = arith.constant 0 : i32
      %dma_start3A_3123 = arith.constant 0 : i32
      %dma_start3A_3124 = tpu.memref_slice %arg4[%add3A_3114, %dma_start3A_3122, %dma_start3A_3123] : memref<16384x50x64xf32, #tpu.memory_space<hbm>> -> memref<1x50x64xf32, #tpu.memory_space<hbm>>
      %dma_start3A_3125 = tpu.memref_squeeze %dma_start3A_3124 : memref<1x50x64xf32, #tpu.memory_space<hbm>> -> memref<50x64xf32, #tpu.memory_space<hbm>>
      %dma_start3A_3126 = arith.constant 50 : i32
      %dma_start3A_3127 = arith.constant 0 : i32
      %dma_start3A_3128 = tpu.memref_slice %arg9[%dma_start3A_3126, %dma_start3A_3127] : memref<400x64xf32, #tpu.memory_space<vmem>> -> memref<50x64xf32, #tpu.memory_space<vmem>>
      tpu.enqueue_dma source(%dma_start3A_3128 : memref<50x64xf32, #tpu.memory_space<vmem>>) target(%dma_start3A_3125 : memref<50x64xf32, #tpu.memory_space<hbm>>) target_semaphore(%arg17 : memref<!tpu.dma_semaphore, #tpu.memory_space<semaphore_mem>>)
      %mul3A_3129 = arith.constant 8 : i32
      %mul3A_3130 = arith.muli %add3A_3090, %mul3A_3129 : i32
      %add3A_3131 = arith.addi %mul3A_2, %mul3A_3130 : i32
      %add3A_3132 = arith.constant 2 : i32
      %add3A_3133 = arith.addi %add3A_3131, %add3A_3132 : i32
      %dma_start3A_3134 = arith.constant 100 : i32
      %dma_start3A_3135 = arith.constant 0 : i32
      %dma_start3A_3136 = tpu.memref_slice %arg9[%dma_start3A_3134, %dma_start3A_3135] : memref<400x64xf32, #tpu.memory_space<vmem>> -> memref<50x64xf32, #tpu.memory_space<vmem>>
      %dma_start3A_3137 = arith.constant 0 : i32
      %dma_start3A_3138 = arith.constant 0 : i32
      %dma_start3A_3139 = tpu.memref_slice %arg4[%add3A_3133, %dma_start3A_3137, %dma_start3A_3138] : memref<16384x50x64xf32, #tpu.memory_space<hbm>> -> memref<1x50x64xf32, #tpu.memory_space<hbm>>
      %dma_start3A_3140 = tpu.memref_squeeze %dma_start3A_3139 : memref<1x50x64xf32, #tpu.memory_space<hbm>> -> memref<50x64xf32, #tpu.memory_space<hbm>>
      %dma_start3A_3141 = arith.constant 0 : i32
      %dma_start3A_3142 = arith.constant 0 : i32
      %dma_start3A_3143 = tpu.memref_slice %arg4[%add3A_3133, %dma_start3A_3141, %dma_start3A_3142] : memref<16384x50x64xf32, #tpu.memory_space<hbm>> -> memref<1x50x64xf32, #tpu.memory_space<hbm>>
      %dma_start3A_3144 = tpu.memref_squeeze %dma_start3A_3143 : memref<1x50x64xf32, #tpu.memory_space<hbm>> -> memref<50x64xf32, #tpu.memory_space<hbm>>
      %dma_start3A_3145 = arith.constant 100 : i32
      %dma_start3A_3146 = arith.constant 0 : i32
      %dma_start3A_3147 = tpu.memref_slice %arg9[%dma_start3A_3145, %dma_start3A_3146] : memref<400x64xf32, #tpu.memory_space<vmem>> -> memref<50x64xf32, #tpu.memory_space<vmem>>
      tpu.enqueue_dma source(%dma_start3A_3147 : memref<50x64xf32, #tpu.memory_space<vmem>>) target(%dma_start3A_3144 : memref<50x64xf32, #tpu.memory_space<hbm>>) target_semaphore(%arg17 : memref<!tpu.dma_semaphore, #tpu.memory_space<semaphore_mem>>)
      %mul3A_3148 = arith.constant 8 : i32
      %mul3A_3149 = arith.muli %add3A_3090, %mul3A_3148 : i32
      %add3A_3150 = arith.addi %mul3A_2, %mul3A_3149 : i32
      %add3A_3151 = arith.constant 3 : i32
      %add3A_3152 = arith.addi %add3A_3150, %add3A_3151 : i32
      %dma_start3A_3153 = arith.constant 150 : i32
      %dma_start3A_3154 = arith.constant 0 : i32
      %dma_start3A_3155 = tpu.memref_slice %arg9[%dma_start3A_3153, %dma_start3A_3154] : memref<400x64xf32, #tpu.memory_space<vmem>> -> memref<50x64xf32, #tpu.memory_space<vmem>>
      %dma_start3A_3156 = arith.constant 0 : i32
      %dma_start3A_3157 = arith.constant 0 : i32
      %dma_start3A_3158 = tpu.memref_slice %arg4[%add3A_3152, %dma_start3A_3156, %dma_start3A_3157] : memref<16384x50x64xf32, #tpu.memory_space<hbm>> -> memref<1x50x64xf32, #tpu.memory_space<hbm>>
      %dma_start3A_3159 = tpu.memref_squeeze %dma_start3A_3158 : memref<1x50x64xf32, #tpu.memory_space<hbm>> -> memref<50x64xf32, #tpu.memory_space<hbm>>
      %dma_start3A_3160 = arith.constant 0 : i32
      %dma_start3A_3161 = arith.constant 0 : i32
      %dma_start3A_3162 = tpu.memref_slice %arg4[%add3A_3152, %dma_start3A_3160, %dma_start3A_3161] : memref<16384x50x64xf32, #tpu.memory_space<hbm>> -> memref<1x50x64xf32, #tpu.memory_space<hbm>>
      %dma_start3A_3163 = tpu.memref_squeeze %dma_start3A_3162 : memref<1x50x64xf32, #tpu.memory_space<hbm>> -> memref<50x64xf32, #tpu.memory_space<hbm>>
      %dma_start3A_3164 = arith.constant 150 : i32
      %dma_start3A_3165 = arith.constant 0 : i32
      %dma_start3A_3166 = tpu.memref_slice %arg9[%dma_start3A_3164, %dma_start3A_3165] : memref<400x64xf32, #tpu.memory_space<vmem>> -> memref<50x64xf32, #tpu.memory_space<vmem>>
      tpu.enqueue_dma source(%dma_start3A_3166 : memref<50x64xf32, #tpu.memory_space<vmem>>) target(%dma_start3A_3163 : memref<50x64xf32, #tpu.memory_space<hbm>>) target_semaphore(%arg17 : memref<!tpu.dma_semaphore, #tpu.memory_space<semaphore_mem>>)
      %mul3A_3167 = arith.constant 8 : i32
      %mul3A_3168 = arith.muli %add3A_3090, %mul3A_3167 : i32
      %add3A_3169 = arith.addi %mul3A_2, %mul3A_3168 : i32
      %add3A_3170 = arith.constant 4 : i32
      %add3A_3171 = arith.addi %add3A_3169, %add3A_3170 : i32
      %dma_start3A_3172 = arith.constant 200 : i32
      %dma_start3A_3173 = arith.constant 0 : i32
      %dma_start3A_3174 = tpu.memref_slice %arg9[%dma_start3A_3172, %dma_start3A_3173] : memref<400x64xf32, #tpu.memory_space<vmem>> -> memref<50x64xf32, #tpu.memory_space<vmem>>
      %dma_start3A_3175 = arith.constant 0 : i32
      %dma_start3A_3176 = arith.constant 0 : i32
      %dma_start3A_3177 = tpu.memref_slice %arg4[%add3A_3171, %dma_start3A_3175, %dma_start3A_3176] : memref<16384x50x64xf32, #tpu.memory_space<hbm>> -> memref<1x50x64xf32, #tpu.memory_space<hbm>>
      %dma_start3A_3178 = tpu.memref_squeeze %dma_start3A_3177 : memref<1x50x64xf32, #tpu.memory_space<hbm>> -> memref<50x64xf32, #tpu.memory_space<hbm>>
      %dma_start3A_3179 = arith.constant 0 : i32
      %dma_start3A_3180 = arith.constant 0 : i32
      %dma_start3A_3181 = tpu.memref_slice %arg4[%add3A_3171, %dma_start3A_3179, %dma_start3A_3180] : memref<16384x50x64xf32, #tpu.memory_space<hbm>> -> memref<1x50x64xf32, #tpu.memory_space<hbm>>
      %dma_start3A_3182 = tpu.memref_squeeze %dma_start3A_3181 : memref<1x50x64xf32, #tpu.memory_space<hbm>> -> memref<50x64xf32, #tpu.memory_space<hbm>>
      %dma_start3A_3183 = arith.constant 200 : i32
      %dma_start3A_3184 = arith.constant 0 : i32
      %dma_start3A_3185 = tpu.memref_slice %arg9[%dma_start3A_3183, %dma_start3A_3184] : memref<400x64xf32, #tpu.memory_space<vmem>> -> memref<50x64xf32, #tpu.memory_space<vmem>>
      tpu.enqueue_dma source(%dma_start3A_3185 : memref<50x64xf32, #tpu.memory_space<vmem>>) target(%dma_start3A_3182 : memref<50x64xf32, #tpu.memory_space<hbm>>) target_semaphore(%arg17 : memref<!tpu.dma_semaphore, #tpu.memory_space<semaphore_mem>>)
      %mul3A_3186 = arith.constant 8 : i32
      %mul3A_3187 = arith.muli %add3A_3090, %mul3A_3186 : i32
      %add3A_3188 = arith.addi %mul3A_2, %mul3A_3187 : i32
      %add3A_3189 = arith.constant 5 : i32
      %add3A_3190 = arith.addi %add3A_3188, %add3A_3189 : i32
      %dma_start3A_3191 = arith.constant 250 : i32
      %dma_start3A_3192 = arith.constant 0 : i32
      %dma_start3A_3193 = tpu.memref_slice %arg9[%dma_start3A_3191, %dma_start3A_3192] : memref<400x64xf32, #tpu.memory_space<vmem>> -> memref<50x64xf32, #tpu.memory_space<vmem>>
      %dma_start3A_3194 = arith.constant 0 : i32
      %dma_start3A_3195 = arith.constant 0 : i32
      %dma_start3A_3196 = tpu.memref_slice %arg4[%add3A_3190, %dma_start3A_3194, %dma_start3A_3195] : memref<16384x50x64xf32, #tpu.memory_space<hbm>> -> memref<1x50x64xf32, #tpu.memory_space<hbm>>
      %dma_start3A_3197 = tpu.memref_squeeze %dma_start3A_3196 : memref<1x50x64xf32, #tpu.memory_space<hbm>> -> memref<50x64xf32, #tpu.memory_space<hbm>>
      %dma_start3A_3198 = arith.constant 0 : i32
      %dma_start3A_3199 = arith.constant 0 : i32
      %dma_start3A_3200 = tpu.memref_slice %arg4[%add3A_3190, %dma_start3A_3198, %dma_start3A_3199] : memref<16384x50x64xf32, #tpu.memory_space<hbm>> -> memref<1x50x64xf32, #tpu.memory_space<hbm>>
      %dma_start3A_3201 = tpu.memref_squeeze %dma_start3A_3200 : memref<1x50x64xf32, #tpu.memory_space<hbm>> -> memref<50x64xf32, #tpu.memory_space<hbm>>
      %dma_start3A_3202 = arith.constant 250 : i32
      %dma_start3A_3203 = arith.constant 0 : i32
      %dma_start3A_3204 = tpu.memref_slice %arg9[%dma_start3A_3202, %dma_start3A_3203] : memref<400x64xf32, #tpu.memory_space<vmem>> -> memref<50x64xf32, #tpu.memory_space<vmem>>
      tpu.enqueue_dma source(%dma_start3A_3204 : memref<50x64xf32, #tpu.memory_space<vmem>>) target(%dma_start3A_3201 : memref<50x64xf32, #tpu.memory_space<hbm>>) target_semaphore(%arg17 : memref<!tpu.dma_semaphore, #tpu.memory_space<semaphore_mem>>)
      %mul3A_3205 = arith.constant 8 : i32
      %mul3A_3206 = arith.muli %add3A_3090, %mul3A_3205 : i32
      %add3A_3207 = arith.addi %mul3A_2, %mul3A_3206 : i32
      %add3A_3208 = arith.constant 6 : i32
      %add3A_3209 = arith.addi %add3A_3207, %add3A_3208 : i32
      %dma_start3A_3210 = arith.constant 300 : i32
      %dma_start3A_3211 = arith.constant 0 : i32
      %dma_start3A_3212 = tpu.memref_slice %arg9[%dma_start3A_3210, %dma_start3A_3211] : memref<400x64xf32, #tpu.memory_space<vmem>> -> memref<50x64xf32, #tpu.memory_space<vmem>>
      %dma_start3A_3213 = arith.constant 0 : i32
      %dma_start3A_3214 = arith.constant 0 : i32
      %dma_start3A_3215 = tpu.memref_slice %arg4[%add3A_3209, %dma_start3A_3213, %dma_start3A_3214] : memref<16384x50x64xf32, #tpu.memory_space<hbm>> -> memref<1x50x64xf32, #tpu.memory_space<hbm>>
      %dma_start3A_3216 = tpu.memref_squeeze %dma_start3A_3215 : memref<1x50x64xf32, #tpu.memory_space<hbm>> -> memref<50x64xf32, #tpu.memory_space<hbm>>
      %dma_start3A_3217 = arith.constant 0 : i32
      %dma_start3A_3218 = arith.constant 0 : i32
      %dma_start3A_3219 = tpu.memref_slice %arg4[%add3A_3209, %dma_start3A_3217, %dma_start3A_3218] : memref<16384x50x64xf32, #tpu.memory_space<hbm>> -> memref<1x50x64xf32, #tpu.memory_space<hbm>>
      %dma_start3A_3220 = tpu.memref_squeeze %dma_start3A_3219 : memref<1x50x64xf32, #tpu.memory_space<hbm>> -> memref<50x64xf32, #tpu.memory_space<hbm>>
      %dma_start3A_3221 = arith.constant 300 : i32
      %dma_start3A_3222 = arith.constant 0 : i32
      %dma_start3A_3223 = tpu.memref_slice %arg9[%dma_start3A_3221, %dma_start3A_3222] : memref<400x64xf32, #tpu.memory_space<vmem>> -> memref<50x64xf32, #tpu.memory_space<vmem>>
      tpu.enqueue_dma source(%dma_start3A_3223 : memref<50x64xf32, #tpu.memory_space<vmem>>) target(%dma_start3A_3220 : memref<50x64xf32, #tpu.memory_space<hbm>>) target_semaphore(%arg17 : memref<!tpu.dma_semaphore, #tpu.memory_space<semaphore_mem>>)
      %mul3A_3224 = arith.constant 8 : i32
      %mul3A_3225 = arith.muli %add3A_3090, %mul3A_3224 : i32
      %add3A_3226 = arith.addi %mul3A_2, %mul3A_3225 : i32
      %add3A_3227 = arith.constant 7 : i32
      %add3A_3228 = arith.addi %add3A_3226, %add3A_3227 : i32
      %dma_start3A_3229 = arith.constant 350 : i32
      %dma_start3A_3230 = arith.constant 0 : i32
      %dma_start3A_3231 = tpu.memref_slice %arg9[%dma_start3A_3229, %dma_start3A_3230] : memref<400x64xf32, #tpu.memory_space<vmem>> -> memref<50x64xf32, #tpu.memory_space<vmem>>
      %dma_start3A_3232 = arith.constant 0 : i32
      %dma_start3A_3233 = arith.constant 0 : i32
      %dma_start3A_3234 = tpu.memref_slice %arg4[%add3A_3228, %dma_start3A_3232, %dma_start3A_3233] : memref<16384x50x64xf32, #tpu.memory_space<hbm>> -> memref<1x50x64xf32, #tpu.memory_space<hbm>>
      %dma_start3A_3235 = tpu.memref_squeeze %dma_start3A_3234 : memref<1x50x64xf32, #tpu.memory_space<hbm>> -> memref<50x64xf32, #tpu.memory_space<hbm>>
      %dma_start3A_3236 = arith.constant 0 : i32
      %dma_start3A_3237 = arith.constant 0 : i32
      %dma_start3A_3238 = tpu.memref_slice %arg4[%add3A_3228, %dma_start3A_3236, %dma_start3A_3237] : memref<16384x50x64xf32, #tpu.memory_space<hbm>> -> memref<1x50x64xf32, #tpu.memory_space<hbm>>
      %dma_start3A_3239 = tpu.memref_squeeze %dma_start3A_3238 : memref<1x50x64xf32, #tpu.memory_space<hbm>> -> memref<50x64xf32, #tpu.memory_space<hbm>>
      %dma_start3A_3240 = arith.constant 350 : i32
      %dma_start3A_3241 = arith.constant 0 : i32
      %dma_start3A_3242 = tpu.memref_slice %arg9[%dma_start3A_3240, %dma_start3A_3241] : memref<400x64xf32, #tpu.memory_space<vmem>> -> memref<50x64xf32, #tpu.memory_space<vmem>>
      tpu.enqueue_dma source(%dma_start3A_3242 : memref<50x64xf32, #tpu.memory_space<vmem>>) target(%dma_start3A_3239 : memref<50x64xf32, #tpu.memory_space<hbm>>) target_semaphore(%arg17 : memref<!tpu.dma_semaphore, #tpu.memory_space<semaphore_mem>>)
      %dma_wait3A_3243 = arith.constant 0 : i32
      %dma_wait3A_3244 = arith.constant 0 : i32
      %dma_wait3A_3245 = arith.constant 0 : i32
      %dma_wait3A_3246 = tpu.memref_slice %arg7[%dma_wait3A_3244, %dma_wait3A_3245] : memref<400x64xf32, #tpu.memory_space<vmem>> -> memref<50x64xf32, #tpu.memory_space<vmem>>
      %dma_wait3A_3247 = arith.constant 0 : i32
      %dma_wait3A_3248 = arith.constant 0 : i32
      %dma_wait3A_3249 = tpu.memref_slice %arg4[%dma_wait3A_3243, %dma_wait3A_3247, %dma_wait3A_3248] : memref<16384x50x64xf32, #tpu.memory_space<hbm>> -> memref<1x50x64xf32, #tpu.memory_space<hbm>>
      %dma_wait3A_3250 = tpu.memref_squeeze %dma_wait3A_3249 : memref<1x50x64xf32, #tpu.memory_space<hbm>> -> memref<50x64xf32, #tpu.memory_space<hbm>>
      %dma_wait3A_3251 = arith.constant 0 : i32
      %dma_wait3A_3252 = arith.constant 0 : i32
      %dma_wait3A_3253 = tpu.memref_slice %arg4[%dma_wait3A_3243, %dma_wait3A_3251, %dma_wait3A_3252] : memref<16384x50x64xf32, #tpu.memory_space<hbm>> -> memref<1x50x64xf32, #tpu.memory_space<hbm>>
      %dma_wait3A_3254 = tpu.memref_squeeze %dma_wait3A_3253 : memref<1x50x64xf32, #tpu.memory_space<hbm>> -> memref<50x64xf32, #tpu.memory_space<hbm>>
      %dma_wait3A_3255 = arith.constant 0 : i32
      %dma_wait3A_3256 = arith.constant 0 : i32
      %dma_wait3A_3257 = tpu.memref_slice %arg7[%dma_wait3A_3255, %dma_wait3A_3256] : memref<400x64xf32, #tpu.memory_space<vmem>> -> memref<50x64xf32, #tpu.memory_space<vmem>>
      tpu.wait_dma2 semaphore(%arg15 : memref<!tpu.dma_semaphore, #tpu.memory_space<semaphore_mem>>) src(%dma_wait3A_3257 : memref<50x64xf32, #tpu.memory_space<vmem>>) dst(%dma_wait3A_3254 : memref<50x64xf32, #tpu.memory_space<hbm>>)
      %dma_wait3A_3258 = arith.constant 0 : i32
      %dma_wait3A_3259 = arith.constant 0 : i32
      %dma_wait3A_3260 = arith.constant 0 : i32
      %dma_wait3A_3261 = tpu.memref_slice %arg7[%dma_wait3A_3259, %dma_wait3A_3260] : memref<400x64xf32, #tpu.memory_space<vmem>> -> memref<50x64xf32, #tpu.memory_space<vmem>>
      %dma_wait3A_3262 = arith.constant 0 : i32
      %dma_wait3A_3263 = arith.constant 0 : i32
      %dma_wait3A_3264 = tpu.memref_slice %arg4[%dma_wait3A_3258, %dma_wait3A_3262, %dma_wait3A_3263] : memref<16384x50x64xf32, #tpu.memory_space<hbm>> -> memref<1x50x64xf32, #tpu.memory_space<hbm>>
      %dma_wait3A_3265 = tpu.memref_squeeze %dma_wait3A_3264 : memref<1x50x64xf32, #tpu.memory_space<hbm>> -> memref<50x64xf32, #tpu.memory_space<hbm>>
      %dma_wait3A_3266 = arith.constant 0 : i32
      %dma_wait3A_3267 = arith.constant 0 : i32
      %dma_wait3A_3268 = tpu.memref_slice %arg4[%dma_wait3A_3258, %dma_wait3A_3266, %dma_wait3A_3267] : memref<16384x50x64xf32, #tpu.memory_space<hbm>> -> memref<1x50x64xf32, #tpu.memory_space<hbm>>
      %dma_wait3A_3269 = tpu.memref_squeeze %dma_wait3A_3268 : memref<1x50x64xf32, #tpu.memory_space<hbm>> -> memref<50x64xf32, #tpu.memory_space<hbm>>
      %dma_wait3A_3270 = arith.constant 0 : i32
      %dma_wait3A_3271 = arith.constant 0 : i32
      %dma_wait3A_3272 = tpu.memref_slice %arg7[%dma_wait3A_3270, %dma_wait3A_3271] : memref<400x64xf32, #tpu.memory_space<vmem>> -> memref<50x64xf32, #tpu.memory_space<vmem>>
      tpu.wait_dma2 semaphore(%arg15 : memref<!tpu.dma_semaphore, #tpu.memory_space<semaphore_mem>>) src(%dma_wait3A_3272 : memref<50x64xf32, #tpu.memory_space<vmem>>) dst(%dma_wait3A_3269 : memref<50x64xf32, #tpu.memory_space<hbm>>)
      %dma_wait3A_3273 = arith.constant 0 : i32
      %dma_wait3A_3274 = arith.constant 0 : i32
      %dma_wait3A_3275 = arith.constant 0 : i32
      %dma_wait3A_3276 = tpu.memref_slice %arg7[%dma_wait3A_3274, %dma_wait3A_3275] : memref<400x64xf32, #tpu.memory_space<vmem>> -> memref<50x64xf32, #tpu.memory_space<vmem>>
      %dma_wait3A_3277 = arith.constant 0 : i32
      %dma_wait3A_3278 = arith.constant 0 : i32
      %dma_wait3A_3279 = tpu.memref_slice %arg4[%dma_wait3A_3273, %dma_wait3A_3277, %dma_wait3A_3278] : memref<16384x50x64xf32, #tpu.memory_space<hbm>> -> memref<1x50x64xf32, #tpu.memory_space<hbm>>
      %dma_wait3A_3280 = tpu.memref_squeeze %dma_wait3A_3279 : memref<1x50x64xf32, #tpu.memory_space<hbm>> -> memref<50x64xf32, #tpu.memory_space<hbm>>
      %dma_wait3A_3281 = arith.constant 0 : i32
      %dma_wait3A_3282 = arith.constant 0 : i32
      %dma_wait3A_3283 = tpu.memref_slice %arg4[%dma_wait3A_3273, %dma_wait3A_3281, %dma_wait3A_3282] : memref<16384x50x64xf32, #tpu.memory_space<hbm>> -> memref<1x50x64xf32, #tpu.memory_space<hbm>>
      %dma_wait3A_3284 = tpu.memref_squeeze %dma_wait3A_3283 : memref<1x50x64xf32, #tpu.memory_space<hbm>> -> memref<50x64xf32, #tpu.memory_space<hbm>>
      %dma_wait3A_3285 = arith.constant 0 : i32
      %dma_wait3A_3286 = arith.constant 0 : i32
      %dma_wait3A_3287 = tpu.memref_slice %arg7[%dma_wait3A_3285, %dma_wait3A_3286] : memref<400x64xf32, #tpu.memory_space<vmem>> -> memref<50x64xf32, #tpu.memory_space<vmem>>
      tpu.wait_dma2 semaphore(%arg15 : memref<!tpu.dma_semaphore, #tpu.memory_space<semaphore_mem>>) src(%dma_wait3A_3287 : memref<50x64xf32, #tpu.memory_space<vmem>>) dst(%dma_wait3A_3284 : memref<50x64xf32, #tpu.memory_space<hbm>>)
      %dma_wait3A_3288 = arith.constant 0 : i32
      %dma_wait3A_3289 = arith.constant 0 : i32
      %dma_wait3A_3290 = arith.constant 0 : i32
      %dma_wait3A_3291 = tpu.memref_slice %arg7[%dma_wait3A_3289, %dma_wait3A_3290] : memref<400x64xf32, #tpu.memory_space<vmem>> -> memref<50x64xf32, #tpu.memory_space<vmem>>
      %dma_wait3A_3292 = arith.constant 0 : i32
      %dma_wait3A_3293 = arith.constant 0 : i32
      %dma_wait3A_3294 = tpu.memref_slice %arg4[%dma_wait3A_3288, %dma_wait3A_3292, %dma_wait3A_3293] : memref<16384x50x64xf32, #tpu.memory_space<hbm>> -> memref<1x50x64xf32, #tpu.memory_space<hbm>>
      %dma_wait3A_3295 = tpu.memref_squeeze %dma_wait3A_3294 : memref<1x50x64xf32, #tpu.memory_space<hbm>> -> memref<50x64xf32, #tpu.memory_space<hbm>>
      %dma_wait3A_3296 = arith.constant 0 : i32
      %dma_wait3A_3297 = arith.constant 0 : i32
      %dma_wait3A_3298 = tpu.memref_slice %arg4[%dma_wait3A_3288, %dma_wait3A_3296, %dma_wait3A_3297] : memref<16384x50x64xf32, #tpu.memory_space<hbm>> -> memref<1x50x64xf32, #tpu.memory_space<hbm>>
      %dma_wait3A_3299 = tpu.memref_squeeze %dma_wait3A_3298 : memref<1x50x64xf32, #tpu.memory_space<hbm>> -> memref<50x64xf32, #tpu.memory_space<hbm>>
      %dma_wait3A_3300 = arith.constant 0 : i32
      %dma_wait3A_3301 = arith.constant 0 : i32
      %dma_wait3A_3302 = tpu.memref_slice %arg7[%dma_wait3A_3300, %dma_wait3A_3301] : memref<400x64xf32, #tpu.memory_space<vmem>> -> memref<50x64xf32, #tpu.memory_space<vmem>>
      tpu.wait_dma2 semaphore(%arg15 : memref<!tpu.dma_semaphore, #tpu.memory_space<semaphore_mem>>) src(%dma_wait3A_3302 : memref<50x64xf32, #tpu.memory_space<vmem>>) dst(%dma_wait3A_3299 : memref<50x64xf32, #tpu.memory_space<hbm>>)
      %dma_wait3A_3303 = arith.constant 0 : i32
      %dma_wait3A_3304 = arith.constant 0 : i32
      %dma_wait3A_3305 = arith.constant 0 : i32
      %dma_wait3A_3306 = tpu.memref_slice %arg7[%dma_wait3A_3304, %dma_wait3A_3305] : memref<400x64xf32, #tpu.memory_space<vmem>> -> memref<50x64xf32, #tpu.memory_space<vmem>>
      %dma_wait3A_3307 = arith.constant 0 : i32
      %dma_wait3A_3308 = arith.constant 0 : i32
      %dma_wait3A_3309 = tpu.memref_slice %arg4[%dma_wait3A_3303, %dma_wait3A_3307, %dma_wait3A_3308] : memref<16384x50x64xf32, #tpu.memory_space<hbm>> -> memref<1x50x64xf32, #tpu.memory_space<hbm>>
      %dma_wait3A_3310 = tpu.memref_squeeze %dma_wait3A_3309 : memref<1x50x64xf32, #tpu.memory_space<hbm>> -> memref<50x64xf32, #tpu.memory_space<hbm>>
      %dma_wait3A_3311 = arith.constant 0 : i32
      %dma_wait3A_3312 = arith.constant 0 : i32
      %dma_wait3A_3313 = tpu.memref_slice %arg4[%dma_wait3A_3303, %dma_wait3A_3311, %dma_wait3A_3312] : memref<16384x50x64xf32, #tpu.memory_space<hbm>> -> memref<1x50x64xf32, #tpu.memory_space<hbm>>
      %dma_wait3A_3314 = tpu.memref_squeeze %dma_wait3A_3313 : memref<1x50x64xf32, #tpu.memory_space<hbm>> -> memref<50x64xf32, #tpu.memory_space<hbm>>
      %dma_wait3A_3315 = arith.constant 0 : i32
      %dma_wait3A_3316 = arith.constant 0 : i32
      %dma_wait3A_3317 = tpu.memref_slice %arg7[%dma_wait3A_3315, %dma_wait3A_3316] : memref<400x64xf32, #tpu.memory_space<vmem>> -> memref<50x64xf32, #tpu.memory_space<vmem>>
      tpu.wait_dma2 semaphore(%arg15 : memref<!tpu.dma_semaphore, #tpu.memory_space<semaphore_mem>>) src(%dma_wait3A_3317 : memref<50x64xf32, #tpu.memory_space<vmem>>) dst(%dma_wait3A_3314 : memref<50x64xf32, #tpu.memory_space<hbm>>)
      %dma_wait3A_3318 = arith.constant 0 : i32
      %dma_wait3A_3319 = arith.constant 0 : i32
      %dma_wait3A_3320 = arith.constant 0 : i32
      %dma_wait3A_3321 = tpu.memref_slice %arg7[%dma_wait3A_3319, %dma_wait3A_3320] : memref<400x64xf32, #tpu.memory_space<vmem>> -> memref<50x64xf32, #tpu.memory_space<vmem>>
      %dma_wait3A_3322 = arith.constant 0 : i32
      %dma_wait3A_3323 = arith.constant 0 : i32
      %dma_wait3A_3324 = tpu.memref_slice %arg4[%dma_wait3A_3318, %dma_wait3A_3322, %dma_wait3A_3323] : memref<16384x50x64xf32, #tpu.memory_space<hbm>> -> memref<1x50x64xf32, #tpu.memory_space<hbm>>
      %dma_wait3A_3325 = tpu.memref_squeeze %dma_wait3A_3324 : memref<1x50x64xf32, #tpu.memory_space<hbm>> -> memref<50x64xf32, #tpu.memory_space<hbm>>
      %dma_wait3A_3326 = arith.constant 0 : i32
      %dma_wait3A_3327 = arith.constant 0 : i32
      %dma_wait3A_3328 = tpu.memref_slice %arg4[%dma_wait3A_3318, %dma_wait3A_3326, %dma_wait3A_3327] : memref<16384x50x64xf32, #tpu.memory_space<hbm>> -> memref<1x50x64xf32, #tpu.memory_space<hbm>>
      %dma_wait3A_3329 = tpu.memref_squeeze %dma_wait3A_3328 : memref<1x50x64xf32, #tpu.memory_space<hbm>> -> memref<50x64xf32, #tpu.memory_space<hbm>>
      %dma_wait3A_3330 = arith.constant 0 : i32
      %dma_wait3A_3331 = arith.constant 0 : i32
      %dma_wait3A_3332 = tpu.memref_slice %arg7[%dma_wait3A_3330, %dma_wait3A_3331] : memref<400x64xf32, #tpu.memory_space<vmem>> -> memref<50x64xf32, #tpu.memory_space<vmem>>
      tpu.wait_dma2 semaphore(%arg15 : memref<!tpu.dma_semaphore, #tpu.memory_space<semaphore_mem>>) src(%dma_wait3A_3332 : memref<50x64xf32, #tpu.memory_space<vmem>>) dst(%dma_wait3A_3329 : memref<50x64xf32, #tpu.memory_space<hbm>>)
      %dma_wait3A_3333 = arith.constant 0 : i32
      %dma_wait3A_3334 = arith.constant 0 : i32
      %dma_wait3A_3335 = arith.constant 0 : i32
      %dma_wait3A_3336 = tpu.memref_slice %arg7[%dma_wait3A_3334, %dma_wait3A_3335] : memref<400x64xf32, #tpu.memory_space<vmem>> -> memref<50x64xf32, #tpu.memory_space<vmem>>
      %dma_wait3A_3337 = arith.constant 0 : i32
      %dma_wait3A_3338 = arith.constant 0 : i32
      %dma_wait3A_3339 = tpu.memref_slice %arg4[%dma_wait3A_3333, %dma_wait3A_3337, %dma_wait3A_3338] : memref<16384x50x64xf32, #tpu.memory_space<hbm>> -> memref<1x50x64xf32, #tpu.memory_space<hbm>>
      %dma_wait3A_3340 = tpu.memref_squeeze %dma_wait3A_3339 : memref<1x50x64xf32, #tpu.memory_space<hbm>> -> memref<50x64xf32, #tpu.memory_space<hbm>>
      %dma_wait3A_3341 = arith.constant 0 : i32
      %dma_wait3A_3342 = arith.constant 0 : i32
      %dma_wait3A_3343 = tpu.memref_slice %arg4[%dma_wait3A_3333, %dma_wait3A_3341, %dma_wait3A_3342] : memref<16384x50x64xf32, #tpu.memory_space<hbm>> -> memref<1x50x64xf32, #tpu.memory_space<hbm>>
      %dma_wait3A_3344 = tpu.memref_squeeze %dma_wait3A_3343 : memref<1x50x64xf32, #tpu.memory_space<hbm>> -> memref<50x64xf32, #tpu.memory_space<hbm>>
      %dma_wait3A_3345 = arith.constant 0 : i32
      %dma_wait3A_3346 = arith.constant 0 : i32
      %dma_wait3A_3347 = tpu.memref_slice %arg7[%dma_wait3A_3345, %dma_wait3A_3346] : memref<400x64xf32, #tpu.memory_space<vmem>> -> memref<50x64xf32, #tpu.memory_space<vmem>>
      tpu.wait_dma2 semaphore(%arg15 : memref<!tpu.dma_semaphore, #tpu.memory_space<semaphore_mem>>) src(%dma_wait3A_3347 : memref<50x64xf32, #tpu.memory_space<vmem>>) dst(%dma_wait3A_3344 : memref<50x64xf32, #tpu.memory_space<hbm>>)
      %dma_wait3A_3348 = arith.constant 0 : i32
      %dma_wait3A_3349 = arith.constant 0 : i32
      %dma_wait3A_3350 = arith.constant 0 : i32
      %dma_wait3A_3351 = tpu.memref_slice %arg7[%dma_wait3A_3349, %dma_wait3A_3350] : memref<400x64xf32, #tpu.memory_space<vmem>> -> memref<50x64xf32, #tpu.memory_space<vmem>>
      %dma_wait3A_3352 = arith.constant 0 : i32
      %dma_wait3A_3353 = arith.constant 0 : i32
      %dma_wait3A_3354 = tpu.memref_slice %arg4[%dma_wait3A_3348, %dma_wait3A_3352, %dma_wait3A_3353] : memref<16384x50x64xf32, #tpu.memory_space<hbm>> -> memref<1x50x64xf32, #tpu.memory_space<hbm>>
      %dma_wait3A_3355 = tpu.memref_squeeze %dma_wait3A_3354 : memref<1x50x64xf32, #tpu.memory_space<hbm>> -> memref<50x64xf32, #tpu.memory_space<hbm>>
      %dma_wait3A_3356 = arith.constant 0 : i32
      %dma_wait3A_3357 = arith.constant 0 : i32
      %dma_wait3A_3358 = tpu.memref_slice %arg4[%dma_wait3A_3348, %dma_wait3A_3356, %dma_wait3A_3357] : memref<16384x50x64xf32, #tpu.memory_space<hbm>> -> memref<1x50x64xf32, #tpu.memory_space<hbm>>
      %dma_wait3A_3359 = tpu.memref_squeeze %dma_wait3A_3358 : memref<1x50x64xf32, #tpu.memory_space<hbm>> -> memref<50x64xf32, #tpu.memory_space<hbm>>
      %dma_wait3A_3360 = arith.constant 0 : i32
      %dma_wait3A_3361 = arith.constant 0 : i32
      %dma_wait3A_3362 = tpu.memref_slice %arg7[%dma_wait3A_3360, %dma_wait3A_3361] : memref<400x64xf32, #tpu.memory_space<vmem>> -> memref<50x64xf32, #tpu.memory_space<vmem>>
      tpu.wait_dma2 semaphore(%arg15 : memref<!tpu.dma_semaphore, #tpu.memory_space<semaphore_mem>>) src(%dma_wait3A_3362 : memref<50x64xf32, #tpu.memory_space<vmem>>) dst(%dma_wait3A_3359 : memref<50x64xf32, #tpu.memory_space<hbm>>)
      %add3A_3363 = arith.constant 3 : i32
      %add3A_3364 = arith.addi %mul3A_2212, %add3A_3363 : i32
      %add3A_3365 = arith.constant 2 : i32
      %add3A_3366 = arith.addi %add3A_3364, %add3A_3365 : i32
      %mul3A_3367 = arith.constant 400 : i32
      %mul3A_3368 = arith.muli %add3A_3366, %mul3A_3367 : i32
      %dma_start3A_3369 = tpu.memref_slice %arg5[%mul3A_3368] : memref<25600xi32, #tpu.memory_space<vmem>> -> memref<400xi32, #tpu.memory_space<vmem>>
      %dma_start3A_3370 = arith.constant 0 : i32
      %dma_start3A_3371 = arith.constant 0 : i32
      %dma_start3A_3372 = tpu.memref_slice %arg2[%dma_start3A_3370, %dma_start3A_3371] : memref<1000000x64xf32, #tpu.memory_space<hbm>> -> memref<1000000x64xf32, #tpu.memory_space<hbm>>
      tpu.enqueue_indirect_dma source(%dma_start3A_3372 : memref<1000000x64xf32, #tpu.memory_space<hbm>>) target(%arg7 : memref<400x64xf32, #tpu.memory_space<vmem>>) offsets(%dma_start3A_3369 : memref<400xi32, #tpu.memory_space<vmem>>) semaphore(%arg11 : memref<!tpu.dma_semaphore, #tpu.memory_space<semaphore_mem>>)
    }
    %scan3A_877 = arith.constant 14 : i32
    %dma_wait3A_878 = arith.constant 0 : i32
    %dma_wait3A_879 = arith.constant 0 : i32
    %dma_wait3A_880 = tpu.memref_slice %arg2[%dma_wait3A_878, %dma_wait3A_879] : memref<1000000x64xf32, #tpu.memory_space<hbm>> -> memref<400x64xf32, #tpu.memory_space<hbm>>
    %dma_wait3A_881 = arith.constant 0 : i32
    %dma_wait3A_882 = arith.constant 0 : i32
    %dma_wait3A_883 = tpu.memref_slice %arg2[%dma_wait3A_881, %dma_wait3A_882] : memref<1000000x64xf32, #tpu.memory_space<hbm>> -> memref<400x64xf32, #tpu.memory_space<hbm>>
    tpu.wait_dma2 semaphore(%arg10 : memref<!tpu.dma_semaphore, #tpu.memory_space<semaphore_mem>>) src(%dma_wait3A_883 : memref<400x64xf32, #tpu.memory_space<hbm>>) dst(%arg6 : memref<400x64xf32, #tpu.memory_space<vmem>>)
    %add3A_884 = arith.constant 480 : i32
    %add3A_885 = arith.addi %mul3A_2, %add3A_884 : i32
    %add3A_886 = arith.constant 0 : i32
    %add3A_887 = arith.addi %add3A_885, %add3A_886 : i32
    %dma_start3A_888 = arith.constant 0 : i32
    %dma_start3A_889 = arith.constant 0 : i32
    %dma_start3A_890 = tpu.memref_slice %arg6[%dma_start3A_888, %dma_start3A_889] : memref<400x64xf32, #tpu.memory_space<vmem>> -> memref<50x64xf32, #tpu.memory_space<vmem>>
    %dma_start3A_891 = arith.constant 0 : i32
    %dma_start3A_892 = arith.constant 0 : i32
    %dma_start3A_893 = tpu.memref_slice %arg4[%add3A_887, %dma_start3A_891, %dma_start3A_892] : memref<16384x50x64xf32, #tpu.memory_space<hbm>> -> memref<1x50x64xf32, #tpu.memory_space<hbm>>
    %dma_start3A_894 = tpu.memref_squeeze %dma_start3A_893 : memref<1x50x64xf32, #tpu.memory_space<hbm>> -> memref<50x64xf32, #tpu.memory_space<hbm>>
    %dma_start3A_895 = arith.constant 0 : i32
    %dma_start3A_896 = arith.constant 0 : i32
    %dma_start3A_897 = tpu.memref_slice %arg4[%add3A_887, %dma_start3A_895, %dma_start3A_896] : memref<16384x50x64xf32, #tpu.memory_space<hbm>> -> memref<1x50x64xf32, #tpu.memory_space<hbm>>
    %dma_start3A_898 = tpu.memref_squeeze %dma_start3A_897 : memref<1x50x64xf32, #tpu.memory_space<hbm>> -> memref<50x64xf32, #tpu.memory_space<hbm>>
    %dma_start3A_899 = arith.constant 0 : i32
    %dma_start3A_900 = arith.constant 0 : i32
    %dma_start3A_901 = tpu.memref_slice %arg6[%dma_start3A_899, %dma_start3A_900] : memref<400x64xf32, #tpu.memory_space<vmem>> -> memref<50x64xf32, #tpu.memory_space<vmem>>
    tpu.enqueue_dma source(%dma_start3A_901 : memref<50x64xf32, #tpu.memory_space<vmem>>) target(%dma_start3A_898 : memref<50x64xf32, #tpu.memory_space<hbm>>) target_semaphore(%arg14 : memref<!tpu.dma_semaphore, #tpu.memory_space<semaphore_mem>>)
    %add3A_902 = arith.constant 480 : i32
    %add3A_903 = arith.addi %mul3A_2, %add3A_902 : i32
    %add3A_904 = arith.constant 1 : i32
    %add3A_905 = arith.addi %add3A_903, %add3A_904 : i32
    %dma_start3A_906 = arith.constant 50 : i32
    %dma_start3A_907 = arith.constant 0 : i32
    %dma_start3A_908 = tpu.memref_slice %arg6[%dma_start3A_906, %dma_start3A_907] : memref<400x64xf32, #tpu.memory_space<vmem>> -> memref<50x64xf32, #tpu.memory_space<vmem>>
    %dma_start3A_909 = arith.constant 0 : i32
    %dma_start3A_910 = arith.constant 0 : i32
    %dma_start3A_911 = tpu.memref_slice %arg4[%add3A_905, %dma_start3A_909, %dma_start3A_910] : memref<16384x50x64xf32, #tpu.memory_space<hbm>> -> memref<1x50x64xf32, #tpu.memory_space<hbm>>
    %dma_start3A_912 = tpu.memref_squeeze %dma_start3A_911 : memref<1x50x64xf32, #tpu.memory_space<hbm>> -> memref<50x64xf32, #tpu.memory_space<hbm>>
    %dma_start3A_913 = arith.constant 0 : i32
    %dma_start3A_914 = arith.constant 0 : i32
    %dma_start3A_915 = tpu.memref_slice %arg4[%add3A_905, %dma_start3A_913, %dma_start3A_914] : memref<16384x50x64xf32, #tpu.memory_space<hbm>> -> memref<1x50x64xf32, #tpu.memory_space<hbm>>
    %dma_start3A_916 = tpu.memref_squeeze %dma_start3A_915 : memref<1x50x64xf32, #tpu.memory_space<hbm>> -> memref<50x64xf32, #tpu.memory_space<hbm>>
    %dma_start3A_917 = arith.constant 50 : i32
    %dma_start3A_918 = arith.constant 0 : i32
    %dma_start3A_919 = tpu.memref_slice %arg6[%dma_start3A_917, %dma_start3A_918] : memref<400x64xf32, #tpu.memory_space<vmem>> -> memref<50x64xf32, #tpu.memory_space<vmem>>
    tpu.enqueue_dma source(%dma_start3A_919 : memref<50x64xf32, #tpu.memory_space<vmem>>) target(%dma_start3A_916 : memref<50x64xf32, #tpu.memory_space<hbm>>) target_semaphore(%arg14 : memref<!tpu.dma_semaphore, #tpu.memory_space<semaphore_mem>>)
    %add3A_920 = arith.constant 480 : i32
    %add3A_921 = arith.addi %mul3A_2, %add3A_920 : i32
    %add3A_922 = arith.constant 2 : i32
    %add3A_923 = arith.addi %add3A_921, %add3A_922 : i32
    %dma_start3A_924 = arith.constant 100 : i32
    %dma_start3A_925 = arith.constant 0 : i32
    %dma_start3A_926 = tpu.memref_slice %arg6[%dma_start3A_924, %dma_start3A_925] : memref<400x64xf32, #tpu.memory_space<vmem>> -> memref<50x64xf32, #tpu.memory_space<vmem>>
    %dma_start3A_927 = arith.constant 0 : i32
    %dma_start3A_928 = arith.constant 0 : i32
    %dma_start3A_929 = tpu.memref_slice %arg4[%add3A_923, %dma_start3A_927, %dma_start3A_928] : memref<16384x50x64xf32, #tpu.memory_space<hbm>> -> memref<1x50x64xf32, #tpu.memory_space<hbm>>
    %dma_start3A_930 = tpu.memref_squeeze %dma_start3A_929 : memref<1x50x64xf32, #tpu.memory_space<hbm>> -> memref<50x64xf32, #tpu.memory_space<hbm>>
    %dma_start3A_931 = arith.constant 0 : i32
    %dma_start3A_932 = arith.constant 0 : i32
    %dma_start3A_933 = tpu.memref_slice %arg4[%add3A_923, %dma_start3A_931, %dma_start3A_932] : memref<16384x50x64xf32, #tpu.memory_space<hbm>> -> memref<1x50x64xf32, #tpu.memory_space<hbm>>
    %dma_start3A_934 = tpu.memref_squeeze %dma_start3A_933 : memref<1x50x64xf32, #tpu.memory_space<hbm>> -> memref<50x64xf32, #tpu.memory_space<hbm>>
    %dma_start3A_935 = arith.constant 100 : i32
    %dma_start3A_936 = arith.constant 0 : i32
    %dma_start3A_937 = tpu.memref_slice %arg6[%dma_start3A_935, %dma_start3A_936] : memref<400x64xf32, #tpu.memory_space<vmem>> -> memref<50x64xf32, #tpu.memory_space<vmem>>
    tpu.enqueue_dma source(%dma_start3A_937 : memref<50x64xf32, #tpu.memory_space<vmem>>) target(%dma_start3A_934 : memref<50x64xf32, #tpu.memory_space<hbm>>) target_semaphore(%arg14 : memref<!tpu.dma_semaphore, #tpu.memory_space<semaphore_mem>>)
    %add3A_938 = arith.constant 480 : i32
    %add3A_939 = arith.addi %mul3A_2, %add3A_938 : i32
    %add3A_940 = arith.constant 3 : i32
    %add3A_941 = arith.addi %add3A_939, %add3A_940 : i32
    %dma_start3A_942 = arith.constant 150 : i32
    %dma_start3A_943 = arith.constant 0 : i32
    %dma_start3A_944 = tpu.memref_slice %arg6[%dma_start3A_942, %dma_start3A_943] : memref<400x64xf32, #tpu.memory_space<vmem>> -> memref<50x64xf32, #tpu.memory_space<vmem>>
    %dma_start3A_945 = arith.constant 0 : i32
    %dma_start3A_946 = arith.constant 0 : i32
    %dma_start3A_947 = tpu.memref_slice %arg4[%add3A_941, %dma_start3A_945, %dma_start3A_946] : memref<16384x50x64xf32, #tpu.memory_space<hbm>> -> memref<1x50x64xf32, #tpu.memory_space<hbm>>
    %dma_start3A_948 = tpu.memref_squeeze %dma_start3A_947 : memref<1x50x64xf32, #tpu.memory_space<hbm>> -> memref<50x64xf32, #tpu.memory_space<hbm>>
    %dma_start3A_949 = arith.constant 0 : i32
    %dma_start3A_950 = arith.constant 0 : i32
    %dma_start3A_951 = tpu.memref_slice %arg4[%add3A_941, %dma_start3A_949, %dma_start3A_950] : memref<16384x50x64xf32, #tpu.memory_space<hbm>> -> memref<1x50x64xf32, #tpu.memory_space<hbm>>
    %dma_start3A_952 = tpu.memref_squeeze %dma_start3A_951 : memref<1x50x64xf32, #tpu.memory_space<hbm>> -> memref<50x64xf32, #tpu.memory_space<hbm>>
    %dma_start3A_953 = arith.constant 150 : i32
    %dma_start3A_954 = arith.constant 0 : i32
    %dma_start3A_955 = tpu.memref_slice %arg6[%dma_start3A_953, %dma_start3A_954] : memref<400x64xf32, #tpu.memory_space<vmem>> -> memref<50x64xf32, #tpu.memory_space<vmem>>
    tpu.enqueue_dma source(%dma_start3A_955 : memref<50x64xf32, #tpu.memory_space<vmem>>) target(%dma_start3A_952 : memref<50x64xf32, #tpu.memory_space<hbm>>) target_semaphore(%arg14 : memref<!tpu.dma_semaphore, #tpu.memory_space<semaphore_mem>>)
    %add3A_956 = arith.constant 480 : i32
    %add3A_957 = arith.addi %mul3A_2, %add3A_956 : i32
    %add3A_958 = arith.constant 4 : i32
    %add3A_959 = arith.addi %add3A_957, %add3A_958 : i32
    %dma_start3A_960 = arith.constant 200 : i32
    %dma_start3A_961 = arith.constant 0 : i32
    %dma_start3A_962 = tpu.memref_slice %arg6[%dma_start3A_960, %dma_start3A_961] : memref<400x64xf32, #tpu.memory_space<vmem>> -> memref<50x64xf32, #tpu.memory_space<vmem>>
    %dma_start3A_963 = arith.constant 0 : i32
    %dma_start3A_964 = arith.constant 0 : i32
    %dma_start3A_965 = tpu.memref_slice %arg4[%add3A_959, %dma_start3A_963, %dma_start3A_964] : memref<16384x50x64xf32, #tpu.memory_space<hbm>> -> memref<1x50x64xf32, #tpu.memory_space<hbm>>
    %dma_start3A_966 = tpu.memref_squeeze %dma_start3A_965 : memref<1x50x64xf32, #tpu.memory_space<hbm>> -> memref<50x64xf32, #tpu.memory_space<hbm>>
    %dma_start3A_967 = arith.constant 0 : i32
    %dma_start3A_968 = arith.constant 0 : i32
    %dma_start3A_969 = tpu.memref_slice %arg4[%add3A_959, %dma_start3A_967, %dma_start3A_968] : memref<16384x50x64xf32, #tpu.memory_space<hbm>> -> memref<1x50x64xf32, #tpu.memory_space<hbm>>
    %dma_start3A_970 = tpu.memref_squeeze %dma_start3A_969 : memref<1x50x64xf32, #tpu.memory_space<hbm>> -> memref<50x64xf32, #tpu.memory_space<hbm>>
    %dma_start3A_971 = arith.constant 200 : i32
    %dma_start3A_972 = arith.constant 0 : i32
    %dma_start3A_973 = tpu.memref_slice %arg6[%dma_start3A_971, %dma_start3A_972] : memref<400x64xf32, #tpu.memory_space<vmem>> -> memref<50x64xf32, #tpu.memory_space<vmem>>
    tpu.enqueue_dma source(%dma_start3A_973 : memref<50x64xf32, #tpu.memory_space<vmem>>) target(%dma_start3A_970 : memref<50x64xf32, #tpu.memory_space<hbm>>) target_semaphore(%arg14 : memref<!tpu.dma_semaphore, #tpu.memory_space<semaphore_mem>>)
    %add3A_974 = arith.constant 480 : i32
    %add3A_975 = arith.addi %mul3A_2, %add3A_974 : i32
    %add3A_976 = arith.constant 5 : i32
    %add3A_977 = arith.addi %add3A_975, %add3A_976 : i32
    %dma_start3A_978 = arith.constant 250 : i32
    %dma_start3A_979 = arith.constant 0 : i32
    %dma_start3A_980 = tpu.memref_slice %arg6[%dma_start3A_978, %dma_start3A_979] : memref<400x64xf32, #tpu.memory_space<vmem>> -> memref<50x64xf32, #tpu.memory_space<vmem>>
    %dma_start3A_981 = arith.constant 0 : i32
    %dma_start3A_982 = arith.constant 0 : i32
    %dma_start3A_983 = tpu.memref_slice %arg4[%add3A_977, %dma_start3A_981, %dma_start3A_982] : memref<16384x50x64xf32, #tpu.memory_space<hbm>> -> memref<1x50x64xf32, #tpu.memory_space<hbm>>
    %dma_start3A_984 = tpu.memref_squeeze %dma_start3A_983 : memref<1x50x64xf32, #tpu.memory_space<hbm>> -> memref<50x64xf32, #tpu.memory_space<hbm>>
    %dma_start3A_985 = arith.constant 0 : i32
    %dma_start3A_986 = arith.constant 0 : i32
    %dma_start3A_987 = tpu.memref_slice %arg4[%add3A_977, %dma_start3A_985, %dma_start3A_986] : memref<16384x50x64xf32, #tpu.memory_space<hbm>> -> memref<1x50x64xf32, #tpu.memory_space<hbm>>
    %dma_start3A_988 = tpu.memref_squeeze %dma_start3A_987 : memref<1x50x64xf32, #tpu.memory_space<hbm>> -> memref<50x64xf32, #tpu.memory_space<hbm>>
    %dma_start3A_989 = arith.constant 250 : i32
    %dma_start3A_990 = arith.constant 0 : i32
    %dma_start3A_991 = tpu.memref_slice %arg6[%dma_start3A_989, %dma_start3A_990] : memref<400x64xf32, #tpu.memory_space<vmem>> -> memref<50x64xf32, #tpu.memory_space<vmem>>
    tpu.enqueue_dma source(%dma_start3A_991 : memref<50x64xf32, #tpu.memory_space<vmem>>) target(%dma_start3A_988 : memref<50x64xf32, #tpu.memory_space<hbm>>) target_semaphore(%arg14 : memref<!tpu.dma_semaphore, #tpu.memory_space<semaphore_mem>>)
    %add3A_992 = arith.constant 480 : i32
    %add3A_993 = arith.addi %mul3A_2, %add3A_992 : i32
    %add3A_994 = arith.constant 6 : i32
    %add3A_995 = arith.addi %add3A_993, %add3A_994 : i32
    %dma_start3A_996 = arith.constant 300 : i32
    %dma_start3A_997 = arith.constant 0 : i32
    %dma_start3A_998 = tpu.memref_slice %arg6[%dma_start3A_996, %dma_start3A_997] : memref<400x64xf32, #tpu.memory_space<vmem>> -> memref<50x64xf32, #tpu.memory_space<vmem>>
    %dma_start3A_999 = arith.constant 0 : i32
    %dma_start3A_1000 = arith.constant 0 : i32
    %dma_start3A_1001 = tpu.memref_slice %arg4[%add3A_995, %dma_start3A_999, %dma_start3A_1000] : memref<16384x50x64xf32, #tpu.memory_space<hbm>> -> memref<1x50x64xf32, #tpu.memory_space<hbm>>
    %dma_start3A_1002 = tpu.memref_squeeze %dma_start3A_1001 : memref<1x50x64xf32, #tpu.memory_space<hbm>> -> memref<50x64xf32, #tpu.memory_space<hbm>>
    %dma_start3A_1003 = arith.constant 0 : i32
    %dma_start3A_1004 = arith.constant 0 : i32
    %dma_start3A_1005 = tpu.memref_slice %arg4[%add3A_995, %dma_start3A_1003, %dma_start3A_1004] : memref<16384x50x64xf32, #tpu.memory_space<hbm>> -> memref<1x50x64xf32, #tpu.memory_space<hbm>>
    %dma_start3A_1006 = tpu.memref_squeeze %dma_start3A_1005 : memref<1x50x64xf32, #tpu.memory_space<hbm>> -> memref<50x64xf32, #tpu.memory_space<hbm>>
    %dma_start3A_1007 = arith.constant 300 : i32
    %dma_start3A_1008 = arith.constant 0 : i32
    %dma_start3A_1009 = tpu.memref_slice %arg6[%dma_start3A_1007, %dma_start3A_1008] : memref<400x64xf32, #tpu.memory_space<vmem>> -> memref<50x64xf32, #tpu.memory_space<vmem>>
    tpu.enqueue_dma source(%dma_start3A_1009 : memref<50x64xf32, #tpu.memory_space<vmem>>) target(%dma_start3A_1006 : memref<50x64xf32, #tpu.memory_space<hbm>>) target_semaphore(%arg14 : memref<!tpu.dma_semaphore, #tpu.memory_space<semaphore_mem>>)
    %add3A_1010 = arith.constant 480 : i32
    %add3A_1011 = arith.addi %mul3A_2, %add3A_1010 : i32
    %add3A_1012 = arith.constant 7 : i32
    %add3A_1013 = arith.addi %add3A_1011, %add3A_1012 : i32
    %dma_start3A_1014 = arith.constant 350 : i32
    %dma_start3A_1015 = arith.constant 0 : i32
    %dma_start3A_1016 = tpu.memref_slice %arg6[%dma_start3A_1014, %dma_start3A_1015] : memref<400x64xf32, #tpu.memory_space<vmem>> -> memref<50x64xf32, #tpu.memory_space<vmem>>
    %dma_start3A_1017 = arith.constant 0 : i32
    %dma_start3A_1018 = arith.constant 0 : i32
    %dma_start3A_1019 = tpu.memref_slice %arg4[%add3A_1013, %dma_start3A_1017, %dma_start3A_1018] : memref<16384x50x64xf32, #tpu.memory_space<hbm>> -> memref<1x50x64xf32, #tpu.memory_space<hbm>>
    %dma_start3A_1020 = tpu.memref_squeeze %dma_start3A_1019 : memref<1x50x64xf32, #tpu.memory_space<hbm>> -> memref<50x64xf32, #tpu.memory_space<hbm>>
    %dma_start3A_1021 = arith.constant 0 : i32
    %dma_start3A_1022 = arith.constant 0 : i32
    %dma_start3A_1023 = tpu.memref_slice %arg4[%add3A_1013, %dma_start3A_1021, %dma_start3A_1022] : memref<16384x50x64xf32, #tpu.memory_space<hbm>> -> memref<1x50x64xf32, #tpu.memory_space<hbm>>
    %dma_start3A_1024 = tpu.memref_squeeze %dma_start3A_1023 : memref<1x50x64xf32, #tpu.memory_space<hbm>> -> memref<50x64xf32, #tpu.memory_space<hbm>>
    %dma_start3A_1025 = arith.constant 350 : i32
    %dma_start3A_1026 = arith.constant 0 : i32
    %dma_start3A_1027 = tpu.memref_slice %arg6[%dma_start3A_1025, %dma_start3A_1026] : memref<400x64xf32, #tpu.memory_space<vmem>> -> memref<50x64xf32, #tpu.memory_space<vmem>>
    tpu.enqueue_dma source(%dma_start3A_1027 : memref<50x64xf32, #tpu.memory_space<vmem>>) target(%dma_start3A_1024 : memref<50x64xf32, #tpu.memory_space<hbm>>) target_semaphore(%arg14 : memref<!tpu.dma_semaphore, #tpu.memory_space<semaphore_mem>>)
    %dma_wait3A_1028 = arith.constant 0 : i32
    %dma_wait3A_1029 = arith.constant 0 : i32
    %dma_wait3A_1030 = arith.constant 0 : i32
    %dma_wait3A_1031 = tpu.memref_slice %arg8[%dma_wait3A_1029, %dma_wait3A_1030] : memref<400x64xf32, #tpu.memory_space<vmem>> -> memref<50x64xf32, #tpu.memory_space<vmem>>
    %dma_wait3A_1032 = arith.constant 0 : i32
    %dma_wait3A_1033 = arith.constant 0 : i32
    %dma_wait3A_1034 = tpu.memref_slice %arg4[%dma_wait3A_1028, %dma_wait3A_1032, %dma_wait3A_1033] : memref<16384x50x64xf32, #tpu.memory_space<hbm>> -> memref<1x50x64xf32, #tpu.memory_space<hbm>>
    %dma_wait3A_1035 = tpu.memref_squeeze %dma_wait3A_1034 : memref<1x50x64xf32, #tpu.memory_space<hbm>> -> memref<50x64xf32, #tpu.memory_space<hbm>>
    %dma_wait3A_1036 = arith.constant 0 : i32
    %dma_wait3A_1037 = arith.constant 0 : i32
    %dma_wait3A_1038 = tpu.memref_slice %arg4[%dma_wait3A_1028, %dma_wait3A_1036, %dma_wait3A_1037] : memref<16384x50x64xf32, #tpu.memory_space<hbm>> -> memref<1x50x64xf32, #tpu.memory_space<hbm>>
    %dma_wait3A_1039 = tpu.memref_squeeze %dma_wait3A_1038 : memref<1x50x64xf32, #tpu.memory_space<hbm>> -> memref<50x64xf32, #tpu.memory_space<hbm>>
    %dma_wait3A_1040 = arith.constant 0 : i32
    %dma_wait3A_1041 = arith.constant 0 : i32
    %dma_wait3A_1042 = tpu.memref_slice %arg8[%dma_wait3A_1040, %dma_wait3A_1041] : memref<400x64xf32, #tpu.memory_space<vmem>> -> memref<50x64xf32, #tpu.memory_space<vmem>>
    tpu.wait_dma2 semaphore(%arg16 : memref<!tpu.dma_semaphore, #tpu.memory_space<semaphore_mem>>) src(%dma_wait3A_1042 : memref<50x64xf32, #tpu.memory_space<vmem>>) dst(%dma_wait3A_1039 : memref<50x64xf32, #tpu.memory_space<hbm>>)
    %dma_wait3A_1043 = arith.constant 0 : i32
    %dma_wait3A_1044 = arith.constant 0 : i32
    %dma_wait3A_1045 = arith.constant 0 : i32
    %dma_wait3A_1046 = tpu.memref_slice %arg8[%dma_wait3A_1044, %dma_wait3A_1045] : memref<400x64xf32, #tpu.memory_space<vmem>> -> memref<50x64xf32, #tpu.memory_space<vmem>>
    %dma_wait3A_1047 = arith.constant 0 : i32
    %dma_wait3A_1048 = arith.constant 0 : i32
    %dma_wait3A_1049 = tpu.memref_slice %arg4[%dma_wait3A_1043, %dma_wait3A_1047, %dma_wait3A_1048] : memref<16384x50x64xf32, #tpu.memory_space<hbm>> -> memref<1x50x64xf32, #tpu.memory_space<hbm>>
    %dma_wait3A_1050 = tpu.memref_squeeze %dma_wait3A_1049 : memref<1x50x64xf32, #tpu.memory_space<hbm>> -> memref<50x64xf32, #tpu.memory_space<hbm>>
    %dma_wait3A_1051 = arith.constant 0 : i32
    %dma_wait3A_1052 = arith.constant 0 : i32
    %dma_wait3A_1053 = tpu.memref_slice %arg4[%dma_wait3A_1043, %dma_wait3A_1051, %dma_wait3A_1052] : memref<16384x50x64xf32, #tpu.memory_space<hbm>> -> memref<1x50x64xf32, #tpu.memory_space<hbm>>
    %dma_wait3A_1054 = tpu.memref_squeeze %dma_wait3A_1053 : memref<1x50x64xf32, #tpu.memory_space<hbm>> -> memref<50x64xf32, #tpu.memory_space<hbm>>
    %dma_wait3A_1055 = arith.constant 0 : i32
    %dma_wait3A_1056 = arith.constant 0 : i32
    %dma_wait3A_1057 = tpu.memref_slice %arg8[%dma_wait3A_1055, %dma_wait3A_1056] : memref<400x64xf32, #tpu.memory_space<vmem>> -> memref<50x64xf32, #tpu.memory_space<vmem>>
    tpu.wait_dma2 semaphore(%arg16 : memref<!tpu.dma_semaphore, #tpu.memory_space<semaphore_mem>>) src(%dma_wait3A_1057 : memref<50x64xf32, #tpu.memory_space<vmem>>) dst(%dma_wait3A_1054 : memref<50x64xf32, #tpu.memory_space<hbm>>)
    %dma_wait3A_1058 = arith.constant 0 : i32
    %dma_wait3A_1059 = arith.constant 0 : i32
    %dma_wait3A_1060 = arith.constant 0 : i32
    %dma_wait3A_1061 = tpu.memref_slice %arg8[%dma_wait3A_1059, %dma_wait3A_1060] : memref<400x64xf32, #tpu.memory_space<vmem>> -> memref<50x64xf32, #tpu.memory_space<vmem>>
    %dma_wait3A_1062 = arith.constant 0 : i32
    %dma_wait3A_1063 = arith.constant 0 : i32
    %dma_wait3A_1064 = tpu.memref_slice %arg4[%dma_wait3A_1058, %dma_wait3A_1062, %dma_wait3A_1063] : memref<16384x50x64xf32, #tpu.memory_space<hbm>> -> memref<1x50x64xf32, #tpu.memory_space<hbm>>
    %dma_wait3A_1065 = tpu.memref_squeeze %dma_wait3A_1064 : memref<1x50x64xf32, #tpu.memory_space<hbm>> -> memref<50x64xf32, #tpu.memory_space<hbm>>
    %dma_wait3A_1066 = arith.constant 0 : i32
    %dma_wait3A_1067 = arith.constant 0 : i32
    %dma_wait3A_1068 = tpu.memref_slice %arg4[%dma_wait3A_1058, %dma_wait3A_1066, %dma_wait3A_1067] : memref<16384x50x64xf32, #tpu.memory_space<hbm>> -> memref<1x50x64xf32, #tpu.memory_space<hbm>>
    %dma_wait3A_1069 = tpu.memref_squeeze %dma_wait3A_1068 : memref<1x50x64xf32, #tpu.memory_space<hbm>> -> memref<50x64xf32, #tpu.memory_space<hbm>>
    %dma_wait3A_1070 = arith.constant 0 : i32
    %dma_wait3A_1071 = arith.constant 0 : i32
    %dma_wait3A_1072 = tpu.memref_slice %arg8[%dma_wait3A_1070, %dma_wait3A_1071] : memref<400x64xf32, #tpu.memory_space<vmem>> -> memref<50x64xf32, #tpu.memory_space<vmem>>
    tpu.wait_dma2 semaphore(%arg16 : memref<!tpu.dma_semaphore, #tpu.memory_space<semaphore_mem>>) src(%dma_wait3A_1072 : memref<50x64xf32, #tpu.memory_space<vmem>>) dst(%dma_wait3A_1069 : memref<50x64xf32, #tpu.memory_space<hbm>>)
    %dma_wait3A_1073 = arith.constant 0 : i32
    %dma_wait3A_1074 = arith.constant 0 : i32
    %dma_wait3A_1075 = arith.constant 0 : i32
    %dma_wait3A_1076 = tpu.memref_slice %arg8[%dma_wait3A_1074, %dma_wait3A_1075] : memref<400x64xf32, #tpu.memory_space<vmem>> -> memref<50x64xf32, #tpu.memory_space<vmem>>
    %dma_wait3A_1077 = arith.constant 0 : i32
    %dma_wait3A_1078 = arith.constant 0 : i32
    %dma_wait3A_1079 = tpu.memref_slice %arg4[%dma_wait3A_1073, %dma_wait3A_1077, %dma_wait3A_1078] : memref<16384x50x64xf32, #tpu.memory_space<hbm>> -> memref<1x50x64xf32, #tpu.memory_space<hbm>>
    %dma_wait3A_1080 = tpu.memref_squeeze %dma_wait3A_1079 : memref<1x50x64xf32, #tpu.memory_space<hbm>> -> memref<50x64xf32, #tpu.memory_space<hbm>>
    %dma_wait3A_1081 = arith.constant 0 : i32
    %dma_wait3A_1082 = arith.constant 0 : i32
    %dma_wait3A_1083 = tpu.memref_slice %arg4[%dma_wait3A_1073, %dma_wait3A_1081, %dma_wait3A_1082] : memref<16384x50x64xf32, #tpu.memory_space<hbm>> -> memref<1x50x64xf32, #tpu.memory_space<hbm>>
    %dma_wait3A_1084 = tpu.memref_squeeze %dma_wait3A_1083 : memref<1x50x64xf32, #tpu.memory_space<hbm>> -> memref<50x64xf32, #tpu.memory_space<hbm>>
    %dma_wait3A_1085 = arith.constant 0 : i32
    %dma_wait3A_1086 = arith.constant 0 : i32
    %dma_wait3A_1087 = tpu.memref_slice %arg8[%dma_wait3A_1085, %dma_wait3A_1086] : memref<400x64xf32, #tpu.memory_space<vmem>> -> memref<50x64xf32, #tpu.memory_space<vmem>>
    tpu.wait_dma2 semaphore(%arg16 : memref<!tpu.dma_semaphore, #tpu.memory_space<semaphore_mem>>) src(%dma_wait3A_1087 : memref<50x64xf32, #tpu.memory_space<vmem>>) dst(%dma_wait3A_1084 : memref<50x64xf32, #tpu.memory_space<hbm>>)
    %dma_wait3A_1088 = arith.constant 0 : i32
    %dma_wait3A_1089 = arith.constant 0 : i32
    %dma_wait3A_1090 = arith.constant 0 : i32
    %dma_wait3A_1091 = tpu.memref_slice %arg8[%dma_wait3A_1089, %dma_wait3A_1090] : memref<400x64xf32, #tpu.memory_space<vmem>> -> memref<50x64xf32, #tpu.memory_space<vmem>>
    %dma_wait3A_1092 = arith.constant 0 : i32
    %dma_wait3A_1093 = arith.constant 0 : i32
    %dma_wait3A_1094 = tpu.memref_slice %arg4[%dma_wait3A_1088, %dma_wait3A_1092, %dma_wait3A_1093] : memref<16384x50x64xf32, #tpu.memory_space<hbm>> -> memref<1x50x64xf32, #tpu.memory_space<hbm>>
    %dma_wait3A_1095 = tpu.memref_squeeze %dma_wait3A_1094 : memref<1x50x64xf32, #tpu.memory_space<hbm>> -> memref<50x64xf32, #tpu.memory_space<hbm>>
    %dma_wait3A_1096 = arith.constant 0 : i32
    %dma_wait3A_1097 = arith.constant 0 : i32
    %dma_wait3A_1098 = tpu.memref_slice %arg4[%dma_wait3A_1088, %dma_wait3A_1096, %dma_wait3A_1097] : memref<16384x50x64xf32, #tpu.memory_space<hbm>> -> memref<1x50x64xf32, #tpu.memory_space<hbm>>
    %dma_wait3A_1099 = tpu.memref_squeeze %dma_wait3A_1098 : memref<1x50x64xf32, #tpu.memory_space<hbm>> -> memref<50x64xf32, #tpu.memory_space<hbm>>
    %dma_wait3A_1100 = arith.constant 0 : i32
    %dma_wait3A_1101 = arith.constant 0 : i32
    %dma_wait3A_1102 = tpu.memref_slice %arg8[%dma_wait3A_1100, %dma_wait3A_1101] : memref<400x64xf32, #tpu.memory_space<vmem>> -> memref<50x64xf32, #tpu.memory_space<vmem>>
    tpu.wait_dma2 semaphore(%arg16 : memref<!tpu.dma_semaphore, #tpu.memory_space<semaphore_mem>>) src(%dma_wait3A_1102 : memref<50x64xf32, #tpu.memory_space<vmem>>) dst(%dma_wait3A_1099 : memref<50x64xf32, #tpu.memory_space<hbm>>)
    %dma_wait3A_1103 = arith.constant 0 : i32
    %dma_wait3A_1104 = arith.constant 0 : i32
    %dma_wait3A_1105 = arith.constant 0 : i32
    %dma_wait3A_1106 = tpu.memref_slice %arg8[%dma_wait3A_1104, %dma_wait3A_1105] : memref<400x64xf32, #tpu.memory_space<vmem>> -> memref<50x64xf32, #tpu.memory_space<vmem>>
    %dma_wait3A_1107 = arith.constant 0 : i32
    %dma_wait3A_1108 = arith.constant 0 : i32
    %dma_wait3A_1109 = tpu.memref_slice %arg4[%dma_wait3A_1103, %dma_wait3A_1107, %dma_wait3A_1108] : memref<16384x50x64xf32, #tpu.memory_space<hbm>> -> memref<1x50x64xf32, #tpu.memory_space<hbm>>
    %dma_wait3A_1110 = tpu.memref_squeeze %dma_wait3A_1109 : memref<1x50x64xf32, #tpu.memory_space<hbm>> -> memref<50x64xf32, #tpu.memory_space<hbm>>
    %dma_wait3A_1111 = arith.constant 0 : i32
    %dma_wait3A_1112 = arith.constant 0 : i32
    %dma_wait3A_1113 = tpu.memref_slice %arg4[%dma_wait3A_1103, %dma_wait3A_1111, %dma_wait3A_1112] : memref<16384x50x64xf32, #tpu.memory_space<hbm>> -> memref<1x50x64xf32, #tpu.memory_space<hbm>>
    %dma_wait3A_1114 = tpu.memref_squeeze %dma_wait3A_1113 : memref<1x50x64xf32, #tpu.memory_space<hbm>> -> memref<50x64xf32, #tpu.memory_space<hbm>>
    %dma_wait3A_1115 = arith.constant 0 : i32
    %dma_wait3A_1116 = arith.constant 0 : i32
    %dma_wait3A_1117 = tpu.memref_slice %arg8[%dma_wait3A_1115, %dma_wait3A_1116] : memref<400x64xf32, #tpu.memory_space<vmem>> -> memref<50x64xf32, #tpu.memory_space<vmem>>
    tpu.wait_dma2 semaphore(%arg16 : memref<!tpu.dma_semaphore, #tpu.memory_space<semaphore_mem>>) src(%dma_wait3A_1117 : memref<50x64xf32, #tpu.memory_space<vmem>>) dst(%dma_wait3A_1114 : memref<50x64xf32, #tpu.memory_space<hbm>>)
    %dma_wait3A_1118 = arith.constant 0 : i32
    %dma_wait3A_1119 = arith.constant 0 : i32
    %dma_wait3A_1120 = arith.constant 0 : i32
    %dma_wait3A_1121 = tpu.memref_slice %arg8[%dma_wait3A_1119, %dma_wait3A_1120] : memref<400x64xf32, #tpu.memory_space<vmem>> -> memref<50x64xf32, #tpu.memory_space<vmem>>
    %dma_wait3A_1122 = arith.constant 0 : i32
    %dma_wait3A_1123 = arith.constant 0 : i32
    %dma_wait3A_1124 = tpu.memref_slice %arg4[%dma_wait3A_1118, %dma_wait3A_1122, %dma_wait3A_1123] : memref<16384x50x64xf32, #tpu.memory_space<hbm>> -> memref<1x50x64xf32, #tpu.memory_space<hbm>>
    %dma_wait3A_1125 = tpu.memref_squeeze %dma_wait3A_1124 : memref<1x50x64xf32, #tpu.memory_space<hbm>> -> memref<50x64xf32, #tpu.memory_space<hbm>>
    %dma_wait3A_1126 = arith.constant 0 : i32
    %dma_wait3A_1127 = arith.constant 0 : i32
    %dma_wait3A_1128 = tpu.memref_slice %arg4[%dma_wait3A_1118, %dma_wait3A_1126, %dma_wait3A_1127] : memref<16384x50x64xf32, #tpu.memory_space<hbm>> -> memref<1x50x64xf32, #tpu.memory_space<hbm>>
    %dma_wait3A_1129 = tpu.memref_squeeze %dma_wait3A_1128 : memref<1x50x64xf32, #tpu.memory_space<hbm>> -> memref<50x64xf32, #tpu.memory_space<hbm>>
    %dma_wait3A_1130 = arith.constant 0 : i32
    %dma_wait3A_1131 = arith.constant 0 : i32
    %dma_wait3A_1132 = tpu.memref_slice %arg8[%dma_wait3A_1130, %dma_wait3A_1131] : memref<400x64xf32, #tpu.memory_space<vmem>> -> memref<50x64xf32, #tpu.memory_space<vmem>>
    tpu.wait_dma2 semaphore(%arg16 : memref<!tpu.dma_semaphore, #tpu.memory_space<semaphore_mem>>) src(%dma_wait3A_1132 : memref<50x64xf32, #tpu.memory_space<vmem>>) dst(%dma_wait3A_1129 : memref<50x64xf32, #tpu.memory_space<hbm>>)
    %dma_wait3A_1133 = arith.constant 0 : i32
    %dma_wait3A_1134 = arith.constant 0 : i32
    %dma_wait3A_1135 = arith.constant 0 : i32
    %dma_wait3A_1136 = tpu.memref_slice %arg8[%dma_wait3A_1134, %dma_wait3A_1135] : memref<400x64xf32, #tpu.memory_space<vmem>> -> memref<50x64xf32, #tpu.memory_space<vmem>>
    %dma_wait3A_1137 = arith.constant 0 : i32
    %dma_wait3A_1138 = arith.constant 0 : i32
    %dma_wait3A_1139 = tpu.memref_slice %arg4[%dma_wait3A_1133, %dma_wait3A_1137, %dma_wait3A_1138] : memref<16384x50x64xf32, #tpu.memory_space<hbm>> -> memref<1x50x64xf32, #tpu.memory_space<hbm>>
    %dma_wait3A_1140 = tpu.memref_squeeze %dma_wait3A_1139 : memref<1x50x64xf32, #tpu.memory_space<hbm>> -> memref<50x64xf32, #tpu.memory_space<hbm>>
    %dma_wait3A_1141 = arith.constant 0 : i32
    %dma_wait3A_1142 = arith.constant 0 : i32
    %dma_wait3A_1143 = tpu.memref_slice %arg4[%dma_wait3A_1133, %dma_wait3A_1141, %dma_wait3A_1142] : memref<16384x50x64xf32, #tpu.memory_space<hbm>> -> memref<1x50x64xf32, #tpu.memory_space<hbm>>
    %dma_wait3A_1144 = tpu.memref_squeeze %dma_wait3A_1143 : memref<1x50x64xf32, #tpu.memory_space<hbm>> -> memref<50x64xf32, #tpu.memory_space<hbm>>
    %dma_wait3A_1145 = arith.constant 0 : i32
    %dma_wait3A_1146 = arith.constant 0 : i32
    %dma_wait3A_1147 = tpu.memref_slice %arg8[%dma_wait3A_1145, %dma_wait3A_1146] : memref<400x64xf32, #tpu.memory_space<vmem>> -> memref<50x64xf32, #tpu.memory_space<vmem>>
    tpu.wait_dma2 semaphore(%arg16 : memref<!tpu.dma_semaphore, #tpu.memory_space<semaphore_mem>>) src(%dma_wait3A_1147 : memref<50x64xf32, #tpu.memory_space<vmem>>) dst(%dma_wait3A_1144 : memref<50x64xf32, #tpu.memory_space<hbm>>)
    %dma_start3A_1148 = arith.constant 24800 : i32
    %dma_start3A_1149 = tpu.memref_slice %arg5[%dma_start3A_1148] : memref<25600xi32, #tpu.memory_space<vmem>> -> memref<400xi32, #tpu.memory_space<vmem>>
    %dma_start3A_1150 = arith.constant 0 : i32
    %dma_start3A_1151 = arith.constant 0 : i32
    %dma_start3A_1152 = tpu.memref_slice %arg2[%dma_start3A_1150, %dma_start3A_1151] : memref<1000000x64xf32, #tpu.memory_space<hbm>> -> memref<1000000x64xf32, #tpu.memory_space<hbm>>
    tpu.enqueue_indirect_dma source(%dma_start3A_1152 : memref<1000000x64xf32, #tpu.memory_space<hbm>>) target(%arg8 : memref<400x64xf32, #tpu.memory_space<vmem>>) offsets(%dma_start3A_1149 : memref<400xi32, #tpu.memory_space<vmem>>) semaphore(%arg12 : memref<!tpu.dma_semaphore, #tpu.memory_space<semaphore_mem>>)
    %dma_wait3A_1153 = arith.constant 0 : i32
    %dma_wait3A_1154 = arith.constant 0 : i32
    %dma_wait3A_1155 = tpu.memref_slice %arg2[%dma_wait3A_1153, %dma_wait3A_1154] : memref<1000000x64xf32, #tpu.memory_space<hbm>> -> memref<400x64xf32, #tpu.memory_space<hbm>>
    %dma_wait3A_1156 = arith.constant 0 : i32
    %dma_wait3A_1157 = arith.constant 0 : i32
    %dma_wait3A_1158 = tpu.memref_slice %arg2[%dma_wait3A_1156, %dma_wait3A_1157] : memref<1000000x64xf32, #tpu.memory_space<hbm>> -> memref<400x64xf32, #tpu.memory_space<hbm>>
    tpu.wait_dma2 semaphore(%arg11 : memref<!tpu.dma_semaphore, #tpu.memory_space<semaphore_mem>>) src(%dma_wait3A_1158 : memref<400x64xf32, #tpu.memory_space<hbm>>) dst(%arg7 : memref<400x64xf32, #tpu.memory_space<vmem>>)
    %add3A_1159 = arith.constant 488 : i32
    %add3A_1160 = arith.addi %mul3A_2, %add3A_1159 : i32
    %add3A_1161 = arith.constant 0 : i32
    %add3A_1162 = arith.addi %add3A_1160, %add3A_1161 : i32
    %dma_start3A_1163 = arith.constant 0 : i32
    %dma_start3A_1164 = arith.constant 0 : i32
    %dma_start3A_1165 = tpu.memref_slice %arg7[%dma_start3A_1163, %dma_start3A_1164] : memref<400x64xf32, #tpu.memory_space<vmem>> -> memref<50x64xf32, #tpu.memory_space<vmem>>
    %dma_start3A_1166 = arith.constant 0 : i32
    %dma_start3A_1167 = arith.constant 0 : i32
    %dma_start3A_1168 = tpu.memref_slice %arg4[%add3A_1162, %dma_start3A_1166, %dma_start3A_1167] : memref<16384x50x64xf32, #tpu.memory_space<hbm>> -> memref<1x50x64xf32, #tpu.memory_space<hbm>>
    %dma_start3A_1169 = tpu.memref_squeeze %dma_start3A_1168 : memref<1x50x64xf32, #tpu.memory_space<hbm>> -> memref<50x64xf32, #tpu.memory_space<hbm>>
    %dma_start3A_1170 = arith.constant 0 : i32
    %dma_start3A_1171 = arith.constant 0 : i32
    %dma_start3A_1172 = tpu.memref_slice %arg4[%add3A_1162, %dma_start3A_1170, %dma_start3A_1171] : memref<16384x50x64xf32, #tpu.memory_space<hbm>> -> memref<1x50x64xf32, #tpu.memory_space<hbm>>
    %dma_start3A_1173 = tpu.memref_squeeze %dma_start3A_1172 : memref<1x50x64xf32, #tpu.memory_space<hbm>> -> memref<50x64xf32, #tpu.memory_space<hbm>>
    %dma_start3A_1174 = arith.constant 0 : i32
    %dma_start3A_1175 = arith.constant 0 : i32
    %dma_start3A_1176 = tpu.memref_slice %arg7[%dma_start3A_1174, %dma_start3A_1175] : memref<400x64xf32, #tpu.memory_space<vmem>> -> memref<50x64xf32, #tpu.memory_space<vmem>>
    tpu.enqueue_dma source(%dma_start3A_1176 : memref<50x64xf32, #tpu.memory_space<vmem>>) target(%dma_start3A_1173 : memref<50x64xf32, #tpu.memory_space<hbm>>) target_semaphore(%arg15 : memref<!tpu.dma_semaphore, #tpu.memory_space<semaphore_mem>>)
    %add3A_1177 = arith.constant 488 : i32
    %add3A_1178 = arith.addi %mul3A_2, %add3A_1177 : i32
    %add3A_1179 = arith.constant 1 : i32
    %add3A_1180 = arith.addi %add3A_1178, %add3A_1179 : i32
    %dma_start3A_1181 = arith.constant 50 : i32
    %dma_start3A_1182 = arith.constant 0 : i32
    %dma_start3A_1183 = tpu.memref_slice %arg7[%dma_start3A_1181, %dma_start3A_1182] : memref<400x64xf32, #tpu.memory_space<vmem>> -> memref<50x64xf32, #tpu.memory_space<vmem>>
    %dma_start3A_1184 = arith.constant 0 : i32
    %dma_start3A_1185 = arith.constant 0 : i32
    %dma_start3A_1186 = tpu.memref_slice %arg4[%add3A_1180, %dma_start3A_1184, %dma_start3A_1185] : memref<16384x50x64xf32, #tpu.memory_space<hbm>> -> memref<1x50x64xf32, #tpu.memory_space<hbm>>
    %dma_start3A_1187 = tpu.memref_squeeze %dma_start3A_1186 : memref<1x50x64xf32, #tpu.memory_space<hbm>> -> memref<50x64xf32, #tpu.memory_space<hbm>>
    %dma_start3A_1188 = arith.constant 0 : i32
    %dma_start3A_1189 = arith.constant 0 : i32
    %dma_start3A_1190 = tpu.memref_slice %arg4[%add3A_1180, %dma_start3A_1188, %dma_start3A_1189] : memref<16384x50x64xf32, #tpu.memory_space<hbm>> -> memref<1x50x64xf32, #tpu.memory_space<hbm>>
    %dma_start3A_1191 = tpu.memref_squeeze %dma_start3A_1190 : memref<1x50x64xf32, #tpu.memory_space<hbm>> -> memref<50x64xf32, #tpu.memory_space<hbm>>
    %dma_start3A_1192 = arith.constant 50 : i32
    %dma_start3A_1193 = arith.constant 0 : i32
    %dma_start3A_1194 = tpu.memref_slice %arg7[%dma_start3A_1192, %dma_start3A_1193] : memref<400x64xf32, #tpu.memory_space<vmem>> -> memref<50x64xf32, #tpu.memory_space<vmem>>
    tpu.enqueue_dma source(%dma_start3A_1194 : memref<50x64xf32, #tpu.memory_space<vmem>>) target(%dma_start3A_1191 : memref<50x64xf32, #tpu.memory_space<hbm>>) target_semaphore(%arg15 : memref<!tpu.dma_semaphore, #tpu.memory_space<semaphore_mem>>)
    %add3A_1195 = arith.constant 488 : i32
    %add3A_1196 = arith.addi %mul3A_2, %add3A_1195 : i32
    %add3A_1197 = arith.constant 2 : i32
    %add3A_1198 = arith.addi %add3A_1196, %add3A_1197 : i32
    %dma_start3A_1199 = arith.constant 100 : i32
    %dma_start3A_1200 = arith.constant 0 : i32
    %dma_start3A_1201 = tpu.memref_slice %arg7[%dma_start3A_1199, %dma_start3A_1200] : memref<400x64xf32, #tpu.memory_space<vmem>> -> memref<50x64xf32, #tpu.memory_space<vmem>>
    %dma_start3A_1202 = arith.constant 0 : i32
    %dma_start3A_1203 = arith.constant 0 : i32
    %dma_start3A_1204 = tpu.memref_slice %arg4[%add3A_1198, %dma_start3A_1202, %dma_start3A_1203] : memref<16384x50x64xf32, #tpu.memory_space<hbm>> -> memref<1x50x64xf32, #tpu.memory_space<hbm>>
    %dma_start3A_1205 = tpu.memref_squeeze %dma_start3A_1204 : memref<1x50x64xf32, #tpu.memory_space<hbm>> -> memref<50x64xf32, #tpu.memory_space<hbm>>
    %dma_start3A_1206 = arith.constant 0 : i32
    %dma_start3A_1207 = arith.constant 0 : i32
    %dma_start3A_1208 = tpu.memref_slice %arg4[%add3A_1198, %dma_start3A_1206, %dma_start3A_1207] : memref<16384x50x64xf32, #tpu.memory_space<hbm>> -> memref<1x50x64xf32, #tpu.memory_space<hbm>>
    %dma_start3A_1209 = tpu.memref_squeeze %dma_start3A_1208 : memref<1x50x64xf32, #tpu.memory_space<hbm>> -> memref<50x64xf32, #tpu.memory_space<hbm>>
    %dma_start3A_1210 = arith.constant 100 : i32
    %dma_start3A_1211 = arith.constant 0 : i32
    %dma_start3A_1212 = tpu.memref_slice %arg7[%dma_start3A_1210, %dma_start3A_1211] : memref<400x64xf32, #tpu.memory_space<vmem>> -> memref<50x64xf32, #tpu.memory_space<vmem>>
    tpu.enqueue_dma source(%dma_start3A_1212 : memref<50x64xf32, #tpu.memory_space<vmem>>) target(%dma_start3A_1209 : memref<50x64xf32, #tpu.memory_space<hbm>>) target_semaphore(%arg15 : memref<!tpu.dma_semaphore, #tpu.memory_space<semaphore_mem>>)
    %add3A_1213 = arith.constant 488 : i32
    %add3A_1214 = arith.addi %mul3A_2, %add3A_1213 : i32
    %add3A_1215 = arith.constant 3 : i32
    %add3A_1216 = arith.addi %add3A_1214, %add3A_1215 : i32
    %dma_start3A_1217 = arith.constant 150 : i32
    %dma_start3A_1218 = arith.constant 0 : i32
    %dma_start3A_1219 = tpu.memref_slice %arg7[%dma_start3A_1217, %dma_start3A_1218] : memref<400x64xf32, #tpu.memory_space<vmem>> -> memref<50x64xf32, #tpu.memory_space<vmem>>
    %dma_start3A_1220 = arith.constant 0 : i32
    %dma_start3A_1221 = arith.constant 0 : i32
    %dma_start3A_1222 = tpu.memref_slice %arg4[%add3A_1216, %dma_start3A_1220, %dma_start3A_1221] : memref<16384x50x64xf32, #tpu.memory_space<hbm>> -> memref<1x50x64xf32, #tpu.memory_space<hbm>>
    %dma_start3A_1223 = tpu.memref_squeeze %dma_start3A_1222 : memref<1x50x64xf32, #tpu.memory_space<hbm>> -> memref<50x64xf32, #tpu.memory_space<hbm>>
    %dma_start3A_1224 = arith.constant 0 : i32
    %dma_start3A_1225 = arith.constant 0 : i32
    %dma_start3A_1226 = tpu.memref_slice %arg4[%add3A_1216, %dma_start3A_1224, %dma_start3A_1225] : memref<16384x50x64xf32, #tpu.memory_space<hbm>> -> memref<1x50x64xf32, #tpu.memory_space<hbm>>
    %dma_start3A_1227 = tpu.memref_squeeze %dma_start3A_1226 : memref<1x50x64xf32, #tpu.memory_space<hbm>> -> memref<50x64xf32, #tpu.memory_space<hbm>>
    %dma_start3A_1228 = arith.constant 150 : i32
    %dma_start3A_1229 = arith.constant 0 : i32
    %dma_start3A_1230 = tpu.memref_slice %arg7[%dma_start3A_1228, %dma_start3A_1229] : memref<400x64xf32, #tpu.memory_space<vmem>> -> memref<50x64xf32, #tpu.memory_space<vmem>>
    tpu.enqueue_dma source(%dma_start3A_1230 : memref<50x64xf32, #tpu.memory_space<vmem>>) target(%dma_start3A_1227 : memref<50x64xf32, #tpu.memory_space<hbm>>) target_semaphore(%arg15 : memref<!tpu.dma_semaphore, #tpu.memory_space<semaphore_mem>>)
    %add3A_1231 = arith.constant 488 : i32
    %add3A_1232 = arith.addi %mul3A_2, %add3A_1231 : i32
    %add3A_1233 = arith.constant 4 : i32
    %add3A_1234 = arith.addi %add3A_1232, %add3A_1233 : i32
    %dma_start3A_1235 = arith.constant 200 : i32
    %dma_start3A_1236 = arith.constant 0 : i32
    %dma_start3A_1237 = tpu.memref_slice %arg7[%dma_start3A_1235, %dma_start3A_1236] : memref<400x64xf32, #tpu.memory_space<vmem>> -> memref<50x64xf32, #tpu.memory_space<vmem>>
    %dma_start3A_1238 = arith.constant 0 : i32
    %dma_start3A_1239 = arith.constant 0 : i32
    %dma_start3A_1240 = tpu.memref_slice %arg4[%add3A_1234, %dma_start3A_1238, %dma_start3A_1239] : memref<16384x50x64xf32, #tpu.memory_space<hbm>> -> memref<1x50x64xf32, #tpu.memory_space<hbm>>
    %dma_start3A_1241 = tpu.memref_squeeze %dma_start3A_1240 : memref<1x50x64xf32, #tpu.memory_space<hbm>> -> memref<50x64xf32, #tpu.memory_space<hbm>>
    %dma_start3A_1242 = arith.constant 0 : i32
    %dma_start3A_1243 = arith.constant 0 : i32
    %dma_start3A_1244 = tpu.memref_slice %arg4[%add3A_1234, %dma_start3A_1242, %dma_start3A_1243] : memref<16384x50x64xf32, #tpu.memory_space<hbm>> -> memref<1x50x64xf32, #tpu.memory_space<hbm>>
    %dma_start3A_1245 = tpu.memref_squeeze %dma_start3A_1244 : memref<1x50x64xf32, #tpu.memory_space<hbm>> -> memref<50x64xf32, #tpu.memory_space<hbm>>
    %dma_start3A_1246 = arith.constant 200 : i32
    %dma_start3A_1247 = arith.constant 0 : i32
    %dma_start3A_1248 = tpu.memref_slice %arg7[%dma_start3A_1246, %dma_start3A_1247] : memref<400x64xf32, #tpu.memory_space<vmem>> -> memref<50x64xf32, #tpu.memory_space<vmem>>
    tpu.enqueue_dma source(%dma_start3A_1248 : memref<50x64xf32, #tpu.memory_space<vmem>>) target(%dma_start3A_1245 : memref<50x64xf32, #tpu.memory_space<hbm>>) target_semaphore(%arg15 : memref<!tpu.dma_semaphore, #tpu.memory_space<semaphore_mem>>)
    %add3A_1249 = arith.constant 488 : i32
    %add3A_1250 = arith.addi %mul3A_2, %add3A_1249 : i32
    %add3A_1251 = arith.constant 5 : i32
    %add3A_1252 = arith.addi %add3A_1250, %add3A_1251 : i32
    %dma_start3A_1253 = arith.constant 250 : i32
    %dma_start3A_1254 = arith.constant 0 : i32
    %dma_start3A_1255 = tpu.memref_slice %arg7[%dma_start3A_1253, %dma_start3A_1254] : memref<400x64xf32, #tpu.memory_space<vmem>> -> memref<50x64xf32, #tpu.memory_space<vmem>>
    %dma_start3A_1256 = arith.constant 0 : i32
    %dma_start3A_1257 = arith.constant 0 : i32
    %dma_start3A_1258 = tpu.memref_slice %arg4[%add3A_1252, %dma_start3A_1256, %dma_start3A_1257] : memref<16384x50x64xf32, #tpu.memory_space<hbm>> -> memref<1x50x64xf32, #tpu.memory_space<hbm>>
    %dma_start3A_1259 = tpu.memref_squeeze %dma_start3A_1258 : memref<1x50x64xf32, #tpu.memory_space<hbm>> -> memref<50x64xf32, #tpu.memory_space<hbm>>
    %dma_start3A_1260 = arith.constant 0 : i32
    %dma_start3A_1261 = arith.constant 0 : i32
    %dma_start3A_1262 = tpu.memref_slice %arg4[%add3A_1252, %dma_start3A_1260, %dma_start3A_1261] : memref<16384x50x64xf32, #tpu.memory_space<hbm>> -> memref<1x50x64xf32, #tpu.memory_space<hbm>>
    %dma_start3A_1263 = tpu.memref_squeeze %dma_start3A_1262 : memref<1x50x64xf32, #tpu.memory_space<hbm>> -> memref<50x64xf32, #tpu.memory_space<hbm>>
    %dma_start3A_1264 = arith.constant 250 : i32
    %dma_start3A_1265 = arith.constant 0 : i32
    %dma_start3A_1266 = tpu.memref_slice %arg7[%dma_start3A_1264, %dma_start3A_1265] : memref<400x64xf32, #tpu.memory_space<vmem>> -> memref<50x64xf32, #tpu.memory_space<vmem>>
    tpu.enqueue_dma source(%dma_start3A_1266 : memref<50x64xf32, #tpu.memory_space<vmem>>) target(%dma_start3A_1263 : memref<50x64xf32, #tpu.memory_space<hbm>>) target_semaphore(%arg15 : memref<!tpu.dma_semaphore, #tpu.memory_space<semaphore_mem>>)
    %add3A_1267 = arith.constant 488 : i32
    %add3A_1268 = arith.addi %mul3A_2, %add3A_1267 : i32
    %add3A_1269 = arith.constant 6 : i32
    %add3A_1270 = arith.addi %add3A_1268, %add3A_1269 : i32
    %dma_start3A_1271 = arith.constant 300 : i32
    %dma_start3A_1272 = arith.constant 0 : i32
    %dma_start3A_1273 = tpu.memref_slice %arg7[%dma_start3A_1271, %dma_start3A_1272] : memref<400x64xf32, #tpu.memory_space<vmem>> -> memref<50x64xf32, #tpu.memory_space<vmem>>
    %dma_start3A_1274 = arith.constant 0 : i32
    %dma_start3A_1275 = arith.constant 0 : i32
    %dma_start3A_1276 = tpu.memref_slice %arg4[%add3A_1270, %dma_start3A_1274, %dma_start3A_1275] : memref<16384x50x64xf32, #tpu.memory_space<hbm>> -> memref<1x50x64xf32, #tpu.memory_space<hbm>>
    %dma_start3A_1277 = tpu.memref_squeeze %dma_start3A_1276 : memref<1x50x64xf32, #tpu.memory_space<hbm>> -> memref<50x64xf32, #tpu.memory_space<hbm>>
    %dma_start3A_1278 = arith.constant 0 : i32
    %dma_start3A_1279 = arith.constant 0 : i32
    %dma_start3A_1280 = tpu.memref_slice %arg4[%add3A_1270, %dma_start3A_1278, %dma_start3A_1279] : memref<16384x50x64xf32, #tpu.memory_space<hbm>> -> memref<1x50x64xf32, #tpu.memory_space<hbm>>
    %dma_start3A_1281 = tpu.memref_squeeze %dma_start3A_1280 : memref<1x50x64xf32, #tpu.memory_space<hbm>> -> memref<50x64xf32, #tpu.memory_space<hbm>>
    %dma_start3A_1282 = arith.constant 300 : i32
    %dma_start3A_1283 = arith.constant 0 : i32
    %dma_start3A_1284 = tpu.memref_slice %arg7[%dma_start3A_1282, %dma_start3A_1283] : memref<400x64xf32, #tpu.memory_space<vmem>> -> memref<50x64xf32, #tpu.memory_space<vmem>>
    tpu.enqueue_dma source(%dma_start3A_1284 : memref<50x64xf32, #tpu.memory_space<vmem>>) target(%dma_start3A_1281 : memref<50x64xf32, #tpu.memory_space<hbm>>) target_semaphore(%arg15 : memref<!tpu.dma_semaphore, #tpu.memory_space<semaphore_mem>>)
    %add3A_1285 = arith.constant 488 : i32
    %add3A_1286 = arith.addi %mul3A_2, %add3A_1285 : i32
    %add3A_1287 = arith.constant 7 : i32
    %add3A_1288 = arith.addi %add3A_1286, %add3A_1287 : i32
    %dma_start3A_1289 = arith.constant 350 : i32
    %dma_start3A_1290 = arith.constant 0 : i32
    %dma_start3A_1291 = tpu.memref_slice %arg7[%dma_start3A_1289, %dma_start3A_1290] : memref<400x64xf32, #tpu.memory_space<vmem>> -> memref<50x64xf32, #tpu.memory_space<vmem>>
    %dma_start3A_1292 = arith.constant 0 : i32
    %dma_start3A_1293 = arith.constant 0 : i32
    %dma_start3A_1294 = tpu.memref_slice %arg4[%add3A_1288, %dma_start3A_1292, %dma_start3A_1293] : memref<16384x50x64xf32, #tpu.memory_space<hbm>> -> memref<1x50x64xf32, #tpu.memory_space<hbm>>
    %dma_start3A_1295 = tpu.memref_squeeze %dma_start3A_1294 : memref<1x50x64xf32, #tpu.memory_space<hbm>> -> memref<50x64xf32, #tpu.memory_space<hbm>>
    %dma_start3A_1296 = arith.constant 0 : i32
    %dma_start3A_1297 = arith.constant 0 : i32
    %dma_start3A_1298 = tpu.memref_slice %arg4[%add3A_1288, %dma_start3A_1296, %dma_start3A_1297] : memref<16384x50x64xf32, #tpu.memory_space<hbm>> -> memref<1x50x64xf32, #tpu.memory_space<hbm>>
    %dma_start3A_1299 = tpu.memref_squeeze %dma_start3A_1298 : memref<1x50x64xf32, #tpu.memory_space<hbm>> -> memref<50x64xf32, #tpu.memory_space<hbm>>
    %dma_start3A_1300 = arith.constant 350 : i32
    %dma_start3A_1301 = arith.constant 0 : i32
    %dma_start3A_1302 = tpu.memref_slice %arg7[%dma_start3A_1300, %dma_start3A_1301] : memref<400x64xf32, #tpu.memory_space<vmem>> -> memref<50x64xf32, #tpu.memory_space<vmem>>
    tpu.enqueue_dma source(%dma_start3A_1302 : memref<50x64xf32, #tpu.memory_space<vmem>>) target(%dma_start3A_1299 : memref<50x64xf32, #tpu.memory_space<hbm>>) target_semaphore(%arg15 : memref<!tpu.dma_semaphore, #tpu.memory_space<semaphore_mem>>)
    %dma_wait3A_1303 = arith.constant 0 : i32
    %dma_wait3A_1304 = arith.constant 0 : i32
    %dma_wait3A_1305 = arith.constant 0 : i32
    %dma_wait3A_1306 = tpu.memref_slice %arg9[%dma_wait3A_1304, %dma_wait3A_1305] : memref<400x64xf32, #tpu.memory_space<vmem>> -> memref<50x64xf32, #tpu.memory_space<vmem>>
    %dma_wait3A_1307 = arith.constant 0 : i32
    %dma_wait3A_1308 = arith.constant 0 : i32
    %dma_wait3A_1309 = tpu.memref_slice %arg4[%dma_wait3A_1303, %dma_wait3A_1307, %dma_wait3A_1308] : memref<16384x50x64xf32, #tpu.memory_space<hbm>> -> memref<1x50x64xf32, #tpu.memory_space<hbm>>
    %dma_wait3A_1310 = tpu.memref_squeeze %dma_wait3A_1309 : memref<1x50x64xf32, #tpu.memory_space<hbm>> -> memref<50x64xf32, #tpu.memory_space<hbm>>
    %dma_wait3A_1311 = arith.constant 0 : i32
    %dma_wait3A_1312 = arith.constant 0 : i32
    %dma_wait3A_1313 = tpu.memref_slice %arg4[%dma_wait3A_1303, %dma_wait3A_1311, %dma_wait3A_1312] : memref<16384x50x64xf32, #tpu.memory_space<hbm>> -> memref<1x50x64xf32, #tpu.memory_space<hbm>>
    %dma_wait3A_1314 = tpu.memref_squeeze %dma_wait3A_1313 : memref<1x50x64xf32, #tpu.memory_space<hbm>> -> memref<50x64xf32, #tpu.memory_space<hbm>>
    %dma_wait3A_1315 = arith.constant 0 : i32
    %dma_wait3A_1316 = arith.constant 0 : i32
    %dma_wait3A_1317 = tpu.memref_slice %arg9[%dma_wait3A_1315, %dma_wait3A_1316] : memref<400x64xf32, #tpu.memory_space<vmem>> -> memref<50x64xf32, #tpu.memory_space<vmem>>
    tpu.wait_dma2 semaphore(%arg17 : memref<!tpu.dma_semaphore, #tpu.memory_space<semaphore_mem>>) src(%dma_wait3A_1317 : memref<50x64xf32, #tpu.memory_space<vmem>>) dst(%dma_wait3A_1314 : memref<50x64xf32, #tpu.memory_space<hbm>>)
    %dma_wait3A_1318 = arith.constant 0 : i32
    %dma_wait3A_1319 = arith.constant 0 : i32
    %dma_wait3A_1320 = arith.constant 0 : i32
    %dma_wait3A_1321 = tpu.memref_slice %arg9[%dma_wait3A_1319, %dma_wait3A_1320] : memref<400x64xf32, #tpu.memory_space<vmem>> -> memref<50x64xf32, #tpu.memory_space<vmem>>
    %dma_wait3A_1322 = arith.constant 0 : i32
    %dma_wait3A_1323 = arith.constant 0 : i32
    %dma_wait3A_1324 = tpu.memref_slice %arg4[%dma_wait3A_1318, %dma_wait3A_1322, %dma_wait3A_1323] : memref<16384x50x64xf32, #tpu.memory_space<hbm>> -> memref<1x50x64xf32, #tpu.memory_space<hbm>>
    %dma_wait3A_1325 = tpu.memref_squeeze %dma_wait3A_1324 : memref<1x50x64xf32, #tpu.memory_space<hbm>> -> memref<50x64xf32, #tpu.memory_space<hbm>>
    %dma_wait3A_1326 = arith.constant 0 : i32
    %dma_wait3A_1327 = arith.constant 0 : i32
    %dma_wait3A_1328 = tpu.memref_slice %arg4[%dma_wait3A_1318, %dma_wait3A_1326, %dma_wait3A_1327] : memref<16384x50x64xf32, #tpu.memory_space<hbm>> -> memref<1x50x64xf32, #tpu.memory_space<hbm>>
    %dma_wait3A_1329 = tpu.memref_squeeze %dma_wait3A_1328 : memref<1x50x64xf32, #tpu.memory_space<hbm>> -> memref<50x64xf32, #tpu.memory_space<hbm>>
    %dma_wait3A_1330 = arith.constant 0 : i32
    %dma_wait3A_1331 = arith.constant 0 : i32
    %dma_wait3A_1332 = tpu.memref_slice %arg9[%dma_wait3A_1330, %dma_wait3A_1331] : memref<400x64xf32, #tpu.memory_space<vmem>> -> memref<50x64xf32, #tpu.memory_space<vmem>>
    tpu.wait_dma2 semaphore(%arg17 : memref<!tpu.dma_semaphore, #tpu.memory_space<semaphore_mem>>) src(%dma_wait3A_1332 : memref<50x64xf32, #tpu.memory_space<vmem>>) dst(%dma_wait3A_1329 : memref<50x64xf32, #tpu.memory_space<hbm>>)
    %dma_wait3A_1333 = arith.constant 0 : i32
    %dma_wait3A_1334 = arith.constant 0 : i32
    %dma_wait3A_1335 = arith.constant 0 : i32
    %dma_wait3A_1336 = tpu.memref_slice %arg9[%dma_wait3A_1334, %dma_wait3A_1335] : memref<400x64xf32, #tpu.memory_space<vmem>> -> memref<50x64xf32, #tpu.memory_space<vmem>>
    %dma_wait3A_1337 = arith.constant 0 : i32
    %dma_wait3A_1338 = arith.constant 0 : i32
    %dma_wait3A_1339 = tpu.memref_slice %arg4[%dma_wait3A_1333, %dma_wait3A_1337, %dma_wait3A_1338] : memref<16384x50x64xf32, #tpu.memory_space<hbm>> -> memref<1x50x64xf32, #tpu.memory_space<hbm>>
    %dma_wait3A_1340 = tpu.memref_squeeze %dma_wait3A_1339 : memref<1x50x64xf32, #tpu.memory_space<hbm>> -> memref<50x64xf32, #tpu.memory_space<hbm>>
    %dma_wait3A_1341 = arith.constant 0 : i32
    %dma_wait3A_1342 = arith.constant 0 : i32
    %dma_wait3A_1343 = tpu.memref_slice %arg4[%dma_wait3A_1333, %dma_wait3A_1341, %dma_wait3A_1342] : memref<16384x50x64xf32, #tpu.memory_space<hbm>> -> memref<1x50x64xf32, #tpu.memory_space<hbm>>
    %dma_wait3A_1344 = tpu.memref_squeeze %dma_wait3A_1343 : memref<1x50x64xf32, #tpu.memory_space<hbm>> -> memref<50x64xf32, #tpu.memory_space<hbm>>
    %dma_wait3A_1345 = arith.constant 0 : i32
    %dma_wait3A_1346 = arith.constant 0 : i32
    %dma_wait3A_1347 = tpu.memref_slice %arg9[%dma_wait3A_1345, %dma_wait3A_1346] : memref<400x64xf32, #tpu.memory_space<vmem>> -> memref<50x64xf32, #tpu.memory_space<vmem>>
    tpu.wait_dma2 semaphore(%arg17 : memref<!tpu.dma_semaphore, #tpu.memory_space<semaphore_mem>>) src(%dma_wait3A_1347 : memref<50x64xf32, #tpu.memory_space<vmem>>) dst(%dma_wait3A_1344 : memref<50x64xf32, #tpu.memory_space<hbm>>)
    %dma_wait3A_1348 = arith.constant 0 : i32
    %dma_wait3A_1349 = arith.constant 0 : i32
    %dma_wait3A_1350 = arith.constant 0 : i32
    %dma_wait3A_1351 = tpu.memref_slice %arg9[%dma_wait3A_1349, %dma_wait3A_1350] : memref<400x64xf32, #tpu.memory_space<vmem>> -> memref<50x64xf32, #tpu.memory_space<vmem>>
    %dma_wait3A_1352 = arith.constant 0 : i32
    %dma_wait3A_1353 = arith.constant 0 : i32
    %dma_wait3A_1354 = tpu.memref_slice %arg4[%dma_wait3A_1348, %dma_wait3A_1352, %dma_wait3A_1353] : memref<16384x50x64xf32, #tpu.memory_space<hbm>> -> memref<1x50x64xf32, #tpu.memory_space<hbm>>
    %dma_wait3A_1355 = tpu.memref_squeeze %dma_wait3A_1354 : memref<1x50x64xf32, #tpu.memory_space<hbm>> -> memref<50x64xf32, #tpu.memory_space<hbm>>
    %dma_wait3A_1356 = arith.constant 0 : i32
    %dma_wait3A_1357 = arith.constant 0 : i32
    %dma_wait3A_1358 = tpu.memref_slice %arg4[%dma_wait3A_1348, %dma_wait3A_1356, %dma_wait3A_1357] : memref<16384x50x64xf32, #tpu.memory_space<hbm>> -> memref<1x50x64xf32, #tpu.memory_space<hbm>>
    %dma_wait3A_1359 = tpu.memref_squeeze %dma_wait3A_1358 : memref<1x50x64xf32, #tpu.memory_space<hbm>> -> memref<50x64xf32, #tpu.memory_space<hbm>>
    %dma_wait3A_1360 = arith.constant 0 : i32
    %dma_wait3A_1361 = arith.constant 0 : i32
    %dma_wait3A_1362 = tpu.memref_slice %arg9[%dma_wait3A_1360, %dma_wait3A_1361] : memref<400x64xf32, #tpu.memory_space<vmem>> -> memref<50x64xf32, #tpu.memory_space<vmem>>
    tpu.wait_dma2 semaphore(%arg17 : memref<!tpu.dma_semaphore, #tpu.memory_space<semaphore_mem>>) src(%dma_wait3A_1362 : memref<50x64xf32, #tpu.memory_space<vmem>>) dst(%dma_wait3A_1359 : memref<50x64xf32, #tpu.memory_space<hbm>>)
    %dma_wait3A_1363 = arith.constant 0 : i32
    %dma_wait3A_1364 = arith.constant 0 : i32
    %dma_wait3A_1365 = arith.constant 0 : i32
    %dma_wait3A_1366 = tpu.memref_slice %arg9[%dma_wait3A_1364, %dma_wait3A_1365] : memref<400x64xf32, #tpu.memory_space<vmem>> -> memref<50x64xf32, #tpu.memory_space<vmem>>
    %dma_wait3A_1367 = arith.constant 0 : i32
    %dma_wait3A_1368 = arith.constant 0 : i32
    %dma_wait3A_1369 = tpu.memref_slice %arg4[%dma_wait3A_1363, %dma_wait3A_1367, %dma_wait3A_1368] : memref<16384x50x64xf32, #tpu.memory_space<hbm>> -> memref<1x50x64xf32, #tpu.memory_space<hbm>>
    %dma_wait3A_1370 = tpu.memref_squeeze %dma_wait3A_1369 : memref<1x50x64xf32, #tpu.memory_space<hbm>> -> memref<50x64xf32, #tpu.memory_space<hbm>>
    %dma_wait3A_1371 = arith.constant 0 : i32
    %dma_wait3A_1372 = arith.constant 0 : i32
    %dma_wait3A_1373 = tpu.memref_slice %arg4[%dma_wait3A_1363, %dma_wait3A_1371, %dma_wait3A_1372] : memref<16384x50x64xf32, #tpu.memory_space<hbm>> -> memref<1x50x64xf32, #tpu.memory_space<hbm>>
    %dma_wait3A_1374 = tpu.memref_squeeze %dma_wait3A_1373 : memref<1x50x64xf32, #tpu.memory_space<hbm>> -> memref<50x64xf32, #tpu.memory_space<hbm>>
    %dma_wait3A_1375 = arith.constant 0 : i32
    %dma_wait3A_1376 = arith.constant 0 : i32
    %dma_wait3A_1377 = tpu.memref_slice %arg9[%dma_wait3A_1375, %dma_wait3A_1376] : memref<400x64xf32, #tpu.memory_space<vmem>> -> memref<50x64xf32, #tpu.memory_space<vmem>>
    tpu.wait_dma2 semaphore(%arg17 : memref<!tpu.dma_semaphore, #tpu.memory_space<semaphore_mem>>) src(%dma_wait3A_1377 : memref<50x64xf32, #tpu.memory_space<vmem>>) dst(%dma_wait3A_1374 : memref<50x64xf32, #tpu.memory_space<hbm>>)
    %dma_wait3A_1378 = arith.constant 0 : i32
    %dma_wait3A_1379 = arith.constant 0 : i32
    %dma_wait3A_1380 = arith.constant 0 : i32
    %dma_wait3A_1381 = tpu.memref_slice %arg9[%dma_wait3A_1379, %dma_wait3A_1380] : memref<400x64xf32, #tpu.memory_space<vmem>> -> memref<50x64xf32, #tpu.memory_space<vmem>>
    %dma_wait3A_1382 = arith.constant 0 : i32
    %dma_wait3A_1383 = arith.constant 0 : i32
    %dma_wait3A_1384 = tpu.memref_slice %arg4[%dma_wait3A_1378, %dma_wait3A_1382, %dma_wait3A_1383] : memref<16384x50x64xf32, #tpu.memory_space<hbm>> -> memref<1x50x64xf32, #tpu.memory_space<hbm>>
    %dma_wait3A_1385 = tpu.memref_squeeze %dma_wait3A_1384 : memref<1x50x64xf32, #tpu.memory_space<hbm>> -> memref<50x64xf32, #tpu.memory_space<hbm>>
    %dma_wait3A_1386 = arith.constant 0 : i32
    %dma_wait3A_1387 = arith.constant 0 : i32
    %dma_wait3A_1388 = tpu.memref_slice %arg4[%dma_wait3A_1378, %dma_wait3A_1386, %dma_wait3A_1387] : memref<16384x50x64xf32, #tpu.memory_space<hbm>> -> memref<1x50x64xf32, #tpu.memory_space<hbm>>
    %dma_wait3A_1389 = tpu.memref_squeeze %dma_wait3A_1388 : memref<1x50x64xf32, #tpu.memory_space<hbm>> -> memref<50x64xf32, #tpu.memory_space<hbm>>
    %dma_wait3A_1390 = arith.constant 0 : i32
    %dma_wait3A_1391 = arith.constant 0 : i32
    %dma_wait3A_1392 = tpu.memref_slice %arg9[%dma_wait3A_1390, %dma_wait3A_1391] : memref<400x64xf32, #tpu.memory_space<vmem>> -> memref<50x64xf32, #tpu.memory_space<vmem>>
    tpu.wait_dma2 semaphore(%arg17 : memref<!tpu.dma_semaphore, #tpu.memory_space<semaphore_mem>>) src(%dma_wait3A_1392 : memref<50x64xf32, #tpu.memory_space<vmem>>) dst(%dma_wait3A_1389 : memref<50x64xf32, #tpu.memory_space<hbm>>)
    %dma_wait3A_1393 = arith.constant 0 : i32
    %dma_wait3A_1394 = arith.constant 0 : i32
    %dma_wait3A_1395 = arith.constant 0 : i32
    %dma_wait3A_1396 = tpu.memref_slice %arg9[%dma_wait3A_1394, %dma_wait3A_1395] : memref<400x64xf32, #tpu.memory_space<vmem>> -> memref<50x64xf32, #tpu.memory_space<vmem>>
    %dma_wait3A_1397 = arith.constant 0 : i32
    %dma_wait3A_1398 = arith.constant 0 : i32
    %dma_wait3A_1399 = tpu.memref_slice %arg4[%dma_wait3A_1393, %dma_wait3A_1397, %dma_wait3A_1398] : memref<16384x50x64xf32, #tpu.memory_space<hbm>> -> memref<1x50x64xf32, #tpu.memory_space<hbm>>
    %dma_wait3A_1400 = tpu.memref_squeeze %dma_wait3A_1399 : memref<1x50x64xf32, #tpu.memory_space<hbm>> -> memref<50x64xf32, #tpu.memory_space<hbm>>
    %dma_wait3A_1401 = arith.constant 0 : i32
    %dma_wait3A_1402 = arith.constant 0 : i32
    %dma_wait3A_1403 = tpu.memref_slice %arg4[%dma_wait3A_1393, %dma_wait3A_1401, %dma_wait3A_1402] : memref<16384x50x64xf32, #tpu.memory_space<hbm>> -> memref<1x50x64xf32, #tpu.memory_space<hbm>>
    %dma_wait3A_1404 = tpu.memref_squeeze %dma_wait3A_1403 : memref<1x50x64xf32, #tpu.memory_space<hbm>> -> memref<50x64xf32, #tpu.memory_space<hbm>>
    %dma_wait3A_1405 = arith.constant 0 : i32
    %dma_wait3A_1406 = arith.constant 0 : i32
    %dma_wait3A_1407 = tpu.memref_slice %arg9[%dma_wait3A_1405, %dma_wait3A_1406] : memref<400x64xf32, #tpu.memory_space<vmem>> -> memref<50x64xf32, #tpu.memory_space<vmem>>
    tpu.wait_dma2 semaphore(%arg17 : memref<!tpu.dma_semaphore, #tpu.memory_space<semaphore_mem>>) src(%dma_wait3A_1407 : memref<50x64xf32, #tpu.memory_space<vmem>>) dst(%dma_wait3A_1404 : memref<50x64xf32, #tpu.memory_space<hbm>>)
    %dma_wait3A_1408 = arith.constant 0 : i32
    %dma_wait3A_1409 = arith.constant 0 : i32
    %dma_wait3A_1410 = arith.constant 0 : i32
    %dma_wait3A_1411 = tpu.memref_slice %arg9[%dma_wait3A_1409, %dma_wait3A_1410] : memref<400x64xf32, #tpu.memory_space<vmem>> -> memref<50x64xf32, #tpu.memory_space<vmem>>
    %dma_wait3A_1412 = arith.constant 0 : i32
    %dma_wait3A_1413 = arith.constant 0 : i32
    %dma_wait3A_1414 = tpu.memref_slice %arg4[%dma_wait3A_1408, %dma_wait3A_1412, %dma_wait3A_1413] : memref<16384x50x64xf32, #tpu.memory_space<hbm>> -> memref<1x50x64xf32, #tpu.memory_space<hbm>>
    %dma_wait3A_1415 = tpu.memref_squeeze %dma_wait3A_1414 : memref<1x50x64xf32, #tpu.memory_space<hbm>> -> memref<50x64xf32, #tpu.memory_space<hbm>>
    %dma_wait3A_1416 = arith.constant 0 : i32
    %dma_wait3A_1417 = arith.constant 0 : i32
    %dma_wait3A_1418 = tpu.memref_slice %arg4[%dma_wait3A_1408, %dma_wait3A_1416, %dma_wait3A_1417] : memref<16384x50x64xf32, #tpu.memory_space<hbm>> -> memref<1x50x64xf32, #tpu.memory_space<hbm>>
    %dma_wait3A_1419 = tpu.memref_squeeze %dma_wait3A_1418 : memref<1x50x64xf32, #tpu.memory_space<hbm>> -> memref<50x64xf32, #tpu.memory_space<hbm>>
    %dma_wait3A_1420 = arith.constant 0 : i32
    %dma_wait3A_1421 = arith.constant 0 : i32
    %dma_wait3A_1422 = tpu.memref_slice %arg9[%dma_wait3A_1420, %dma_wait3A_1421] : memref<400x64xf32, #tpu.memory_space<vmem>> -> memref<50x64xf32, #tpu.memory_space<vmem>>
    tpu.wait_dma2 semaphore(%arg17 : memref<!tpu.dma_semaphore, #tpu.memory_space<semaphore_mem>>) src(%dma_wait3A_1422 : memref<50x64xf32, #tpu.memory_space<vmem>>) dst(%dma_wait3A_1419 : memref<50x64xf32, #tpu.memory_space<hbm>>)
    %dma_start3A_1423 = arith.constant 25200 : i32
    %dma_start3A_1424 = tpu.memref_slice %arg5[%dma_start3A_1423] : memref<25600xi32, #tpu.memory_space<vmem>> -> memref<400xi32, #tpu.memory_space<vmem>>
    %dma_start3A_1425 = arith.constant 0 : i32
    %dma_start3A_1426 = arith.constant 0 : i32
    %dma_start3A_1427 = tpu.memref_slice %arg2[%dma_start3A_1425, %dma_start3A_1426] : memref<1000000x64xf32, #tpu.memory_space<hbm>> -> memref<1000000x64xf32, #tpu.memory_space<hbm>>
    tpu.enqueue_indirect_dma source(%dma_start3A_1427 : memref<1000000x64xf32, #tpu.memory_space<hbm>>) target(%arg9 : memref<400x64xf32, #tpu.memory_space<vmem>>) offsets(%dma_start3A_1424 : memref<400xi32, #tpu.memory_space<vmem>>) semaphore(%arg13 : memref<!tpu.dma_semaphore, #tpu.memory_space<semaphore_mem>>)
    %dma_wait3A_1428 = arith.constant 0 : i32
    %dma_wait3A_1429 = arith.constant 0 : i32
    %dma_wait3A_1430 = tpu.memref_slice %arg2[%dma_wait3A_1428, %dma_wait3A_1429] : memref<1000000x64xf32, #tpu.memory_space<hbm>> -> memref<400x64xf32, #tpu.memory_space<hbm>>
    %dma_wait3A_1431 = arith.constant 0 : i32
    %dma_wait3A_1432 = arith.constant 0 : i32
    %dma_wait3A_1433 = tpu.memref_slice %arg2[%dma_wait3A_1431, %dma_wait3A_1432] : memref<1000000x64xf32, #tpu.memory_space<hbm>> -> memref<400x64xf32, #tpu.memory_space<hbm>>
    tpu.wait_dma2 semaphore(%arg12 : memref<!tpu.dma_semaphore, #tpu.memory_space<semaphore_mem>>) src(%dma_wait3A_1433 : memref<400x64xf32, #tpu.memory_space<hbm>>) dst(%arg8 : memref<400x64xf32, #tpu.memory_space<vmem>>)
    %add3A_1434 = arith.constant 496 : i32
    %add3A_1435 = arith.addi %mul3A_2, %add3A_1434 : i32
    %add3A_1436 = arith.constant 0 : i32
    %add3A_1437 = arith.addi %add3A_1435, %add3A_1436 : i32
    %dma_start3A_1438 = arith.constant 0 : i32
    %dma_start3A_1439 = arith.constant 0 : i32
    %dma_start3A_1440 = tpu.memref_slice %arg8[%dma_start3A_1438, %dma_start3A_1439] : memref<400x64xf32, #tpu.memory_space<vmem>> -> memref<50x64xf32, #tpu.memory_space<vmem>>
    %dma_start3A_1441 = arith.constant 0 : i32
    %dma_start3A_1442 = arith.constant 0 : i32
    %dma_start3A_1443 = tpu.memref_slice %arg4[%add3A_1437, %dma_start3A_1441, %dma_start3A_1442] : memref<16384x50x64xf32, #tpu.memory_space<hbm>> -> memref<1x50x64xf32, #tpu.memory_space<hbm>>
    %dma_start3A_1444 = tpu.memref_squeeze %dma_start3A_1443 : memref<1x50x64xf32, #tpu.memory_space<hbm>> -> memref<50x64xf32, #tpu.memory_space<hbm>>
    %dma_start3A_1445 = arith.constant 0 : i32
    %dma_start3A_1446 = arith.constant 0 : i32
    %dma_start3A_1447 = tpu.memref_slice %arg4[%add3A_1437, %dma_start3A_1445, %dma_start3A_1446] : memref<16384x50x64xf32, #tpu.memory_space<hbm>> -> memref<1x50x64xf32, #tpu.memory_space<hbm>>
    %dma_start3A_1448 = tpu.memref_squeeze %dma_start3A_1447 : memref<1x50x64xf32, #tpu.memory_space<hbm>> -> memref<50x64xf32, #tpu.memory_space<hbm>>
    %dma_start3A_1449 = arith.constant 0 : i32
    %dma_start3A_1450 = arith.constant 0 : i32
    %dma_start3A_1451 = tpu.memref_slice %arg8[%dma_start3A_1449, %dma_start3A_1450] : memref<400x64xf32, #tpu.memory_space<vmem>> -> memref<50x64xf32, #tpu.memory_space<vmem>>
    tpu.enqueue_dma source(%dma_start3A_1451 : memref<50x64xf32, #tpu.memory_space<vmem>>) target(%dma_start3A_1448 : memref<50x64xf32, #tpu.memory_space<hbm>>) target_semaphore(%arg16 : memref<!tpu.dma_semaphore, #tpu.memory_space<semaphore_mem>>)
    %add3A_1452 = arith.constant 496 : i32
    %add3A_1453 = arith.addi %mul3A_2, %add3A_1452 : i32
    %add3A_1454 = arith.constant 1 : i32
    %add3A_1455 = arith.addi %add3A_1453, %add3A_1454 : i32
    %dma_start3A_1456 = arith.constant 50 : i32
    %dma_start3A_1457 = arith.constant 0 : i32
    %dma_start3A_1458 = tpu.memref_slice %arg8[%dma_start3A_1456, %dma_start3A_1457] : memref<400x64xf32, #tpu.memory_space<vmem>> -> memref<50x64xf32, #tpu.memory_space<vmem>>
    %dma_start3A_1459 = arith.constant 0 : i32
    %dma_start3A_1460 = arith.constant 0 : i32
    %dma_start3A_1461 = tpu.memref_slice %arg4[%add3A_1455, %dma_start3A_1459, %dma_start3A_1460] : memref<16384x50x64xf32, #tpu.memory_space<hbm>> -> memref<1x50x64xf32, #tpu.memory_space<hbm>>
    %dma_start3A_1462 = tpu.memref_squeeze %dma_start3A_1461 : memref<1x50x64xf32, #tpu.memory_space<hbm>> -> memref<50x64xf32, #tpu.memory_space<hbm>>
    %dma_start3A_1463 = arith.constant 0 : i32
    %dma_start3A_1464 = arith.constant 0 : i32
    %dma_start3A_1465 = tpu.memref_slice %arg4[%add3A_1455, %dma_start3A_1463, %dma_start3A_1464] : memref<16384x50x64xf32, #tpu.memory_space<hbm>> -> memref<1x50x64xf32, #tpu.memory_space<hbm>>
    %dma_start3A_1466 = tpu.memref_squeeze %dma_start3A_1465 : memref<1x50x64xf32, #tpu.memory_space<hbm>> -> memref<50x64xf32, #tpu.memory_space<hbm>>
    %dma_start3A_1467 = arith.constant 50 : i32
    %dma_start3A_1468 = arith.constant 0 : i32
    %dma_start3A_1469 = tpu.memref_slice %arg8[%dma_start3A_1467, %dma_start3A_1468] : memref<400x64xf32, #tpu.memory_space<vmem>> -> memref<50x64xf32, #tpu.memory_space<vmem>>
    tpu.enqueue_dma source(%dma_start3A_1469 : memref<50x64xf32, #tpu.memory_space<vmem>>) target(%dma_start3A_1466 : memref<50x64xf32, #tpu.memory_space<hbm>>) target_semaphore(%arg16 : memref<!tpu.dma_semaphore, #tpu.memory_space<semaphore_mem>>)
    %add3A_1470 = arith.constant 496 : i32
    %add3A_1471 = arith.addi %mul3A_2, %add3A_1470 : i32
    %add3A_1472 = arith.constant 2 : i32
    %add3A_1473 = arith.addi %add3A_1471, %add3A_1472 : i32
    %dma_start3A_1474 = arith.constant 100 : i32
    %dma_start3A_1475 = arith.constant 0 : i32
    %dma_start3A_1476 = tpu.memref_slice %arg8[%dma_start3A_1474, %dma_start3A_1475] : memref<400x64xf32, #tpu.memory_space<vmem>> -> memref<50x64xf32, #tpu.memory_space<vmem>>
    %dma_start3A_1477 = arith.constant 0 : i32
    %dma_start3A_1478 = arith.constant 0 : i32
    %dma_start3A_1479 = tpu.memref_slice %arg4[%add3A_1473, %dma_start3A_1477, %dma_start3A_1478] : memref<16384x50x64xf32, #tpu.memory_space<hbm>> -> memref<1x50x64xf32, #tpu.memory_space<hbm>>
    %dma_start3A_1480 = tpu.memref_squeeze %dma_start3A_1479 : memref<1x50x64xf32, #tpu.memory_space<hbm>> -> memref<50x64xf32, #tpu.memory_space<hbm>>
    %dma_start3A_1481 = arith.constant 0 : i32
    %dma_start3A_1482 = arith.constant 0 : i32
    %dma_start3A_1483 = tpu.memref_slice %arg4[%add3A_1473, %dma_start3A_1481, %dma_start3A_1482] : memref<16384x50x64xf32, #tpu.memory_space<hbm>> -> memref<1x50x64xf32, #tpu.memory_space<hbm>>
    %dma_start3A_1484 = tpu.memref_squeeze %dma_start3A_1483 : memref<1x50x64xf32, #tpu.memory_space<hbm>> -> memref<50x64xf32, #tpu.memory_space<hbm>>
    %dma_start3A_1485 = arith.constant 100 : i32
    %dma_start3A_1486 = arith.constant 0 : i32
    %dma_start3A_1487 = tpu.memref_slice %arg8[%dma_start3A_1485, %dma_start3A_1486] : memref<400x64xf32, #tpu.memory_space<vmem>> -> memref<50x64xf32, #tpu.memory_space<vmem>>
    tpu.enqueue_dma source(%dma_start3A_1487 : memref<50x64xf32, #tpu.memory_space<vmem>>) target(%dma_start3A_1484 : memref<50x64xf32, #tpu.memory_space<hbm>>) target_semaphore(%arg16 : memref<!tpu.dma_semaphore, #tpu.memory_space<semaphore_mem>>)
    %add3A_1488 = arith.constant 496 : i32
    %add3A_1489 = arith.addi %mul3A_2, %add3A_1488 : i32
    %add3A_1490 = arith.constant 3 : i32
    %add3A_1491 = arith.addi %add3A_1489, %add3A_1490 : i32
    %dma_start3A_1492 = arith.constant 150 : i32
    %dma_start3A_1493 = arith.constant 0 : i32
    %dma_start3A_1494 = tpu.memref_slice %arg8[%dma_start3A_1492, %dma_start3A_1493] : memref<400x64xf32, #tpu.memory_space<vmem>> -> memref<50x64xf32, #tpu.memory_space<vmem>>
    %dma_start3A_1495 = arith.constant 0 : i32
    %dma_start3A_1496 = arith.constant 0 : i32
    %dma_start3A_1497 = tpu.memref_slice %arg4[%add3A_1491, %dma_start3A_1495, %dma_start3A_1496] : memref<16384x50x64xf32, #tpu.memory_space<hbm>> -> memref<1x50x64xf32, #tpu.memory_space<hbm>>
    %dma_start3A_1498 = tpu.memref_squeeze %dma_start3A_1497 : memref<1x50x64xf32, #tpu.memory_space<hbm>> -> memref<50x64xf32, #tpu.memory_space<hbm>>
    %dma_start3A_1499 = arith.constant 0 : i32
    %dma_start3A_1500 = arith.constant 0 : i32
    %dma_start3A_1501 = tpu.memref_slice %arg4[%add3A_1491, %dma_start3A_1499, %dma_start3A_1500] : memref<16384x50x64xf32, #tpu.memory_space<hbm>> -> memref<1x50x64xf32, #tpu.memory_space<hbm>>
    %dma_start3A_1502 = tpu.memref_squeeze %dma_start3A_1501 : memref<1x50x64xf32, #tpu.memory_space<hbm>> -> memref<50x64xf32, #tpu.memory_space<hbm>>
    %dma_start3A_1503 = arith.constant 150 : i32
    %dma_start3A_1504 = arith.constant 0 : i32
    %dma_start3A_1505 = tpu.memref_slice %arg8[%dma_start3A_1503, %dma_start3A_1504] : memref<400x64xf32, #tpu.memory_space<vmem>> -> memref<50x64xf32, #tpu.memory_space<vmem>>
    tpu.enqueue_dma source(%dma_start3A_1505 : memref<50x64xf32, #tpu.memory_space<vmem>>) target(%dma_start3A_1502 : memref<50x64xf32, #tpu.memory_space<hbm>>) target_semaphore(%arg16 : memref<!tpu.dma_semaphore, #tpu.memory_space<semaphore_mem>>)
    %add3A_1506 = arith.constant 496 : i32
    %add3A_1507 = arith.addi %mul3A_2, %add3A_1506 : i32
    %add3A_1508 = arith.constant 4 : i32
    %add3A_1509 = arith.addi %add3A_1507, %add3A_1508 : i32
    %dma_start3A_1510 = arith.constant 200 : i32
    %dma_start3A_1511 = arith.constant 0 : i32
    %dma_start3A_1512 = tpu.memref_slice %arg8[%dma_start3A_1510, %dma_start3A_1511] : memref<400x64xf32, #tpu.memory_space<vmem>> -> memref<50x64xf32, #tpu.memory_space<vmem>>
    %dma_start3A_1513 = arith.constant 0 : i32
    %dma_start3A_1514 = arith.constant 0 : i32
    %dma_start3A_1515 = tpu.memref_slice %arg4[%add3A_1509, %dma_start3A_1513, %dma_start3A_1514] : memref<16384x50x64xf32, #tpu.memory_space<hbm>> -> memref<1x50x64xf32, #tpu.memory_space<hbm>>
    %dma_start3A_1516 = tpu.memref_squeeze %dma_start3A_1515 : memref<1x50x64xf32, #tpu.memory_space<hbm>> -> memref<50x64xf32, #tpu.memory_space<hbm>>
    %dma_start3A_1517 = arith.constant 0 : i32
    %dma_start3A_1518 = arith.constant 0 : i32
    %dma_start3A_1519 = tpu.memref_slice %arg4[%add3A_1509, %dma_start3A_1517, %dma_start3A_1518] : memref<16384x50x64xf32, #tpu.memory_space<hbm>> -> memref<1x50x64xf32, #tpu.memory_space<hbm>>
    %dma_start3A_1520 = tpu.memref_squeeze %dma_start3A_1519 : memref<1x50x64xf32, #tpu.memory_space<hbm>> -> memref<50x64xf32, #tpu.memory_space<hbm>>
    %dma_start3A_1521 = arith.constant 200 : i32
    %dma_start3A_1522 = arith.constant 0 : i32
    %dma_start3A_1523 = tpu.memref_slice %arg8[%dma_start3A_1521, %dma_start3A_1522] : memref<400x64xf32, #tpu.memory_space<vmem>> -> memref<50x64xf32, #tpu.memory_space<vmem>>
    tpu.enqueue_dma source(%dma_start3A_1523 : memref<50x64xf32, #tpu.memory_space<vmem>>) target(%dma_start3A_1520 : memref<50x64xf32, #tpu.memory_space<hbm>>) target_semaphore(%arg16 : memref<!tpu.dma_semaphore, #tpu.memory_space<semaphore_mem>>)
    %add3A_1524 = arith.constant 496 : i32
    %add3A_1525 = arith.addi %mul3A_2, %add3A_1524 : i32
    %add3A_1526 = arith.constant 5 : i32
    %add3A_1527 = arith.addi %add3A_1525, %add3A_1526 : i32
    %dma_start3A_1528 = arith.constant 250 : i32
    %dma_start3A_1529 = arith.constant 0 : i32
    %dma_start3A_1530 = tpu.memref_slice %arg8[%dma_start3A_1528, %dma_start3A_1529] : memref<400x64xf32, #tpu.memory_space<vmem>> -> memref<50x64xf32, #tpu.memory_space<vmem>>
    %dma_start3A_1531 = arith.constant 0 : i32
    %dma_start3A_1532 = arith.constant 0 : i32
    %dma_start3A_1533 = tpu.memref_slice %arg4[%add3A_1527, %dma_start3A_1531, %dma_start3A_1532] : memref<16384x50x64xf32, #tpu.memory_space<hbm>> -> memref<1x50x64xf32, #tpu.memory_space<hbm>>
    %dma_start3A_1534 = tpu.memref_squeeze %dma_start3A_1533 : memref<1x50x64xf32, #tpu.memory_space<hbm>> -> memref<50x64xf32, #tpu.memory_space<hbm>>
    %dma_start3A_1535 = arith.constant 0 : i32
    %dma_start3A_1536 = arith.constant 0 : i32
    %dma_start3A_1537 = tpu.memref_slice %arg4[%add3A_1527, %dma_start3A_1535, %dma_start3A_1536] : memref<16384x50x64xf32, #tpu.memory_space<hbm>> -> memref<1x50x64xf32, #tpu.memory_space<hbm>>
    %dma_start3A_1538 = tpu.memref_squeeze %dma_start3A_1537 : memref<1x50x64xf32, #tpu.memory_space<hbm>> -> memref<50x64xf32, #tpu.memory_space<hbm>>
    %dma_start3A_1539 = arith.constant 250 : i32
    %dma_start3A_1540 = arith.constant 0 : i32
    %dma_start3A_1541 = tpu.memref_slice %arg8[%dma_start3A_1539, %dma_start3A_1540] : memref<400x64xf32, #tpu.memory_space<vmem>> -> memref<50x64xf32, #tpu.memory_space<vmem>>
    tpu.enqueue_dma source(%dma_start3A_1541 : memref<50x64xf32, #tpu.memory_space<vmem>>) target(%dma_start3A_1538 : memref<50x64xf32, #tpu.memory_space<hbm>>) target_semaphore(%arg16 : memref<!tpu.dma_semaphore, #tpu.memory_space<semaphore_mem>>)
    %add3A_1542 = arith.constant 496 : i32
    %add3A_1543 = arith.addi %mul3A_2, %add3A_1542 : i32
    %add3A_1544 = arith.constant 6 : i32
    %add3A_1545 = arith.addi %add3A_1543, %add3A_1544 : i32
    %dma_start3A_1546 = arith.constant 300 : i32
    %dma_start3A_1547 = arith.constant 0 : i32
    %dma_start3A_1548 = tpu.memref_slice %arg8[%dma_start3A_1546, %dma_start3A_1547] : memref<400x64xf32, #tpu.memory_space<vmem>> -> memref<50x64xf32, #tpu.memory_space<vmem>>
    %dma_start3A_1549 = arith.constant 0 : i32
    %dma_start3A_1550 = arith.constant 0 : i32
    %dma_start3A_1551 = tpu.memref_slice %arg4[%add3A_1545, %dma_start3A_1549, %dma_start3A_1550] : memref<16384x50x64xf32, #tpu.memory_space<hbm>> -> memref<1x50x64xf32, #tpu.memory_space<hbm>>
    %dma_start3A_1552 = tpu.memref_squeeze %dma_start3A_1551 : memref<1x50x64xf32, #tpu.memory_space<hbm>> -> memref<50x64xf32, #tpu.memory_space<hbm>>
    %dma_start3A_1553 = arith.constant 0 : i32
    %dma_start3A_1554 = arith.constant 0 : i32
    %dma_start3A_1555 = tpu.memref_slice %arg4[%add3A_1545, %dma_start3A_1553, %dma_start3A_1554] : memref<16384x50x64xf32, #tpu.memory_space<hbm>> -> memref<1x50x64xf32, #tpu.memory_space<hbm>>
    %dma_start3A_1556 = tpu.memref_squeeze %dma_start3A_1555 : memref<1x50x64xf32, #tpu.memory_space<hbm>> -> memref<50x64xf32, #tpu.memory_space<hbm>>
    %dma_start3A_1557 = arith.constant 300 : i32
    %dma_start3A_1558 = arith.constant 0 : i32
    %dma_start3A_1559 = tpu.memref_slice %arg8[%dma_start3A_1557, %dma_start3A_1558] : memref<400x64xf32, #tpu.memory_space<vmem>> -> memref<50x64xf32, #tpu.memory_space<vmem>>
    tpu.enqueue_dma source(%dma_start3A_1559 : memref<50x64xf32, #tpu.memory_space<vmem>>) target(%dma_start3A_1556 : memref<50x64xf32, #tpu.memory_space<hbm>>) target_semaphore(%arg16 : memref<!tpu.dma_semaphore, #tpu.memory_space<semaphore_mem>>)
    %add3A_1560 = arith.constant 496 : i32
    %add3A_1561 = arith.addi %mul3A_2, %add3A_1560 : i32
    %add3A_1562 = arith.constant 7 : i32
    %add3A_1563 = arith.addi %add3A_1561, %add3A_1562 : i32
    %dma_start3A_1564 = arith.constant 350 : i32
    %dma_start3A_1565 = arith.constant 0 : i32
    %dma_start3A_1566 = tpu.memref_slice %arg8[%dma_start3A_1564, %dma_start3A_1565] : memref<400x64xf32, #tpu.memory_space<vmem>> -> memref<50x64xf32, #tpu.memory_space<vmem>>
    %dma_start3A_1567 = arith.constant 0 : i32
    %dma_start3A_1568 = arith.constant 0 : i32
    %dma_start3A_1569 = tpu.memref_slice %arg4[%add3A_1563, %dma_start3A_1567, %dma_start3A_1568] : memref<16384x50x64xf32, #tpu.memory_space<hbm>> -> memref<1x50x64xf32, #tpu.memory_space<hbm>>
    %dma_start3A_1570 = tpu.memref_squeeze %dma_start3A_1569 : memref<1x50x64xf32, #tpu.memory_space<hbm>> -> memref<50x64xf32, #tpu.memory_space<hbm>>
    %dma_start3A_1571 = arith.constant 0 : i32
    %dma_start3A_1572 = arith.constant 0 : i32
    %dma_start3A_1573 = tpu.memref_slice %arg4[%add3A_1563, %dma_start3A_1571, %dma_start3A_1572] : memref<16384x50x64xf32, #tpu.memory_space<hbm>> -> memref<1x50x64xf32, #tpu.memory_space<hbm>>
    %dma_start3A_1574 = tpu.memref_squeeze %dma_start3A_1573 : memref<1x50x64xf32, #tpu.memory_space<hbm>> -> memref<50x64xf32, #tpu.memory_space<hbm>>
    %dma_start3A_1575 = arith.constant 350 : i32
    %dma_start3A_1576 = arith.constant 0 : i32
    %dma_start3A_1577 = tpu.memref_slice %arg8[%dma_start3A_1575, %dma_start3A_1576] : memref<400x64xf32, #tpu.memory_space<vmem>> -> memref<50x64xf32, #tpu.memory_space<vmem>>
    tpu.enqueue_dma source(%dma_start3A_1577 : memref<50x64xf32, #tpu.memory_space<vmem>>) target(%dma_start3A_1574 : memref<50x64xf32, #tpu.memory_space<hbm>>) target_semaphore(%arg16 : memref<!tpu.dma_semaphore, #tpu.memory_space<semaphore_mem>>)
    %dma_wait3A_1578 = arith.constant 0 : i32
    %dma_wait3A_1579 = arith.constant 0 : i32
    %dma_wait3A_1580 = arith.constant 0 : i32
    %dma_wait3A_1581 = tpu.memref_slice %arg6[%dma_wait3A_1579, %dma_wait3A_1580] : memref<400x64xf32, #tpu.memory_space<vmem>> -> memref<50x64xf32, #tpu.memory_space<vmem>>
    %dma_wait3A_1582 = arith.constant 0 : i32
    %dma_wait3A_1583 = arith.constant 0 : i32
    %dma_wait3A_1584 = tpu.memref_slice %arg4[%dma_wait3A_1578, %dma_wait3A_1582, %dma_wait3A_1583] : memref<16384x50x64xf32, #tpu.memory_space<hbm>> -> memref<1x50x64xf32, #tpu.memory_space<hbm>>
    %dma_wait3A_1585 = tpu.memref_squeeze %dma_wait3A_1584 : memref<1x50x64xf32, #tpu.memory_space<hbm>> -> memref<50x64xf32, #tpu.memory_space<hbm>>
    %dma_wait3A_1586 = arith.constant 0 : i32
    %dma_wait3A_1587 = arith.constant 0 : i32
    %dma_wait3A_1588 = tpu.memref_slice %arg4[%dma_wait3A_1578, %dma_wait3A_1586, %dma_wait3A_1587] : memref<16384x50x64xf32, #tpu.memory_space<hbm>> -> memref<1x50x64xf32, #tpu.memory_space<hbm>>
    %dma_wait3A_1589 = tpu.memref_squeeze %dma_wait3A_1588 : memref<1x50x64xf32, #tpu.memory_space<hbm>> -> memref<50x64xf32, #tpu.memory_space<hbm>>
    %dma_wait3A_1590 = arith.constant 0 : i32
    %dma_wait3A_1591 = arith.constant 0 : i32
    %dma_wait3A_1592 = tpu.memref_slice %arg6[%dma_wait3A_1590, %dma_wait3A_1591] : memref<400x64xf32, #tpu.memory_space<vmem>> -> memref<50x64xf32, #tpu.memory_space<vmem>>
    tpu.wait_dma2 semaphore(%arg14 : memref<!tpu.dma_semaphore, #tpu.memory_space<semaphore_mem>>) src(%dma_wait3A_1592 : memref<50x64xf32, #tpu.memory_space<vmem>>) dst(%dma_wait3A_1589 : memref<50x64xf32, #tpu.memory_space<hbm>>)
    %dma_wait3A_1593 = arith.constant 0 : i32
    %dma_wait3A_1594 = arith.constant 0 : i32
    %dma_wait3A_1595 = arith.constant 0 : i32
    %dma_wait3A_1596 = tpu.memref_slice %arg6[%dma_wait3A_1594, %dma_wait3A_1595] : memref<400x64xf32, #tpu.memory_space<vmem>> -> memref<50x64xf32, #tpu.memory_space<vmem>>
    %dma_wait3A_1597 = arith.constant 0 : i32
    %dma_wait3A_1598 = arith.constant 0 : i32
    %dma_wait3A_1599 = tpu.memref_slice %arg4[%dma_wait3A_1593, %dma_wait3A_1597, %dma_wait3A_1598] : memref<16384x50x64xf32, #tpu.memory_space<hbm>> -> memref<1x50x64xf32, #tpu.memory_space<hbm>>
    %dma_wait3A_1600 = tpu.memref_squeeze %dma_wait3A_1599 : memref<1x50x64xf32, #tpu.memory_space<hbm>> -> memref<50x64xf32, #tpu.memory_space<hbm>>
    %dma_wait3A_1601 = arith.constant 0 : i32
    %dma_wait3A_1602 = arith.constant 0 : i32
    %dma_wait3A_1603 = tpu.memref_slice %arg4[%dma_wait3A_1593, %dma_wait3A_1601, %dma_wait3A_1602] : memref<16384x50x64xf32, #tpu.memory_space<hbm>> -> memref<1x50x64xf32, #tpu.memory_space<hbm>>
    %dma_wait3A_1604 = tpu.memref_squeeze %dma_wait3A_1603 : memref<1x50x64xf32, #tpu.memory_space<hbm>> -> memref<50x64xf32, #tpu.memory_space<hbm>>
    %dma_wait3A_1605 = arith.constant 0 : i32
    %dma_wait3A_1606 = arith.constant 0 : i32
    %dma_wait3A_1607 = tpu.memref_slice %arg6[%dma_wait3A_1605, %dma_wait3A_1606] : memref<400x64xf32, #tpu.memory_space<vmem>> -> memref<50x64xf32, #tpu.memory_space<vmem>>
    tpu.wait_dma2 semaphore(%arg14 : memref<!tpu.dma_semaphore, #tpu.memory_space<semaphore_mem>>) src(%dma_wait3A_1607 : memref<50x64xf32, #tpu.memory_space<vmem>>) dst(%dma_wait3A_1604 : memref<50x64xf32, #tpu.memory_space<hbm>>)
    %dma_wait3A_1608 = arith.constant 0 : i32
    %dma_wait3A_1609 = arith.constant 0 : i32
    %dma_wait3A_1610 = arith.constant 0 : i32
    %dma_wait3A_1611 = tpu.memref_slice %arg6[%dma_wait3A_1609, %dma_wait3A_1610] : memref<400x64xf32, #tpu.memory_space<vmem>> -> memref<50x64xf32, #tpu.memory_space<vmem>>
    %dma_wait3A_1612 = arith.constant 0 : i32
    %dma_wait3A_1613 = arith.constant 0 : i32
    %dma_wait3A_1614 = tpu.memref_slice %arg4[%dma_wait3A_1608, %dma_wait3A_1612, %dma_wait3A_1613] : memref<16384x50x64xf32, #tpu.memory_space<hbm>> -> memref<1x50x64xf32, #tpu.memory_space<hbm>>
    %dma_wait3A_1615 = tpu.memref_squeeze %dma_wait3A_1614 : memref<1x50x64xf32, #tpu.memory_space<hbm>> -> memref<50x64xf32, #tpu.memory_space<hbm>>
    %dma_wait3A_1616 = arith.constant 0 : i32
    %dma_wait3A_1617 = arith.constant 0 : i32
    %dma_wait3A_1618 = tpu.memref_slice %arg4[%dma_wait3A_1608, %dma_wait3A_1616, %dma_wait3A_1617] : memref<16384x50x64xf32, #tpu.memory_space<hbm>> -> memref<1x50x64xf32, #tpu.memory_space<hbm>>
    %dma_wait3A_1619 = tpu.memref_squeeze %dma_wait3A_1618 : memref<1x50x64xf32, #tpu.memory_space<hbm>> -> memref<50x64xf32, #tpu.memory_space<hbm>>
    %dma_wait3A_1620 = arith.constant 0 : i32
    %dma_wait3A_1621 = arith.constant 0 : i32
    %dma_wait3A_1622 = tpu.memref_slice %arg6[%dma_wait3A_1620, %dma_wait3A_1621] : memref<400x64xf32, #tpu.memory_space<vmem>> -> memref<50x64xf32, #tpu.memory_space<vmem>>
    tpu.wait_dma2 semaphore(%arg14 : memref<!tpu.dma_semaphore, #tpu.memory_space<semaphore_mem>>) src(%dma_wait3A_1622 : memref<50x64xf32, #tpu.memory_space<vmem>>) dst(%dma_wait3A_1619 : memref<50x64xf32, #tpu.memory_space<hbm>>)
    %dma_wait3A_1623 = arith.constant 0 : i32
    %dma_wait3A_1624 = arith.constant 0 : i32
    %dma_wait3A_1625 = arith.constant 0 : i32
    %dma_wait3A_1626 = tpu.memref_slice %arg6[%dma_wait3A_1624, %dma_wait3A_1625] : memref<400x64xf32, #tpu.memory_space<vmem>> -> memref<50x64xf32, #tpu.memory_space<vmem>>
    %dma_wait3A_1627 = arith.constant 0 : i32
    %dma_wait3A_1628 = arith.constant 0 : i32
    %dma_wait3A_1629 = tpu.memref_slice %arg4[%dma_wait3A_1623, %dma_wait3A_1627, %dma_wait3A_1628] : memref<16384x50x64xf32, #tpu.memory_space<hbm>> -> memref<1x50x64xf32, #tpu.memory_space<hbm>>
    %dma_wait3A_1630 = tpu.memref_squeeze %dma_wait3A_1629 : memref<1x50x64xf32, #tpu.memory_space<hbm>> -> memref<50x64xf32, #tpu.memory_space<hbm>>
    %dma_wait3A_1631 = arith.constant 0 : i32
    %dma_wait3A_1632 = arith.constant 0 : i32
    %dma_wait3A_1633 = tpu.memref_slice %arg4[%dma_wait3A_1623, %dma_wait3A_1631, %dma_wait3A_1632] : memref<16384x50x64xf32, #tpu.memory_space<hbm>> -> memref<1x50x64xf32, #tpu.memory_space<hbm>>
    %dma_wait3A_1634 = tpu.memref_squeeze %dma_wait3A_1633 : memref<1x50x64xf32, #tpu.memory_space<hbm>> -> memref<50x64xf32, #tpu.memory_space<hbm>>
    %dma_wait3A_1635 = arith.constant 0 : i32
    %dma_wait3A_1636 = arith.constant 0 : i32
    %dma_wait3A_1637 = tpu.memref_slice %arg6[%dma_wait3A_1635, %dma_wait3A_1636] : memref<400x64xf32, #tpu.memory_space<vmem>> -> memref<50x64xf32, #tpu.memory_space<vmem>>
    tpu.wait_dma2 semaphore(%arg14 : memref<!tpu.dma_semaphore, #tpu.memory_space<semaphore_mem>>) src(%dma_wait3A_1637 : memref<50x64xf32, #tpu.memory_space<vmem>>) dst(%dma_wait3A_1634 : memref<50x64xf32, #tpu.memory_space<hbm>>)
    %dma_wait3A_1638 = arith.constant 0 : i32
    %dma_wait3A_1639 = arith.constant 0 : i32
    %dma_wait3A_1640 = arith.constant 0 : i32
    %dma_wait3A_1641 = tpu.memref_slice %arg6[%dma_wait3A_1639, %dma_wait3A_1640] : memref<400x64xf32, #tpu.memory_space<vmem>> -> memref<50x64xf32, #tpu.memory_space<vmem>>
    %dma_wait3A_1642 = arith.constant 0 : i32
    %dma_wait3A_1643 = arith.constant 0 : i32
    %dma_wait3A_1644 = tpu.memref_slice %arg4[%dma_wait3A_1638, %dma_wait3A_1642, %dma_wait3A_1643] : memref<16384x50x64xf32, #tpu.memory_space<hbm>> -> memref<1x50x64xf32, #tpu.memory_space<hbm>>
    %dma_wait3A_1645 = tpu.memref_squeeze %dma_wait3A_1644 : memref<1x50x64xf32, #tpu.memory_space<hbm>> -> memref<50x64xf32, #tpu.memory_space<hbm>>
    %dma_wait3A_1646 = arith.constant 0 : i32
    %dma_wait3A_1647 = arith.constant 0 : i32
    %dma_wait3A_1648 = tpu.memref_slice %arg4[%dma_wait3A_1638, %dma_wait3A_1646, %dma_wait3A_1647] : memref<16384x50x64xf32, #tpu.memory_space<hbm>> -> memref<1x50x64xf32, #tpu.memory_space<hbm>>
    %dma_wait3A_1649 = tpu.memref_squeeze %dma_wait3A_1648 : memref<1x50x64xf32, #tpu.memory_space<hbm>> -> memref<50x64xf32, #tpu.memory_space<hbm>>
    %dma_wait3A_1650 = arith.constant 0 : i32
    %dma_wait3A_1651 = arith.constant 0 : i32
    %dma_wait3A_1652 = tpu.memref_slice %arg6[%dma_wait3A_1650, %dma_wait3A_1651] : memref<400x64xf32, #tpu.memory_space<vmem>> -> memref<50x64xf32, #tpu.memory_space<vmem>>
    tpu.wait_dma2 semaphore(%arg14 : memref<!tpu.dma_semaphore, #tpu.memory_space<semaphore_mem>>) src(%dma_wait3A_1652 : memref<50x64xf32, #tpu.memory_space<vmem>>) dst(%dma_wait3A_1649 : memref<50x64xf32, #tpu.memory_space<hbm>>)
    %dma_wait3A_1653 = arith.constant 0 : i32
    %dma_wait3A_1654 = arith.constant 0 : i32
    %dma_wait3A_1655 = arith.constant 0 : i32
    %dma_wait3A_1656 = tpu.memref_slice %arg6[%dma_wait3A_1654, %dma_wait3A_1655] : memref<400x64xf32, #tpu.memory_space<vmem>> -> memref<50x64xf32, #tpu.memory_space<vmem>>
    %dma_wait3A_1657 = arith.constant 0 : i32
    %dma_wait3A_1658 = arith.constant 0 : i32
    %dma_wait3A_1659 = tpu.memref_slice %arg4[%dma_wait3A_1653, %dma_wait3A_1657, %dma_wait3A_1658] : memref<16384x50x64xf32, #tpu.memory_space<hbm>> -> memref<1x50x64xf32, #tpu.memory_space<hbm>>
    %dma_wait3A_1660 = tpu.memref_squeeze %dma_wait3A_1659 : memref<1x50x64xf32, #tpu.memory_space<hbm>> -> memref<50x64xf32, #tpu.memory_space<hbm>>
    %dma_wait3A_1661 = arith.constant 0 : i32
    %dma_wait3A_1662 = arith.constant 0 : i32
    %dma_wait3A_1663 = tpu.memref_slice %arg4[%dma_wait3A_1653, %dma_wait3A_1661, %dma_wait3A_1662] : memref<16384x50x64xf32, #tpu.memory_space<hbm>> -> memref<1x50x64xf32, #tpu.memory_space<hbm>>
    %dma_wait3A_1664 = tpu.memref_squeeze %dma_wait3A_1663 : memref<1x50x64xf32, #tpu.memory_space<hbm>> -> memref<50x64xf32, #tpu.memory_space<hbm>>
    %dma_wait3A_1665 = arith.constant 0 : i32
    %dma_wait3A_1666 = arith.constant 0 : i32
    %dma_wait3A_1667 = tpu.memref_slice %arg6[%dma_wait3A_1665, %dma_wait3A_1666] : memref<400x64xf32, #tpu.memory_space<vmem>> -> memref<50x64xf32, #tpu.memory_space<vmem>>
    tpu.wait_dma2 semaphore(%arg14 : memref<!tpu.dma_semaphore, #tpu.memory_space<semaphore_mem>>) src(%dma_wait3A_1667 : memref<50x64xf32, #tpu.memory_space<vmem>>) dst(%dma_wait3A_1664 : memref<50x64xf32, #tpu.memory_space<hbm>>)
    %dma_wait3A_1668 = arith.constant 0 : i32
    %dma_wait3A_1669 = arith.constant 0 : i32
    %dma_wait3A_1670 = arith.constant 0 : i32
    %dma_wait3A_1671 = tpu.memref_slice %arg6[%dma_wait3A_1669, %dma_wait3A_1670] : memref<400x64xf32, #tpu.memory_space<vmem>> -> memref<50x64xf32, #tpu.memory_space<vmem>>
    %dma_wait3A_1672 = arith.constant 0 : i32
    %dma_wait3A_1673 = arith.constant 0 : i32
    %dma_wait3A_1674 = tpu.memref_slice %arg4[%dma_wait3A_1668, %dma_wait3A_1672, %dma_wait3A_1673] : memref<16384x50x64xf32, #tpu.memory_space<hbm>> -> memref<1x50x64xf32, #tpu.memory_space<hbm>>
    %dma_wait3A_1675 = tpu.memref_squeeze %dma_wait3A_1674 : memref<1x50x64xf32, #tpu.memory_space<hbm>> -> memref<50x64xf32, #tpu.memory_space<hbm>>
    %dma_wait3A_1676 = arith.constant 0 : i32
    %dma_wait3A_1677 = arith.constant 0 : i32
    %dma_wait3A_1678 = tpu.memref_slice %arg4[%dma_wait3A_1668, %dma_wait3A_1676, %dma_wait3A_1677] : memref<16384x50x64xf32, #tpu.memory_space<hbm>> -> memref<1x50x64xf32, #tpu.memory_space<hbm>>
    %dma_wait3A_1679 = tpu.memref_squeeze %dma_wait3A_1678 : memref<1x50x64xf32, #tpu.memory_space<hbm>> -> memref<50x64xf32, #tpu.memory_space<hbm>>
    %dma_wait3A_1680 = arith.constant 0 : i32
    %dma_wait3A_1681 = arith.constant 0 : i32
    %dma_wait3A_1682 = tpu.memref_slice %arg6[%dma_wait3A_1680, %dma_wait3A_1681] : memref<400x64xf32, #tpu.memory_space<vmem>> -> memref<50x64xf32, #tpu.memory_space<vmem>>
    tpu.wait_dma2 semaphore(%arg14 : memref<!tpu.dma_semaphore, #tpu.memory_space<semaphore_mem>>) src(%dma_wait3A_1682 : memref<50x64xf32, #tpu.memory_space<vmem>>) dst(%dma_wait3A_1679 : memref<50x64xf32, #tpu.memory_space<hbm>>)
    %dma_wait3A_1683 = arith.constant 0 : i32
    %dma_wait3A_1684 = arith.constant 0 : i32
    %dma_wait3A_1685 = arith.constant 0 : i32
    %dma_wait3A_1686 = tpu.memref_slice %arg6[%dma_wait3A_1684, %dma_wait3A_1685] : memref<400x64xf32, #tpu.memory_space<vmem>> -> memref<50x64xf32, #tpu.memory_space<vmem>>
    %dma_wait3A_1687 = arith.constant 0 : i32
    %dma_wait3A_1688 = arith.constant 0 : i32
    %dma_wait3A_1689 = tpu.memref_slice %arg4[%dma_wait3A_1683, %dma_wait3A_1687, %dma_wait3A_1688] : memref<16384x50x64xf32, #tpu.memory_space<hbm>> -> memref<1x50x64xf32, #tpu.memory_space<hbm>>
    %dma_wait3A_1690 = tpu.memref_squeeze %dma_wait3A_1689 : memref<1x50x64xf32, #tpu.memory_space<hbm>> -> memref<50x64xf32, #tpu.memory_space<hbm>>
    %dma_wait3A_1691 = arith.constant 0 : i32
    %dma_wait3A_1692 = arith.constant 0 : i32
    %dma_wait3A_1693 = tpu.memref_slice %arg4[%dma_wait3A_1683, %dma_wait3A_1691, %dma_wait3A_1692] : memref<16384x50x64xf32, #tpu.memory_space<hbm>> -> memref<1x50x64xf32, #tpu.memory_space<hbm>>
    %dma_wait3A_1694 = tpu.memref_squeeze %dma_wait3A_1693 : memref<1x50x64xf32, #tpu.memory_space<hbm>> -> memref<50x64xf32, #tpu.memory_space<hbm>>
    %dma_wait3A_1695 = arith.constant 0 : i32
    %dma_wait3A_1696 = arith.constant 0 : i32
    %dma_wait3A_1697 = tpu.memref_slice %arg6[%dma_wait3A_1695, %dma_wait3A_1696] : memref<400x64xf32, #tpu.memory_space<vmem>> -> memref<50x64xf32, #tpu.memory_space<vmem>>
    tpu.wait_dma2 semaphore(%arg14 : memref<!tpu.dma_semaphore, #tpu.memory_space<semaphore_mem>>) src(%dma_wait3A_1697 : memref<50x64xf32, #tpu.memory_space<vmem>>) dst(%dma_wait3A_1694 : memref<50x64xf32, #tpu.memory_space<hbm>>)
    %dma_wait3A_1698 = arith.constant 0 : i32
    %dma_wait3A_1699 = arith.constant 0 : i32
    %dma_wait3A_1700 = tpu.memref_slice %arg2[%dma_wait3A_1698, %dma_wait3A_1699] : memref<1000000x64xf32, #tpu.memory_space<hbm>> -> memref<400x64xf32, #tpu.memory_space<hbm>>
    %dma_wait3A_1701 = arith.constant 0 : i32
    %dma_wait3A_1702 = arith.constant 0 : i32
    %dma_wait3A_1703 = tpu.memref_slice %arg2[%dma_wait3A_1701, %dma_wait3A_1702] : memref<1000000x64xf32, #tpu.memory_space<hbm>> -> memref<400x64xf32, #tpu.memory_space<hbm>>
    tpu.wait_dma2 semaphore(%arg13 : memref<!tpu.dma_semaphore, #tpu.memory_space<semaphore_mem>>) src(%dma_wait3A_1703 : memref<400x64xf32, #tpu.memory_space<hbm>>) dst(%arg9 : memref<400x64xf32, #tpu.memory_space<vmem>>)
    %add3A_1704 = arith.constant 504 : i32
    %add3A_1705 = arith.addi %mul3A_2, %add3A_1704 : i32
    %add3A_1706 = arith.constant 0 : i32
    %add3A_1707 = arith.addi %add3A_1705, %add3A_1706 : i32
    %dma_start3A_1708 = arith.constant 0 : i32
    %dma_start3A_1709 = arith.constant 0 : i32
    %dma_start3A_1710 = tpu.memref_slice %arg9[%dma_start3A_1708, %dma_start3A_1709] : memref<400x64xf32, #tpu.memory_space<vmem>> -> memref<50x64xf32, #tpu.memory_space<vmem>>
    %dma_start3A_1711 = arith.constant 0 : i32
    %dma_start3A_1712 = arith.constant 0 : i32
    %dma_start3A_1713 = tpu.memref_slice %arg4[%add3A_1707, %dma_start3A_1711, %dma_start3A_1712] : memref<16384x50x64xf32, #tpu.memory_space<hbm>> -> memref<1x50x64xf32, #tpu.memory_space<hbm>>
    %dma_start3A_1714 = tpu.memref_squeeze %dma_start3A_1713 : memref<1x50x64xf32, #tpu.memory_space<hbm>> -> memref<50x64xf32, #tpu.memory_space<hbm>>
    %dma_start3A_1715 = arith.constant 0 : i32
    %dma_start3A_1716 = arith.constant 0 : i32
    %dma_start3A_1717 = tpu.memref_slice %arg4[%add3A_1707, %dma_start3A_1715, %dma_start3A_1716] : memref<16384x50x64xf32, #tpu.memory_space<hbm>> -> memref<1x50x64xf32, #tpu.memory_space<hbm>>
    %dma_start3A_1718 = tpu.memref_squeeze %dma_start3A_1717 : memref<1x50x64xf32, #tpu.memory_space<hbm>> -> memref<50x64xf32, #tpu.memory_space<hbm>>
    %dma_start3A_1719 = arith.constant 0 : i32
    %dma_start3A_1720 = arith.constant 0 : i32
    %dma_start3A_1721 = tpu.memref_slice %arg9[%dma_start3A_1719, %dma_start3A_1720] : memref<400x64xf32, #tpu.memory_space<vmem>> -> memref<50x64xf32, #tpu.memory_space<vmem>>
    tpu.enqueue_dma source(%dma_start3A_1721 : memref<50x64xf32, #tpu.memory_space<vmem>>) target(%dma_start3A_1718 : memref<50x64xf32, #tpu.memory_space<hbm>>) target_semaphore(%arg17 : memref<!tpu.dma_semaphore, #tpu.memory_space<semaphore_mem>>)
    %add3A_1722 = arith.constant 504 : i32
    %add3A_1723 = arith.addi %mul3A_2, %add3A_1722 : i32
    %add3A_1724 = arith.constant 1 : i32
    %add3A_1725 = arith.addi %add3A_1723, %add3A_1724 : i32
    %dma_start3A_1726 = arith.constant 50 : i32
    %dma_start3A_1727 = arith.constant 0 : i32
    %dma_start3A_1728 = tpu.memref_slice %arg9[%dma_start3A_1726, %dma_start3A_1727] : memref<400x64xf32, #tpu.memory_space<vmem>> -> memref<50x64xf32, #tpu.memory_space<vmem>>
    %dma_start3A_1729 = arith.constant 0 : i32
    %dma_start3A_1730 = arith.constant 0 : i32
    %dma_start3A_1731 = tpu.memref_slice %arg4[%add3A_1725, %dma_start3A_1729, %dma_start3A_1730] : memref<16384x50x64xf32, #tpu.memory_space<hbm>> -> memref<1x50x64xf32, #tpu.memory_space<hbm>>
    %dma_start3A_1732 = tpu.memref_squeeze %dma_start3A_1731 : memref<1x50x64xf32, #tpu.memory_space<hbm>> -> memref<50x64xf32, #tpu.memory_space<hbm>>
    %dma_start3A_1733 = arith.constant 0 : i32
    %dma_start3A_1734 = arith.constant 0 : i32
    %dma_start3A_1735 = tpu.memref_slice %arg4[%add3A_1725, %dma_start3A_1733, %dma_start3A_1734] : memref<16384x50x64xf32, #tpu.memory_space<hbm>> -> memref<1x50x64xf32, #tpu.memory_space<hbm>>
    %dma_start3A_1736 = tpu.memref_squeeze %dma_start3A_1735 : memref<1x50x64xf32, #tpu.memory_space<hbm>> -> memref<50x64xf32, #tpu.memory_space<hbm>>
    %dma_start3A_1737 = arith.constant 50 : i32
    %dma_start3A_1738 = arith.constant 0 : i32
    %dma_start3A_1739 = tpu.memref_slice %arg9[%dma_start3A_1737, %dma_start3A_1738] : memref<400x64xf32, #tpu.memory_space<vmem>> -> memref<50x64xf32, #tpu.memory_space<vmem>>
    tpu.enqueue_dma source(%dma_start3A_1739 : memref<50x64xf32, #tpu.memory_space<vmem>>) target(%dma_start3A_1736 : memref<50x64xf32, #tpu.memory_space<hbm>>) target_semaphore(%arg17 : memref<!tpu.dma_semaphore, #tpu.memory_space<semaphore_mem>>)
    %add3A_1740 = arith.constant 504 : i32
    %add3A_1741 = arith.addi %mul3A_2, %add3A_1740 : i32
    %add3A_1742 = arith.constant 2 : i32
    %add3A_1743 = arith.addi %add3A_1741, %add3A_1742 : i32
    %dma_start3A_1744 = arith.constant 100 : i32
    %dma_start3A_1745 = arith.constant 0 : i32
    %dma_start3A_1746 = tpu.memref_slice %arg9[%dma_start3A_1744, %dma_start3A_1745] : memref<400x64xf32, #tpu.memory_space<vmem>> -> memref<50x64xf32, #tpu.memory_space<vmem>>
    %dma_start3A_1747 = arith.constant 0 : i32
    %dma_start3A_1748 = arith.constant 0 : i32
    %dma_start3A_1749 = tpu.memref_slice %arg4[%add3A_1743, %dma_start3A_1747, %dma_start3A_1748] : memref<16384x50x64xf32, #tpu.memory_space<hbm>> -> memref<1x50x64xf32, #tpu.memory_space<hbm>>
    %dma_start3A_1750 = tpu.memref_squeeze %dma_start3A_1749 : memref<1x50x64xf32, #tpu.memory_space<hbm>> -> memref<50x64xf32, #tpu.memory_space<hbm>>
    %dma_start3A_1751 = arith.constant 0 : i32
    %dma_start3A_1752 = arith.constant 0 : i32
    %dma_start3A_1753 = tpu.memref_slice %arg4[%add3A_1743, %dma_start3A_1751, %dma_start3A_1752] : memref<16384x50x64xf32, #tpu.memory_space<hbm>> -> memref<1x50x64xf32, #tpu.memory_space<hbm>>
    %dma_start3A_1754 = tpu.memref_squeeze %dma_start3A_1753 : memref<1x50x64xf32, #tpu.memory_space<hbm>> -> memref<50x64xf32, #tpu.memory_space<hbm>>
    %dma_start3A_1755 = arith.constant 100 : i32
    %dma_start3A_1756 = arith.constant 0 : i32
    %dma_start3A_1757 = tpu.memref_slice %arg9[%dma_start3A_1755, %dma_start3A_1756] : memref<400x64xf32, #tpu.memory_space<vmem>> -> memref<50x64xf32, #tpu.memory_space<vmem>>
    tpu.enqueue_dma source(%dma_start3A_1757 : memref<50x64xf32, #tpu.memory_space<vmem>>) target(%dma_start3A_1754 : memref<50x64xf32, #tpu.memory_space<hbm>>) target_semaphore(%arg17 : memref<!tpu.dma_semaphore, #tpu.memory_space<semaphore_mem>>)
    %add3A_1758 = arith.constant 504 : i32
    %add3A_1759 = arith.addi %mul3A_2, %add3A_1758 : i32
    %add3A_1760 = arith.constant 3 : i32
    %add3A_1761 = arith.addi %add3A_1759, %add3A_1760 : i32
    %dma_start3A_1762 = arith.constant 150 : i32
    %dma_start3A_1763 = arith.constant 0 : i32
    %dma_start3A_1764 = tpu.memref_slice %arg9[%dma_start3A_1762, %dma_start3A_1763] : memref<400x64xf32, #tpu.memory_space<vmem>> -> memref<50x64xf32, #tpu.memory_space<vmem>>
    %dma_start3A_1765 = arith.constant 0 : i32
    %dma_start3A_1766 = arith.constant 0 : i32
    %dma_start3A_1767 = tpu.memref_slice %arg4[%add3A_1761, %dma_start3A_1765, %dma_start3A_1766] : memref<16384x50x64xf32, #tpu.memory_space<hbm>> -> memref<1x50x64xf32, #tpu.memory_space<hbm>>
    %dma_start3A_1768 = tpu.memref_squeeze %dma_start3A_1767 : memref<1x50x64xf32, #tpu.memory_space<hbm>> -> memref<50x64xf32, #tpu.memory_space<hbm>>
    %dma_start3A_1769 = arith.constant 0 : i32
    %dma_start3A_1770 = arith.constant 0 : i32
    %dma_start3A_1771 = tpu.memref_slice %arg4[%add3A_1761, %dma_start3A_1769, %dma_start3A_1770] : memref<16384x50x64xf32, #tpu.memory_space<hbm>> -> memref<1x50x64xf32, #tpu.memory_space<hbm>>
    %dma_start3A_1772 = tpu.memref_squeeze %dma_start3A_1771 : memref<1x50x64xf32, #tpu.memory_space<hbm>> -> memref<50x64xf32, #tpu.memory_space<hbm>>
    %dma_start3A_1773 = arith.constant 150 : i32
    %dma_start3A_1774 = arith.constant 0 : i32
    %dma_start3A_1775 = tpu.memref_slice %arg9[%dma_start3A_1773, %dma_start3A_1774] : memref<400x64xf32, #tpu.memory_space<vmem>> -> memref<50x64xf32, #tpu.memory_space<vmem>>
    tpu.enqueue_dma source(%dma_start3A_1775 : memref<50x64xf32, #tpu.memory_space<vmem>>) target(%dma_start3A_1772 : memref<50x64xf32, #tpu.memory_space<hbm>>) target_semaphore(%arg17 : memref<!tpu.dma_semaphore, #tpu.memory_space<semaphore_mem>>)
    %add3A_1776 = arith.constant 504 : i32
    %add3A_1777 = arith.addi %mul3A_2, %add3A_1776 : i32
    %add3A_1778 = arith.constant 4 : i32
    %add3A_1779 = arith.addi %add3A_1777, %add3A_1778 : i32
    %dma_start3A_1780 = arith.constant 200 : i32
    %dma_start3A_1781 = arith.constant 0 : i32
    %dma_start3A_1782 = tpu.memref_slice %arg9[%dma_start3A_1780, %dma_start3A_1781] : memref<400x64xf32, #tpu.memory_space<vmem>> -> memref<50x64xf32, #tpu.memory_space<vmem>>
    %dma_start3A_1783 = arith.constant 0 : i32
    %dma_start3A_1784 = arith.constant 0 : i32
    %dma_start3A_1785 = tpu.memref_slice %arg4[%add3A_1779, %dma_start3A_1783, %dma_start3A_1784] : memref<16384x50x64xf32, #tpu.memory_space<hbm>> -> memref<1x50x64xf32, #tpu.memory_space<hbm>>
    %dma_start3A_1786 = tpu.memref_squeeze %dma_start3A_1785 : memref<1x50x64xf32, #tpu.memory_space<hbm>> -> memref<50x64xf32, #tpu.memory_space<hbm>>
    %dma_start3A_1787 = arith.constant 0 : i32
    %dma_start3A_1788 = arith.constant 0 : i32
    %dma_start3A_1789 = tpu.memref_slice %arg4[%add3A_1779, %dma_start3A_1787, %dma_start3A_1788] : memref<16384x50x64xf32, #tpu.memory_space<hbm>> -> memref<1x50x64xf32, #tpu.memory_space<hbm>>
    %dma_start3A_1790 = tpu.memref_squeeze %dma_start3A_1789 : memref<1x50x64xf32, #tpu.memory_space<hbm>> -> memref<50x64xf32, #tpu.memory_space<hbm>>
    %dma_start3A_1791 = arith.constant 200 : i32
    %dma_start3A_1792 = arith.constant 0 : i32
    %dma_start3A_1793 = tpu.memref_slice %arg9[%dma_start3A_1791, %dma_start3A_1792] : memref<400x64xf32, #tpu.memory_space<vmem>> -> memref<50x64xf32, #tpu.memory_space<vmem>>
    tpu.enqueue_dma source(%dma_start3A_1793 : memref<50x64xf32, #tpu.memory_space<vmem>>) target(%dma_start3A_1790 : memref<50x64xf32, #tpu.memory_space<hbm>>) target_semaphore(%arg17 : memref<!tpu.dma_semaphore, #tpu.memory_space<semaphore_mem>>)
    %add3A_1794 = arith.constant 504 : i32
    %add3A_1795 = arith.addi %mul3A_2, %add3A_1794 : i32
    %add3A_1796 = arith.constant 5 : i32
    %add3A_1797 = arith.addi %add3A_1795, %add3A_1796 : i32
    %dma_start3A_1798 = arith.constant 250 : i32
    %dma_start3A_1799 = arith.constant 0 : i32
    %dma_start3A_1800 = tpu.memref_slice %arg9[%dma_start3A_1798, %dma_start3A_1799] : memref<400x64xf32, #tpu.memory_space<vmem>> -> memref<50x64xf32, #tpu.memory_space<vmem>>
    %dma_start3A_1801 = arith.constant 0 : i32
    %dma_start3A_1802 = arith.constant 0 : i32
    %dma_start3A_1803 = tpu.memref_slice %arg4[%add3A_1797, %dma_start3A_1801, %dma_start3A_1802] : memref<16384x50x64xf32, #tpu.memory_space<hbm>> -> memref<1x50x64xf32, #tpu.memory_space<hbm>>
    %dma_start3A_1804 = tpu.memref_squeeze %dma_start3A_1803 : memref<1x50x64xf32, #tpu.memory_space<hbm>> -> memref<50x64xf32, #tpu.memory_space<hbm>>
    %dma_start3A_1805 = arith.constant 0 : i32
    %dma_start3A_1806 = arith.constant 0 : i32
    %dma_start3A_1807 = tpu.memref_slice %arg4[%add3A_1797, %dma_start3A_1805, %dma_start3A_1806] : memref<16384x50x64xf32, #tpu.memory_space<hbm>> -> memref<1x50x64xf32, #tpu.memory_space<hbm>>
    %dma_start3A_1808 = tpu.memref_squeeze %dma_start3A_1807 : memref<1x50x64xf32, #tpu.memory_space<hbm>> -> memref<50x64xf32, #tpu.memory_space<hbm>>
    %dma_start3A_1809 = arith.constant 250 : i32
    %dma_start3A_1810 = arith.constant 0 : i32
    %dma_start3A_1811 = tpu.memref_slice %arg9[%dma_start3A_1809, %dma_start3A_1810] : memref<400x64xf32, #tpu.memory_space<vmem>> -> memref<50x64xf32, #tpu.memory_space<vmem>>
    tpu.enqueue_dma source(%dma_start3A_1811 : memref<50x64xf32, #tpu.memory_space<vmem>>) target(%dma_start3A_1808 : memref<50x64xf32, #tpu.memory_space<hbm>>) target_semaphore(%arg17 : memref<!tpu.dma_semaphore, #tpu.memory_space<semaphore_mem>>)
    %add3A_1812 = arith.constant 504 : i32
    %add3A_1813 = arith.addi %mul3A_2, %add3A_1812 : i32
    %add3A_1814 = arith.constant 6 : i32
    %add3A_1815 = arith.addi %add3A_1813, %add3A_1814 : i32
    %dma_start3A_1816 = arith.constant 300 : i32
    %dma_start3A_1817 = arith.constant 0 : i32
    %dma_start3A_1818 = tpu.memref_slice %arg9[%dma_start3A_1816, %dma_start3A_1817] : memref<400x64xf32, #tpu.memory_space<vmem>> -> memref<50x64xf32, #tpu.memory_space<vmem>>
    %dma_start3A_1819 = arith.constant 0 : i32
    %dma_start3A_1820 = arith.constant 0 : i32
    %dma_start3A_1821 = tpu.memref_slice %arg4[%add3A_1815, %dma_start3A_1819, %dma_start3A_1820] : memref<16384x50x64xf32, #tpu.memory_space<hbm>> -> memref<1x50x64xf32, #tpu.memory_space<hbm>>
    %dma_start3A_1822 = tpu.memref_squeeze %dma_start3A_1821 : memref<1x50x64xf32, #tpu.memory_space<hbm>> -> memref<50x64xf32, #tpu.memory_space<hbm>>
    %dma_start3A_1823 = arith.constant 0 : i32
    %dma_start3A_1824 = arith.constant 0 : i32
    %dma_start3A_1825 = tpu.memref_slice %arg4[%add3A_1815, %dma_start3A_1823, %dma_start3A_1824] : memref<16384x50x64xf32, #tpu.memory_space<hbm>> -> memref<1x50x64xf32, #tpu.memory_space<hbm>>
    %dma_start3A_1826 = tpu.memref_squeeze %dma_start3A_1825 : memref<1x50x64xf32, #tpu.memory_space<hbm>> -> memref<50x64xf32, #tpu.memory_space<hbm>>
    %dma_start3A_1827 = arith.constant 300 : i32
    %dma_start3A_1828 = arith.constant 0 : i32
    %dma_start3A_1829 = tpu.memref_slice %arg9[%dma_start3A_1827, %dma_start3A_1828] : memref<400x64xf32, #tpu.memory_space<vmem>> -> memref<50x64xf32, #tpu.memory_space<vmem>>
    tpu.enqueue_dma source(%dma_start3A_1829 : memref<50x64xf32, #tpu.memory_space<vmem>>) target(%dma_start3A_1826 : memref<50x64xf32, #tpu.memory_space<hbm>>) target_semaphore(%arg17 : memref<!tpu.dma_semaphore, #tpu.memory_space<semaphore_mem>>)
    %add3A_1830 = arith.constant 504 : i32
    %add3A_1831 = arith.addi %mul3A_2, %add3A_1830 : i32
    %add3A_1832 = arith.constant 7 : i32
    %add3A_1833 = arith.addi %add3A_1831, %add3A_1832 : i32
    %dma_start3A_1834 = arith.constant 350 : i32
    %dma_start3A_1835 = arith.constant 0 : i32
    %dma_start3A_1836 = tpu.memref_slice %arg9[%dma_start3A_1834, %dma_start3A_1835] : memref<400x64xf32, #tpu.memory_space<vmem>> -> memref<50x64xf32, #tpu.memory_space<vmem>>
    %dma_start3A_1837 = arith.constant 0 : i32
    %dma_start3A_1838 = arith.constant 0 : i32
    %dma_start3A_1839 = tpu.memref_slice %arg4[%add3A_1833, %dma_start3A_1837, %dma_start3A_1838] : memref<16384x50x64xf32, #tpu.memory_space<hbm>> -> memref<1x50x64xf32, #tpu.memory_space<hbm>>
    %dma_start3A_1840 = tpu.memref_squeeze %dma_start3A_1839 : memref<1x50x64xf32, #tpu.memory_space<hbm>> -> memref<50x64xf32, #tpu.memory_space<hbm>>
    %dma_start3A_1841 = arith.constant 0 : i32
    %dma_start3A_1842 = arith.constant 0 : i32
    %dma_start3A_1843 = tpu.memref_slice %arg4[%add3A_1833, %dma_start3A_1841, %dma_start3A_1842] : memref<16384x50x64xf32, #tpu.memory_space<hbm>> -> memref<1x50x64xf32, #tpu.memory_space<hbm>>
    %dma_start3A_1844 = tpu.memref_squeeze %dma_start3A_1843 : memref<1x50x64xf32, #tpu.memory_space<hbm>> -> memref<50x64xf32, #tpu.memory_space<hbm>>
    %dma_start3A_1845 = arith.constant 350 : i32
    %dma_start3A_1846 = arith.constant 0 : i32
    %dma_start3A_1847 = tpu.memref_slice %arg9[%dma_start3A_1845, %dma_start3A_1846] : memref<400x64xf32, #tpu.memory_space<vmem>> -> memref<50x64xf32, #tpu.memory_space<vmem>>
    tpu.enqueue_dma source(%dma_start3A_1847 : memref<50x64xf32, #tpu.memory_space<vmem>>) target(%dma_start3A_1844 : memref<50x64xf32, #tpu.memory_space<hbm>>) target_semaphore(%arg17 : memref<!tpu.dma_semaphore, #tpu.memory_space<semaphore_mem>>)
    %dma_wait3A_1848 = arith.constant 0 : i32
    %dma_wait3A_1849 = arith.constant 0 : i32
    %dma_wait3A_1850 = arith.constant 0 : i32
    %dma_wait3A_1851 = tpu.memref_slice %arg7[%dma_wait3A_1849, %dma_wait3A_1850] : memref<400x64xf32, #tpu.memory_space<vmem>> -> memref<50x64xf32, #tpu.memory_space<vmem>>
    %dma_wait3A_1852 = arith.constant 0 : i32
    %dma_wait3A_1853 = arith.constant 0 : i32
    %dma_wait3A_1854 = tpu.memref_slice %arg4[%dma_wait3A_1848, %dma_wait3A_1852, %dma_wait3A_1853] : memref<16384x50x64xf32, #tpu.memory_space<hbm>> -> memref<1x50x64xf32, #tpu.memory_space<hbm>>
    %dma_wait3A_1855 = tpu.memref_squeeze %dma_wait3A_1854 : memref<1x50x64xf32, #tpu.memory_space<hbm>> -> memref<50x64xf32, #tpu.memory_space<hbm>>
    %dma_wait3A_1856 = arith.constant 0 : i32
    %dma_wait3A_1857 = arith.constant 0 : i32
    %dma_wait3A_1858 = tpu.memref_slice %arg4[%dma_wait3A_1848, %dma_wait3A_1856, %dma_wait3A_1857] : memref<16384x50x64xf32, #tpu.memory_space<hbm>> -> memref<1x50x64xf32, #tpu.memory_space<hbm>>
    %dma_wait3A_1859 = tpu.memref_squeeze %dma_wait3A_1858 : memref<1x50x64xf32, #tpu.memory_space<hbm>> -> memref<50x64xf32, #tpu.memory_space<hbm>>
    %dma_wait3A_1860 = arith.constant 0 : i32
    %dma_wait3A_1861 = arith.constant 0 : i32
    %dma_wait3A_1862 = tpu.memref_slice %arg7[%dma_wait3A_1860, %dma_wait3A_1861] : memref<400x64xf32, #tpu.memory_space<vmem>> -> memref<50x64xf32, #tpu.memory_space<vmem>>
    tpu.wait_dma2 semaphore(%arg15 : memref<!tpu.dma_semaphore, #tpu.memory_space<semaphore_mem>>) src(%dma_wait3A_1862 : memref<50x64xf32, #tpu.memory_space<vmem>>) dst(%dma_wait3A_1859 : memref<50x64xf32, #tpu.memory_space<hbm>>)
    %dma_wait3A_1863 = arith.constant 0 : i32
    %dma_wait3A_1864 = arith.constant 0 : i32
    %dma_wait3A_1865 = arith.constant 0 : i32
    %dma_wait3A_1866 = tpu.memref_slice %arg7[%dma_wait3A_1864, %dma_wait3A_1865] : memref<400x64xf32, #tpu.memory_space<vmem>> -> memref<50x64xf32, #tpu.memory_space<vmem>>
    %dma_wait3A_1867 = arith.constant 0 : i32
    %dma_wait3A_1868 = arith.constant 0 : i32
    %dma_wait3A_1869 = tpu.memref_slice %arg4[%dma_wait3A_1863, %dma_wait3A_1867, %dma_wait3A_1868] : memref<16384x50x64xf32, #tpu.memory_space<hbm>> -> memref<1x50x64xf32, #tpu.memory_space<hbm>>
    %dma_wait3A_1870 = tpu.memref_squeeze %dma_wait3A_1869 : memref<1x50x64xf32, #tpu.memory_space<hbm>> -> memref<50x64xf32, #tpu.memory_space<hbm>>
    %dma_wait3A_1871 = arith.constant 0 : i32
    %dma_wait3A_1872 = arith.constant 0 : i32
    %dma_wait3A_1873 = tpu.memref_slice %arg4[%dma_wait3A_1863, %dma_wait3A_1871, %dma_wait3A_1872] : memref<16384x50x64xf32, #tpu.memory_space<hbm>> -> memref<1x50x64xf32, #tpu.memory_space<hbm>>
    %dma_wait3A_1874 = tpu.memref_squeeze %dma_wait3A_1873 : memref<1x50x64xf32, #tpu.memory_space<hbm>> -> memref<50x64xf32, #tpu.memory_space<hbm>>
    %dma_wait3A_1875 = arith.constant 0 : i32
    %dma_wait3A_1876 = arith.constant 0 : i32
    %dma_wait3A_1877 = tpu.memref_slice %arg7[%dma_wait3A_1875, %dma_wait3A_1876] : memref<400x64xf32, #tpu.memory_space<vmem>> -> memref<50x64xf32, #tpu.memory_space<vmem>>
    tpu.wait_dma2 semaphore(%arg15 : memref<!tpu.dma_semaphore, #tpu.memory_space<semaphore_mem>>) src(%dma_wait3A_1877 : memref<50x64xf32, #tpu.memory_space<vmem>>) dst(%dma_wait3A_1874 : memref<50x64xf32, #tpu.memory_space<hbm>>)
    %dma_wait3A_1878 = arith.constant 0 : i32
    %dma_wait3A_1879 = arith.constant 0 : i32
    %dma_wait3A_1880 = arith.constant 0 : i32
    %dma_wait3A_1881 = tpu.memref_slice %arg7[%dma_wait3A_1879, %dma_wait3A_1880] : memref<400x64xf32, #tpu.memory_space<vmem>> -> memref<50x64xf32, #tpu.memory_space<vmem>>
    %dma_wait3A_1882 = arith.constant 0 : i32
    %dma_wait3A_1883 = arith.constant 0 : i32
    %dma_wait3A_1884 = tpu.memref_slice %arg4[%dma_wait3A_1878, %dma_wait3A_1882, %dma_wait3A_1883] : memref<16384x50x64xf32, #tpu.memory_space<hbm>> -> memref<1x50x64xf32, #tpu.memory_space<hbm>>
    %dma_wait3A_1885 = tpu.memref_squeeze %dma_wait3A_1884 : memref<1x50x64xf32, #tpu.memory_space<hbm>> -> memref<50x64xf32, #tpu.memory_space<hbm>>
    %dma_wait3A_1886 = arith.constant 0 : i32
    %dma_wait3A_1887 = arith.constant 0 : i32
    %dma_wait3A_1888 = tpu.memref_slice %arg4[%dma_wait3A_1878, %dma_wait3A_1886, %dma_wait3A_1887] : memref<16384x50x64xf32, #tpu.memory_space<hbm>> -> memref<1x50x64xf32, #tpu.memory_space<hbm>>
    %dma_wait3A_1889 = tpu.memref_squeeze %dma_wait3A_1888 : memref<1x50x64xf32, #tpu.memory_space<hbm>> -> memref<50x64xf32, #tpu.memory_space<hbm>>
    %dma_wait3A_1890 = arith.constant 0 : i32
    %dma_wait3A_1891 = arith.constant 0 : i32
    %dma_wait3A_1892 = tpu.memref_slice %arg7[%dma_wait3A_1890, %dma_wait3A_1891] : memref<400x64xf32, #tpu.memory_space<vmem>> -> memref<50x64xf32, #tpu.memory_space<vmem>>
    tpu.wait_dma2 semaphore(%arg15 : memref<!tpu.dma_semaphore, #tpu.memory_space<semaphore_mem>>) src(%dma_wait3A_1892 : memref<50x64xf32, #tpu.memory_space<vmem>>) dst(%dma_wait3A_1889 : memref<50x64xf32, #tpu.memory_space<hbm>>)
    %dma_wait3A_1893 = arith.constant 0 : i32
    %dma_wait3A_1894 = arith.constant 0 : i32
    %dma_wait3A_1895 = arith.constant 0 : i32
    %dma_wait3A_1896 = tpu.memref_slice %arg7[%dma_wait3A_1894, %dma_wait3A_1895] : memref<400x64xf32, #tpu.memory_space<vmem>> -> memref<50x64xf32, #tpu.memory_space<vmem>>
    %dma_wait3A_1897 = arith.constant 0 : i32
    %dma_wait3A_1898 = arith.constant 0 : i32
    %dma_wait3A_1899 = tpu.memref_slice %arg4[%dma_wait3A_1893, %dma_wait3A_1897, %dma_wait3A_1898] : memref<16384x50x64xf32, #tpu.memory_space<hbm>> -> memref<1x50x64xf32, #tpu.memory_space<hbm>>
    %dma_wait3A_1900 = tpu.memref_squeeze %dma_wait3A_1899 : memref<1x50x64xf32, #tpu.memory_space<hbm>> -> memref<50x64xf32, #tpu.memory_space<hbm>>
    %dma_wait3A_1901 = arith.constant 0 : i32
    %dma_wait3A_1902 = arith.constant 0 : i32
    %dma_wait3A_1903 = tpu.memref_slice %arg4[%dma_wait3A_1893, %dma_wait3A_1901, %dma_wait3A_1902] : memref<16384x50x64xf32, #tpu.memory_space<hbm>> -> memref<1x50x64xf32, #tpu.memory_space<hbm>>
    %dma_wait3A_1904 = tpu.memref_squeeze %dma_wait3A_1903 : memref<1x50x64xf32, #tpu.memory_space<hbm>> -> memref<50x64xf32, #tpu.memory_space<hbm>>
    %dma_wait3A_1905 = arith.constant 0 : i32
    %dma_wait3A_1906 = arith.constant 0 : i32
    %dma_wait3A_1907 = tpu.memref_slice %arg7[%dma_wait3A_1905, %dma_wait3A_1906] : memref<400x64xf32, #tpu.memory_space<vmem>> -> memref<50x64xf32, #tpu.memory_space<vmem>>
    tpu.wait_dma2 semaphore(%arg15 : memref<!tpu.dma_semaphore, #tpu.memory_space<semaphore_mem>>) src(%dma_wait3A_1907 : memref<50x64xf32, #tpu.memory_space<vmem>>) dst(%dma_wait3A_1904 : memref<50x64xf32, #tpu.memory_space<hbm>>)
    %dma_wait3A_1908 = arith.constant 0 : i32
    %dma_wait3A_1909 = arith.constant 0 : i32
    %dma_wait3A_1910 = arith.constant 0 : i32
    %dma_wait3A_1911 = tpu.memref_slice %arg7[%dma_wait3A_1909, %dma_wait3A_1910] : memref<400x64xf32, #tpu.memory_space<vmem>> -> memref<50x64xf32, #tpu.memory_space<vmem>>
    %dma_wait3A_1912 = arith.constant 0 : i32
    %dma_wait3A_1913 = arith.constant 0 : i32
    %dma_wait3A_1914 = tpu.memref_slice %arg4[%dma_wait3A_1908, %dma_wait3A_1912, %dma_wait3A_1913] : memref<16384x50x64xf32, #tpu.memory_space<hbm>> -> memref<1x50x64xf32, #tpu.memory_space<hbm>>
    %dma_wait3A_1915 = tpu.memref_squeeze %dma_wait3A_1914 : memref<1x50x64xf32, #tpu.memory_space<hbm>> -> memref<50x64xf32, #tpu.memory_space<hbm>>
    %dma_wait3A_1916 = arith.constant 0 : i32
    %dma_wait3A_1917 = arith.constant 0 : i32
    %dma_wait3A_1918 = tpu.memref_slice %arg4[%dma_wait3A_1908, %dma_wait3A_1916, %dma_wait3A_1917] : memref<16384x50x64xf32, #tpu.memory_space<hbm>> -> memref<1x50x64xf32, #tpu.memory_space<hbm>>
    %dma_wait3A_1919 = tpu.memref_squeeze %dma_wait3A_1918 : memref<1x50x64xf32, #tpu.memory_space<hbm>> -> memref<50x64xf32, #tpu.memory_space<hbm>>
    %dma_wait3A_1920 = arith.constant 0 : i32
    %dma_wait3A_1921 = arith.constant 0 : i32
    %dma_wait3A_1922 = tpu.memref_slice %arg7[%dma_wait3A_1920, %dma_wait3A_1921] : memref<400x64xf32, #tpu.memory_space<vmem>> -> memref<50x64xf32, #tpu.memory_space<vmem>>
    tpu.wait_dma2 semaphore(%arg15 : memref<!tpu.dma_semaphore, #tpu.memory_space<semaphore_mem>>) src(%dma_wait3A_1922 : memref<50x64xf32, #tpu.memory_space<vmem>>) dst(%dma_wait3A_1919 : memref<50x64xf32, #tpu.memory_space<hbm>>)
    %dma_wait3A_1923 = arith.constant 0 : i32
    %dma_wait3A_1924 = arith.constant 0 : i32
    %dma_wait3A_1925 = arith.constant 0 : i32
    %dma_wait3A_1926 = tpu.memref_slice %arg7[%dma_wait3A_1924, %dma_wait3A_1925] : memref<400x64xf32, #tpu.memory_space<vmem>> -> memref<50x64xf32, #tpu.memory_space<vmem>>
    %dma_wait3A_1927 = arith.constant 0 : i32
    %dma_wait3A_1928 = arith.constant 0 : i32
    %dma_wait3A_1929 = tpu.memref_slice %arg4[%dma_wait3A_1923, %dma_wait3A_1927, %dma_wait3A_1928] : memref<16384x50x64xf32, #tpu.memory_space<hbm>> -> memref<1x50x64xf32, #tpu.memory_space<hbm>>
    %dma_wait3A_1930 = tpu.memref_squeeze %dma_wait3A_1929 : memref<1x50x64xf32, #tpu.memory_space<hbm>> -> memref<50x64xf32, #tpu.memory_space<hbm>>
    %dma_wait3A_1931 = arith.constant 0 : i32
    %dma_wait3A_1932 = arith.constant 0 : i32
    %dma_wait3A_1933 = tpu.memref_slice %arg4[%dma_wait3A_1923, %dma_wait3A_1931, %dma_wait3A_1932] : memref<16384x50x64xf32, #tpu.memory_space<hbm>> -> memref<1x50x64xf32, #tpu.memory_space<hbm>>
    %dma_wait3A_1934 = tpu.memref_squeeze %dma_wait3A_1933 : memref<1x50x64xf32, #tpu.memory_space<hbm>> -> memref<50x64xf32, #tpu.memory_space<hbm>>
    %dma_wait3A_1935 = arith.constant 0 : i32
    %dma_wait3A_1936 = arith.constant 0 : i32
    %dma_wait3A_1937 = tpu.memref_slice %arg7[%dma_wait3A_1935, %dma_wait3A_1936] : memref<400x64xf32, #tpu.memory_space<vmem>> -> memref<50x64xf32, #tpu.memory_space<vmem>>
    tpu.wait_dma2 semaphore(%arg15 : memref<!tpu.dma_semaphore, #tpu.memory_space<semaphore_mem>>) src(%dma_wait3A_1937 : memref<50x64xf32, #tpu.memory_space<vmem>>) dst(%dma_wait3A_1934 : memref<50x64xf32, #tpu.memory_space<hbm>>)
    %dma_wait3A_1938 = arith.constant 0 : i32
    %dma_wait3A_1939 = arith.constant 0 : i32
    %dma_wait3A_1940 = arith.constant 0 : i32
    %dma_wait3A_1941 = tpu.memref_slice %arg7[%dma_wait3A_1939, %dma_wait3A_1940] : memref<400x64xf32, #tpu.memory_space<vmem>> -> memref<50x64xf32, #tpu.memory_space<vmem>>
    %dma_wait3A_1942 = arith.constant 0 : i32
    %dma_wait3A_1943 = arith.constant 0 : i32
    %dma_wait3A_1944 = tpu.memref_slice %arg4[%dma_wait3A_1938, %dma_wait3A_1942, %dma_wait3A_1943] : memref<16384x50x64xf32, #tpu.memory_space<hbm>> -> memref<1x50x64xf32, #tpu.memory_space<hbm>>
    %dma_wait3A_1945 = tpu.memref_squeeze %dma_wait3A_1944 : memref<1x50x64xf32, #tpu.memory_space<hbm>> -> memref<50x64xf32, #tpu.memory_space<hbm>>
    %dma_wait3A_1946 = arith.constant 0 : i32
    %dma_wait3A_1947 = arith.constant 0 : i32
    %dma_wait3A_1948 = tpu.memref_slice %arg4[%dma_wait3A_1938, %dma_wait3A_1946, %dma_wait3A_1947] : memref<16384x50x64xf32, #tpu.memory_space<hbm>> -> memref<1x50x64xf32, #tpu.memory_space<hbm>>
    %dma_wait3A_1949 = tpu.memref_squeeze %dma_wait3A_1948 : memref<1x50x64xf32, #tpu.memory_space<hbm>> -> memref<50x64xf32, #tpu.memory_space<hbm>>
    %dma_wait3A_1950 = arith.constant 0 : i32
    %dma_wait3A_1951 = arith.constant 0 : i32
    %dma_wait3A_1952 = tpu.memref_slice %arg7[%dma_wait3A_1950, %dma_wait3A_1951] : memref<400x64xf32, #tpu.memory_space<vmem>> -> memref<50x64xf32, #tpu.memory_space<vmem>>
    tpu.wait_dma2 semaphore(%arg15 : memref<!tpu.dma_semaphore, #tpu.memory_space<semaphore_mem>>) src(%dma_wait3A_1952 : memref<50x64xf32, #tpu.memory_space<vmem>>) dst(%dma_wait3A_1949 : memref<50x64xf32, #tpu.memory_space<hbm>>)
    %dma_wait3A_1953 = arith.constant 0 : i32
    %dma_wait3A_1954 = arith.constant 0 : i32
    %dma_wait3A_1955 = arith.constant 0 : i32
    %dma_wait3A_1956 = tpu.memref_slice %arg7[%dma_wait3A_1954, %dma_wait3A_1955] : memref<400x64xf32, #tpu.memory_space<vmem>> -> memref<50x64xf32, #tpu.memory_space<vmem>>
    %dma_wait3A_1957 = arith.constant 0 : i32
    %dma_wait3A_1958 = arith.constant 0 : i32
    %dma_wait3A_1959 = tpu.memref_slice %arg4[%dma_wait3A_1953, %dma_wait3A_1957, %dma_wait3A_1958] : memref<16384x50x64xf32, #tpu.memory_space<hbm>> -> memref<1x50x64xf32, #tpu.memory_space<hbm>>
    %dma_wait3A_1960 = tpu.memref_squeeze %dma_wait3A_1959 : memref<1x50x64xf32, #tpu.memory_space<hbm>> -> memref<50x64xf32, #tpu.memory_space<hbm>>
    %dma_wait3A_1961 = arith.constant 0 : i32
    %dma_wait3A_1962 = arith.constant 0 : i32
    %dma_wait3A_1963 = tpu.memref_slice %arg4[%dma_wait3A_1953, %dma_wait3A_1961, %dma_wait3A_1962] : memref<16384x50x64xf32, #tpu.memory_space<hbm>> -> memref<1x50x64xf32, #tpu.memory_space<hbm>>
    %dma_wait3A_1964 = tpu.memref_squeeze %dma_wait3A_1963 : memref<1x50x64xf32, #tpu.memory_space<hbm>> -> memref<50x64xf32, #tpu.memory_space<hbm>>
    %dma_wait3A_1965 = arith.constant 0 : i32
    %dma_wait3A_1966 = arith.constant 0 : i32
    %dma_wait3A_1967 = tpu.memref_slice %arg7[%dma_wait3A_1965, %dma_wait3A_1966] : memref<400x64xf32, #tpu.memory_space<vmem>> -> memref<50x64xf32, #tpu.memory_space<vmem>>
    tpu.wait_dma2 semaphore(%arg15 : memref<!tpu.dma_semaphore, #tpu.memory_space<semaphore_mem>>) src(%dma_wait3A_1967 : memref<50x64xf32, #tpu.memory_space<vmem>>) dst(%dma_wait3A_1964 : memref<50x64xf32, #tpu.memory_space<hbm>>)
    %dma_wait3A_1968 = arith.constant 0 : i32
    %dma_wait3A_1969 = arith.constant 0 : i32
    %dma_wait3A_1970 = arith.constant 0 : i32
    %dma_wait3A_1971 = tpu.memref_slice %arg8[%dma_wait3A_1969, %dma_wait3A_1970] : memref<400x64xf32, #tpu.memory_space<vmem>> -> memref<50x64xf32, #tpu.memory_space<vmem>>
    %dma_wait3A_1972 = arith.constant 0 : i32
    %dma_wait3A_1973 = arith.constant 0 : i32
    %dma_wait3A_1974 = tpu.memref_slice %arg4[%dma_wait3A_1968, %dma_wait3A_1972, %dma_wait3A_1973] : memref<16384x50x64xf32, #tpu.memory_space<hbm>> -> memref<1x50x64xf32, #tpu.memory_space<hbm>>
    %dma_wait3A_1975 = tpu.memref_squeeze %dma_wait3A_1974 : memref<1x50x64xf32, #tpu.memory_space<hbm>> -> memref<50x64xf32, #tpu.memory_space<hbm>>
    %dma_wait3A_1976 = arith.constant 0 : i32
    %dma_wait3A_1977 = arith.constant 0 : i32
    %dma_wait3A_1978 = tpu.memref_slice %arg4[%dma_wait3A_1968, %dma_wait3A_1976, %dma_wait3A_1977] : memref<16384x50x64xf32, #tpu.memory_space<hbm>> -> memref<1x50x64xf32, #tpu.memory_space<hbm>>
    %dma_wait3A_1979 = tpu.memref_squeeze %dma_wait3A_1978 : memref<1x50x64xf32, #tpu.memory_space<hbm>> -> memref<50x64xf32, #tpu.memory_space<hbm>>
    %dma_wait3A_1980 = arith.constant 0 : i32
    %dma_wait3A_1981 = arith.constant 0 : i32
    %dma_wait3A_1982 = tpu.memref_slice %arg8[%dma_wait3A_1980, %dma_wait3A_1981] : memref<400x64xf32, #tpu.memory_space<vmem>> -> memref<50x64xf32, #tpu.memory_space<vmem>>
    tpu.wait_dma2 semaphore(%arg16 : memref<!tpu.dma_semaphore, #tpu.memory_space<semaphore_mem>>) src(%dma_wait3A_1982 : memref<50x64xf32, #tpu.memory_space<vmem>>) dst(%dma_wait3A_1979 : memref<50x64xf32, #tpu.memory_space<hbm>>)
    %dma_wait3A_1983 = arith.constant 0 : i32
    %dma_wait3A_1984 = arith.constant 0 : i32
    %dma_wait3A_1985 = arith.constant 0 : i32
    %dma_wait3A_1986 = tpu.memref_slice %arg8[%dma_wait3A_1984, %dma_wait3A_1985] : memref<400x64xf32, #tpu.memory_space<vmem>> -> memref<50x64xf32, #tpu.memory_space<vmem>>
    %dma_wait3A_1987 = arith.constant 0 : i32
    %dma_wait3A_1988 = arith.constant 0 : i32
    %dma_wait3A_1989 = tpu.memref_slice %arg4[%dma_wait3A_1983, %dma_wait3A_1987, %dma_wait3A_1988] : memref<16384x50x64xf32, #tpu.memory_space<hbm>> -> memref<1x50x64xf32, #tpu.memory_space<hbm>>
    %dma_wait3A_1990 = tpu.memref_squeeze %dma_wait3A_1989 : memref<1x50x64xf32, #tpu.memory_space<hbm>> -> memref<50x64xf32, #tpu.memory_space<hbm>>
    %dma_wait3A_1991 = arith.constant 0 : i32
    %dma_wait3A_1992 = arith.constant 0 : i32
    %dma_wait3A_1993 = tpu.memref_slice %arg4[%dma_wait3A_1983, %dma_wait3A_1991, %dma_wait3A_1992] : memref<16384x50x64xf32, #tpu.memory_space<hbm>> -> memref<1x50x64xf32, #tpu.memory_space<hbm>>
    %dma_wait3A_1994 = tpu.memref_squeeze %dma_wait3A_1993 : memref<1x50x64xf32, #tpu.memory_space<hbm>> -> memref<50x64xf32, #tpu.memory_space<hbm>>
    %dma_wait3A_1995 = arith.constant 0 : i32
    %dma_wait3A_1996 = arith.constant 0 : i32
    %dma_wait3A_1997 = tpu.memref_slice %arg8[%dma_wait3A_1995, %dma_wait3A_1996] : memref<400x64xf32, #tpu.memory_space<vmem>> -> memref<50x64xf32, #tpu.memory_space<vmem>>
    tpu.wait_dma2 semaphore(%arg16 : memref<!tpu.dma_semaphore, #tpu.memory_space<semaphore_mem>>) src(%dma_wait3A_1997 : memref<50x64xf32, #tpu.memory_space<vmem>>) dst(%dma_wait3A_1994 : memref<50x64xf32, #tpu.memory_space<hbm>>)
    %dma_wait3A_1998 = arith.constant 0 : i32
    %dma_wait3A_1999 = arith.constant 0 : i32
    %dma_wait3A_2000 = arith.constant 0 : i32
    %dma_wait3A_2001 = tpu.memref_slice %arg8[%dma_wait3A_1999, %dma_wait3A_2000] : memref<400x64xf32, #tpu.memory_space<vmem>> -> memref<50x64xf32, #tpu.memory_space<vmem>>
    %dma_wait3A_2002 = arith.constant 0 : i32
    %dma_wait3A_2003 = arith.constant 0 : i32
    %dma_wait3A_2004 = tpu.memref_slice %arg4[%dma_wait3A_1998, %dma_wait3A_2002, %dma_wait3A_2003] : memref<16384x50x64xf32, #tpu.memory_space<hbm>> -> memref<1x50x64xf32, #tpu.memory_space<hbm>>
    %dma_wait3A_2005 = tpu.memref_squeeze %dma_wait3A_2004 : memref<1x50x64xf32, #tpu.memory_space<hbm>> -> memref<50x64xf32, #tpu.memory_space<hbm>>
    %dma_wait3A_2006 = arith.constant 0 : i32
    %dma_wait3A_2007 = arith.constant 0 : i32
    %dma_wait3A_2008 = tpu.memref_slice %arg4[%dma_wait3A_1998, %dma_wait3A_2006, %dma_wait3A_2007] : memref<16384x50x64xf32, #tpu.memory_space<hbm>> -> memref<1x50x64xf32, #tpu.memory_space<hbm>>
    %dma_wait3A_2009 = tpu.memref_squeeze %dma_wait3A_2008 : memref<1x50x64xf32, #tpu.memory_space<hbm>> -> memref<50x64xf32, #tpu.memory_space<hbm>>
    %dma_wait3A_2010 = arith.constant 0 : i32
    %dma_wait3A_2011 = arith.constant 0 : i32
    %dma_wait3A_2012 = tpu.memref_slice %arg8[%dma_wait3A_2010, %dma_wait3A_2011] : memref<400x64xf32, #tpu.memory_space<vmem>> -> memref<50x64xf32, #tpu.memory_space<vmem>>
    tpu.wait_dma2 semaphore(%arg16 : memref<!tpu.dma_semaphore, #tpu.memory_space<semaphore_mem>>) src(%dma_wait3A_2012 : memref<50x64xf32, #tpu.memory_space<vmem>>) dst(%dma_wait3A_2009 : memref<50x64xf32, #tpu.memory_space<hbm>>)
    %dma_wait3A_2013 = arith.constant 0 : i32
    %dma_wait3A_2014 = arith.constant 0 : i32
    %dma_wait3A_2015 = arith.constant 0 : i32
    %dma_wait3A_2016 = tpu.memref_slice %arg8[%dma_wait3A_2014, %dma_wait3A_2015] : memref<400x64xf32, #tpu.memory_space<vmem>> -> memref<50x64xf32, #tpu.memory_space<vmem>>
    %dma_wait3A_2017 = arith.constant 0 : i32
    %dma_wait3A_2018 = arith.constant 0 : i32
    %dma_wait3A_2019 = tpu.memref_slice %arg4[%dma_wait3A_2013, %dma_wait3A_2017, %dma_wait3A_2018] : memref<16384x50x64xf32, #tpu.memory_space<hbm>> -> memref<1x50x64xf32, #tpu.memory_space<hbm>>
    %dma_wait3A_2020 = tpu.memref_squeeze %dma_wait3A_2019 : memref<1x50x64xf32, #tpu.memory_space<hbm>> -> memref<50x64xf32, #tpu.memory_space<hbm>>
    %dma_wait3A_2021 = arith.constant 0 : i32
    %dma_wait3A_2022 = arith.constant 0 : i32
    %dma_wait3A_2023 = tpu.memref_slice %arg4[%dma_wait3A_2013, %dma_wait3A_2021, %dma_wait3A_2022] : memref<16384x50x64xf32, #tpu.memory_space<hbm>> -> memref<1x50x64xf32, #tpu.memory_space<hbm>>
    %dma_wait3A_2024 = tpu.memref_squeeze %dma_wait3A_2023 : memref<1x50x64xf32, #tpu.memory_space<hbm>> -> memref<50x64xf32, #tpu.memory_space<hbm>>
    %dma_wait3A_2025 = arith.constant 0 : i32
    %dma_wait3A_2026 = arith.constant 0 : i32
    %dma_wait3A_2027 = tpu.memref_slice %arg8[%dma_wait3A_2025, %dma_wait3A_2026] : memref<400x64xf32, #tpu.memory_space<vmem>> -> memref<50x64xf32, #tpu.memory_space<vmem>>
    tpu.wait_dma2 semaphore(%arg16 : memref<!tpu.dma_semaphore, #tpu.memory_space<semaphore_mem>>) src(%dma_wait3A_2027 : memref<50x64xf32, #tpu.memory_space<vmem>>) dst(%dma_wait3A_2024 : memref<50x64xf32, #tpu.memory_space<hbm>>)
    %dma_wait3A_2028 = arith.constant 0 : i32
    %dma_wait3A_2029 = arith.constant 0 : i32
    %dma_wait3A_2030 = arith.constant 0 : i32
    %dma_wait3A_2031 = tpu.memref_slice %arg8[%dma_wait3A_2029, %dma_wait3A_2030] : memref<400x64xf32, #tpu.memory_space<vmem>> -> memref<50x64xf32, #tpu.memory_space<vmem>>
    %dma_wait3A_2032 = arith.constant 0 : i32
    %dma_wait3A_2033 = arith.constant 0 : i32
    %dma_wait3A_2034 = tpu.memref_slice %arg4[%dma_wait3A_2028, %dma_wait3A_2032, %dma_wait3A_2033] : memref<16384x50x64xf32, #tpu.memory_space<hbm>> -> memref<1x50x64xf32, #tpu.memory_space<hbm>>
    %dma_wait3A_2035 = tpu.memref_squeeze %dma_wait3A_2034 : memref<1x50x64xf32, #tpu.memory_space<hbm>> -> memref<50x64xf32, #tpu.memory_space<hbm>>
    %dma_wait3A_2036 = arith.constant 0 : i32
    %dma_wait3A_2037 = arith.constant 0 : i32
    %dma_wait3A_2038 = tpu.memref_slice %arg4[%dma_wait3A_2028, %dma_wait3A_2036, %dma_wait3A_2037] : memref<16384x50x64xf32, #tpu.memory_space<hbm>> -> memref<1x50x64xf32, #tpu.memory_space<hbm>>
    %dma_wait3A_2039 = tpu.memref_squeeze %dma_wait3A_2038 : memref<1x50x64xf32, #tpu.memory_space<hbm>> -> memref<50x64xf32, #tpu.memory_space<hbm>>
    %dma_wait3A_2040 = arith.constant 0 : i32
    %dma_wait3A_2041 = arith.constant 0 : i32
    %dma_wait3A_2042 = tpu.memref_slice %arg8[%dma_wait3A_2040, %dma_wait3A_2041] : memref<400x64xf32, #tpu.memory_space<vmem>> -> memref<50x64xf32, #tpu.memory_space<vmem>>
    tpu.wait_dma2 semaphore(%arg16 : memref<!tpu.dma_semaphore, #tpu.memory_space<semaphore_mem>>) src(%dma_wait3A_2042 : memref<50x64xf32, #tpu.memory_space<vmem>>) dst(%dma_wait3A_2039 : memref<50x64xf32, #tpu.memory_space<hbm>>)
    %dma_wait3A_2043 = arith.constant 0 : i32
    %dma_wait3A_2044 = arith.constant 0 : i32
    %dma_wait3A_2045 = arith.constant 0 : i32
    %dma_wait3A_2046 = tpu.memref_slice %arg8[%dma_wait3A_2044, %dma_wait3A_2045] : memref<400x64xf32, #tpu.memory_space<vmem>> -> memref<50x64xf32, #tpu.memory_space<vmem>>
    %dma_wait3A_2047 = arith.constant 0 : i32
    %dma_wait3A_2048 = arith.constant 0 : i32
    %dma_wait3A_2049 = tpu.memref_slice %arg4[%dma_wait3A_2043, %dma_wait3A_2047, %dma_wait3A_2048] : memref<16384x50x64xf32, #tpu.memory_space<hbm>> -> memref<1x50x64xf32, #tpu.memory_space<hbm>>
    %dma_wait3A_2050 = tpu.memref_squeeze %dma_wait3A_2049 : memref<1x50x64xf32, #tpu.memory_space<hbm>> -> memref<50x64xf32, #tpu.memory_space<hbm>>
    %dma_wait3A_2051 = arith.constant 0 : i32
    %dma_wait3A_2052 = arith.constant 0 : i32
    %dma_wait3A_2053 = tpu.memref_slice %arg4[%dma_wait3A_2043, %dma_wait3A_2051, %dma_wait3A_2052] : memref<16384x50x64xf32, #tpu.memory_space<hbm>> -> memref<1x50x64xf32, #tpu.memory_space<hbm>>
    %dma_wait3A_2054 = tpu.memref_squeeze %dma_wait3A_2053 : memref<1x50x64xf32, #tpu.memory_space<hbm>> -> memref<50x64xf32, #tpu.memory_space<hbm>>
    %dma_wait3A_2055 = arith.constant 0 : i32
    %dma_wait3A_2056 = arith.constant 0 : i32
    %dma_wait3A_2057 = tpu.memref_slice %arg8[%dma_wait3A_2055, %dma_wait3A_2056] : memref<400x64xf32, #tpu.memory_space<vmem>> -> memref<50x64xf32, #tpu.memory_space<vmem>>
    tpu.wait_dma2 semaphore(%arg16 : memref<!tpu.dma_semaphore, #tpu.memory_space<semaphore_mem>>) src(%dma_wait3A_2057 : memref<50x64xf32, #tpu.memory_space<vmem>>) dst(%dma_wait3A_2054 : memref<50x64xf32, #tpu.memory_space<hbm>>)
    %dma_wait3A_2058 = arith.constant 0 : i32
    %dma_wait3A_2059 = arith.constant 0 : i32
    %dma_wait3A_2060 = arith.constant 0 : i32
    %dma_wait3A_2061 = tpu.memref_slice %arg8[%dma_wait3A_2059, %dma_wait3A_2060] : memref<400x64xf32, #tpu.memory_space<vmem>> -> memref<50x64xf32, #tpu.memory_space<vmem>>
    %dma_wait3A_2062 = arith.constant 0 : i32
    %dma_wait3A_2063 = arith.constant 0 : i32
    %dma_wait3A_2064 = tpu.memref_slice %arg4[%dma_wait3A_2058, %dma_wait3A_2062, %dma_wait3A_2063] : memref<16384x50x64xf32, #tpu.memory_space<hbm>> -> memref<1x50x64xf32, #tpu.memory_space<hbm>>
    %dma_wait3A_2065 = tpu.memref_squeeze %dma_wait3A_2064 : memref<1x50x64xf32, #tpu.memory_space<hbm>> -> memref<50x64xf32, #tpu.memory_space<hbm>>
    %dma_wait3A_2066 = arith.constant 0 : i32
    %dma_wait3A_2067 = arith.constant 0 : i32
    %dma_wait3A_2068 = tpu.memref_slice %arg4[%dma_wait3A_2058, %dma_wait3A_2066, %dma_wait3A_2067] : memref<16384x50x64xf32, #tpu.memory_space<hbm>> -> memref<1x50x64xf32, #tpu.memory_space<hbm>>
    %dma_wait3A_2069 = tpu.memref_squeeze %dma_wait3A_2068 : memref<1x50x64xf32, #tpu.memory_space<hbm>> -> memref<50x64xf32, #tpu.memory_space<hbm>>
    %dma_wait3A_2070 = arith.constant 0 : i32
    %dma_wait3A_2071 = arith.constant 0 : i32
    %dma_wait3A_2072 = tpu.memref_slice %arg8[%dma_wait3A_2070, %dma_wait3A_2071] : memref<400x64xf32, #tpu.memory_space<vmem>> -> memref<50x64xf32, #tpu.memory_space<vmem>>
    tpu.wait_dma2 semaphore(%arg16 : memref<!tpu.dma_semaphore, #tpu.memory_space<semaphore_mem>>) src(%dma_wait3A_2072 : memref<50x64xf32, #tpu.memory_space<vmem>>) dst(%dma_wait3A_2069 : memref<50x64xf32, #tpu.memory_space<hbm>>)
    %dma_wait3A_2073 = arith.constant 0 : i32
    %dma_wait3A_2074 = arith.constant 0 : i32
    %dma_wait3A_2075 = arith.constant 0 : i32
    %dma_wait3A_2076 = tpu.memref_slice %arg8[%dma_wait3A_2074, %dma_wait3A_2075] : memref<400x64xf32, #tpu.memory_space<vmem>> -> memref<50x64xf32, #tpu.memory_space<vmem>>
    %dma_wait3A_2077 = arith.constant 0 : i32
    %dma_wait3A_2078 = arith.constant 0 : i32
    %dma_wait3A_2079 = tpu.memref_slice %arg4[%dma_wait3A_2073, %dma_wait3A_2077, %dma_wait3A_2078] : memref<16384x50x64xf32, #tpu.memory_space<hbm>> -> memref<1x50x64xf32, #tpu.memory_space<hbm>>
    %dma_wait3A_2080 = tpu.memref_squeeze %dma_wait3A_2079 : memref<1x50x64xf32, #tpu.memory_space<hbm>> -> memref<50x64xf32, #tpu.memory_space<hbm>>
    %dma_wait3A_2081 = arith.constant 0 : i32
    %dma_wait3A_2082 = arith.constant 0 : i32
    %dma_wait3A_2083 = tpu.memref_slice %arg4[%dma_wait3A_2073, %dma_wait3A_2081, %dma_wait3A_2082] : memref<16384x50x64xf32, #tpu.memory_space<hbm>> -> memref<1x50x64xf32, #tpu.memory_space<hbm>>
    %dma_wait3A_2084 = tpu.memref_squeeze %dma_wait3A_2083 : memref<1x50x64xf32, #tpu.memory_space<hbm>> -> memref<50x64xf32, #tpu.memory_space<hbm>>
    %dma_wait3A_2085 = arith.constant 0 : i32
    %dma_wait3A_2086 = arith.constant 0 : i32
    %dma_wait3A_2087 = tpu.memref_slice %arg8[%dma_wait3A_2085, %dma_wait3A_2086] : memref<400x64xf32, #tpu.memory_space<vmem>> -> memref<50x64xf32, #tpu.memory_space<vmem>>
    tpu.wait_dma2 semaphore(%arg16 : memref<!tpu.dma_semaphore, #tpu.memory_space<semaphore_mem>>) src(%dma_wait3A_2087 : memref<50x64xf32, #tpu.memory_space<vmem>>) dst(%dma_wait3A_2084 : memref<50x64xf32, #tpu.memory_space<hbm>>)
    %dma_wait3A_2088 = arith.constant 0 : i32
    %dma_wait3A_2089 = arith.constant 0 : i32
    %dma_wait3A_2090 = arith.constant 0 : i32
    %dma_wait3A_2091 = tpu.memref_slice %arg9[%dma_wait3A_2089, %dma_wait3A_2090] : memref<400x64xf32, #tpu.memory_space<vmem>> -> memref<50x64xf32, #tpu.memory_space<vmem>>
    %dma_wait3A_2092 = arith.constant 0 : i32
    %dma_wait3A_2093 = arith.constant 0 : i32
    %dma_wait3A_2094 = tpu.memref_slice %arg4[%dma_wait3A_2088, %dma_wait3A_2092, %dma_wait3A_2093] : memref<16384x50x64xf32, #tpu.memory_space<hbm>> -> memref<1x50x64xf32, #tpu.memory_space<hbm>>
    %dma_wait3A_2095 = tpu.memref_squeeze %dma_wait3A_2094 : memref<1x50x64xf32, #tpu.memory_space<hbm>> -> memref<50x64xf32, #tpu.memory_space<hbm>>
    %dma_wait3A_2096 = arith.constant 0 : i32
    %dma_wait3A_2097 = arith.constant 0 : i32
    %dma_wait3A_2098 = tpu.memref_slice %arg4[%dma_wait3A_2088, %dma_wait3A_2096, %dma_wait3A_2097] : memref<16384x50x64xf32, #tpu.memory_space<hbm>> -> memref<1x50x64xf32, #tpu.memory_space<hbm>>
    %dma_wait3A_2099 = tpu.memref_squeeze %dma_wait3A_2098 : memref<1x50x64xf32, #tpu.memory_space<hbm>> -> memref<50x64xf32, #tpu.memory_space<hbm>>
    %dma_wait3A_2100 = arith.constant 0 : i32
    %dma_wait3A_2101 = arith.constant 0 : i32
    %dma_wait3A_2102 = tpu.memref_slice %arg9[%dma_wait3A_2100, %dma_wait3A_2101] : memref<400x64xf32, #tpu.memory_space<vmem>> -> memref<50x64xf32, #tpu.memory_space<vmem>>
    tpu.wait_dma2 semaphore(%arg17 : memref<!tpu.dma_semaphore, #tpu.memory_space<semaphore_mem>>) src(%dma_wait3A_2102 : memref<50x64xf32, #tpu.memory_space<vmem>>) dst(%dma_wait3A_2099 : memref<50x64xf32, #tpu.memory_space<hbm>>)
    %dma_wait3A_2103 = arith.constant 0 : i32
    %dma_wait3A_2104 = arith.constant 0 : i32
    %dma_wait3A_2105 = arith.constant 0 : i32
    %dma_wait3A_2106 = tpu.memref_slice %arg9[%dma_wait3A_2104, %dma_wait3A_2105] : memref<400x64xf32, #tpu.memory_space<vmem>> -> memref<50x64xf32, #tpu.memory_space<vmem>>
    %dma_wait3A_2107 = arith.constant 0 : i32
    %dma_wait3A_2108 = arith.constant 0 : i32
    %dma_wait3A_2109 = tpu.memref_slice %arg4[%dma_wait3A_2103, %dma_wait3A_2107, %dma_wait3A_2108] : memref<16384x50x64xf32, #tpu.memory_space<hbm>> -> memref<1x50x64xf32, #tpu.memory_space<hbm>>
    %dma_wait3A_2110 = tpu.memref_squeeze %dma_wait3A_2109 : memref<1x50x64xf32, #tpu.memory_space<hbm>> -> memref<50x64xf32, #tpu.memory_space<hbm>>
    %dma_wait3A_2111 = arith.constant 0 : i32
    %dma_wait3A_2112 = arith.constant 0 : i32
    %dma_wait3A_2113 = tpu.memref_slice %arg4[%dma_wait3A_2103, %dma_wait3A_2111, %dma_wait3A_2112] : memref<16384x50x64xf32, #tpu.memory_space<hbm>> -> memref<1x50x64xf32, #tpu.memory_space<hbm>>
    %dma_wait3A_2114 = tpu.memref_squeeze %dma_wait3A_2113 : memref<1x50x64xf32, #tpu.memory_space<hbm>> -> memref<50x64xf32, #tpu.memory_space<hbm>>
    %dma_wait3A_2115 = arith.constant 0 : i32
    %dma_wait3A_2116 = arith.constant 0 : i32
    %dma_wait3A_2117 = tpu.memref_slice %arg9[%dma_wait3A_2115, %dma_wait3A_2116] : memref<400x64xf32, #tpu.memory_space<vmem>> -> memref<50x64xf32, #tpu.memory_space<vmem>>
    tpu.wait_dma2 semaphore(%arg17 : memref<!tpu.dma_semaphore, #tpu.memory_space<semaphore_mem>>) src(%dma_wait3A_2117 : memref<50x64xf32, #tpu.memory_space<vmem>>) dst(%dma_wait3A_2114 : memref<50x64xf32, #tpu.memory_space<hbm>>)
    %dma_wait3A_2118 = arith.constant 0 : i32
    %dma_wait3A_2119 = arith.constant 0 : i32
    %dma_wait3A_2120 = arith.constant 0 : i32
    %dma_wait3A_2121 = tpu.memref_slice %arg9[%dma_wait3A_2119, %dma_wait3A_2120] : memref<400x64xf32, #tpu.memory_space<vmem>> -> memref<50x64xf32, #tpu.memory_space<vmem>>
    %dma_wait3A_2122 = arith.constant 0 : i32
    %dma_wait3A_2123 = arith.constant 0 : i32
    %dma_wait3A_2124 = tpu.memref_slice %arg4[%dma_wait3A_2118, %dma_wait3A_2122, %dma_wait3A_2123] : memref<16384x50x64xf32, #tpu.memory_space<hbm>> -> memref<1x50x64xf32, #tpu.memory_space<hbm>>
    %dma_wait3A_2125 = tpu.memref_squeeze %dma_wait3A_2124 : memref<1x50x64xf32, #tpu.memory_space<hbm>> -> memref<50x64xf32, #tpu.memory_space<hbm>>
    %dma_wait3A_2126 = arith.constant 0 : i32
    %dma_wait3A_2127 = arith.constant 0 : i32
    %dma_wait3A_2128 = tpu.memref_slice %arg4[%dma_wait3A_2118, %dma_wait3A_2126, %dma_wait3A_2127] : memref<16384x50x64xf32, #tpu.memory_space<hbm>> -> memref<1x50x64xf32, #tpu.memory_space<hbm>>
    %dma_wait3A_2129 = tpu.memref_squeeze %dma_wait3A_2128 : memref<1x50x64xf32, #tpu.memory_space<hbm>> -> memref<50x64xf32, #tpu.memory_space<hbm>>
    %dma_wait3A_2130 = arith.constant 0 : i32
    %dma_wait3A_2131 = arith.constant 0 : i32
    %dma_wait3A_2132 = tpu.memref_slice %arg9[%dma_wait3A_2130, %dma_wait3A_2131] : memref<400x64xf32, #tpu.memory_space<vmem>> -> memref<50x64xf32, #tpu.memory_space<vmem>>
    tpu.wait_dma2 semaphore(%arg17 : memref<!tpu.dma_semaphore, #tpu.memory_space<semaphore_mem>>) src(%dma_wait3A_2132 : memref<50x64xf32, #tpu.memory_space<vmem>>) dst(%dma_wait3A_2129 : memref<50x64xf32, #tpu.memory_space<hbm>>)
    %dma_wait3A_2133 = arith.constant 0 : i32
    %dma_wait3A_2134 = arith.constant 0 : i32
    %dma_wait3A_2135 = arith.constant 0 : i32
    %dma_wait3A_2136 = tpu.memref_slice %arg9[%dma_wait3A_2134, %dma_wait3A_2135] : memref<400x64xf32, #tpu.memory_space<vmem>> -> memref<50x64xf32, #tpu.memory_space<vmem>>
    %dma_wait3A_2137 = arith.constant 0 : i32
    %dma_wait3A_2138 = arith.constant 0 : i32
    %dma_wait3A_2139 = tpu.memref_slice %arg4[%dma_wait3A_2133, %dma_wait3A_2137, %dma_wait3A_2138] : memref<16384x50x64xf32, #tpu.memory_space<hbm>> -> memref<1x50x64xf32, #tpu.memory_space<hbm>>
    %dma_wait3A_2140 = tpu.memref_squeeze %dma_wait3A_2139 : memref<1x50x64xf32, #tpu.memory_space<hbm>> -> memref<50x64xf32, #tpu.memory_space<hbm>>
    %dma_wait3A_2141 = arith.constant 0 : i32
    %dma_wait3A_2142 = arith.constant 0 : i32
    %dma_wait3A_2143 = tpu.memref_slice %arg4[%dma_wait3A_2133, %dma_wait3A_2141, %dma_wait3A_2142] : memref<16384x50x64xf32, #tpu.memory_space<hbm>> -> memref<1x50x64xf32, #tpu.memory_space<hbm>>
    %dma_wait3A_2144 = tpu.memref_squeeze %dma_wait3A_2143 : memref<1x50x64xf32, #tpu.memory_space<hbm>> -> memref<50x64xf32, #tpu.memory_space<hbm>>
    %dma_wait3A_2145 = arith.constant 0 : i32
    %dma_wait3A_2146 = arith.constant 0 : i32
    %dma_wait3A_2147 = tpu.memref_slice %arg9[%dma_wait3A_2145, %dma_wait3A_2146] : memref<400x64xf32, #tpu.memory_space<vmem>> -> memref<50x64xf32, #tpu.memory_space<vmem>>
    tpu.wait_dma2 semaphore(%arg17 : memref<!tpu.dma_semaphore, #tpu.memory_space<semaphore_mem>>) src(%dma_wait3A_2147 : memref<50x64xf32, #tpu.memory_space<vmem>>) dst(%dma_wait3A_2144 : memref<50x64xf32, #tpu.memory_space<hbm>>)
    %dma_wait3A_2148 = arith.constant 0 : i32
    %dma_wait3A_2149 = arith.constant 0 : i32
    %dma_wait3A_2150 = arith.constant 0 : i32
    %dma_wait3A_2151 = tpu.memref_slice %arg9[%dma_wait3A_2149, %dma_wait3A_2150] : memref<400x64xf32, #tpu.memory_space<vmem>> -> memref<50x64xf32, #tpu.memory_space<vmem>>
    %dma_wait3A_2152 = arith.constant 0 : i32
    %dma_wait3A_2153 = arith.constant 0 : i32
    %dma_wait3A_2154 = tpu.memref_slice %arg4[%dma_wait3A_2148, %dma_wait3A_2152, %dma_wait3A_2153] : memref<16384x50x64xf32, #tpu.memory_space<hbm>> -> memref<1x50x64xf32, #tpu.memory_space<hbm>>
    %dma_wait3A_2155 = tpu.memref_squeeze %dma_wait3A_2154 : memref<1x50x64xf32, #tpu.memory_space<hbm>> -> memref<50x64xf32, #tpu.memory_space<hbm>>
    %dma_wait3A_2156 = arith.constant 0 : i32
    %dma_wait3A_2157 = arith.constant 0 : i32
    %dma_wait3A_2158 = tpu.memref_slice %arg4[%dma_wait3A_2148, %dma_wait3A_2156, %dma_wait3A_2157] : memref<16384x50x64xf32, #tpu.memory_space<hbm>> -> memref<1x50x64xf32, #tpu.memory_space<hbm>>
    %dma_wait3A_2159 = tpu.memref_squeeze %dma_wait3A_2158 : memref<1x50x64xf32, #tpu.memory_space<hbm>> -> memref<50x64xf32, #tpu.memory_space<hbm>>
    %dma_wait3A_2160 = arith.constant 0 : i32
    %dma_wait3A_2161 = arith.constant 0 : i32
    %dma_wait3A_2162 = tpu.memref_slice %arg9[%dma_wait3A_2160, %dma_wait3A_2161] : memref<400x64xf32, #tpu.memory_space<vmem>> -> memref<50x64xf32, #tpu.memory_space<vmem>>
    tpu.wait_dma2 semaphore(%arg17 : memref<!tpu.dma_semaphore, #tpu.memory_space<semaphore_mem>>) src(%dma_wait3A_2162 : memref<50x64xf32, #tpu.memory_space<vmem>>) dst(%dma_wait3A_2159 : memref<50x64xf32, #tpu.memory_space<hbm>>)
    %dma_wait3A_2163 = arith.constant 0 : i32
    %dma_wait3A_2164 = arith.constant 0 : i32
    %dma_wait3A_2165 = arith.constant 0 : i32
    %dma_wait3A_2166 = tpu.memref_slice %arg9[%dma_wait3A_2164, %dma_wait3A_2165] : memref<400x64xf32, #tpu.memory_space<vmem>> -> memref<50x64xf32, #tpu.memory_space<vmem>>
    %dma_wait3A_2167 = arith.constant 0 : i32
    %dma_wait3A_2168 = arith.constant 0 : i32
    %dma_wait3A_2169 = tpu.memref_slice %arg4[%dma_wait3A_2163, %dma_wait3A_2167, %dma_wait3A_2168] : memref<16384x50x64xf32, #tpu.memory_space<hbm>> -> memref<1x50x64xf32, #tpu.memory_space<hbm>>
    %dma_wait3A_2170 = tpu.memref_squeeze %dma_wait3A_2169 : memref<1x50x64xf32, #tpu.memory_space<hbm>> -> memref<50x64xf32, #tpu.memory_space<hbm>>
    %dma_wait3A_2171 = arith.constant 0 : i32
    %dma_wait3A_2172 = arith.constant 0 : i32
    %dma_wait3A_2173 = tpu.memref_slice %arg4[%dma_wait3A_2163, %dma_wait3A_2171, %dma_wait3A_2172] : memref<16384x50x64xf32, #tpu.memory_space<hbm>> -> memref<1x50x64xf32, #tpu.memory_space<hbm>>
    %dma_wait3A_2174 = tpu.memref_squeeze %dma_wait3A_2173 : memref<1x50x64xf32, #tpu.memory_space<hbm>> -> memref<50x64xf32, #tpu.memory_space<hbm>>
    %dma_wait3A_2175 = arith.constant 0 : i32
    %dma_wait3A_2176 = arith.constant 0 : i32
    %dma_wait3A_2177 = tpu.memref_slice %arg9[%dma_wait3A_2175, %dma_wait3A_2176] : memref<400x64xf32, #tpu.memory_space<vmem>> -> memref<50x64xf32, #tpu.memory_space<vmem>>
    tpu.wait_dma2 semaphore(%arg17 : memref<!tpu.dma_semaphore, #tpu.memory_space<semaphore_mem>>) src(%dma_wait3A_2177 : memref<50x64xf32, #tpu.memory_space<vmem>>) dst(%dma_wait3A_2174 : memref<50x64xf32, #tpu.memory_space<hbm>>)
    %dma_wait3A_2178 = arith.constant 0 : i32
    %dma_wait3A_2179 = arith.constant 0 : i32
    %dma_wait3A_2180 = arith.constant 0 : i32
    %dma_wait3A_2181 = tpu.memref_slice %arg9[%dma_wait3A_2179, %dma_wait3A_2180] : memref<400x64xf32, #tpu.memory_space<vmem>> -> memref<50x64xf32, #tpu.memory_space<vmem>>
    %dma_wait3A_2182 = arith.constant 0 : i32
    %dma_wait3A_2183 = arith.constant 0 : i32
    %dma_wait3A_2184 = tpu.memref_slice %arg4[%dma_wait3A_2178, %dma_wait3A_2182, %dma_wait3A_2183] : memref<16384x50x64xf32, #tpu.memory_space<hbm>> -> memref<1x50x64xf32, #tpu.memory_space<hbm>>
    %dma_wait3A_2185 = tpu.memref_squeeze %dma_wait3A_2184 : memref<1x50x64xf32, #tpu.memory_space<hbm>> -> memref<50x64xf32, #tpu.memory_space<hbm>>
    %dma_wait3A_2186 = arith.constant 0 : i32
    %dma_wait3A_2187 = arith.constant 0 : i32
    %dma_wait3A_2188 = tpu.memref_slice %arg4[%dma_wait3A_2178, %dma_wait3A_2186, %dma_wait3A_2187] : memref<16384x50x64xf32, #tpu.memory_space<hbm>> -> memref<1x50x64xf32, #tpu.memory_space<hbm>>
    %dma_wait3A_2189 = tpu.memref_squeeze %dma_wait3A_2188 : memref<1x50x64xf32, #tpu.memory_space<hbm>> -> memref<50x64xf32, #tpu.memory_space<hbm>>
    %dma_wait3A_2190 = arith.constant 0 : i32
    %dma_wait3A_2191 = arith.constant 0 : i32
    %dma_wait3A_2192 = tpu.memref_slice %arg9[%dma_wait3A_2190, %dma_wait3A_2191] : memref<400x64xf32, #tpu.memory_space<vmem>> -> memref<50x64xf32, #tpu.memory_space<vmem>>
    tpu.wait_dma2 semaphore(%arg17 : memref<!tpu.dma_semaphore, #tpu.memory_space<semaphore_mem>>) src(%dma_wait3A_2192 : memref<50x64xf32, #tpu.memory_space<vmem>>) dst(%dma_wait3A_2189 : memref<50x64xf32, #tpu.memory_space<hbm>>)
    %dma_wait3A_2193 = arith.constant 0 : i32
    %dma_wait3A_2194 = arith.constant 0 : i32
    %dma_wait3A_2195 = arith.constant 0 : i32
    %dma_wait3A_2196 = tpu.memref_slice %arg9[%dma_wait3A_2194, %dma_wait3A_2195] : memref<400x64xf32, #tpu.memory_space<vmem>> -> memref<50x64xf32, #tpu.memory_space<vmem>>
    %dma_wait3A_2197 = arith.constant 0 : i32
    %dma_wait3A_2198 = arith.constant 0 : i32
    %dma_wait3A_2199 = tpu.memref_slice %arg4[%dma_wait3A_2193, %dma_wait3A_2197, %dma_wait3A_2198] : memref<16384x50x64xf32, #tpu.memory_space<hbm>> -> memref<1x50x64xf32, #tpu.memory_space<hbm>>
    %dma_wait3A_2200 = tpu.memref_squeeze %dma_wait3A_2199 : memref<1x50x64xf32, #tpu.memory_space<hbm>> -> memref<50x64xf32, #tpu.memory_space<hbm>>
    %dma_wait3A_2201 = arith.constant 0 : i32
    %dma_wait3A_2202 = arith.constant 0 : i32
    %dma_wait3A_2203 = tpu.memref_slice %arg4[%dma_wait3A_2193, %dma_wait3A_2201, %dma_wait3A_2202] : memref<16384x50x64xf32, #tpu.memory_space<hbm>> -> memref<1x50x64xf32, #tpu.memory_space<hbm>>
    %dma_wait3A_2204 = tpu.memref_squeeze %dma_wait3A_2203 : memref<1x50x64xf32, #tpu.memory_space<hbm>> -> memref<50x64xf32, #tpu.memory_space<hbm>>
    %dma_wait3A_2205 = arith.constant 0 : i32
    %dma_wait3A_2206 = arith.constant 0 : i32
    %dma_wait3A_2207 = tpu.memref_slice %arg9[%dma_wait3A_2205, %dma_wait3A_2206] : memref<400x64xf32, #tpu.memory_space<vmem>> -> memref<50x64xf32, #tpu.memory_space<vmem>>
    tpu.wait_dma2 semaphore(%arg17 : memref<!tpu.dma_semaphore, #tpu.memory_space<semaphore_mem>>) src(%dma_wait3A_2207 : memref<50x64xf32, #tpu.memory_space<vmem>>) dst(%dma_wait3A_2204 : memref<50x64xf32, #tpu.memory_space<hbm>>)
    return
  }
}

</mosaic_0001>

<sc_bundles>
// kernel: kernel.3.cloned.1.call-start
scs
__scs_entry_jumppad:
0x0: {  	(pc) =	sbr.rel $0x88, $3  }
0x1: {  	(tag) =	ssettag $0x0;
	lr =	simm.s32 $0x1  }
0x2: {  	[smem:$0x3F9F] =	sst lr;
	_ =	strace $0xD0000000  }
0x3: {  	_ = 	snop  }
0x4: {  	_ = 	snop  }
0x5: {  	_ = 	snop  }
0x6: {  	_ = 	snop  }
0x7: {  	_ = 	snop  }
__scs_overlays_trampoline_lowered:
0x8: {  	[smem:$0x3FAE] =	sst s0  }
0x9: {  	[smem:$0x3FAF] =	sst s1  }
0xa: {  	[smem:$0x3FB0] =	sst s2  }
0xb: {  	[smem:$0x3FB1] =	sst s3  }
0xc: {  	[smem:$0x3FB2] =	sst s4  }
0xd: {  	[smem:$0x3FB3] =	sst s5  }
0xe: {  	[smem:$0x3FB4] =	sst s6  }
0xf: {  	[smem:$0x3FB5] =	sst s7  }
0x10: {  	[smem:$0x3FB6] =	sst s8  }
0x11: {  	[smem:$0x3FB7] =	sst s9;
	s0 =	simm.s32 @!p0 $0x0  }
0x12: {  	s1 =	sld [smem:$0x3F9D];
	s0 =	simm.s32 @p0 $0x1  }
0x13: {  	[smem:$0x3FB8] =	sst s0;
	s0 =	simm.s32 @!p1 $0x0  }
0x14: {  	s2 =	sld [smem:$0x3F9C];
	s0 =	simm.s32 @p1 $0x1  }
0x15: {  	[smem:$0x3FB9] =	sst s0;
	s0 =	simm.s32 @!p2 $0x0  }
0x16: {  	s3 =	sld [smem:$0x3FDB];
	s0 =	simm.s32 @p2 $0x1  }
0x17: {  	s4 =	simm.s32 $0x1BF5;
	[smem:$0x3FBB] =	sst s0  }
0x18: {  	s0 =	sld [smem:$0x3F9E];
	_ =	swait.ge [sflag:s4], $0x0  }
0x19: {  	s7 =	sld [smem:$0x3F9F]  }
0x1a: {  	s8 =	sadd.s32 $0xFFFFE003, lr  }
0x1b: {  	s9 =	sadd.s32 $0xFFFFFEF7, lr;
	s5 =	simm.s32 $0xFFFFFFFF;
	p2 =	slt.u32 s8, $0xFFFFF086  }
0x1c: {  	p1 =	slt.u32 s9, $0xF7A;
	s5 =	simm.s32 @!p2 $0x0  }
0x1d: {  	s5 =	simm.s32 @p1 $0x1;
	p0 =	seq.s32 s7, s2  }
0x1e: {  	s7 =	smul.u32 @!p0 $0xF7A, s2;
	p2 =	seq.s32 @!p0 s5, $0x0  }
0x1f: {  	s9 =	smul.u32 $0xF7A, s1;
	s8 =	simm.s32 @!p0 $0x1BF5;
	p2 =	por !p2, p0  }
0x20: {  	[sflag:s8] =	ssyncset.s32 @!p0 $0xFFFFF086;
	s6 =	sadd.s32 @!p0 s3, s7;
	s7 =	simm.s32 @!p0 $0x108  }
0x21: {  	s3 =	sadd.s32 s3, s9;
	s6 =	sadd.s32 @!p0 $0x88, s6;
	s7 =	simm.s32 @p2 $0x1082  }
0x22: {  	[simem:s7], [sflag:s8] =	dma.local @!p0 [hbm:s6], $0xF7A  }
0x23: {  	s9 =	sor.u32 $0xD0000000, s2;
	s6 =	simm.s32 $0x108;
	_ =	swait.ge @!p0 [sflag:s8], $0x0  }
0x24: {  	s3 =	sadd.s32 $0x88, s3;
	s6 =	simm.s32 @!p1 $0x1082;
	[sflag:s4] =	ssyncset.s32 $0xFFFFF086  }
0x25: {  	[simem:s6], [sflag:s4] =	dma.local [hbm:s3], $0xF7A  }
0x26: {  	[smem:$0x3F9F] =	sst s1;
	(tag) =	ssettag s2;
	_ =	strace s9  }
0x27: {  	s1 =	sld [smem:$0x3FAF]  }
0x28: {  	s2 =	sld [smem:$0x3FB0]  }
0x29: {  	s4 =	sld [smem:$0x3FB2]  }
0x2a: {  	p0 =	seq.s32 s5, $0x0;
	s5 =	sld [smem:$0x3FB3]  }
0x2b: {  	s6 =	sld [smem:$0x3FB4]  }
0x2c: {  	s7 =	sld [smem:$0x3FB5]  }
0x2d: {  	s3 =	simm.s32 $0x108;
	s8 =	sld [smem:$0x3FB6]  }
0x2e: {  	s3 =	simm.s32 @!p0 $0x1082;
	s9 =	sld [smem:$0x3FB7]  }
0x2f: {  	lr =	sadd.s32 s0, s3;
	s0 =	sld [smem:$0x3FAE]  }
0x30: {  	s3 =	sld [smem:$0x3FB1]  }
0x31: {  	[smem:$0x3FBA] =	sst s10  }
0x32: {  	s10 =	sld [smem:$0x3FB8];
	_ =	sdelay $0x3  }
0x33: {  	p0 =	seq.s32 s10, $0x1;
	s10 =	sld [smem:$0x3FBA];
	_ =	sdelay $0x3  }
0x34: {  	[smem:$0x3FBA] =	sst s10  }
0x35: {  	s10 =	sld [smem:$0x3FB9];
	_ =	sdelay $0x3  }
0x36: {  	p1 =	seq.s32 s10, $0x1;
	s10 =	sld [smem:$0x3FBA];
	_ =	sdelay $0x3  }
0x37: {  	[smem:$0x3FBA] =	sst s10  }
0x38: {  	s10 =	sld [smem:$0x3FBB]  }
0x39: {  	_ = 	snop;
	(pc) =	sbr.ind lr, $3  }
0x3a: {  	_ = 	snop  }
0x3b: {  	_ = 	snop  }
0x3c: {  	p2 =	seq.s32 s10, $0x1;
	s10 =	sld [smem:$0x3FBA]  }
0x3d: {  	_ =	shalt  }
0x3e: {  	_ =	shalt  }
0x3f: {  	_ =	shalt  }
0x40: {  	_ =	shalt  }
0x41: {  	_ =	shalt  }
0x42: {  	_ =	shalt  }
0x43: {  	_ =	shalt  }
0x44: {  	_ =	shalt  }
0x45: {  	_ =	shalt  }
0x46: {  	_ =	shalt  }
0x47: {  	_ =	shalt  }
0x48: {  	_ =	shalt  }
0x49: {  	_ =	shalt  }
0x4a: {  	_ =	shalt  }
0x4b: {  	_ =	shalt  }
0x4c: {  	_ =	shalt  }
0x4d: {  	_ =	shalt  }
0x4e: {  	_ =	shalt  }
0x4f: {  	_ =	shalt  }
0x50: {  	_ =	shalt  }
0x51: {  	_ =	shalt  }
0x52: {  	_ =	shalt  }
0x53: {  	_ =	shalt  }
0x54: {  	_ =	shalt  }
0x55: {  	_ =	shalt  }
0x56: {  	_ =	shalt  }
0x57: {  	_ =	shalt  }
0x58: {  	_ =	shalt  }
0x59: {  	_ =	shalt  }
0x5a: {  	_ =	shalt  }
0x5b: {  	_ =	shalt  }
0x5c: {  	_ =	shalt  }
0x5d: {  	_ =	shalt  }
0x5e: {  	_ =	shalt  }
0x5f: {  	_ =	shalt  }
0x60: {  	_ =	shalt  }
0x61: {  	_ =	shalt  }
0x62: {  	_ =	shalt  }
0x63: {  	_ =	shalt  }
0x64: {  	_ =	shalt  }
0x65: {  	_ =	shalt  }
0x66: {  	_ =	shalt  }
0x67: {  	_ =	shalt  }
0x68: {  	_ =	shalt  }
0x69: {  	_ =	shalt  }
0x6a: {  	_ =	shalt  }
0x6b: {  	_ =	shalt  }
0x6c: {  	_ =	shalt  }
0x6d: {  	_ =	shalt  }
0x6e: {  	_ =	shalt  }
0x6f: {  	_ =	shalt  }
0x70: {  	_ =	shalt  }
0x71: {  	_ =	shalt  }
0x72: {  	_ =	shalt  }
0x73: {  	_ =	shalt  }
0x74: {  	_ =	shalt  }
0x75: {  	_ =	shalt  }
0x76: {  	_ =	shalt  }
0x77: {  	_ =	shalt  }
0x78: {  	_ =	shalt  }
0x79: {  	_ =	shalt  }
0x7a: {  	_ =	shalt  }
0x7b: {  	_ =	shalt  }
0x7c: {  	_ =	shalt  }
0x7d: {  	_ =	shalt  }
0x7e: {  	_ =	shalt  }
0x7f: {  	_ =	shalt  }
0x80: {  	_ =	shalt  }
0x81: {  	_ =	shalt  }
0x82: {  	_ =	shalt  }
0x83: {  	_ =	shalt  }
0x84: {  	_ =	shalt  }
0x85: {  	_ =	shalt  }
0x86: {  	_ =	shalt  }
0x87: {  	_ =	shalt  }
.Lfunc_end0:
.L_simem_size_0:
called_computation.1_lowered:
.L_overlay_start_0:
0x88: {  	s2 =	sld [smem:$0x3FD9]  }
0x89: {  	s3 =	sld [smem:$0x3FFE];
	_ =	sdelay $0x1  }
0x8a: {  	s1 =	srdreg.scid  }
0x8b: {  	s0 =	sand.u32 $0x1, s1  }
0x8c: {  	s17 =	sshll.u32 s0, $0xA;
	s2 =	sadd.s32 s3, s2  }
0x8d: {  	s2 =	sadd.s32 s2, s17  }
0x8e: {  	[smem:$0x3FC6] =	sst s2  }
0x8f: {  	_ = 	snop  }
0x90: {  	s2 =	sld [smem:$0x3FD0];
	(tm) =	ssettm $0x1  }
0x91: {  	s18 =	sld [smem:$0x3FFB];
	_ =	sdelay $0x3  }
0x92: {  	_ =	strace s18  }
0x93: {  	s3 =	sld [smem:$0x3FFC];
	_ =	sdelay $0x3  }
0x94: {  	_ =	strace s3  }
0x95: {  	s3 =	sld [smem:$0x3FFD];
	_ =	sdelay $0x3  }
0x96: {  	_ =	strace s3  }
0x97: {  	_ =	strace $0x8FFFFFFF  }
0x98: {  	s19 =	sld [smem:$0x3FDB];
	_ =	sdelay $0x1  }
0x99: {  	s4 =	simm.s32 $_scs_section_size  }
0x9a: {  	s5 =	simm.s32 $_size__tile_overlayer_lowered;
	s6 =	simm.s32 $_tile_overlayer_lowered  }
0x9b: {  	s22 =	simm.s32 $0x1BFF;
	s21 =	sshll.u32 s6, $0x1;
	s3 =	sadd.s32 s4, s19  }
0x9c: {  	s7 =	simm.s32 $0x0;
	s20 =	sshll.u32 s5, $0x1;
	s5 =	sadd.s32 s21, s3  }
0x9d: {  	[timem:s7], [sflag:s22] =	dma.local [hbm:s5], s20  }
0x9e: {  	_ =	swait.ge [sflag:s22], s20  }
0x9f: {  	s4 =	ssub.s32 $0x0, s20;
	[sflag:s22] =	ssyncset.done $0x0  }
0xa0: {  	[sflag:s22] =	ssyncadd.s32 s4;
	_ =	sdelay $0x1  }
0xa1: {  	s23 =	simm.s32 $0x1B8B  }
0xa2: {  	_ =	swait.ge [sflag:s23], $0x1  }
0xa3: {  	[sflag:s23] =	ssyncset.done $0x0  }
0xa4: {  	s25 =	simm.s32 $0x1B8E;
	s24 =	sld [smem:$0x3FFE];
	[sflag:s23] =	ssyncadd.s32 $0xFFFFFFFF  }
0xa5: {  	s26 =	simm.s32 $execute0_lowered;
	[smem:$0x3FD2] =	sst s25  }
0xa6: {  	s5 =	sshll.u32 s26, $0x1;
	_ =	strace $0x80000046;
	[dreg:$0x1] =	wrdreg $0xFFFFFFFF  }
0xa7: {  	s28 =	simm.s32 $_size_execute0_lowered;
	s3 =	sadd.s32 s3, s5;
	[dreg:$0x0] =	wrdreg $0x0  }
0xa8: {  	s5 =	sshll.u32 s28, $0x1;
	[dreg:$0x2] =	wrdreg s3  }
0xa9: {  	[dreg:$0x3] =	wrdreg s5  }
0xaa: {  	[dreg:$0x4] =	wrdreg $0xC0  }
0xab: {  	_ =	task [dreg:s7], $0x5FFFF  }
0xac: {  	[dreg:$0x1] =	wrdreg $0xFFFFFFFF  }
0xad: {  	[dreg:$0x0] =	wrdreg $0x60  }
0xae: {  	[dreg:$0x2] =	wrdreg s24  }
0xaf: {  	[dreg:$0x3] =	wrdreg s2  }
0xb0: {  	[dreg:$0x4] =	wrdreg $0x9  }
0xb1: {  	_ =	task.clear_ibuf [dreg:s7], $0x5FFFF;
	_ =	strace $0x90000046  }
0xb2: {  	s29 =	simm.s32 $0x9;
	_ =	strace $0x80000048  }
0xb3: {  	_ =	swait.ge [sflag:s29], $0x1  }
0xb4: {  	[sflag:s29] =	ssyncadd.s32 $0xFFFFFFFF  }
0xb5: {  	_ =	strace $0x90000048  }
0xb6: {  	_ =	sfence  }
0xb7: {  	s30 =	sld [smem:$0x0];
	_ =	sdelay $0x2  }
0xb8: {  	s31 =	sshll.u32 s1, $0xD;
	s1 =	sshrl.u32 s1, $0x2  }
0xb9: {  	s3 =	sand.u32 $0x4000, s31;
	s1 =	sadd.s32 s1, s30  }
0xba: {  	s0 =	sor.u32 s3, s0;
	s1 =	sshll.u32 s1, $0x11  }
0xbb: {  	s0 =	sor.u32 s1, s0  }
0xbc: {  	s0 =	sadd.s32 $0x8F2B, s0  }
0xbd: {  	[sflag:s0] =	ssyncadd.remote.s32 $0x1  }
0xbe: {  	_ =	sfence.sel $0xFFFF  }
0xbf: {  	[dreg:$0x0] =	wrdreg $0xFFFFFFFF;
	(pc) =	sbr.abs _section_cstart, $3  }
0xc0: {  	[dreg:$0x1] =	wrdreg $0xFFFFFFFF  }
0xc1: {  	_ =	task.clear_ibuf [dreg:s7], $0x2FFFF;
	_ =	strace $0x9FFFFFFF  }
0xc2: {  	(tm) =	ssettm $0x7FFFFFFF  }
0xc3: {  	_ =	shalt  }
tec
execute0_lowered:
.L_overlay_start_1:
0x0: {  	(tag) =	ssettag $0x1  }
0x1: {  	s1 =	srdreg.scid;
	s11 =	stileid.u32  }
0x2: {  	s5 =	sand.u32 $0x1, s1;
	s3 =	sshll.u32 s11, $0x1  }
0x3: {  	s0 =	rddreg [dreg:$0x0];
	s1 =	sor.u32 s5, s3  }
0x4: {  	s4 =	rddreg [dreg:$0x1];
	s2 =	simm.s32 $0x0;
	s6 =	smul.u32 $0x190000, s1  }
0x5: {  	[smem:$0x7FF] =	sst s2;
	s7 =	smul.u32 $0xC80, s1  }
0x6: {  	_ =	strace $0x80000047;
	s8 =	ssub.s32 $0x2, s5;
	s10 =	smul.u32 $0x32000, s1  }
0x7: {  	s3 =	sadd.s32 $0xF42E00, s0;
	s9 =	sshrl.u32 s8, $0x1;
	s6 =	sshrl.u32 s6, $0x3  }
0x8: {  	s7 =	sadd.s32 s7, s0;
	s0 =	ssub.s32 s8, s9;
	s10 =	sadd.s32 s4, s10  }
0x9: {  	s1 =	sadd.s32 s4, s6;
	s6 =	sadd.s32 $0xA00, s7;
	[smem:$0x7FC] =	sst s10  }
0xa: {  	s0 =	smax.u32 s0, $0x1;
	[dreg:$0x1f] =	wrdreg s6  }
0xb: {  	s9 =	sadd.s32 $0x20D0, s1;
	[smem:$0x7E8] =	sst s0  }
0xc: {  	s12 =	sadd.s32 $0x2260, s1;
	[smem:$0x7BD] =	sst s9  }
0xd: {  	s13 =	sadd.s32 $0x23F0, s1;
	[smem:$0x7BE] =	sst s12  }
0xe: {  	s14 =	sadd.s32 $0x2580, s1;
	[smem:$0x7BF] =	sst s13  }
0xf: {  	s17 =	smul.u32 $0x320000, s11;
	s15 =	sadd.s32 $0x2710, s1;
	[smem:$0x7C0] =	sst s14  }
0x10: {  	s23 =	smul.u32 $0x64000, s11;
	s16 =	sadd.s32 $0x28A0, s1;
	[smem:$0x7C1] =	sst s15  }
0x11: {  	s20 =	smul.u32 $0x190000, s5;
	s18 =	sadd.s32 $0x2A30, s1;
	[smem:$0x7C2] =	sst s16  }
0x12: {  	s25 =	smul.u32 $0x32000, s5;
	s19 =	sadd.s32 $0x2BC0, s1;
	[smem:$0x7C3] =	sst s18  }
0x13: {  	s29 =	sadd.s32 s23, s4;
	s21 =	sadd.s32 $0x2D50, s1;
	[smem:$0x7C4] =	sst s19  }
0x14: {  	s5 =	sadd.s32 s20, s17;
	s22 =	sadd.s32 $0x2EE0, s1;
	[smem:$0x7C5] =	sst s21  }
0x15: {  	s8 =	sadd.s32 $0x23F00, s5;
	s24 =	sadd.s32 $0x3070, s1;
	[smem:$0x7C6] =	sst s22  }
0x16: {  	s11 =	sadd.s32 $0x23280, s5;
	s26 =	sadd.s32 $0x2EE00, s1;
	[smem:$0x7C7] =	sst s24  }
0x17: {  	s23 =	sadd.s32 $0x1E780, s5;
	s30 =	sadd.s32 $0x2EF90, s1;
	[smem:$0x7C8] =	sst s26  }
0x18: {  	s7 =	sadd.s32 $0x24B80, s5;
	s6 =	sadd.s32 s25, s29;
	[smem:$0x7C9] =	sst s30  }
0x19: {  	s7 =	sshrl.u32 s7, $0x3;
	s25 =	sadd.s32 $0x1DB00, s5;
	[dreg:$0x3] =	wrdreg s6  }
0x1a: {  	s7 =	sadd.s32 s7, s4;
	s9 =	sshrl.u32 s8, $0x3;
	s12 =	sadd.s32 $0x22600, s5  }
0x1b: {  	s16 =	sadd.s32 $0x21980, s5;
	s18 =	sadd.s32 $0x20D00, s5;
	s19 =	sadd.s32 $0x20080, s5  }
0x1c: {  	s24 =	sshrl.u32 s23, $0x3;
	s26 =	sadd.s32 $0x1CE80, s5;
	s8 =	sadd.s32 $0x1C200, s5  }
0x1d: {  	s23 =	sadd.s32 $0x2EE00, s5;
	[dreg:$0x4] =	wrdreg s7;
	s6 =	sadd.s32 s9, s4  }
0x1e: {  	s7 =	sshrl.u32 s11, $0x3;
	s14 =	sshrl.u32 s12, $0x3;
	s17 =	sshrl.u32 s16, $0x3  }
0x1f: {  	s21 =	sshrl.u32 s19, $0x3;
	s30 =	sshrl.u32 s26, $0x3;
	s9 =	sshrl.u32 s8, $0x3  }
0x20: {  	s11 =	sadd.s32 $0x1B580, s5;
	[dreg:$0x5] =	wrdreg s6;
	s13 =	sadd.s32 s7, s4  }
0x21: {  	s12 =	sadd.s32 $0x1A900, s5;
	s15 =	sadd.s32 s14, s4;
	[dreg:$0x6] =	wrdreg s13  }
0x22: {  	s16 =	sadd.s32 $0x31380, s5;
	s6 =	sadd.s32 s17, s4;
	[dreg:$0x7] =	wrdreg s15  }
0x23: {  	s7 =	sshrl.u32 s18, $0x3;
	s22 =	sadd.s32 s21, s4;
	[dreg:$0x8] =	wrdreg s6  }
0x24: {  	s19 =	sadd.s32 $0x2FA80, s5;
	s20 =	sadd.s32 s7, s4;
	[dreg:$0xa] =	wrdreg s22  }
0x25: {  	s14 =	sshrl.u32 s12, $0x3;
	s6 =	sadd.s32 s24, s4;
	[dreg:$0x9] =	wrdreg s20  }
0x26: {  	s21 =	sshrl.u32 s19, $0x3;
	s15 =	sadd.s32 s14, s4;
	[dreg:$0xb] =	wrdreg s6  }
0x27: {  	s7 =	sshrl.u32 s25, $0x3;
	s22 =	sadd.s32 s21, s4;
	[dreg:$0x10] =	wrdreg s15  }
0x28: {  	s26 =	sadd.s32 $0x2D500, s5;
	s29 =	sadd.s32 s7, s4;
	[dreg:$0x13] =	wrdreg s22  }
0x29: {  	s17 =	sshrl.u32 s16, $0x3;
	s7 =	sadd.s32 s30, s4;
	[dreg:$0xc] =	wrdreg s29  }
0x2a: {  	s24 =	sshrl.u32 s23, $0x3;
	s6 =	sadd.s32 s9, s4;
	[dreg:$0xd] =	wrdreg s7  }
0x2b: {  	s30 =	sshrl.u32 s26, $0x3;
	s26 =	sadd.s32 $0x2F2B0, s1;
	[dreg:$0xe] =	wrdreg s6  }
0x2c: {  	s9 =	sadd.s32 $0x2C880, s5;
	s6 =	sadd.s32 s17, s4;
	[smem:$0x7CB] =	sst s26  }
0x2d: {  	s22 =	sadd.s32 $0x27D80, s5;
	s8 =	sadd.s32 s30, s4;
	[dreg:$0x11] =	wrdreg s6  }
0x2e: {  	s7 =	sshrl.u32 s11, $0x3;
	s30 =	sadd.s32 $0x2F5D0, s1;
	[dreg:$0x16] =	wrdreg s8  }
0x2f: {  	s11 =	sshrl.u32 s9, $0x3;
	s9 =	sadd.s32 $0x2FC10, s1;
	[smem:$0x7CD] =	sst s30  }
0x30: {  	s23 =	sshrl.u32 s22, $0x3;
	s22 =	sadd.s32 $0x30ED0, s1;
	[smem:$0x7D1] =	sst s9  }
0x31: {  	s26 =	sadd.s32 $0x31510, s1;
	[smem:$0x7DD] =	sst s22  }
0x32: {  	s18 =	sadd.s32 $0x30700, s5;
	s13 =	sadd.s32 s7, s4;
	[smem:$0x7E1] =	sst s26  }
0x33: {  	s17 =	sadd.s32 $0x29680, s5;
	s6 =	sadd.s32 s24, s4;
	[dreg:$0xf] =	wrdreg s13  }
0x34: {  	s7 =	sshrl.u32 s18, $0x3;
	s8 =	sadd.s32 $0x2FA80, s1;
	[dreg:$0x14] =	wrdreg s6  }
0x35: {  	s18 =	sshrl.u32 s17, $0x3;
	s17 =	sadd.s32 $0x30700, s1;
	[smem:$0x7D0] =	sst s8  }
0x36: {  	s30 =	sadd.s32 $0x31830, s1;
	[smem:$0x7D8] =	sst s17  }
0x37: {  	s9 =	sadd.s32 $0x320, s10;
	[smem:$0x7E3] =	sst s30  }
0x38: {  	s22 =	sadd.s32 $0x15E0, s10;
	[smem:$0x7EA] =	sst s9  }
0x39: {  	s26 =	sadd.s32 $0x1C20, s10;
	[smem:$0x7F6] =	sst s22  }
0x3a: {  	s20 =	sadd.s32 s7, s4;
	[smem:$0x7FA] =	sst s26  }
0x3b: {  	s6 =	sadd.s32 s11, s4;
	[dreg:$0x12] =	wrdreg s20  }
0x3c: {  	s11 =	sadd.s32 $0x2FDA0, s1;
	[dreg:$0x17] =	wrdreg s6  }
0x3d: {  	s8 =	sadd.s32 $0x190, s10;
	[smem:$0x7D2] =	sst s11  }
0x3e: {  	s25 =	sadd.s32 $0x2E180, s5;
	s17 =	sadd.s32 $0xE10, s10;
	[smem:$0x7E9] =	sst s8  }
0x3f: {  	s7 =	sshrl.u32 s25, $0x3;
	s30 =	sadd.s32 $0x1F40, s10;
	[smem:$0x7F1] =	sst s17  }
0x40: {  	s29 =	sadd.s32 s7, s4;
	[smem:$0x7FD] =	sst s30  }
0x41: {  	s12 =	sadd.s32 $0x2AF80, s5;
	s20 =	sadd.s32 $0x2F120, s1;
	[dreg:$0x15] =	wrdreg s29  }
0x42: {  	s13 =	sadd.s32 $0x2A300, s5;
	s6 =	sadd.s32 s18, s4;
	[smem:$0x7CA] =	sst s20  }
0x43: {  	s7 =	sshrl.u32 s12, $0x3;
	s12 =	sadd.s32 $0x2FF30, s1;
	[dreg:$0x1a] =	wrdreg s6  }
0x44: {  	s15 =	sshrl.u32 s13, $0x3;
	s13 =	sadd.s32 $0x300C0, s1;
	[smem:$0x7D3] =	sst s12  }
0x45: {  	s18 =	sadd.s32 $0x30890, s1;
	[smem:$0x7D4] =	sst s13  }
0x46: {  	s11 =	sadd.s32 $0x4B0, s10;
	[smem:$0x7D9] =	sst s18  }
0x47: {  	s14 =	sadd.s32 s7, s4;
	[smem:$0x7EB] =	sst s11  }
0x48: {  	s16 =	sadd.s32 s15, s4;
	[dreg:$0x18] =	wrdreg s14  }
0x49: {  	s6 =	sadd.s32 s23, s4;
	[dreg:$0x19] =	wrdreg s16  }
0x4a: {  	s29 =	sadd.s32 $0x2F440, s1;
	[dreg:$0x1c] =	wrdreg s6  }
0x4b: {  	s19 =	sadd.s32 $0x28A00, s5;
	s15 =	sadd.s32 $0x303E0, s1;
	[smem:$0x7CC] =	sst s29  }
0x4c: {  	s7 =	sshrl.u32 s19, $0x3;
	s19 =	sadd.s32 $0x30A20, s1;
	[smem:$0x7D6] =	sst s15  }
0x4d: {  	s20 =	sadd.s32 $0x30BB0, s1;
	[smem:$0x7DA] =	sst s19  }
0x4e: {  	s23 =	sadd.s32 $0x31060, s1;
	[smem:$0x7DB] =	sst s20  }
0x4f: {  	s12 =	sadd.s32 $0x640, s10;
	[smem:$0x7DE] =	sst s23  }
0x50: {  	s13 =	sadd.s32 $0x7D0, s10;
	[smem:$0x7EC] =	sst s12  }
0x51: {  	s18 =	sadd.s32 $0xFA0, s10;
	[smem:$0x7ED] =	sst s13  }
0x52: {  	s21 =	sadd.s32 s7, s4;
	[smem:$0x7F2] =	sst s18  }
0x53: {  	s6 =	sadd.s32 $0x2F760, s1;
	[dreg:$0x1b] =	wrdreg s21  }
0x54: {  	s14 =	sadd.s32 $0x30250, s1;
	[smem:$0x7CE] =	sst s6  }
0x55: {  	s24 =	sadd.s32 $0x27100, s5;
	s16 =	sadd.s32 $0x30570, s1;
	[smem:$0x7D5] =	sst s14  }
0x56: {  	s7 =	sshrl.u32 s24, $0x3;
	s24 =	sadd.s32 $0x311F0, s1;
	[smem:$0x7D7] =	sst s16  }
0x57: {  	s29 =	sadd.s32 $0x316A0, s1;
	[smem:$0x7DF] =	sst s24  }
0x58: {  	s15 =	sadd.s32 $0xAF0, s10;
	[smem:$0x7E2] =	sst s29  }
0x59: {  	s19 =	sadd.s32 $0x1130, s10;
	[smem:$0x7EF] =	sst s15  }
0x5a: {  	s20 =	sadd.s32 $0x12C0, s10;
	[smem:$0x7F3] =	sst s19  }
0x5b: {  	s5 =	sadd.s32 $0x26480, s5;
	s23 =	sadd.s32 $0x1770, s10;
	[smem:$0x7F4] =	sst s20  }
0x5c: {  	s5 =	sshrl.u32 s5, $0x3;
	s25 =	sadd.s32 s7, s4;
	[smem:$0x7F7] =	sst s23  }
0x5d: {  	s4 =	sadd.s32 s5, s4;
	[dreg:$0x1d] =	wrdreg s25  }
0x5e: {  	s7 =	sadd.s32 $0x2F8F0, s1;
	[dreg:$0x1e] =	wrdreg s4  }
0x5f: {  	s28 =	simm.s32 $0x2;
	s21 =	sadd.s32 $0x30D40, s1;
	[smem:$0x7CF] =	sst s7  }
0x60: {  	s31 =	simm.s32 $0x6;
	s5 =	sadd.s32 $0x319C0, s1;
	[smem:$0x7DC] =	sst s21  }
0x61: {  	s0 =	simm.s32 $0x7;
	s6 =	sadd.s32 $0x31B50, s1;
	[smem:$0x7E4] =	sst s5  }
0x62: {  	s26 =	simm.s32 $0x12C00;
	s14 =	sadd.s32 $0x960, s10;
	[smem:$0x7E5] =	sst s6  }
0x63: {  	s17 =	simm.s32 $0xC800;
	s16 =	sadd.s32 $0xC80, s10;
	[smem:$0x7EE] =	sst s14  }
0x64: {  	s8 =	simm.s32 $0x3;
	s24 =	sadd.s32 $0x1900, s10;
	[smem:$0x7F0] =	sst s16  }
0x65: {  	s18 =	simm.s32 $0x1;
	s29 =	sadd.s32 $0x1DB0, s10;
	[smem:$0x7F8] =	sst s24  }
0x66: {  	s15 =	simm.s32 $0x190;
	s25 =	sadd.s32 $0x31380, s1;
	[smem:$0x7FB] =	sst s29  }
0x67: {  	s19 =	simm.s32 $0x5;
	s7 =	sadd.s32 $0x31CE0, s1;
	[smem:$0x7E0] =	sst s25  }
0x68: {  	s20 =	simm.s32 $0x4;
	s1 =	sadd.s32 $0x31E70, s1;
	[smem:$0x7E6] =	sst s7  }
0x69: {  	s21 =	sadd.s32 $0x1450, s10;
	s16 =	simm.s32 $0x6400;
	[smem:$0x7E7] =	sst s1  }
0x6a: {  	s5 =	simm.s32 $0x0;
	[smem:$0x7F5] =	sst s21;
	s25 =	sadd.s32 $0x1A90, s10  }
0x6b: {  	s7 =	simm.s32 $0x19000;
	s1 =	simm.s32 $0x8;
	[smem:$0x7F9] =	sst s25  }
.LBB2_1:
0x6c: {  	[smem:$0x7BC] =	sst s5  }
0x6d: {  	s4 =	rddreg [dreg:$0x1f];
	s10 =	simm.s32 $0x9  }
0x6e: {  	[tilespmem:s2], [sflag:$0x9] =	stream.linear.gather [hbm4b:s4+s2], $0x6400, $0x38;
	[tilespmem:$0x1F400] =	vst v63  }
0x6f: {  	_ =	swait.ge [sflag:s10], $0x6400  }
0x70: {  	[sflag:s10] =	ssyncset.done $0x0  }
0x71: {  	[sflag:s10] =	ssyncadd.s32 $0xFFFF9C00  }
0x72: {  	[tilespmem:s16], [sflag:$0x1] =	stream.indirect.gather [hbm4b:s3+s15], $0x40, s2, s15, $0xb8;
	[tilespmem:$0x1F400] =	vst v63  }
0x73: {  	_ = 	snop  }
0x74: {  	[tilespmem:s17], [sflag:$0x2] =	stream.indirect.gather [hbm4b:s3+s15], $0x40, s15, s15, $0xb8;
	[tilespmem:$0x1F400] =	vst v63  }
0x75: {  	_ =	swait.ge [sflag:s18], $0x6400  }
0x76: {  	s11 =	sld [smem:$0x7FC]  }
0x77: {  	[sflag:s18] =	ssyncset.done $0x0  }
0x78: {  	s12 =	sld [smem:$0x7E9];
	[sflag:s18] =	ssyncadd.s32 $0xFFFF9C00  }
0x79: {  	[hbm4b:s11+s2] =	stream.linear.scatter [tilespmem:s16], [sflag:$0x5], $0xC80, $0x38;
	[tilespmem:$0x1F400] =	vst v63  }
0x7a: {  	s5 =	simm.s32 $0x7080;
	s13 =	sld [smem:$0x7EA]  }
0x7b: {  	[hbm4b:s12+s2] =	stream.linear.scatter [tilespmem:s5], [sflag:$0x5], $0xC80, $0x38;
	[tilespmem:$0x1F400] =	vst v63  }
0x7c: {  	s10 =	simm.s32 $0x7D00;
	s14 =	sld [smem:$0x7EB]  }
0x7d: {  	[hbm4b:s13+s2] =	stream.linear.scatter [tilespmem:s10], [sflag:$0x5], $0xC80, $0x38;
	[tilespmem:$0x1F400] =	vst v63  }
0x7e: {  	s21 =	sld [smem:$0x7EC];
	s11 =	simm.s32 $0x8980  }
0x7f: {  	[hbm4b:s14+s2] =	stream.linear.scatter [tilespmem:s11], [sflag:$0x5], $0xC80, $0x38;
	[tilespmem:$0x1F400] =	vst v63  }
0x80: {  	s22 =	sld [smem:$0x7ED];
	s12 =	simm.s32 $0x9600  }
0x81: {  	[hbm4b:s21+s2] =	stream.linear.scatter [tilespmem:s12], [sflag:$0x5], $0xC80, $0x38;
	[tilespmem:$0x1F400] =	vst v63  }
0x82: {  	s23 =	sld [smem:$0x7EE];
	s13 =	simm.s32 $0xA280  }
0x83: {  	[hbm4b:s22+s2] =	stream.linear.scatter [tilespmem:s13], [sflag:$0x5], $0xC80, $0x38;
	[tilespmem:$0x1F400] =	vst v63  }
0x84: {  	s6 =	simm.s32 $0xAF00;
	s24 =	sld [smem:$0x7EF]  }
0x85: {  	[hbm4b:s23+s2] =	stream.linear.scatter [tilespmem:s6], [sflag:$0x5], $0xC80, $0x38;
	[tilespmem:$0x1F400] =	vst v63  }
0x86: {  	s25 =	simm.s32 $0xBB80  }
0x87: {  	[hbm4b:s24+s2] =	stream.linear.scatter [tilespmem:s25], [sflag:$0x5], $0xC80, $0x38;
	[tilespmem:$0x1F400] =	vst v63  }
0x88: {  	s6 =	simm.s32 $0x320  }
0x89: {  	[tilespmem:s26], [sflag:$0x3] =	stream.indirect.gather [hbm4b:s3+s15], $0x40, s6, s15, $0xb8;
	[tilespmem:$0x1F400] =	vst v63  }
0x8a: {  	_ =	swait.ge [sflag:s28], $0x6400  }
0x8b: {  	s9 =	sld [smem:$0x7F0]  }
0x8c: {  	[sflag:s28] =	ssyncset.done $0x0  }
0x8d: {  	s21 =	sld [smem:$0x7F1];
	[sflag:s28] =	ssyncadd.s32 $0xFFFF9C00  }
0x8e: {  	[hbm4b:s9+s2] =	stream.linear.scatter [tilespmem:s17], [sflag:$0x6], $0xC80, $0x38;
	[tilespmem:$0x1F400] =	vst v63  }
0x8f: {  	s23 =	simm.s32 $0xD480;
	s24 =	sld [smem:$0x7F2]  }
0x90: {  	[hbm4b:s21+s2] =	stream.linear.scatter [tilespmem:s23], [sflag:$0x6], $0xC80, $0x38;
	[tilespmem:$0x1F400] =	vst v63  }
0x91: {  	s25 =	simm.s32 $0xE100;
	s6 =	sld [smem:$0x7F3]  }
0x92: {  	[hbm4b:s24+s2] =	stream.linear.scatter [tilespmem:s25], [sflag:$0x6], $0xC80, $0x38;
	[tilespmem:$0x1F400] =	vst v63  }
0x93: {  	s9 =	sld [smem:$0x7F4];
	s21 =	simm.s32 $0xED80  }
0x94: {  	[hbm4b:s6+s2] =	stream.linear.scatter [tilespmem:s21], [sflag:$0x6], $0xC80, $0x38;
	[tilespmem:$0x1F400] =	vst v63  }
0x95: {  	s23 =	simm.s32 $0xFA00;
	s24 =	sld [smem:$0x7F5]  }
0x96: {  	[hbm4b:s9+s2] =	stream.linear.scatter [tilespmem:s23], [sflag:$0x6], $0xC80, $0x38;
	[tilespmem:$0x1F400] =	vst v63  }
0x97: {  	s25 =	simm.s32 $0x10680;
	s6 =	sld [smem:$0x7F6]  }
0x98: {  	[hbm4b:s24+s2] =	stream.linear.scatter [tilespmem:s25], [sflag:$0x6], $0xC80, $0x38;
	[tilespmem:$0x1F400] =	vst v63  }
0x99: {  	s9 =	simm.s32 $0x11300;
	s23 =	sld [smem:$0x7F7]  }
0x9a: {  	[hbm4b:s6+s2] =	stream.linear.scatter [tilespmem:s9], [sflag:$0x6], $0xC80, $0x38;
	[tilespmem:$0x1F400] =	vst v63  }
0x9b: {  	s24 =	simm.s32 $0x11F80  }
0x9c: {  	[hbm4b:s23+s2] =	stream.linear.scatter [tilespmem:s24], [sflag:$0x6], $0xC80, $0x38;
	[tilespmem:$0x1F400] =	vst v63  }
0x9d: {  	s25 =	simm.s32 $0x4B0  }
0x9e: {  	[tilespmem:s7], [sflag:$0x4] =	stream.indirect.gather [hbm4b:s3+s15], $0x40, s25, s15, $0xb8;
	[tilespmem:$0x1F400] =	vst v63  }
0x9f: {  	_ =	swait.ge [sflag:s8], $0x6400  }
0xa0: {  	s6 =	sld [smem:$0x7F8]  }
0xa1: {  	[sflag:s8] =	ssyncset.done $0x0  }
0xa2: {  	s9 =	sld [smem:$0x7F9];
	[sflag:s8] =	ssyncadd.s32 $0xFFFF9C00  }
0xa3: {  	[hbm4b:s6+s2] =	stream.linear.scatter [tilespmem:s26], [sflag:$0x7], $0xC80, $0x38;
	[tilespmem:$0x1F400] =	vst v63  }
0xa4: {  	s23 =	simm.s32 $0x13880;
	s24 =	sld [smem:$0x7FA]  }
0xa5: {  	[hbm4b:s9+s2] =	stream.linear.scatter [tilespmem:s23], [sflag:$0x7], $0xC80, $0x38;
	[tilespmem:$0x1F400] =	vst v63  }
0xa6: {  	s25 =	simm.s32 $0x14500;
	s9 =	sld [smem:$0x7FB]  }
0xa7: {  	[hbm4b:s24+s2] =	stream.linear.scatter [tilespmem:s25], [sflag:$0x7], $0xC80, $0x38;
	[tilespmem:$0x1F400] =	vst v63  }
0xa8: {  	s23 =	simm.s32 $0x15180;
	s24 =	sld [smem:$0x7FD]  }
0xa9: {  	[hbm4b:s9+s2] =	stream.linear.scatter [tilespmem:s23], [sflag:$0x7], $0xC80, $0x38;
	[tilespmem:$0x1F400] =	vst v63  }
0xaa: {  	s25 =	simm.s32 $0x15E00;
	s9 =	sld [smem:$0x7BD]  }
0xab: {  	[hbm4b:s24+s2] =	stream.linear.scatter [tilespmem:s25], [sflag:$0x7], $0xC80, $0x38;
	[tilespmem:$0x1F400] =	vst v63  }
0xac: {  	s23 =	simm.s32 $0x16A80;
	s24 =	sld [smem:$0x7BE]  }
0xad: {  	[hbm4b:s9+s2] =	stream.linear.scatter [tilespmem:s23], [sflag:$0x7], $0xC80, $0x38;
	[tilespmem:$0x1F400] =	vst v63  }
0xae: {  	s6 =	sld [smem:$0x7BF];
	s25 =	simm.s32 $0x17700  }
0xaf: {  	[hbm4b:s24+s2] =	stream.linear.scatter [tilespmem:s25], [sflag:$0x7], $0xC80, $0x38;
	[tilespmem:$0x1F400] =	vst v63  }
0xb0: {  	s30 =	simm.s32 $0x18380  }
0xb1: {  	[hbm4b:s6+s2] =	stream.linear.scatter [tilespmem:s30], [sflag:$0x7], $0xC80, $0x38;
	[tilespmem:$0x1F400] =	vst v63  }
0xb2: {  	_ =	swait.ge [sflag:s19], $0xC80  }
0xb3: {  	[sflag:s19] =	ssyncset.done $0x0  }
0xb4: {  	[sflag:s19] =	ssyncadd.s32 $0xFFFFF380  }
0xb5: {  	_ =	swait.ge [sflag:s19], $0xC80  }
0xb6: {  	[sflag:s19] =	ssyncset.done $0x0  }
0xb7: {  	[sflag:s19] =	ssyncadd.s32 $0xFFFFF380  }
0xb8: {  	_ =	swait.ge [sflag:s19], $0xC80  }
0xb9: {  	[sflag:s19] =	ssyncset.done $0x0  }
0xba: {  	[sflag:s19] =	ssyncadd.s32 $0xFFFFF380  }
0xbb: {  	_ =	swait.ge [sflag:s19], $0xC80  }
0xbc: {  	[sflag:s19] =	ssyncset.done $0x0  }
0xbd: {  	[sflag:s19] =	ssyncadd.s32 $0xFFFFF380  }
0xbe: {  	_ =	swait.ge [sflag:s19], $0xC80  }
0xbf: {  	[sflag:s19] =	ssyncset.done $0x0  }
0xc0: {  	[sflag:s19] =	ssyncadd.s32 $0xFFFFF380  }
0xc1: {  	_ =	swait.ge [sflag:s19], $0xC80  }
0xc2: {  	[sflag:s19] =	ssyncset.done $0x0  }
0xc3: {  	[sflag:s19] =	ssyncadd.s32 $0xFFFFF380  }
0xc4: {  	_ =	swait.ge [sflag:s19], $0xC80  }
0xc5: {  	[sflag:s19] =	ssyncset.done $0x0  }
0xc6: {  	[sflag:s19] =	ssyncadd.s32 $0xFFFFF380  }
0xc7: {  	_ =	swait.ge [sflag:s19], $0xC80  }
0xc8: {  	[sflag:s19] =	ssyncset.done $0x0  }
0xc9: {  	s9 =	simm.s32 $0x640;
	[sflag:s19] =	ssyncadd.s32 $0xFFFFF380  }
0xca: {  	[tilespmem:s16], [sflag:$0x1] =	stream.indirect.gather [hbm4b:s3+s15], $0x40, s9, s15, $0xb8;
	[tilespmem:$0x1F400] =	vst v63  }
0xcb: {  	_ =	swait.ge [sflag:s20], $0x6400  }
0xcc: {  	s23 =	sld [smem:$0x7C0]  }
0xcd: {  	[sflag:s20] =	ssyncset.done $0x0  }
0xce: {  	s24 =	sld [smem:$0x7C1];
	[sflag:s20] =	ssyncadd.s32 $0xFFFF9C00  }
0xcf: {  	[hbm4b:s23+s2] =	stream.linear.scatter [tilespmem:s7], [sflag:$0x8], $0xC80, $0x38;
	[tilespmem:$0x1F400] =	vst v63  }
0xd0: {  	s25 =	simm.s32 $0x19C80;
	s9 =	sld [smem:$0x7C2]  }
0xd1: {  	[hbm4b:s24+s2] =	stream.linear.scatter [tilespmem:s25], [sflag:$0x8], $0xC80, $0x38;
	[tilespmem:$0x1F400] =	vst v63  }
0xd2: {  	s23 =	simm.s32 $0x1A900;
	s24 =	sld [smem:$0x7C3]  }
0xd3: {  	[hbm4b:s9+s2] =	stream.linear.scatter [tilespmem:s23], [sflag:$0x8], $0xC80, $0x38;
	[tilespmem:$0x1F400] =	vst v63  }
0xd4: {  	s25 =	sld [smem:$0x7C4];
	s23 =	simm.s32 $0x1B580  }
0xd5: {  	[hbm4b:s24+s2] =	stream.linear.scatter [tilespmem:s23], [sflag:$0x8], $0xC80, $0x38;
	[tilespmem:$0x1F400] =	vst v63  }
0xd6: {  	s6 =	sld [smem:$0x7C5];
	s24 =	simm.s32 $0x1C200  }
0xd7: {  	[hbm4b:s25+s2] =	stream.linear.scatter [tilespmem:s24], [sflag:$0x8], $0xC80, $0x38;
	[tilespmem:$0x1F400] =	vst v63  }
0xd8: {  	s9 =	sld [smem:$0x7C6];
	s25 =	simm.s32 $0x1CE80  }
0xd9: {  	[hbm4b:s6+s2] =	stream.linear.scatter [tilespmem:s25], [sflag:$0x8], $0xC80, $0x38;
	[tilespmem:$0x1F400] =	vst v63  }
0xda: {  	s29 =	simm.s32 $0x1DB00;
	s6 =	sld [smem:$0x7C7]  }
0xdb: {  	[hbm4b:s9+s2] =	stream.linear.scatter [tilespmem:s29], [sflag:$0x8], $0xC80, $0x38;
	[tilespmem:$0x1F400] =	vst v63  }
0xdc: {  	s9 =	simm.s32 $0x1E780  }
0xdd: {  	[hbm4b:s6+s2] =	stream.linear.scatter [tilespmem:s9], [sflag:$0x8], $0xC80, $0x38;
	[tilespmem:$0x1F400] =	vst v63  }
0xde: {  	_ =	swait.ge [sflag:s31], $0xC80  }
0xdf: {  	[sflag:s31] =	ssyncset.done $0x0  }
0xe0: {  	[sflag:s31] =	ssyncadd.s32 $0xFFFFF380  }
0xe1: {  	_ =	swait.ge [sflag:s31], $0xC80  }
0xe2: {  	[sflag:s31] =	ssyncset.done $0x0  }
0xe3: {  	[sflag:s31] =	ssyncadd.s32 $0xFFFFF380  }
0xe4: {  	_ =	swait.ge [sflag:s31], $0xC80  }
0xe5: {  	[sflag:s31] =	ssyncset.done $0x0  }
0xe6: {  	[sflag:s31] =	ssyncadd.s32 $0xFFFFF380  }
0xe7: {  	_ =	swait.ge [sflag:s31], $0xC80  }
0xe8: {  	[sflag:s31] =	ssyncset.done $0x0  }
0xe9: {  	[sflag:s31] =	ssyncadd.s32 $0xFFFFF380  }
0xea: {  	_ =	swait.ge [sflag:s31], $0xC80  }
0xeb: {  	[sflag:s31] =	ssyncset.done $0x0  }
0xec: {  	[sflag:s31] =	ssyncadd.s32 $0xFFFFF380  }
0xed: {  	_ =	swait.ge [sflag:s31], $0xC80  }
0xee: {  	[sflag:s31] =	ssyncset.done $0x0  }
0xef: {  	[sflag:s31] =	ssyncadd.s32 $0xFFFFF380  }
0xf0: {  	_ =	swait.ge [sflag:s31], $0xC80  }
0xf1: {  	[sflag:s31] =	ssyncset.done $0x0  }
0xf2: {  	[sflag:s31] =	ssyncadd.s32 $0xFFFFF380  }
0xf3: {  	_ =	swait.ge [sflag:s31], $0xC80  }
0xf4: {  	[sflag:s31] =	ssyncset.done $0x0  }
0xf5: {  	s9 =	simm.s32 $0x7D0;
	[sflag:s31] =	ssyncadd.s32 $0xFFFFF380  }
0xf6: {  	[tilespmem:s17], [sflag:$0x2] =	stream.indirect.gather [hbm4b:s3+s15], $0x40, s9, s15, $0xb8;
	[tilespmem:$0x1F400] =	vst v63  }
0xf7: {  	_ =	swait.ge [sflag:s18], $0x6400  }
0xf8: {  	s6 =	rddreg [dreg:$0x3]  }
0xf9: {  	[sflag:s18] =	ssyncset.done $0x0;
	s4 =	sadd.s32 $0x0, s6  }
0xfa: {  	[sflag:s18] =	ssyncadd.s32 $0xFFFF9C00;
	s9 =	sadd.s32 $0x3200, s4  }
0xfb: {  	[hbm4b:s9+s2] =	stream.linear.scatter [tilespmem:s16], [sflag:$0x5], $0xC80, $0x38;
	[tilespmem:$0x1F400] =	vst v63  }
0xfc: {  	s6 =	rddreg [dreg:$0x10];
	s9 =	sadd.s32 $0x3390, s4  }
0xfd: {  	[hbm4b:s9+s2] =	stream.linear.scatter [tilespmem:s5], [sflag:$0x5], $0xC80, $0x38;
	[tilespmem:$0x1F400] =	vst v63  }
0xfe: {  	s6 =	sadd.s32 $0x0, s6;
	s5 =	rddreg [dreg:$0xf]  }
0xff: {  	[hbm4b:s6+s2] =	stream.linear.scatter [tilespmem:s10], [sflag:$0x5], $0xC80, $0x38;
	[tilespmem:$0x1F400] =	vst v63  }
0x100: {  	s9 =	sadd.s32 $0x0, s5;
	s10 =	rddreg [dreg:$0xe]  }
0x101: {  	[hbm4b:s9+s2] =	stream.linear.scatter [tilespmem:s11], [sflag:$0x5], $0xC80, $0x38;
	[tilespmem:$0x1F400] =	vst v63  }
0x102: {  	s6 =	sadd.s32 $0x0, s10;
	s11 =	rddreg [dreg:$0xd]  }
0x103: {  	[hbm4b:s6+s2] =	stream.linear.scatter [tilespmem:s12], [sflag:$0x5], $0xC80, $0x38;
	[tilespmem:$0x1F400] =	vst v63  }
0x104: {  	s9 =	sadd.s32 $0x0, s11;
	s12 =	rddreg [dreg:$0xc]  }
0x105: {  	[hbm4b:s9+s2] =	stream.linear.scatter [tilespmem:s13], [sflag:$0x5], $0xC80, $0x38;
	[tilespmem:$0x1F400] =	vst v63  }
0x106: {  	s14 =	simm.s32 $0xAF00;
	s6 =	sadd.s32 $0x0, s12;
	s13 =	rddreg [dreg:$0xb]  }
0x107: {  	[hbm4b:s6+s2] =	stream.linear.scatter [tilespmem:s14], [sflag:$0x5], $0xC80, $0x38;
	[tilespmem:$0x1F400] =	vst v63  }
0x108: {  	s22 =	simm.s32 $0xBB80;
	s5 =	sadd.s32 $0x0, s13  }
0x109: {  	[hbm4b:s5+s2] =	stream.linear.scatter [tilespmem:s22], [sflag:$0x5], $0xC80, $0x38;
	[tilespmem:$0x1F400] =	vst v63  }
0x10a: {  	_ =	swait.ge [sflag:s0], $0xC80  }
0x10b: {  	[sflag:s0] =	ssyncset.done $0x0  }
0x10c: {  	[sflag:s0] =	ssyncadd.s32 $0xFFFFF380  }
0x10d: {  	_ =	swait.ge [sflag:s0], $0xC80  }
0x10e: {  	[sflag:s0] =	ssyncset.done $0x0  }
0x10f: {  	[sflag:s0] =	ssyncadd.s32 $0xFFFFF380  }
0x110: {  	_ =	swait.ge [sflag:s0], $0xC80  }
0x111: {  	[sflag:s0] =	ssyncset.done $0x0  }
0x112: {  	[sflag:s0] =	ssyncadd.s32 $0xFFFFF380  }
0x113: {  	_ =	swait.ge [sflag:s0], $0xC80  }
0x114: {  	[sflag:s0] =	ssyncset.done $0x0  }
0x115: {  	[sflag:s0] =	ssyncadd.s32 $0xFFFFF380  }
0x116: {  	_ =	swait.ge [sflag:s0], $0xC80  }
0x117: {  	[sflag:s0] =	ssyncset.done $0x0  }
0x118: {  	[sflag:s0] =	ssyncadd.s32 $0xFFFFF380  }
0x119: {  	_ =	swait.ge [sflag:s0], $0xC80  }
0x11a: {  	[sflag:s0] =	ssyncset.done $0x0  }
0x11b: {  	[sflag:s0] =	ssyncadd.s32 $0xFFFFF380  }
0x11c: {  	_ =	swait.ge [sflag:s0], $0xC80  }
0x11d: {  	[sflag:s0] =	ssyncset.done $0x0  }
0x11e: {  	[sflag:s0] =	ssyncadd.s32 $0xFFFFF380  }
0x11f: {  	_ =	swait.ge [sflag:s0], $0xC80  }
0x120: {  	[sflag:s0] =	ssyncset.done $0x0  }
0x121: {  	s9 =	simm.s32 $0x960;
	[sflag:s0] =	ssyncadd.s32 $0xFFFFF380  }
0x122: {  	[tilespmem:s26], [sflag:$0x3] =	stream.indirect.gather [hbm4b:s3+s15], $0x40, s9, s15, $0xb8;
	[tilespmem:$0x1F400] =	vst v63  }
0x123: {  	_ =	swait.ge [sflag:s28], $0x6400  }
0x124: {  	[sflag:s28] =	ssyncset.done $0x0  }
0x125: {  	s11 =	sadd.s32 $0x3E80, s4;
	s10 =	rddreg [dreg:$0xa];
	[sflag:s28] =	ssyncadd.s32 $0xFFFF9C00  }
0x126: {  	[hbm4b:s11+s2] =	stream.linear.scatter [tilespmem:s17], [sflag:$0x6], $0xC80, $0x38;
	[tilespmem:$0x1F400] =	vst v63  }
0x127: {  	s13 =	simm.s32 $0xD480;
	s12 =	rddreg [dreg:$0x9];
	s6 =	sadd.s32 $0x0, s10  }
0x128: {  	[hbm4b:s6+s2] =	stream.linear.scatter [tilespmem:s13], [sflag:$0x6], $0xC80, $0x38;
	[tilespmem:$0x1F400] =	vst v63  }
0x129: {  	s22 =	simm.s32 $0xE100;
	s14 =	rddreg [dreg:$0x8];
	s9 =	sadd.s32 $0x0, s12  }
0x12a: {  	[hbm4b:s9+s2] =	stream.linear.scatter [tilespmem:s22], [sflag:$0x6], $0xC80, $0x38;
	[tilespmem:$0x1F400] =	vst v63  }
0x12b: {  	s10 =	rddreg [dreg:$0x7];
	s6 =	sadd.s32 $0x0, s14  }
0x12c: {  	[hbm4b:s6+s2] =	stream.linear.scatter [tilespmem:s21], [sflag:$0x6], $0xC80, $0x38;
	[tilespmem:$0x1F400] =	vst v63  }
0x12d: {  	s12 =	simm.s32 $0xFA00;
	s11 =	rddreg [dreg:$0x6];
	s9 =	sadd.s32 $0x0, s10  }
0x12e: {  	[hbm4b:s9+s2] =	stream.linear.scatter [tilespmem:s12], [sflag:$0x6], $0xC80, $0x38;
	[tilespmem:$0x1F400] =	vst v63  }
0x12f: {  	s13 =	rddreg [dreg:$0x5];
	s14 =	simm.s32 $0x10680;
	s6 =	sadd.s32 $0x0, s11  }
0x130: {  	[hbm4b:s6+s2] =	stream.linear.scatter [tilespmem:s14], [sflag:$0x6], $0xC80, $0x38;
	[tilespmem:$0x1F400] =	vst v63  }
0x131: {  	s22 =	simm.s32 $0x11300;
	s21 =	rddreg [dreg:$0x4];
	s9 =	sadd.s32 $0x0, s13  }
0x132: {  	[hbm4b:s9+s2] =	stream.linear.scatter [tilespmem:s22], [sflag:$0x6], $0xC80, $0x38;
	[tilespmem:$0x1F400] =	vst v63  }
0x133: {  	s6 =	sadd.s32 $0x0, s21;
	s9 =	simm.s32 $0x11F80  }
0x134: {  	[hbm4b:s6+s2] =	stream.linear.scatter [tilespmem:s9], [sflag:$0x6], $0xC80, $0x38;
	[tilespmem:$0x1F400] =	vst v63  }
0x135: {  	_ =	swait.ge [sflag:s1], $0xC80  }
0x136: {  	[sflag:s1] =	ssyncset.done $0x0  }
0x137: {  	[sflag:s1] =	ssyncadd.s32 $0xFFFFF380  }
0x138: {  	_ =	swait.ge [sflag:s1], $0xC80  }
0x139: {  	[sflag:s1] =	ssyncset.done $0x0  }
0x13a: {  	[sflag:s1] =	ssyncadd.s32 $0xFFFFF380  }
0x13b: {  	_ =	swait.ge [sflag:s1], $0xC80  }
0x13c: {  	[sflag:s1] =	ssyncset.done $0x0  }
0x13d: {  	[sflag:s1] =	ssyncadd.s32 $0xFFFFF380  }
0x13e: {  	_ =	swait.ge [sflag:s1], $0xC80  }
0x13f: {  	[sflag:s1] =	ssyncset.done $0x0  }
0x140: {  	[sflag:s1] =	ssyncadd.s32 $0xFFFFF380  }
0x141: {  	_ =	swait.ge [sflag:s1], $0xC80  }
0x142: {  	[sflag:s1] =	ssyncset.done $0x0  }
0x143: {  	[sflag:s1] =	ssyncadd.s32 $0xFFFFF380  }
0x144: {  	_ =	swait.ge [sflag:s1], $0xC80  }
0x145: {  	[sflag:s1] =	ssyncset.done $0x0  }
0x146: {  	[sflag:s1] =	ssyncadd.s32 $0xFFFFF380  }
0x147: {  	_ =	swait.ge [sflag:s1], $0xC80  }
0x148: {  	[sflag:s1] =	ssyncset.done $0x0  }
0x149: {  	[sflag:s1] =	ssyncadd.s32 $0xFFFFF380  }
0x14a: {  	_ =	swait.ge [sflag:s1], $0xC80  }
0x14b: {  	[sflag:s1] =	ssyncset.done $0x0  }
0x14c: {  	s10 =	simm.s32 $0xAF0;
	[sflag:s1] =	ssyncadd.s32 $0xFFFFF380  }
0x14d: {  	[tilespmem:s7], [sflag:$0x4] =	stream.indirect.gather [hbm4b:s3+s15], $0x40, s10, s15, $0xb8;
	[tilespmem:$0x1F400] =	vst v63  }
0x14e: {  	_ =	swait.ge [sflag:s8], $0x6400  }
0x14f: {  	[sflag:s8] =	ssyncset.done $0x0  }
0x150: {  	s12 =	sadd.s32 $0x4B00, s4;
	s11 =	rddreg [dreg:$0x1e];
	[sflag:s8] =	ssyncadd.s32 $0xFFFF9C00  }
0x151: {  	[hbm4b:s12+s2] =	stream.linear.scatter [tilespmem:s26], [sflag:$0x7], $0xC80, $0x38;
	[tilespmem:$0x1F400] =	vst v63  }
0x152: {  	s14 =	simm.s32 $0x13880;
	s13 =	rddreg [dreg:$0x1d];
	s6 =	sadd.s32 $0x0, s11  }
0x153: {  	[hbm4b:s6+s2] =	stream.linear.scatter [tilespmem:s14], [sflag:$0x7], $0xC80, $0x38;
	[tilespmem:$0x1F400] =	vst v63  }
0x154: {  	s22 =	simm.s32 $0x14500;
	s21 =	rddreg [dreg:$0x1c];
	s9 =	sadd.s32 $0x0, s13  }
0x155: {  	[hbm4b:s9+s2] =	stream.linear.scatter [tilespmem:s22], [sflag:$0x7], $0xC80, $0x38;
	[tilespmem:$0x1F400] =	vst v63  }
0x156: {  	s10 =	rddreg [dreg:$0x1b];
	s11 =	simm.s32 $0x15180;
	s6 =	sadd.s32 $0x0, s21  }
0x157: {  	[hbm4b:s6+s2] =	stream.linear.scatter [tilespmem:s11], [sflag:$0x7], $0xC80, $0x38;
	[tilespmem:$0x1F400] =	vst v63  }
0x158: {  	s13 =	simm.s32 $0x15E00;
	s12 =	rddreg [dreg:$0x1a];
	s9 =	sadd.s32 $0x0, s10  }
0x159: {  	[hbm4b:s9+s2] =	stream.linear.scatter [tilespmem:s13], [sflag:$0x7], $0xC80, $0x38;
	[tilespmem:$0x1F400] =	vst v63  }
0x15a: {  	s14 =	rddreg [dreg:$0x19];
	s21 =	simm.s32 $0x16A80;
	s6 =	sadd.s32 $0x0, s12  }
0x15b: {  	[hbm4b:s6+s2] =	stream.linear.scatter [tilespmem:s21], [sflag:$0x7], $0xC80, $0x38;
	[tilespmem:$0x1F400] =	vst v63  }
0x15c: {  	s22 =	rddreg [dreg:$0x18];
	s10 =	simm.s32 $0x17700;
	s9 =	sadd.s32 $0x0, s14  }
0x15d: {  	[hbm4b:s9+s2] =	stream.linear.scatter [tilespmem:s10], [sflag:$0x7], $0xC80, $0x38;
	[tilespmem:$0x1F400] =	vst v63  }
0x15e: {  	s6 =	sadd.s32 $0x0, s22  }
0x15f: {  	[hbm4b:s6+s2] =	stream.linear.scatter [tilespmem:s30], [sflag:$0x7], $0xC80, $0x38;
	[tilespmem:$0x1F400] =	vst v63  }
0x160: {  	_ =	swait.ge [sflag:s19], $0xC80  }
0x161: {  	[sflag:s19] =	ssyncset.done $0x0  }
0x162: {  	[sflag:s19] =	ssyncadd.s32 $0xFFFFF380  }
0x163: {  	_ =	swait.ge [sflag:s19], $0xC80  }
0x164: {  	[sflag:s19] =	ssyncset.done $0x0  }
0x165: {  	[sflag:s19] =	ssyncadd.s32 $0xFFFFF380  }
0x166: {  	_ =	swait.ge [sflag:s19], $0xC80  }
0x167: {  	[sflag:s19] =	ssyncset.done $0x0  }
0x168: {  	[sflag:s19] =	ssyncadd.s32 $0xFFFFF380  }
0x169: {  	_ =	swait.ge [sflag:s19], $0xC80  }
0x16a: {  	[sflag:s19] =	ssyncset.done $0x0  }
0x16b: {  	[sflag:s19] =	ssyncadd.s32 $0xFFFFF380  }
0x16c: {  	_ =	swait.ge [sflag:s19], $0xC80  }
0x16d: {  	[sflag:s19] =	ssyncset.done $0x0  }
0x16e: {  	[sflag:s19] =	ssyncadd.s32 $0xFFFFF380  }
0x16f: {  	_ =	swait.ge [sflag:s19], $0xC80  }
0x170: {  	[sflag:s19] =	ssyncset.done $0x0  }
0x171: {  	[sflag:s19] =	ssyncadd.s32 $0xFFFFF380  }
0x172: {  	_ =	swait.ge [sflag:s19], $0xC80  }
0x173: {  	[sflag:s19] =	ssyncset.done $0x0  }
0x174: {  	[sflag:s19] =	ssyncadd.s32 $0xFFFFF380  }
0x175: {  	_ =	swait.ge [sflag:s19], $0xC80  }
0x176: {  	[sflag:s19] =	ssyncset.done $0x0  }
0x177: {  	s11 =	simm.s32 $0xC80;
	[sflag:s19] =	ssyncadd.s32 $0xFFFFF380  }
0x178: {  	[tilespmem:s16], [sflag:$0x1] =	stream.indirect.gather [hbm4b:s3+s15], $0x40, s11, s15, $0xb8;
	[tilespmem:$0x1F400] =	vst v63  }
0x179: {  	_ =	swait.ge [sflag:s20], $0x6400  }
0x17a: {  	[sflag:s20] =	ssyncset.done $0x0  }
0x17b: {  	s4 =	sadd.s32 $0x5780, s4;
	s12 =	rddreg [dreg:$0x17];
	[sflag:s20] =	ssyncadd.s32 $0xFFFF9C00  }
0x17c: {  	[hbm4b:s4+s2] =	stream.linear.scatter [tilespmem:s7], [sflag:$0x8], $0xC80, $0x38;
	[tilespmem:$0x1F400] =	vst v63  }
0x17d: {  	s22 =	simm.s32 $0x19C80;
	s13 =	rddreg [dreg:$0x16];
	s14 =	sadd.s32 $0x0, s12  }
0x17e: {  	[hbm4b:s14+s2] =	stream.linear.scatter [tilespmem:s22], [sflag:$0x8], $0xC80, $0x38;
	[tilespmem:$0x1F400] =	vst v63  }
0x17f: {  	s11 =	simm.s32 $0x1A900;
	s21 =	rddreg [dreg:$0x15];
	s9 =	sadd.s32 $0x0, s13  }
0x180: {  	[hbm4b:s9+s2] =	stream.linear.scatter [tilespmem:s11], [sflag:$0x8], $0xC80, $0x38;
	[tilespmem:$0x1F400] =	vst v63  }
0x181: {  	s10 =	rddreg [dreg:$0x14];
	s12 =	sadd.s32 $0x0, s21  }
0x182: {  	[hbm4b:s12+s2] =	stream.linear.scatter [tilespmem:s23], [sflag:$0x8], $0xC80, $0x38;
	[tilespmem:$0x1F400] =	vst v63  }
0x183: {  	s13 =	rddreg [dreg:$0x13];
	s21 =	sadd.s32 $0x0, s10  }
0x184: {  	[hbm4b:s21+s2] =	stream.linear.scatter [tilespmem:s24], [sflag:$0x8], $0xC80, $0x38;
	[tilespmem:$0x1F400] =	vst v63  }
0x185: {  	s5 =	rddreg [dreg:$0x12];
	s10 =	sadd.s32 $0x0, s13  }
0x186: {  	[hbm4b:s10+s2] =	stream.linear.scatter [tilespmem:s25], [sflag:$0x8], $0xC80, $0x38;
	[tilespmem:$0x1F400] =	vst v63  }
0x187: {  	s11 =	rddreg [dreg:$0x11];
	s12 =	sadd.s32 $0x0, s5  }
0x188: {  	[hbm4b:s12+s2] =	stream.linear.scatter [tilespmem:s29], [sflag:$0x8], $0xC80, $0x38;
	[tilespmem:$0x1F400] =	vst v63  }
0x189: {  	s13 =	sadd.s32 $0x0, s11;
	s21 =	simm.s32 $0x1E780  }
0x18a: {  	[hbm4b:s13+s2] =	stream.linear.scatter [tilespmem:s21], [sflag:$0x8], $0xC80, $0x38;
	[tilespmem:$0x1F400] =	vst v63  }
0x18b: {  	_ =	swait.ge [sflag:s31], $0xC80  }
0x18c: {  	[sflag:s31] =	ssyncset.done $0x0  }
0x18d: {  	[sflag:s31] =	ssyncadd.s32 $0xFFFFF380  }
0x18e: {  	_ =	swait.ge [sflag:s31], $0xC80  }
0x18f: {  	[sflag:s31] =	ssyncset.done $0x0  }
0x190: {  	[sflag:s31] =	ssyncadd.s32 $0xFFFFF380  }
0x191: {  	_ =	swait.ge [sflag:s31], $0xC80  }
0x192: {  	[sflag:s31] =	ssyncset.done $0x0  }
0x193: {  	[sflag:s31] =	ssyncadd.s32 $0xFFFFF380  }
0x194: {  	_ =	swait.ge [sflag:s31], $0xC80  }
0x195: {  	[sflag:s31] =	ssyncset.done $0x0  }
0x196: {  	[sflag:s31] =	ssyncadd.s32 $0xFFFFF380  }
0x197: {  	_ =	swait.ge [sflag:s31], $0xC80  }
0x198: {  	[sflag:s31] =	ssyncset.done $0x0  }
0x199: {  	[sflag:s31] =	ssyncadd.s32 $0xFFFFF380  }
0x19a: {  	_ =	swait.ge [sflag:s31], $0xC80  }
0x19b: {  	[sflag:s31] =	ssyncset.done $0x0  }
0x19c: {  	[sflag:s31] =	ssyncadd.s32 $0xFFFFF380  }
0x19d: {  	_ =	swait.ge [sflag:s31], $0xC80  }
0x19e: {  	s30 =	simm.s32 $0x19C80;
	s6 =	simm.s32 $0x3200;
	[sflag:s31] =	ssyncset.done $0x0  }
0x19f: {  	s4 =	simm.s32 $0xE10;
	s14 =	simm.s32 $0x1A900;
	[sflag:s31] =	ssyncadd.s32 $0xFFFFF380  }
0x1a0: {  	s22 =	simm.s32 $0x1B580;
	s9 =	simm.s32 $0x1450;
	_ =	swait.ge [sflag:s31], $0xC80  }
0x1a1: {  	s23 =	simm.s32 $0x1C200;
	s24 =	simm.s32 $0x1CE80;
	[sflag:s31] =	ssyncset.done $0x0  }
0x1a2: {  	s25 =	simm.s32 $0x1DB00;
	s29 =	simm.s32 $0x1E780;
	[sflag:s31] =	ssyncadd.s32 $0xFFFFF380  }
.LBB2_2:
0x1a3: {  	[tilespmem:s17], [sflag:$0x2] =	stream.indirect.gather [hbm4b:s3+s15], $0x40, s4, s15, $0xb8;
	[tilespmem:$0x1F400] =	vst v63  }
0x1a4: {  	_ =	swait.ge [sflag:s18], $0x6400  }
0x1a5: {  	s10 =	smov.u32 s6;
	s11 =	rddreg [dreg:$0x3]  }
0x1a6: {  	[sflag:s18] =	ssyncset.done $0x0;
	s11 =	sadd.s32 s10, s11  }
0x1a7: {  	[sflag:s18] =	ssyncadd.s32 $0xFFFF9C00;
	s12 =	sadd.s32 $0x3200, s11  }
0x1a8: {  	[hbm4b:s12+s2] =	stream.linear.scatter [tilespmem:s16], [sflag:$0x5], $0xC80, $0x38;
	[tilespmem:$0x1F400] =	vst v63  }
0x1a9: {  	s21 =	simm.s32 $0x7080;
	s13 =	rddreg [dreg:$0x10];
	s12 =	sadd.s32 $0x3390, s11  }
0x1aa: {  	[hbm4b:s12+s2] =	stream.linear.scatter [tilespmem:s21], [sflag:$0x5], $0xC80, $0x38;
	[tilespmem:$0x1F400] =	vst v63  }
0x1ab: {  	s5 =	rddreg [dreg:$0xf];
	s12 =	sadd.s32 s10, s13;
	s21 =	simm.s32 $0x7D00  }
0x1ac: {  	[hbm4b:s12+s2] =	stream.linear.scatter [tilespmem:s21], [sflag:$0x5], $0xC80, $0x38;
	[tilespmem:$0x1F400] =	vst v63  }
0x1ad: {  	s5 =	sadd.s32 s10, s5;
	s13 =	rddreg [dreg:$0xe];
	s21 =	simm.s32 $0x8980  }
0x1ae: {  	[hbm4b:s5+s2] =	stream.linear.scatter [tilespmem:s21], [sflag:$0x5], $0xC80, $0x38;
	[tilespmem:$0x1F400] =	vst v63  }
0x1af: {  	s12 =	rddreg [dreg:$0xd];
	s5 =	sadd.s32 s10, s13;
	s21 =	simm.s32 $0x9600  }
0x1b0: {  	[hbm4b:s5+s2] =	stream.linear.scatter [tilespmem:s21], [sflag:$0x5], $0xC80, $0x38;
	[tilespmem:$0x1F400] =	vst v63  }
0x1b1: {  	s13 =	rddreg [dreg:$0xc];
	s5 =	sadd.s32 s10, s12;
	s21 =	simm.s32 $0xA280  }
0x1b2: {  	[hbm4b:s5+s2] =	stream.linear.scatter [tilespmem:s21], [sflag:$0x5], $0xC80, $0x38;
	[tilespmem:$0x1F400] =	vst v63  }
0x1b3: {  	s13 =	sadd.s32 s10, s13;
	s12 =	rddreg [dreg:$0xb];
	s21 =	simm.s32 $0xAF00  }
0x1b4: {  	[hbm4b:s13+s2] =	stream.linear.scatter [tilespmem:s21], [sflag:$0x5], $0xC80, $0x38;
	[tilespmem:$0x1F400] =	vst v63  }
0x1b5: {  	s13 =	sadd.s32 s10, s12;
	s21 =	simm.s32 $0xBB80  }
0x1b6: {  	[hbm4b:s13+s2] =	stream.linear.scatter [tilespmem:s21], [sflag:$0x5], $0xC80, $0x38;
	[tilespmem:$0x1F400] =	vst v63  }
0x1b7: {  	_ =	swait.ge [sflag:s0], $0xC80  }
0x1b8: {  	[sflag:s0] =	ssyncset.done $0x0  }
0x1b9: {  	[sflag:s0] =	ssyncadd.s32 $0xFFFFF380  }
0x1ba: {  	_ =	swait.ge [sflag:s0], $0xC80  }
0x1bb: {  	[sflag:s0] =	ssyncset.done $0x0  }
0x1bc: {  	[sflag:s0] =	ssyncadd.s32 $0xFFFFF380  }
0x1bd: {  	_ =	swait.ge [sflag:s0], $0xC80  }
0x1be: {  	[sflag:s0] =	ssyncset.done $0x0  }
0x1bf: {  	[sflag:s0] =	ssyncadd.s32 $0xFFFFF380  }
0x1c0: {  	_ =	swait.ge [sflag:s0], $0xC80  }
0x1c1: {  	[sflag:s0] =	ssyncset.done $0x0  }
0x1c2: {  	[sflag:s0] =	ssyncadd.s32 $0xFFFFF380  }
0x1c3: {  	_ =	swait.ge [sflag:s0], $0xC80  }
0x1c4: {  	[sflag:s0] =	ssyncset.done $0x0  }
0x1c5: {  	[sflag:s0] =	ssyncadd.s32 $0xFFFFF380  }
0x1c6: {  	_ =	swait.ge [sflag:s0], $0xC80  }
0x1c7: {  	[sflag:s0] =	ssyncset.done $0x0  }
0x1c8: {  	[sflag:s0] =	ssyncadd.s32 $0xFFFFF380  }
0x1c9: {  	_ =	swait.ge [sflag:s0], $0xC80  }
0x1ca: {  	[sflag:s0] =	ssyncset.done $0x0  }
0x1cb: {  	[sflag:s0] =	ssyncadd.s32 $0xFFFFF380  }
0x1cc: {  	_ =	swait.ge [sflag:s0], $0xC80  }
0x1cd: {  	[sflag:s0] =	ssyncset.done $0x0  }
0x1ce: {  	s13 =	sadd.s32 $0xFFFFFB50, s9;
	[sflag:s0] =	ssyncadd.s32 $0xFFFFF380  }
0x1cf: {  	[tilespmem:s26], [sflag:$0x3] =	stream.indirect.gather [hbm4b:s3+s15], $0x40, s13, s15, $0xb8;
	[tilespmem:$0x1F400] =	vst v63  }
0x1d0: {  	_ =	swait.ge [sflag:s28], $0x6400  }
0x1d1: {  	[sflag:s28] =	ssyncset.done $0x0  }
0x1d2: {  	s21 =	sadd.s32 $0x3E80, s11;
	s5 =	rddreg [dreg:$0xa];
	[sflag:s28] =	ssyncadd.s32 $0xFFFF9C00  }
0x1d3: {  	[hbm4b:s21+s2] =	stream.linear.scatter [tilespmem:s17], [sflag:$0x6], $0xC80, $0x38;
	[tilespmem:$0x1F400] =	vst v63  }
0x1d4: {  	s13 =	rddreg [dreg:$0x9];
	s5 =	sadd.s32 s10, s5;
	s21 =	simm.s32 $0xD480  }
0x1d5: {  	[hbm4b:s5+s2] =	stream.linear.scatter [tilespmem:s21], [sflag:$0x6], $0xC80, $0x38;
	[tilespmem:$0x1F400] =	vst v63  }
0x1d6: {  	s12 =	rddreg [dreg:$0x8];
	s5 =	sadd.s32 s10, s13;
	s21 =	simm.s32 $0xE100  }
0x1d7: {  	[hbm4b:s5+s2] =	stream.linear.scatter [tilespmem:s21], [sflag:$0x6], $0xC80, $0x38;
	[tilespmem:$0x1F400] =	vst v63  }
0x1d8: {  	s13 =	rddreg [dreg:$0x7];
	s5 =	sadd.s32 s10, s12;
	s21 =	simm.s32 $0xED80  }
0x1d9: {  	[hbm4b:s5+s2] =	stream.linear.scatter [tilespmem:s21], [sflag:$0x6], $0xC80, $0x38;
	[tilespmem:$0x1F400] =	vst v63  }
0x1da: {  	s12 =	rddreg [dreg:$0x6];
	s5 =	sadd.s32 s10, s13;
	s21 =	simm.s32 $0xFA00  }
0x1db: {  	[hbm4b:s5+s2] =	stream.linear.scatter [tilespmem:s21], [sflag:$0x6], $0xC80, $0x38;
	[tilespmem:$0x1F400] =	vst v63  }
0x1dc: {  	s13 =	rddreg [dreg:$0x5];
	s5 =	sadd.s32 s10, s12;
	s21 =	simm.s32 $0x10680  }
0x1dd: {  	[hbm4b:s5+s2] =	stream.linear.scatter [tilespmem:s21], [sflag:$0x6], $0xC80, $0x38;
	[tilespmem:$0x1F400] =	vst v63  }
0x1de: {  	s13 =	sadd.s32 s10, s13;
	s12 =	rddreg [dreg:$0x4];
	s21 =	simm.s32 $0x11300  }
0x1df: {  	[hbm4b:s13+s2] =	stream.linear.scatter [tilespmem:s21], [sflag:$0x6], $0xC80, $0x38;
	[tilespmem:$0x1F400] =	vst v63  }
0x1e0: {  	s13 =	sadd.s32 s10, s12;
	s21 =	simm.s32 $0x11F80  }
0x1e1: {  	[hbm4b:s13+s2] =	stream.linear.scatter [tilespmem:s21], [sflag:$0x6], $0xC80, $0x38;
	[tilespmem:$0x1F400] =	vst v63  }
0x1e2: {  	_ =	swait.ge [sflag:s1], $0xC80  }
0x1e3: {  	[sflag:s1] =	ssyncset.done $0x0  }
0x1e4: {  	[sflag:s1] =	ssyncadd.s32 $0xFFFFF380  }
0x1e5: {  	_ =	swait.ge [sflag:s1], $0xC80  }
0x1e6: {  	[sflag:s1] =	ssyncset.done $0x0  }
0x1e7: {  	[sflag:s1] =	ssyncadd.s32 $0xFFFFF380  }
0x1e8: {  	_ =	swait.ge [sflag:s1], $0xC80  }
0x1e9: {  	[sflag:s1] =	ssyncset.done $0x0  }
0x1ea: {  	[sflag:s1] =	ssyncadd.s32 $0xFFFFF380  }
0x1eb: {  	_ =	swait.ge [sflag:s1], $0xC80  }
0x1ec: {  	[sflag:s1] =	ssyncset.done $0x0  }
0x1ed: {  	[sflag:s1] =	ssyncadd.s32 $0xFFFFF380  }
0x1ee: {  	_ =	swait.ge [sflag:s1], $0xC80  }
0x1ef: {  	[sflag:s1] =	ssyncset.done $0x0  }
0x1f0: {  	[sflag:s1] =	ssyncadd.s32 $0xFFFFF380  }
0x1f1: {  	_ =	swait.ge [sflag:s1], $0xC80  }
0x1f2: {  	[sflag:s1] =	ssyncset.done $0x0  }
0x1f3: {  	[sflag:s1] =	ssyncadd.s32 $0xFFFFF380  }
0x1f4: {  	_ =	swait.ge [sflag:s1], $0xC80  }
0x1f5: {  	[sflag:s1] =	ssyncset.done $0x0  }
0x1f6: {  	[sflag:s1] =	ssyncadd.s32 $0xFFFFF380  }
0x1f7: {  	_ =	swait.ge [sflag:s1], $0xC80  }
0x1f8: {  	[sflag:s1] =	ssyncset.done $0x0  }
0x1f9: {  	s13 =	sadd.s32 $0xFFFFFCE0, s9;
	[sflag:s1] =	ssyncadd.s32 $0xFFFFF380  }
0x1fa: {  	[tilespmem:s7], [sflag:$0x4] =	stream.indirect.gather [hbm4b:s3+s15], $0x40, s13, s15, $0xb8;
	[tilespmem:$0x1F400] =	vst v63  }
0x1fb: {  	_ =	swait.ge [sflag:s8], $0x6400  }
0x1fc: {  	[sflag:s8] =	ssyncset.done $0x0  }
0x1fd: {  	s21 =	sadd.s32 $0x4B00, s11;
	s5 =	rddreg [dreg:$0x1e];
	[sflag:s8] =	ssyncadd.s32 $0xFFFF9C00  }
0x1fe: {  	[hbm4b:s21+s2] =	stream.linear.scatter [tilespmem:s26], [sflag:$0x7], $0xC80, $0x38;
	[tilespmem:$0x1F400] =	vst v63  }
0x1ff: {  	s13 =	rddreg [dreg:$0x1d];
	s5 =	sadd.s32 s10, s5;
	s21 =	simm.s32 $0x13880  }
0x200: {  	[hbm4b:s5+s2] =	stream.linear.scatter [tilespmem:s21], [sflag:$0x7], $0xC80, $0x38;
	[tilespmem:$0x1F400] =	vst v63  }
0x201: {  	s12 =	rddreg [dreg:$0x1c];
	s5 =	sadd.s32 s10, s13;
	s21 =	simm.s32 $0x14500  }
0x202: {  	[hbm4b:s5+s2] =	stream.linear.scatter [tilespmem:s21], [sflag:$0x7], $0xC80, $0x38;
	[tilespmem:$0x1F400] =	vst v63  }
0x203: {  	s13 =	rddreg [dreg:$0x1b];
	s5 =	sadd.s32 s10, s12;
	s21 =	simm.s32 $0x15180  }
0x204: {  	[hbm4b:s5+s2] =	stream.linear.scatter [tilespmem:s21], [sflag:$0x7], $0xC80, $0x38;
	[tilespmem:$0x1F400] =	vst v63  }
0x205: {  	s12 =	rddreg [dreg:$0x1a];
	s5 =	sadd.s32 s10, s13;
	s21 =	simm.s32 $0x15E00  }
0x206: {  	[hbm4b:s5+s2] =	stream.linear.scatter [tilespmem:s21], [sflag:$0x7], $0xC80, $0x38;
	[tilespmem:$0x1F400] =	vst v63  }
0x207: {  	s13 =	rddreg [dreg:$0x19];
	s5 =	sadd.s32 s10, s12;
	s21 =	simm.s32 $0x16A80  }
0x208: {  	[hbm4b:s5+s2] =	stream.linear.scatter [tilespmem:s21], [sflag:$0x7], $0xC80, $0x38;
	[tilespmem:$0x1F400] =	vst v63  }
0x209: {  	s13 =	sadd.s32 s10, s13;
	s12 =	rddreg [dreg:$0x18];
	s21 =	simm.s32 $0x17700  }
0x20a: {  	[hbm4b:s13+s2] =	stream.linear.scatter [tilespmem:s21], [sflag:$0x7], $0xC80, $0x38;
	[tilespmem:$0x1F400] =	vst v63  }
0x20b: {  	s13 =	sadd.s32 s10, s12;
	s21 =	simm.s32 $0x18380  }
0x20c: {  	[hbm4b:s13+s2] =	stream.linear.scatter [tilespmem:s21], [sflag:$0x7], $0xC80, $0x38;
	[tilespmem:$0x1F400] =	vst v63  }
0x20d: {  	_ =	swait.ge [sflag:s19], $0xC80  }
0x20e: {  	[sflag:s19] =	ssyncset.done $0x0  }
0x20f: {  	[sflag:s19] =	ssyncadd.s32 $0xFFFFF380  }
0x210: {  	_ =	swait.ge [sflag:s19], $0xC80  }
0x211: {  	[sflag:s19] =	ssyncset.done $0x0  }
0x212: {  	[sflag:s19] =	ssyncadd.s32 $0xFFFFF380  }
0x213: {  	_ =	swait.ge [sflag:s19], $0xC80  }
0x214: {  	[sflag:s19] =	ssyncset.done $0x0  }
0x215: {  	[sflag:s19] =	ssyncadd.s32 $0xFFFFF380  }
0x216: {  	_ =	swait.ge [sflag:s19], $0xC80  }
0x217: {  	[sflag:s19] =	ssyncset.done $0x0  }
0x218: {  	[sflag:s19] =	ssyncadd.s32 $0xFFFFF380  }
0x219: {  	_ =	swait.ge [sflag:s19], $0xC80  }
0x21a: {  	[sflag:s19] =	ssyncset.done $0x0  }
0x21b: {  	[sflag:s19] =	ssyncadd.s32 $0xFFFFF380  }
0x21c: {  	_ =	swait.ge [sflag:s19], $0xC80  }
0x21d: {  	[sflag:s19] =	ssyncset.done $0x0  }
0x21e: {  	[sflag:s19] =	ssyncadd.s32 $0xFFFFF380  }
0x21f: {  	_ =	swait.ge [sflag:s19], $0xC80  }
0x220: {  	[sflag:s19] =	ssyncset.done $0x0  }
0x221: {  	[sflag:s19] =	ssyncadd.s32 $0xFFFFF380  }
0x222: {  	_ =	swait.ge [sflag:s19], $0xC80  }
0x223: {  	[sflag:s19] =	ssyncset.done $0x0  }
0x224: {  	s12 =	sadd.s32 $0xFFFFFE70, s9;
	[sflag:s19] =	ssyncadd.s32 $0xFFFFF380  }
0x225: {  	[tilespmem:s16], [sflag:$0x1] =	stream.indirect.gather [hbm4b:s3+s15], $0x40, s12, s15, $0xb8;
	[tilespmem:$0x1F400] =	vst v63  }
0x226: {  	_ =	swait.ge [sflag:s20], $0x6400  }
0x227: {  	[sflag:s20] =	ssyncset.done $0x0  }
0x228: {  	s11 =	sadd.s32 $0x5780, s11;
	s13 =	rddreg [dreg:$0x17];
	[sflag:s20] =	ssyncadd.s32 $0xFFFF9C00  }
0x229: {  	[hbm4b:s11+s2] =	stream.linear.scatter [tilespmem:s7], [sflag:$0x8], $0xC80, $0x38;
	[tilespmem:$0x1F400] =	vst v63  }
0x22a: {  	s21 =	rddreg [dreg:$0x16];
	s5 =	sadd.s32 s10, s13  }
0x22b: {  	[hbm4b:s5+s2] =	stream.linear.scatter [tilespmem:s30], [sflag:$0x8], $0xC80, $0x38;
	[tilespmem:$0x1F400] =	vst v63  }
0x22c: {  	s13 =	sadd.s32 s10, s21;
	s11 =	rddreg [dreg:$0x15]  }
0x22d: {  	[hbm4b:s13+s2] =	stream.linear.scatter [tilespmem:s14], [sflag:$0x8], $0xC80, $0x38;
	[tilespmem:$0x1F400] =	vst v63  }
0x22e: {  	s21 =	rddreg [dreg:$0x14];
	s11 =	sadd.s32 s10, s11  }
0x22f: {  	[hbm4b:s11+s2] =	stream.linear.scatter [tilespmem:s22], [sflag:$0x8], $0xC80, $0x38;
	[tilespmem:$0x1F400] =	vst v63  }
0x230: {  	s21 =	sadd.s32 s10, s21;
	s13 =	rddreg [dreg:$0x13]  }
0x231: {  	[hbm4b:s21+s2] =	stream.linear.scatter [tilespmem:s23], [sflag:$0x8], $0xC80, $0x38;
	[tilespmem:$0x1F400] =	vst v63  }
0x232: {  	s12 =	rddreg [dreg:$0x12];
	s13 =	sadd.s32 s10, s13  }
0x233: {  	[hbm4b:s13+s2] =	stream.linear.scatter [tilespmem:s24], [sflag:$0x8], $0xC80, $0x38;
	[tilespmem:$0x1F400] =	vst v63  }
0x234: {  	s21 =	rddreg [dreg:$0x11];
	s13 =	sadd.s32 s10, s12  }
0x235: {  	[hbm4b:s13+s2] =	stream.linear.scatter [tilespmem:s25], [sflag:$0x8], $0xC80, $0x38;
	[tilespmem:$0x1F400] =	vst v63  }
0x236: {  	s21 =	sadd.s32 s10, s21  }
0x237: {  	[hbm4b:s21+s2] =	stream.linear.scatter [tilespmem:s29], [sflag:$0x8], $0xC80, $0x38;
	[tilespmem:$0x1F400] =	vst v63  }
0x238: {  	_ =	swait.ge [sflag:s31], $0xC80  }
0x239: {  	[sflag:s31] =	ssyncset.done $0x0  }
0x23a: {  	[sflag:s31] =	ssyncadd.s32 $0xFFFFF380  }
0x23b: {  	_ =	swait.ge [sflag:s31], $0xC80  }
0x23c: {  	[sflag:s31] =	ssyncset.done $0x0  }
0x23d: {  	[sflag:s31] =	ssyncadd.s32 $0xFFFFF380  }
0x23e: {  	_ =	swait.ge [sflag:s31], $0xC80  }
0x23f: {  	[sflag:s31] =	ssyncset.done $0x0  }
0x240: {  	[sflag:s31] =	ssyncadd.s32 $0xFFFFF380  }
0x241: {  	_ =	swait.ge [sflag:s31], $0xC80  }
0x242: {  	[sflag:s31] =	ssyncset.done $0x0  }
0x243: {  	[sflag:s31] =	ssyncadd.s32 $0xFFFFF380  }
0x244: {  	_ =	swait.ge [sflag:s31], $0xC80  }
0x245: {  	[sflag:s31] =	ssyncset.done $0x0  }
0x246: {  	[sflag:s31] =	ssyncadd.s32 $0xFFFFF380  }
0x247: {  	_ =	swait.ge [sflag:s31], $0xC80  }
0x248: {  	[sflag:s31] =	ssyncset.done $0x0  }
0x249: {  	[sflag:s31] =	ssyncadd.s32 $0xFFFFF380  }
0x24a: {  	p0 =	sne.s32 s6, $0x28A00;
	_ =	swait.ge [sflag:s31], $0xC80  }
.Ltmp0:
0x24b: {  	[sflag:s31] =	ssyncset.done $0x0;
	(pc) =	sbr.rel @p0 .LBB2_2-.Ltmp0, $4  }
0x24c: {  	[sflag:s31] =	ssyncadd.s32 $0xFFFFF380  }
0x24d: {  	_ =	swait.ge [sflag:s31], $0xC80  }
0x24e: {  	s4 =	smov.u32 s9;
	[sflag:s31] =	ssyncset.done $0x0  }
0x24f: {  	s6 =	sadd.s32 $0x3200, s6;
	s9 =	sadd.s32 $0x640, s9;
	[sflag:s31] =	ssyncadd.s32 $0xFFFFF380  }
0x250: {  	[tilespmem:s17], [sflag:$0x2] =	stream.indirect.gather [hbm4b:s3+s15], $0x40, s4, s15, $0xb8;
	[tilespmem:$0x1F400] =	vst v63  }
0x251: {  	_ =	swait.ge [sflag:s18], $0x6400  }
0x252: {  	s13 =	sld [smem:$0x7C8]  }
0x253: {  	[sflag:s18] =	ssyncset.done $0x0  }
0x254: {  	s21 =	sld [smem:$0x7C9];
	[sflag:s18] =	ssyncadd.s32 $0xFFFF9C00  }
0x255: {  	[hbm4b:s13+s2] =	stream.linear.scatter [tilespmem:s16], [sflag:$0x5], $0xC80, $0x38;
	[tilespmem:$0x1F400] =	vst v63  }
0x256: {  	s5 =	simm.s32 $0x7080  }
0x257: {  	[hbm4b:s21+s2] =	stream.linear.scatter [tilespmem:s5], [sflag:$0x5], $0xC80, $0x38;
	[tilespmem:$0x1F400] =	vst v63  }
0x258: {  	s5 =	sld [smem:$0x7CA];
	_ =	sdelay $0x1  }
0x259: {  	s6 =	simm.s32 $0x7D00;
	s9 =	sld [smem:$0x7CB]  }
0x25a: {  	[hbm4b:s5+s2] =	stream.linear.scatter [tilespmem:s6], [sflag:$0x5], $0xC80, $0x38;
	[tilespmem:$0x1F400] =	vst v63  }
0x25b: {  	s10 =	simm.s32 $0x8980;
	s11 =	sld [smem:$0x7CC]  }
0x25c: {  	[hbm4b:s9+s2] =	stream.linear.scatter [tilespmem:s10], [sflag:$0x5], $0xC80, $0x38;
	[tilespmem:$0x1F400] =	vst v63  }
0x25d: {  	s12 =	simm.s32 $0x9600;
	s13 =	sld [smem:$0x7CD]  }
0x25e: {  	[hbm4b:s11+s2] =	stream.linear.scatter [tilespmem:s12], [sflag:$0x5], $0xC80, $0x38;
	[tilespmem:$0x1F400] =	vst v63  }
0x25f: {  	s21 =	simm.s32 $0xA280;
	s5 =	sld [smem:$0x7CE]  }
0x260: {  	[hbm4b:s13+s2] =	stream.linear.scatter [tilespmem:s21], [sflag:$0x5], $0xC80, $0x38;
	[tilespmem:$0x1F400] =	vst v63  }
0x261: {  	s6 =	simm.s32 $0xAF00;
	s9 =	sld [smem:$0x7CF]  }
0x262: {  	[hbm4b:s5+s2] =	stream.linear.scatter [tilespmem:s6], [sflag:$0x5], $0xC80, $0x38;
	[tilespmem:$0x1F400] =	vst v63  }
0x263: {  	s10 =	simm.s32 $0xBB80  }
0x264: {  	[hbm4b:s9+s2] =	stream.linear.scatter [tilespmem:s10], [sflag:$0x5], $0xC80, $0x38;
	[tilespmem:$0x1F400] =	vst v63  }
0x265: {  	_ =	swait.ge [sflag:s0], $0xC80  }
0x266: {  	[sflag:s0] =	ssyncset.done $0x0  }
0x267: {  	[sflag:s0] =	ssyncadd.s32 $0xFFFFF380  }
0x268: {  	_ =	swait.ge [sflag:s0], $0xC80  }
0x269: {  	[sflag:s0] =	ssyncset.done $0x0  }
0x26a: {  	[sflag:s0] =	ssyncadd.s32 $0xFFFFF380  }
0x26b: {  	_ =	swait.ge [sflag:s0], $0xC80  }
0x26c: {  	[sflag:s0] =	ssyncset.done $0x0  }
0x26d: {  	[sflag:s0] =	ssyncadd.s32 $0xFFFFF380  }
0x26e: {  	_ =	swait.ge [sflag:s0], $0xC80  }
0x26f: {  	[sflag:s0] =	ssyncset.done $0x0  }
0x270: {  	[sflag:s0] =	ssyncadd.s32 $0xFFFFF380  }
0x271: {  	_ =	swait.ge [sflag:s0], $0xC80  }
0x272: {  	[sflag:s0] =	ssyncset.done $0x0  }
0x273: {  	[sflag:s0] =	ssyncadd.s32 $0xFFFFF380  }
0x274: {  	_ =	swait.ge [sflag:s0], $0xC80  }
0x275: {  	[sflag:s0] =	ssyncset.done $0x0  }
0x276: {  	[sflag:s0] =	ssyncadd.s32 $0xFFFFF380  }
0x277: {  	_ =	swait.ge [sflag:s0], $0xC80  }
0x278: {  	[sflag:s0] =	ssyncset.done $0x0  }
0x279: {  	[sflag:s0] =	ssyncadd.s32 $0xFFFFF380  }
0x27a: {  	_ =	swait.ge [sflag:s0], $0xC80  }
0x27b: {  	[sflag:s0] =	ssyncset.done $0x0  }
0x27c: {  	s11 =	simm.s32 $0x60E0;
	[sflag:s0] =	ssyncadd.s32 $0xFFFFF380  }
0x27d: {  	[tilespmem:s26], [sflag:$0x3] =	stream.indirect.gather [hbm4b:s3+s15], $0x40, s11, s15, $0xb8;
	[tilespmem:$0x1F400] =	vst v63  }
0x27e: {  	_ =	swait.ge [sflag:s28], $0x6400  }
0x27f: {  	s12 =	sld [smem:$0x7D0]  }
0x280: {  	[sflag:s28] =	ssyncset.done $0x0  }
0x281: {  	s13 =	sld [smem:$0x7D1];
	[sflag:s28] =	ssyncadd.s32 $0xFFFF9C00  }
0x282: {  	[hbm4b:s12+s2] =	stream.linear.scatter [tilespmem:s17], [sflag:$0x6], $0xC80, $0x38;
	[tilespmem:$0x1F400] =	vst v63  }
0x283: {  	s21 =	simm.s32 $0xD480;
	s5 =	sld [smem:$0x7D2]  }
0x284: {  	[hbm4b:s13+s2] =	stream.linear.scatter [tilespmem:s21], [sflag:$0x6], $0xC80, $0x38;
	[tilespmem:$0x1F400] =	vst v63  }
0x285: {  	s6 =	simm.s32 $0xE100;
	s9 =	sld [smem:$0x7D3]  }
0x286: {  	[hbm4b:s5+s2] =	stream.linear.scatter [tilespmem:s6], [sflag:$0x6], $0xC80, $0x38;
	[tilespmem:$0x1F400] =	vst v63  }
0x287: {  	s10 =	simm.s32 $0xED80;
	s11 =	sld [smem:$0x7D4]  }
0x288: {  	[hbm4b:s9+s2] =	stream.linear.scatter [tilespmem:s10], [sflag:$0x6], $0xC80, $0x38;
	[tilespmem:$0x1F400] =	vst v63  }
0x289: {  	s12 =	simm.s32 $0xFA00;
	s13 =	sld [smem:$0x7D5]  }
0x28a: {  	[hbm4b:s11+s2] =	stream.linear.scatter [tilespmem:s12], [sflag:$0x6], $0xC80, $0x38;
	[tilespmem:$0x1F400] =	vst v63  }
0x28b: {  	s21 =	simm.s32 $0x10680;
	s5 =	sld [smem:$0x7D6]  }
0x28c: {  	[hbm4b:s13+s2] =	stream.linear.scatter [tilespmem:s21], [sflag:$0x6], $0xC80, $0x38;
	[tilespmem:$0x1F400] =	vst v63  }
0x28d: {  	s6 =	simm.s32 $0x11300;
	s9 =	sld [smem:$0x7D7]  }
0x28e: {  	[hbm4b:s5+s2] =	stream.linear.scatter [tilespmem:s6], [sflag:$0x6], $0xC80, $0x38;
	[tilespmem:$0x1F400] =	vst v63  }
0x28f: {  	s10 =	simm.s32 $0x11F80  }
0x290: {  	[hbm4b:s9+s2] =	stream.linear.scatter [tilespmem:s10], [sflag:$0x6], $0xC80, $0x38;
	[tilespmem:$0x1F400] =	vst v63  }
0x291: {  	_ =	swait.ge [sflag:s1], $0xC80  }
0x292: {  	[sflag:s1] =	ssyncset.done $0x0  }
0x293: {  	[sflag:s1] =	ssyncadd.s32 $0xFFFFF380  }
0x294: {  	_ =	swait.ge [sflag:s1], $0xC80  }
0x295: {  	[sflag:s1] =	ssyncset.done $0x0  }
0x296: {  	[sflag:s1] =	ssyncadd.s32 $0xFFFFF380  }
0x297: {  	_ =	swait.ge [sflag:s1], $0xC80  }
0x298: {  	[sflag:s1] =	ssyncset.done $0x0  }
0x299: {  	[sflag:s1] =	ssyncadd.s32 $0xFFFFF380  }
0x29a: {  	_ =	swait.ge [sflag:s1], $0xC80  }
0x29b: {  	[sflag:s1] =	ssyncset.done $0x0  }
0x29c: {  	[sflag:s1] =	ssyncadd.s32 $0xFFFFF380  }
0x29d: {  	_ =	swait.ge [sflag:s1], $0xC80  }
0x29e: {  	[sflag:s1] =	ssyncset.done $0x0  }
0x29f: {  	[sflag:s1] =	ssyncadd.s32 $0xFFFFF380  }
0x2a0: {  	_ =	swait.ge [sflag:s1], $0xC80  }
0x2a1: {  	[sflag:s1] =	ssyncset.done $0x0  }
0x2a2: {  	[sflag:s1] =	ssyncadd.s32 $0xFFFFF380  }
0x2a3: {  	_ =	swait.ge [sflag:s1], $0xC80  }
0x2a4: {  	[sflag:s1] =	ssyncset.done $0x0  }
0x2a5: {  	[sflag:s1] =	ssyncadd.s32 $0xFFFFF380  }
0x2a6: {  	_ =	swait.ge [sflag:s1], $0xC80  }
0x2a7: {  	[sflag:s1] =	ssyncset.done $0x0  }
0x2a8: {  	s11 =	simm.s32 $0x6270;
	[sflag:s1] =	ssyncadd.s32 $0xFFFFF380  }
0x2a9: {  	[tilespmem:s7], [sflag:$0x4] =	stream.indirect.gather [hbm4b:s3+s15], $0x40, s11, s15, $0xb8;
	[tilespmem:$0x1F400] =	vst v63  }
0x2aa: {  	_ =	swait.ge [sflag:s8], $0x6400  }
0x2ab: {  	s12 =	sld [smem:$0x7D8]  }
0x2ac: {  	[sflag:s8] =	ssyncset.done $0x0  }
0x2ad: {  	s13 =	sld [smem:$0x7D9];
	[sflag:s8] =	ssyncadd.s32 $0xFFFF9C00  }
0x2ae: {  	[hbm4b:s12+s2] =	stream.linear.scatter [tilespmem:s26], [sflag:$0x7], $0xC80, $0x38;
	[tilespmem:$0x1F400] =	vst v63  }
0x2af: {  	s21 =	simm.s32 $0x13880;
	s5 =	sld [smem:$0x7DA]  }
0x2b0: {  	[hbm4b:s13+s2] =	stream.linear.scatter [tilespmem:s21], [sflag:$0x7], $0xC80, $0x38;
	[tilespmem:$0x1F400] =	vst v63  }
0x2b1: {  	s6 =	simm.s32 $0x14500;
	s9 =	sld [smem:$0x7DB]  }
0x2b2: {  	[hbm4b:s5+s2] =	stream.linear.scatter [tilespmem:s6], [sflag:$0x7], $0xC80, $0x38;
	[tilespmem:$0x1F400] =	vst v63  }
0x2b3: {  	s10 =	simm.s32 $0x15180;
	s11 =	sld [smem:$0x7DC]  }
0x2b4: {  	[hbm4b:s9+s2] =	stream.linear.scatter [tilespmem:s10], [sflag:$0x7], $0xC80, $0x38;
	[tilespmem:$0x1F400] =	vst v63  }
0x2b5: {  	s12 =	simm.s32 $0x15E00;
	s13 =	sld [smem:$0x7DD]  }
0x2b6: {  	[hbm4b:s11+s2] =	stream.linear.scatter [tilespmem:s12], [sflag:$0x7], $0xC80, $0x38;
	[tilespmem:$0x1F400] =	vst v63  }
0x2b7: {  	s21 =	simm.s32 $0x16A80;
	s5 =	sld [smem:$0x7DE]  }
0x2b8: {  	[hbm4b:s13+s2] =	stream.linear.scatter [tilespmem:s21], [sflag:$0x7], $0xC80, $0x38;
	[tilespmem:$0x1F400] =	vst v63  }
0x2b9: {  	s6 =	simm.s32 $0x17700;
	s9 =	sld [smem:$0x7DF]  }
0x2ba: {  	[hbm4b:s5+s2] =	stream.linear.scatter [tilespmem:s6], [sflag:$0x7], $0xC80, $0x38;
	[tilespmem:$0x1F400] =	vst v63  }
0x2bb: {  	s10 =	simm.s32 $0x18380  }
0x2bc: {  	[hbm4b:s9+s2] =	stream.linear.scatter [tilespmem:s10], [sflag:$0x7], $0xC80, $0x38;
	[tilespmem:$0x1F400] =	vst v63  }
0x2bd: {  	_ =	swait.ge [sflag:s19], $0xC80  }
0x2be: {  	[sflag:s19] =	ssyncset.done $0x0  }
0x2bf: {  	[sflag:s19] =	ssyncadd.s32 $0xFFFFF380  }
0x2c0: {  	_ =	swait.ge [sflag:s19], $0xC80  }
0x2c1: {  	[sflag:s19] =	ssyncset.done $0x0  }
0x2c2: {  	[sflag:s19] =	ssyncadd.s32 $0xFFFFF380  }
0x2c3: {  	_ =	swait.ge [sflag:s19], $0xC80  }
0x2c4: {  	[sflag:s19] =	ssyncset.done $0x0  }
0x2c5: {  	[sflag:s19] =	ssyncadd.s32 $0xFFFFF380  }
0x2c6: {  	_ =	swait.ge [sflag:s19], $0xC80  }
0x2c7: {  	[sflag:s19] =	ssyncset.done $0x0  }
0x2c8: {  	[sflag:s19] =	ssyncadd.s32 $0xFFFFF380  }
0x2c9: {  	_ =	swait.ge [sflag:s19], $0xC80  }
0x2ca: {  	[sflag:s19] =	ssyncset.done $0x0  }
0x2cb: {  	[sflag:s19] =	ssyncadd.s32 $0xFFFFF380  }
0x2cc: {  	_ =	swait.ge [sflag:s19], $0xC80  }
0x2cd: {  	[sflag:s19] =	ssyncset.done $0x0  }
0x2ce: {  	[sflag:s19] =	ssyncadd.s32 $0xFFFFF380  }
0x2cf: {  	_ =	swait.ge [sflag:s19], $0xC80  }
0x2d0: {  	[sflag:s19] =	ssyncset.done $0x0  }
0x2d1: {  	[sflag:s19] =	ssyncadd.s32 $0xFFFFF380  }
0x2d2: {  	_ =	swait.ge [sflag:s19], $0xC80  }
0x2d3: {  	[sflag:s19] =	ssyncset.done $0x0  }
0x2d4: {  	[sflag:s19] =	ssyncadd.s32 $0xFFFFF380  }
0x2d5: {  	_ =	swait.ge [sflag:s20], $0x6400  }
0x2d6: {  	s11 =	sld [smem:$0x7E0]  }
0x2d7: {  	[sflag:s20] =	ssyncset.done $0x0  }
0x2d8: {  	s12 =	sld [smem:$0x7E1];
	[sflag:s20] =	ssyncadd.s32 $0xFFFF9C00  }
0x2d9: {  	[hbm4b:s11+s2] =	stream.linear.scatter [tilespmem:s7], [sflag:$0x8], $0xC80, $0x38;
	[tilespmem:$0x1F400] =	vst v63  }
0x2da: {  	s13 =	sld [smem:$0x7E2]  }
0x2db: {  	[hbm4b:s12+s2] =	stream.linear.scatter [tilespmem:s30], [sflag:$0x8], $0xC80, $0x38;
	[tilespmem:$0x1F400] =	vst v63  }
0x2dc: {  	s21 =	sld [smem:$0x7E3]  }
0x2dd: {  	[hbm4b:s13+s2] =	stream.linear.scatter [tilespmem:s14], [sflag:$0x8], $0xC80, $0x38;
	[tilespmem:$0x1F400] =	vst v63  }
0x2de: {  	_ = 	snop  }
0x2df: {  	[hbm4b:s21+s2] =	stream.linear.scatter [tilespmem:s22], [sflag:$0x8], $0xC80, $0x38;
	[tilespmem:$0x1F400] =	vst v63  }
0x2e0: {  	s22 =	sld [smem:$0x7E4];
	_ =	sdelay $0x2  }
0x2e1: {  	[hbm4b:s22+s2] =	stream.linear.scatter [tilespmem:s23], [sflag:$0x8], $0xC80, $0x38;
	[tilespmem:$0x1F400] =	vst v63  }
0x2e2: {  	s23 =	sld [smem:$0x7E5];
	_ =	sdelay $0x2  }
0x2e3: {  	[hbm4b:s23+s2] =	stream.linear.scatter [tilespmem:s24], [sflag:$0x8], $0xC80, $0x38;
	[tilespmem:$0x1F400] =	vst v63  }
0x2e4: {  	s24 =	sld [smem:$0x7E6];
	_ =	sdelay $0x2  }
0x2e5: {  	[hbm4b:s24+s2] =	stream.linear.scatter [tilespmem:s25], [sflag:$0x8], $0xC80, $0x38;
	[tilespmem:$0x1F400] =	vst v63  }
0x2e6: {  	s25 =	sld [smem:$0x7E7];
	_ =	sdelay $0x2  }
0x2e7: {  	[hbm4b:s25+s2] =	stream.linear.scatter [tilespmem:s29], [sflag:$0x8], $0xC80, $0x38;
	[tilespmem:$0x1F400] =	vst v63  }
0x2e8: {  	_ =	swait.ge [sflag:s31], $0xC80  }
0x2e9: {  	[sflag:s31] =	ssyncset.done $0x0  }
0x2ea: {  	[sflag:s31] =	ssyncadd.s32 $0xFFFFF380  }
0x2eb: {  	_ =	swait.ge [sflag:s31], $0xC80  }
0x2ec: {  	[sflag:s31] =	ssyncset.done $0x0  }
0x2ed: {  	[sflag:s31] =	ssyncadd.s32 $0xFFFFF380  }
0x2ee: {  	_ =	swait.ge [sflag:s31], $0xC80  }
0x2ef: {  	[sflag:s31] =	ssyncset.done $0x0  }
0x2f0: {  	[sflag:s31] =	ssyncadd.s32 $0xFFFFF380  }
0x2f1: {  	_ =	swait.ge [sflag:s31], $0xC80  }
0x2f2: {  	[sflag:s31] =	ssyncset.done $0x0  }
0x2f3: {  	[sflag:s31] =	ssyncadd.s32 $0xFFFFF380  }
0x2f4: {  	_ =	swait.ge [sflag:s31], $0xC80  }
0x2f5: {  	[sflag:s31] =	ssyncset.done $0x0  }
0x2f6: {  	[sflag:s31] =	ssyncadd.s32 $0xFFFFF380  }
0x2f7: {  	_ =	swait.ge [sflag:s31], $0xC80  }
0x2f8: {  	[sflag:s31] =	ssyncset.done $0x0  }
0x2f9: {  	[sflag:s31] =	ssyncadd.s32 $0xFFFFF380  }
0x2fa: {  	_ =	swait.ge [sflag:s31], $0xC80  }
0x2fb: {  	[sflag:s31] =	ssyncset.done $0x0  }
0x2fc: {  	[sflag:s31] =	ssyncadd.s32 $0xFFFFF380  }
0x2fd: {  	_ =	swait.ge [sflag:s31], $0xC80  }
0x2fe: {  	[sflag:s31] =	ssyncset.done $0x0  }
0x2ff: {  	[sflag:s31] =	ssyncadd.s32 $0xFFFFF380  }
0x300: {  	_ =	swait.ge [sflag:s0], $0xC80  }
0x301: {  	[sflag:s0] =	ssyncset.done $0x0  }
0x302: {  	[sflag:s0] =	ssyncadd.s32 $0xFFFFF380  }
0x303: {  	_ =	swait.ge [sflag:s0], $0xC80  }
0x304: {  	[sflag:s0] =	ssyncset.done $0x0  }
0x305: {  	[sflag:s0] =	ssyncadd.s32 $0xFFFFF380  }
0x306: {  	_ =	swait.ge [sflag:s0], $0xC80  }
0x307: {  	[sflag:s0] =	ssyncset.done $0x0  }
0x308: {  	[sflag:s0] =	ssyncadd.s32 $0xFFFFF380  }
0x309: {  	_ =	swait.ge [sflag:s0], $0xC80  }
0x30a: {  	[sflag:s0] =	ssyncset.done $0x0  }
0x30b: {  	[sflag:s0] =	ssyncadd.s32 $0xFFFFF380  }
0x30c: {  	_ =	swait.ge [sflag:s0], $0xC80  }
0x30d: {  	[sflag:s0] =	ssyncset.done $0x0  }
0x30e: {  	[sflag:s0] =	ssyncadd.s32 $0xFFFFF380  }
0x30f: {  	_ =	swait.ge [sflag:s0], $0xC80  }
0x310: {  	[sflag:s0] =	ssyncset.done $0x0  }
0x311: {  	[sflag:s0] =	ssyncadd.s32 $0xFFFFF380  }
0x312: {  	_ =	swait.ge [sflag:s0], $0xC80  }
0x313: {  	[sflag:s0] =	ssyncset.done $0x0  }
0x314: {  	[sflag:s0] =	ssyncadd.s32 $0xFFFFF380  }
0x315: {  	_ =	swait.ge [sflag:s0], $0xC80  }
0x316: {  	[sflag:s0] =	ssyncset.done $0x0  }
0x317: {  	[sflag:s0] =	ssyncadd.s32 $0xFFFFF380  }
0x318: {  	_ =	swait.ge [sflag:s1], $0xC80  }
0x319: {  	[sflag:s1] =	ssyncset.done $0x0  }
0x31a: {  	[sflag:s1] =	ssyncadd.s32 $0xFFFFF380  }
0x31b: {  	_ =	swait.ge [sflag:s1], $0xC80  }
0x31c: {  	[sflag:s1] =	ssyncset.done $0x0  }
0x31d: {  	[sflag:s1] =	ssyncadd.s32 $0xFFFFF380  }
0x31e: {  	_ =	swait.ge [sflag:s1], $0xC80  }
0x31f: {  	[sflag:s1] =	ssyncset.done $0x0  }
0x320: {  	[sflag:s1] =	ssyncadd.s32 $0xFFFFF380  }
0x321: {  	_ =	swait.ge [sflag:s1], $0xC80  }
0x322: {  	[sflag:s1] =	ssyncset.done $0x0  }
0x323: {  	[sflag:s1] =	ssyncadd.s32 $0xFFFFF380  }
0x324: {  	_ =	swait.ge [sflag:s1], $0xC80  }
0x325: {  	[sflag:s1] =	ssyncset.done $0x0  }
0x326: {  	[sflag:s1] =	ssyncadd.s32 $0xFFFFF380  }
0x327: {  	_ =	swait.ge [sflag:s1], $0xC80  }
0x328: {  	[sflag:s1] =	ssyncset.done $0x0  }
0x329: {  	[sflag:s1] =	ssyncadd.s32 $0xFFFFF380  }
0x32a: {  	_ =	swait.ge [sflag:s1], $0xC80  }
0x32b: {  	[sflag:s1] =	ssyncset.done $0x0  }
0x32c: {  	[sflag:s1] =	ssyncadd.s32 $0xFFFFF380  }
0x32d: {  	_ =	swait.ge [sflag:s1], $0xC80  }
0x32e: {  	s29 =	sld [smem:$0x7BC]  }
0x32f: {  	s30 =	sld [smem:$0x7E8];
	_ =	sdelay $0x1  }
0x330: {  	s5 =	sadd.s32 $0x1, s29  }
0x331: {  	p0 =	sne.s32 s5, s30  }
.Ltmp1:
0x332: {  	_ = 	snop;
	(pc) =	sbr.rel @p0 .LBB2_1-.Ltmp1, $3  }
0x333: {  	_ =	sdelay $0x1  }
0x334: {  	[sflag:s1] =	ssyncset.done $0x0  }
0x335: {  	[sflag:s1] =	ssyncadd.s32 $0xFFFFF380  }
0x336: {  	_ =	sfence.sel $0x180000  }
0x337: {  	[bflag:$0x0] =	sbarrier.arrive $0xFFFF  }
0x338: {  	_ =	strace $0x90000047  }
0x339: {  	s0 =	stileid.u32;
	[bflag:$0x2] =	sbarrier.arrive $0xFFFF  }
0x33a: {  	p0 =	sne.s32 s0, $0x0;
	s0 =	rddreg [dreg:$0x2]  }
0x33b: {  	s0 =	sadd.s32 @!p0 $0x100000, s0  }
0x33c: {  	[sflag:s0] =	ssyncadd.tile.s32 @!p0 $0x1;
	_ =	shalt  }
.Lfunc_end2:
_tile_overlayer_lowered:
.L_overlay_start_2:
0x33d: {  	(tag) =	ssettag $0x2  }
0x33e: {  	s0 =	rddreg [dreg:$0x0];
	s2 =	stileid.u32  }
0x33f: {  	s1 =	rddreg [dreg:$0x1];
	p0 =	sne.s32 s2, $0x0  }
0x340: {  	s3 =	rddreg [dreg:$0x2];
	[bflag:$0x3] =	sbarrier.arrive $0xFFFF;
	s2 =	simm.s32 @!p0 $0x1C09  }
0x341: {  	[timem:s3], [sflag:s2] =	dma.local @!p0 [hbm:s0], s1  }
0x342: {  	s0 =	simm.s32 @!p0 $0x9  }
0x343: {  	_ =	swait.ge @!p0 [sflag:s0], s1  }
0x344: {  	s1 =	ssub.s32 @!p0 $0x0, s1;
	[sflag:s0] =	ssyncset.done @!p0 $0x0  }
0x345: {  	[sflag:s0] =	ssyncadd.s32 @!p0 s1  }
0x346: {  	[bflag:$0x3] =	sbarrier.arrive $0xFFFF  }
0x347: {  	_ =	shalt  }

// kernel: sparse-core-data-format-call.cloned.1.call-start
scs
called_computation_lowered:
.L_overlay_start_0:
0x0: {  	s2 =	sld [smem:$0x3FD9]  }
0x1: {  	s3 =	sld [smem:$0x3FFE];
	_ =	sdelay $0x1  }
0x2: {  	s1 =	srdreg.scid  }
0x3: {  	s0 =	sand.u32 $0x1, s1  }
0x4: {  	s18 =	sshll.u32 s0, $0xA;
	s2 =	sadd.s32 s3, s2  }
0x5: {  	s2 =	sadd.s32 s2, s18  }
0x6: {  	[smem:$0x3FC6] =	sst s2  }
0x7: {  	_ = 	snop  }
0x8: {  	s2 =	sld [smem:$0x3FD0];
	(tm) =	ssettm $0x1  }
0x9: {  	s19 =	sld [smem:$0x3FFB];
	_ =	sdelay $0x3  }
0xa: {  	_ =	strace s19  }
0xb: {  	s3 =	sld [smem:$0x3FFC];
	_ =	sdelay $0x3  }
0xc: {  	_ =	strace s3  }
0xd: {  	s3 =	sld [smem:$0x3FFD];
	_ =	sdelay $0x3  }
0xe: {  	_ =	strace s3  }
0xf: {  	_ =	strace $0x8FFFFFFF  }
0x10: {  	s20 =	sld [smem:$0x3FDB];
	_ =	sdelay $0x1  }
0x11: {  	s4 =	simm.s32 $_scs_section_size  }
0x12: {  	s5 =	simm.s32 $_size__tile_overlayer_lowered;
	s6 =	simm.s32 $_tile_overlayer_lowered  }
0x13: {  	s23 =	simm.s32 $0x1BFF;
	s22 =	sshll.u32 s6, $0x1;
	s3 =	sadd.s32 s4, s20  }
0x14: {  	s7 =	simm.s32 $0x0;
	s21 =	sshll.u32 s5, $0x1;
	s5 =	sadd.s32 s22, s3  }
0x15: {  	[timem:s7], [sflag:s23] =	dma.local [hbm:s5], s21  }
0x16: {  	_ =	swait.ge [sflag:s23], s21  }
0x17: {  	s4 =	ssub.s32 $0x0, s21;
	[sflag:s23] =	ssyncset.done $0x0  }
0x18: {  	[sflag:s23] =	ssyncadd.s32 s4;
	_ =	sdelay $0x1  }
0x19: {  	s24 =	simm.s32 $0x1B8B  }
0x1a: {  	_ =	swait.ge [sflag:s24], $0x1  }
0x1b: {  	[sflag:s24] =	ssyncset.done $0x0  }
0x1c: {  	s26 =	simm.s32 $0x1B8E;
	s25 =	sld [smem:$0x3FFE];
	[sflag:s24] =	ssyncadd.s32 $0xFFFFFFFF  }
0x1d: {  	s27 =	simm.s32 $execute0_lowered;
	[smem:$0x3FD2] =	sst s26  }
0x1e: {  	s5 =	sshll.u32 s27, $0x1;
	_ =	strace $0x80000049;
	[dreg:$0x1] =	wrdreg $0xFFFFFFFF  }
0x1f: {  	s28 =	simm.s32 $_size_execute0_lowered;
	s3 =	sadd.s32 s3, s5;
	[dreg:$0x0] =	wrdreg $0x0  }
0x20: {  	s5 =	sshll.u32 s28, $0x1;
	[dreg:$0x2] =	wrdreg s3  }
0x21: {  	[dreg:$0x3] =	wrdreg s5  }
0x22: {  	[dreg:$0x4] =	wrdreg $0xC0  }
0x23: {  	_ =	task [dreg:s7], $0x5FFFF  }
0x24: {  	[dreg:$0x1] =	wrdreg $0xFFFFFFFF  }
0x25: {  	[dreg:$0x0] =	wrdreg $0x60  }
0x26: {  	[dreg:$0x2] =	wrdreg s25  }
0x27: {  	[dreg:$0x3] =	wrdreg s2  }
0x28: {  	[dreg:$0x4] =	wrdreg $0x9  }
0x29: {  	_ =	task.clear_ibuf [dreg:s7], $0x5FFFF;
	_ =	strace $0x90000049  }
0x2a: {  	s29 =	simm.s32 $0x9;
	_ =	strace $0x8000004B  }
0x2b: {  	_ =	swait.ge [sflag:s29], $0x1  }
0x2c: {  	[sflag:s29] =	ssyncadd.s32 $0xFFFFFFFF  }
0x2d: {  	_ =	strace $0x9000004B  }
0x2e: {  	_ =	sfence  }
0x2f: {  	s30 =	sld [smem:$0x0];
	_ =	sdelay $0x2  }
0x30: {  	s31 =	sshll.u32 s1, $0xD;
	s1 =	sshrl.u32 s1, $0x2  }
0x31: {  	s3 =	sand.u32 $0x4000, s31;
	s1 =	sadd.s32 s1, s30  }
0x32: {  	s0 =	sor.u32 s3, s0;
	s1 =	sshll.u32 s1, $0x11  }
0x33: {  	s0 =	sor.u32 s1, s0  }
0x34: {  	s0 =	sadd.s32 $0x8F2B, s0  }
0x35: {  	[sflag:s0] =	ssyncadd.remote.s32 $0x1  }
0x36: {  	_ =	sfence.sel $0xFFFF  }
0x37: {  	[dreg:$0x0] =	wrdreg $0xFFFFFFFF;
	(pc) =	sbr.abs _section_cstart, $3  }
0x38: {  	[dreg:$0x1] =	wrdreg $0xFFFFFFFF  }
0x39: {  	_ =	task.clear_ibuf [dreg:s7], $0x2FFFF;
	_ =	strace $0x9FFFFFFF  }
0x3a: {  	(tm) =	ssettm $0x7FFFFFFF  }
0x3b: {  	_ =	shalt  }
tec
execute0_lowered:
.L_overlay_start_1:
0x0: {  	(tag) =	ssettag $0x1  }
0x1: {  	s0 =	srdreg.scid  }
0x2: {  	s1 =	sshll.u32 s0, $0x4  }
0x3: {  	s0 =	stileid.u32;
	s1 =	sand.u32 $0x10, s1  }
0x4: {  	s1 =	sor.u32 s0, s1  }
0x5: {  	s6 =	rddreg [dreg:$0x0];
	s4 =	simm.s32 $0x1;
	s2 =	sshll.u32 s1, $0x7  }
0x6: {  	s7 =	simm.s32 $0x2;
	s12 =	simm.s32 $0x0;
	s1 =	ssub.s32 $0x4000, s2  }
0x7: {  	s8 =	simm.s32 $0x20000;
	s13 =	simm.s32 $0x0;
	s3 =	sand.u32 $0xF80, s1  }
0x8: {  	s9 =	simm.s32 $0x0;
	s5 =	sshrl.u32 s1, $0xC;
	p0 =	sne.s32 s3, $0x0  }
.Ltmp0:
0x9: {  	s1 =	rddreg [dreg:$0x2];
	s4 =	simm.s32 @!p0 $0x0;
	(pc) =	sbr.rel .LBB1_1-.Ltmp0, $4  }
0xa: {  	s11 =	simm.s32 $0x0;
	s3 =	rddreg [dreg:$0x1];
	s5 =	sadd.s32 s4, s5  }
0xb: {  	_ =	strace $0x8000004A;
	s4 =	simm.s32 $0x1;
	s5 =	smul.u32 $0x32, s5  }
0xc: {  	s6 =	sadd.s32 $0xA00, s6;
	s10 =	smov.u32 s2;
	[sflag:s4] =	ssyncpa.u1 $0x0  }
0xd: {  	p0 =	por $0x0, $0x0;
	[sflag:s7] =	ssyncpa.u1 $0x0;
	s7 =	sor.u32 $0x1, s5  }
.LBB1_4:
0xe: {  	s16 =	sshll.u32 s13, $0x3;
	s17 =	sand.u32 $0x78, s13  }
0xf: {  	s30 =	sand.u32 $0x1F800, s13;
	s12 =	sshll.u32 s12, $0x11;
	s16 =	sand.u32 $0x3C00, s16  }
0x10: {  	[tilespmem:s15+$0x810 ss:$0x81] =	vst.msk $0xffff, v2;
	s31 =	sand.u32 $0x7, s13;
	s16 =	sor.u32 s17, s16;
	s17 =	sadd.s32 s3, s30  }
0x11: {  	[tilespmem:s15+$0x1020 ss:$0x81] =	vst.msk $0xffff, v0;
	s13 =	sshll.u32 s31, $0x12;
	s12 =	sadd.s32 s12, s17;
	s16 =	sshrl.u32 s16, $0x3  }
0x12: {  	[tilespmem:s15+$0x0 ss:$0x81] =	vst.msk $0xffff, v1;
	s13 =	sor.u32 $0x400, s13;
	s12 =	sadd.s32 s16, s12  }
0x13: {  	[hbm4b:s12+s13] =	stream.strided.scatter [tilespmem:s14], [sflag:$0x2], $0x2000, s8, s13, $0x20;
	[tilespmem:$0x8080] =	vst v63  }
.LBB1_5:
0x14: {  	s14 =	sadd.s32 $0x1, s9  }
0x15: {  	s12 =	sadd.s32 $0x1000, s10;
	s16 =	smov.u32 s10;
	p2 =	sgt.s32 s14, $0x31  }
0x16: {  	s16 =	smov.u32 @p2 s12  }
0x17: {  	s14 =	simm.s32 @p2 $0x0;
	p2 =	sgt.s32 s16, $0x3FFF  }
0x18: {  	s16 =	smov.u32 @p2 s2;
	p2 =	sne.s32 s11, s7  }
.Ltmp1:
0x19: {  	p1 =	slt.u32 s11, $0x2;
	(pc) =	sbr.rel @!p2 .LBB1_6-.Ltmp1, $4  }
0x1a: {  	s15 =	simm.s32 @!p1 $0x2  }
0x1b: {  	s13 =	smov.u32 s10;
	p0 =	por !p0, !p0;
	_ =	swait.ge @!p1 [sflag:s15], $0x2000  }
0x1c: {  	s12 =	smov.u32 s9;
	[sflag:s15] =	ssyncset.done @!p1 $0x0;
	s9 =	smov.u32 s14  }
0x1d: {  	s11 =	sadd.s32 $0x1, s11;
	[sflag:s15] =	ssyncadd.s32 @!p1 $0xFFFFE000;
	s10 =	smov.u32 s16  }
.LBB1_1:
0x1e: {  	p1 =	sge.u32 s11, s5  }
0x1f: {  	s14 =	sand.u32 @!p1 $0x1FFFFFF, s9  }
0x20: {  	s15 =	smulhi.u32 @!p1 $0x4924925, s14;
	_ =	sdelay $0x1  }
0x21: {  	s15 =	smul.u32 @!p1 $0x38, s15  }
0x22: {  	s16 =	sxor.u32 @!p1 $0xFFFFFFFF, s11;
	s17 =	smul.u32 @!p1 $0x380, s10  }
0x23: {  	s31 =	sadd.s32 $0xFFFFFFFF, s11;
	s16 =	sshll.u32 @!p1 s16, $0xD;
	s14 =	ssub.s32 @!p1 s14, s15  }
0x24: {  	s15 =	sand.u32 @!p1 $0x2000, s16;
	s16 =	sadd.s32 @!p1 s6, s17;
	s14 =	sshll.u32 @!p1 s14, $0x4  }
0x25: {  	s17 =	simm.s32 @!p1 $0x1C00;
	s14 =	sadd.s32 @!p1 s14, s16;
	s16 =	simm.s32 @!p1 $0x40  }
0x26: {  	[tilespmem:s15], [sflag:$0x1] =	stream.strided.gather @!p1 [hbm4b:s14+s16], $0x2000, s17, s16, $0x38;
	[tilespmem:$0x8080] =	vst v63  }
0x27: {  	p1 =	sge.u32 s31, s5  }
.Ltmp2:
0x28: {  	_ = 	snop;
	(pc) =	sbr.rel @p1 .LBB1_5-.Ltmp2, $1  }
0x29: {  	_ =	sdelay $0x3  }
0x2a: {  	s14 =	simm.s32 $0x1  }
0x2b: {  	_ =	swait.ge [sflag:s4], $0x2000;
	s14 =	simm.s32 @!p0 $0x0  }
0x2c: {  	[sflag:s4] =	ssyncset.done $0x0;
	s15 =	sshll.u32 s14, $0xD  }
0x2d: {  	[sflag:s4] =	ssyncadd.s32 $0xFFFFE000;
	s18 =	sor.u32 $0x20, s15  }
0x2e: {  	s14 =	smul.u32 $0x8100, s14;
	v3 =	vld [tilespmem:s18+$0x10]  }
0x2f: {  	s30 =	sand.u32 $0x1, s11;
	v2 =	vld [tilespmem:s18+$0xFFFFFFF0]  }
0x30: {  	s15 =	smul.u32 $0x8100, s30;
	s14 =	sshrl.u32 s14, $0x2;
	v0 =	vld [tilespmem:s18+$0x0]  }
0x31: {  	v1 =	vld [tilespmem:s18+$0xFFFFFFE0];
	s16 =	sor.u32 $0x4000, s14  }
0x32: {  	s31 =	sshrl.u32 s15, $0x2;
	s15 =	sadd.s32 $0x0, s16  }
0x33: {  	s17 =	simm.s32 $0x4;
	s18 =	sadd.s32 $0x40, s18;
	s14 =	sor.u32 $0x4000, s31;
	[tilespmem:s15+$0x1830 ss:$0x81] =	vst.msk $0xffff, v3  }
.LBB1_3:
0x34: {  	v3 =	vld [tilespmem:s18+$0x10];
	p1 =	sne.s32 s17, $0x1FC;
	[tilespmem:s15+$0x810 ss:$0x81] =	vst.msk $0xffff, v2;
	s19 =	smov.u32 s17;
	s17 =	sadd.s32 $0x4, s17  }
.Ltmp3:
0x35: {  	v2 =	vld [tilespmem:s18+$0xFFFFFFF0];
	[tilespmem:s15+$0x1020 ss:$0x81] =	vst.msk $0xffff, v0;
	(pc) =	sbr.rel @p1 .LBB1_3-.Ltmp3, $4  }
0x36: {  	v0 =	vld [tilespmem:s18+$0x0];
	[tilespmem:s15+$0x0 ss:$0x81] =	vst.msk $0xffff, v1  }
0x37: {  	s15 =	sshra.s32 s19, $0x2;
	v1 =	vld [tilespmem:s18+$0xFFFFFFE0]  }
0x38: {  	s15 =	sadd.s32 s15, s16  }
0x39: {  	s18 =	sadd.s32 $0x40, s18;
	[tilespmem:s15+$0x1830 ss:$0x81] =	vst.msk $0xffff, v3  }
.Ltmp4:
0x3a: {  	_ = 	snop;
	(pc) =	sbr.rel .LBB1_4-.Ltmp4, $1  }
0x3b: {  	_ =	sdelay $0x3  }
.LBB1_6:
0x3c: {  	_ =	sfence.sel $0x180000  }
0x3d: {  	s2 =	simm.s32 $0x1;
	[bflag:$0x0] =	sbarrier.arrive $0xFFFF  }
0x3e: {  	s31 =	simm.s32 $0x2;
	[sflag:s2] =	ssyncpa.u1 $0x1  }
0x3f: {  	[sflag:s31] =	ssyncpa.u1 $0x1  }
0x40: {  	p0 =	sne.s32 s0, $0x0;
	_ =	strace $0x9000004A  }
0x41: {  	s0 =	sadd.s32 @!p0 $0x100000, s1;
	[bflag:$0x2] =	sbarrier.arrive $0xFFFF  }
0x42: {  	[sflag:s0] =	ssyncadd.tile.s32 @!p0 $0x1;
	_ =	shalt  }
.Lfunc_end1:
_tile_overlayer_lowered:
.L_overlay_start_2:
0x43: {  	(tag) =	ssettag $0x2  }
0x44: {  	s0 =	rddreg [dreg:$0x0];
	s2 =	stileid.u32  }
0x45: {  	s1 =	rddreg [dreg:$0x1];
	p0 =	sne.s32 s2, $0x0  }
0x46: {  	s3 =	rddreg [dreg:$0x2];
	[bflag:$0x3] =	sbarrier.arrive $0xFFFF;
	s2 =	simm.s32 @!p0 $0x1C01  }
0x47: {  	[timem:s3], [sflag:s2] =	dma.local @!p0 [hbm:s0], s1  }
0x48: {  	s0 =	simm.s32 @!p0 $0x1  }
0x49: {  	_ =	swait.ge @!p0 [sflag:s0], s1  }
0x4a: {  	s1 =	ssub.s32 @!p0 $0x0, s1;
	[sflag:s0] =	ssyncset.done @!p0 $0x0  }
0x4b: {  	[sflag:s0] =	ssyncadd.s32 @!p0 s1  }
0x4c: {  	[bflag:$0x3] =	sbarrier.arrive $0xFFFF  }
0x4d: {  	_ =	shalt  }

</sc_bundles>
